<compile_context>
chip_gen: v7x
topology: tpu7x:2x2x1
jax: 0.10.2.dev20260603
libtpu: 0.0.44.dev20260713+nightly
codegen_flags: <defaults>
</compile_context>

<pallas_src>
import functools

import jax
import jax.numpy as jnp
from jax import lax
from jax.experimental import pallas as pl
from jax.experimental.pallas import tpu as pltpu
from jax.experimental.pallas import tpu_sc as plsc

VOCAB = 1000000
EMBED_DIM = 64
MAX_SEQ = 2048
BATCH = 4
SEQ = 2048

NUM_CORES = 2
NUM_SUBCORES = 16
NUM_WORKERS = NUM_CORES * NUM_SUBCORES
ROWS = BATCH * SEQ
ROWS_PER_W = ROWS // NUM_WORKERS
T_PER_W = SEQ // (NUM_WORKERS // BATCH)
LANES = 16
COL_CHUNKS = EMBED_DIM // LANES
GROUPS = ROWS_PER_W // LANES
NSLOTS = 8


def _make_sc_kernel():
    mesh = plsc.VectorSubcoreMesh(core_axis_name="c", subcore_axis_name="s")

    @functools.partial(
        pl.kernel,
        mesh=mesh,
        compiler_params=pltpu.CompilerParams(needs_layout_passes=False),
        out_type=jax.ShapeDtypeStruct((ROWS, EMBED_DIM), jnp.float32),
        scratch_types=[
            pltpu.VMEM((ROWS_PER_W + LANES,), jnp.int32),
            pltpu.VMEM((NSLOTS * EMBED_DIM, 128), jnp.float32),
            pltpu.VMEM((2 * LANES, EMBED_DIM), jnp.float32),
            pltpu.VMEM((ROWS_PER_W, EMBED_DIM), jnp.float32),
            pltpu.SemaphoreType.DMA((NSLOTS,)),
            pltpu.SemaphoreType.DMA,
        ],
    )
    def emb_kernel(x0_hbm, tt_hbm, pos_hbm, out_hbm,
                   idx_v, slab_v, stage_v, pos_v, slab_sems, out_sem):
        wid = lax.axis_index("s") * NUM_CORES + lax.axis_index("c")
        base = wid * ROWS_PER_W
        t0 = (wid % (NUM_WORKERS // BATCH)) * T_PER_W
        iota = lax.iota(jnp.int32, LANES)
        zeros16i = jnp.zeros((LANES,), jnp.int32)

        pltpu.sync_copy(x0_hbm.at[pl.ds(base, ROWS_PER_W)],
                        idx_v.at[pl.ds(0, ROWS_PER_W)])
        idx_v[pl.ds(ROWS_PER_W, LANES)] = zeros16i

        pltpu.sync_copy(pos_hbm.at[pl.ds(t0, T_PER_W)], pos_v)

        @pl.when(t0 == 0)
        def _zero_pos_row0():
            for c in range(COL_CHUNKS):
                pos_v[0, pl.ds(c * LANES, LANES)] = jnp.zeros(
                    (LANES,), jnp.float32
                )

        def fire_slab(tok, slot):
            cstart = pl.multiple_of((tok // 128) * 128, 128)
            pltpu.async_copy(
                tt_hbm.at[:, pl.ds(cstart, 128)],
                slab_v.at[pl.ds(slot * EMBED_DIM, EMBED_DIM)],
                slab_sems.at[slot],
            )

        def wait_slab(slot):
            pltpu.make_async_copy(
                tt_hbm.at[:, pl.ds(0, 128)],
                slab_v.at[pl.ds(slot * EMBED_DIM, EMBED_DIM)],
                slab_sems.at[slot],
            ).wait()

        idxg0 = idx_v[pl.ds(0, LANES)]
        for j in range(NSLOTS):
            fire_slab(idxg0[j], j)

        out_drain = pltpu.make_async_copy(
            stage_v.at[pl.ds(0, LANES)],
            out_hbm.at[pl.ds(base, LANES)],
            out_sem,
        )

        def group_body(g, _):
            idxg = idx_v[pl.ds(g * LANES, LANES)]
            idxh = idx_v[pl.ds(g * LANES + LANES, LANES)]
            maskv = jnp.where(idxg == 0, 0.0, 1.0).astype(jnp.float32)
            p = (g % 2) * LANES

            @pl.when(g >= 2)
            def _wait_out():
                out_drain.wait()

            for j in range(LANES):
                slot = j % NSLOTS
                wait_slab(slot)
                i = idxg[j]
                lvec = (i % 128) + zeros16i
                maskf = maskv[j]
                for kc in range(COL_CHUNKS):
                    rowvec = slot * EMBED_DIM + kc * LANES + iota
                    vals = plsc.load_gather(slab_v, [rowvec, lvec])
                    stage_v[p + j, pl.ds(kc * LANES, LANES)] = (
                        vals * maskf + pos_v[g * LANES + j, pl.ds(kc * LANES, LANES)]
                    )
                if j < NSLOTS:
                    fire_slab(idxg[j + NSLOTS], slot)
                else:
                    nid = idxh[j - NSLOTS]

                    @pl.when(g < GROUPS - 1)
                    def _fire_next():
                        fire_slab(nid, slot)

            pltpu.async_copy(
                stage_v.at[pl.ds(p, LANES)],
                out_hbm.at[pl.ds(base + g * LANES, LANES)],
                out_sem,
            )
            return 0

        lax.fori_loop(0, GROUPS, group_body, 0)

        out_drain.wait()
        out_drain.wait()

    return emb_kernel


_sc_kernel = _make_sc_kernel()


@jax.jit
def kernel(x0, x1, token_table, pos_table):
    x0_flat = x0.reshape(ROWS)
    out = _sc_kernel(x0_flat, token_table.T, pos_table)
    return out.reshape(BATCH, SEQ, EMBED_DIM), x1

# --- scband reference (transcript-rebuilt; emitter-appended) ---
"""Pipeline reference for scband-token-and-positional-embedding-34497177321768 (READ-ONLY COPY).

The authoritative reference and input builder live on the scoring server;
editing this copy changes nothing except your own understanding.
"""

import jax, jax.numpy as jnp
import numpy as np

VOCAB = 1000000
EMBED_DIM = 64
MAX_SEQ = 2048
BATCH = 4
SEQ = 2048

def setup_inputs(seed: int = 0) -> dict:
    key = jax.random.key(seed)
    k1, k2, k3, k4 = jax.random.split(key, 4)
    x0 = jax.random.randint(k1, (BATCH, SEQ), 0, VOCAB, dtype=jnp.int32)
    x1 = jax.random.randint(k2, (BATCH, SEQ), 0, VOCAB, dtype=jnp.int32)
    token_table = jax.random.normal(k3, (VOCAB, EMBED_DIM), dtype=jnp.float32) * 0.02
    pos_table = jax.random.normal(k4, (MAX_SEQ, EMBED_DIM), dtype=jnp.float32) * 0.02
    return {"x0": x0, "x1": x1, "token_table": token_table, "pos_table": pos_table}

def reference(x0, x1, token_table, pos_table):
    # padding_idx=0 semantics: row 0 of each table is forced to zero
    token_table = token_table.at[0].set(0.0)
    pos_table = pos_table.at[0].set(0.0)
    tokens = jnp.take(token_table, x0, axis=0)          # [B, T, K] gather
    b, t, k = tokens.shape
    positions = jnp.take(pos_table, jnp.arange(t), axis=0)  # [T, K]
    x_add = tokens + positions[None, :, :]
    # dropout in eval/inference mode is identity
    return (x_add, x1)

if __name__ == "__main__":
    import jax
    _d = setup_inputs()
    print(jax.jit(kernel)(*tuple(_d.values())))

</pallas_src>

<mosaic_0001>
#map = affine_map<(d0, d1) -> (0)>
#map1 = affine_map<(d0, d1) -> (0, 0)>
module attributes {stable_mosaic.version = 14 : i64} {
  func.func @emb_kernel(%arg0: i32, %arg1: i32, %arg2: memref<8192xi32, #tpu.memory_space<hbm>>, %arg3: memref<64x1000000xf32, #tpu.memory_space<hbm>>, %arg4: memref<2048x64xf32, #tpu.memory_space<hbm>>, %arg5: memref<8192x64xf32, #tpu.memory_space<hbm>>, %arg6: memref<272xi32, #tpu.memory_space<vmem>>, %arg7: memref<512x128xf32, #tpu.memory_space<vmem>>, %arg8: memref<32x64xf32, #tpu.memory_space<vmem>>, %arg9: memref<256x64xf32, #tpu.memory_space<vmem>>, %arg10: memref<8x!tpu.dma_semaphore, #tpu.memory_space<semaphore_mem>>, %arg11: memref<!tpu.dma_semaphore, #tpu.memory_space<semaphore_mem>>) attributes {dimension_semantics = [#tpu.dimension_semantics<core_parallel>, #tpu.dimension_semantics<subcore_parallel>], iteration_bounds = array<i64: 2, 16>, scalar_prefetch = 0 : i64, scratch_operands = 6 : i64, tpu.core_type = #tpu.core_type<sc_vector_subcore>, window_params = [{transform_indices = #map}, {transform_indices = #map1}, {transform_indices = #map1}, {transform_indices = #map1}]} {
    %mul3A = arith.constant 2 : i32
    %mul3A_0 = arith.muli %arg1, %mul3A : i32
    %add3A = arith.addi %mul3A_0, %arg0 : i32
    %mul3A_1 = arith.constant 256 : i32
    %mul3A_2 = arith.muli %add3A, %mul3A_1 : i32
    %jit3A = arith.constant 8 : i32
    %eq3A = arith.constant 0 : i32
    %eq3A_3 = arith.cmpi eq, %jit3A, %eq3A : i32
    %jit3A_4 = arith.constant 1 : i32
    %select_n3A = arith.select %eq3A_3, %jit3A_4, %jit3A : i32
    %rem3A = arith.remsi %add3A, %select_n3A : i32
    %ne3A = arith.constant 0 : i32
    %ne3A_5 = arith.cmpi ne, %rem3A, %ne3A : i32
    %lt3A = arith.constant 0 : i32
    %lt3A_6 = arith.cmpi slt, %rem3A, %lt3A : i32
    %lt3A_7 = arith.constant 0 : i32
    %lt3A_8 = arith.cmpi slt, %select_n3A, %lt3A_7 : i32
    %ne3A_9 = arith.xori %lt3A_6, %lt3A_8 : i1
    %and3A = arith.andi %ne3A_9, %ne3A_5 : i1
    %add3A_10 = arith.addi %rem3A, %select_n3A : i32
    %select_n3A_11 = arith.select %and3A, %add3A_10, %rem3A : i32
    %mul3A_12 = arith.constant 256 : i32
    %mul3A_13 = arith.muli %select_n3A_11, %mul3A_12 : i32
    %iota3A = tpu.iota {dimensions = array<i32: 0>} : vector<16xi32>
    %broadcast_in_dim3A = arith.constant 0 : i32
    %broadcast_in_dim3A_14 = vector.broadcast %broadcast_in_dim3A : i32 to vector<16xi32>
    "tpu.region"() ({
      %run_scoped3A = tpu.sem_alloc : memref<!tpu.dma_semaphore, #tpu.memory_space<semaphore_mem>>
      %dma_start3A_374 = arith.constant 0 : i32
      %dma_start3A_375 = tpu.memref_slice %arg6[%dma_start3A_374] : memref<272xi32, #tpu.memory_space<vmem>> -> memref<256xi32, #tpu.memory_space<vmem>>
      %dma_start3A_376 = tpu.memref_slice %arg2[%mul3A_2] : memref<8192xi32, #tpu.memory_space<hbm>> -> memref<256xi32, #tpu.memory_space<hbm>>
      %dma_start3A_377 = arith.constant 0 : i32
      %dma_start3A_378 = tpu.memref_slice %arg6[%dma_start3A_377] : memref<272xi32, #tpu.memory_space<vmem>> -> memref<256xi32, #tpu.memory_space<vmem>>
      %dma_start3A_379 = tpu.memref_slice %arg2[%mul3A_2] : memref<8192xi32, #tpu.memory_space<hbm>> -> memref<256xi32, #tpu.memory_space<hbm>>
      tpu.enqueue_dma source(%dma_start3A_379 : memref<256xi32, #tpu.memory_space<hbm>>) target(%dma_start3A_378 : memref<256xi32, #tpu.memory_space<vmem>>) target_semaphore(%run_scoped3A : memref<!tpu.dma_semaphore, #tpu.memory_space<semaphore_mem>>)
      %dma_wait3A_380 = arith.constant 0 : i32
      %dma_wait3A_381 = tpu.memref_slice %arg6[%dma_wait3A_380] : memref<272xi32, #tpu.memory_space<vmem>> -> memref<256xi32, #tpu.memory_space<vmem>>
      %dma_wait3A_382 = tpu.memref_slice %arg2[%mul3A_2] : memref<8192xi32, #tpu.memory_space<hbm>> -> memref<256xi32, #tpu.memory_space<hbm>>
      %dma_wait3A_383 = arith.constant 0 : i32
      %dma_wait3A_384 = tpu.memref_slice %arg6[%dma_wait3A_383] : memref<272xi32, #tpu.memory_space<vmem>> -> memref<256xi32, #tpu.memory_space<vmem>>
      %dma_wait3A_385 = tpu.memref_slice %arg2[%mul3A_2] : memref<8192xi32, #tpu.memory_space<hbm>> -> memref<256xi32, #tpu.memory_space<hbm>>
      tpu.wait_dma2 semaphore(%run_scoped3A : memref<!tpu.dma_semaphore, #tpu.memory_space<semaphore_mem>>) src(%dma_wait3A_385 : memref<256xi32, #tpu.memory_space<hbm>>) dst(%dma_wait3A_384 : memref<256xi32, #tpu.memory_space<vmem>>)
      tpu.yield
    }) : () -> ()
    %swap3A = arith.constant 256 : index
    %swap3A_15 = tpu.vector_load %arg6[%swap3A] {strides = array<i32>} : memref<272xi32, #tpu.memory_space<vmem>>, vector<16xi32>,
    tpu.vector_store %arg6[%swap3A], %broadcast_in_dim3A_14 {strides = array<i32>} : memref<272xi32, #tpu.memory_space<vmem>>, vector<16xi32>,
    "tpu.region"() ({
      %run_scoped3A = tpu.sem_alloc : memref<!tpu.dma_semaphore, #tpu.memory_space<semaphore_mem>>
      %dma_start3A_374 = arith.constant 0 : i32
      %dma_start3A_375 = tpu.memref_slice %arg4[%mul3A_13, %dma_start3A_374] : memref<2048x64xf32, #tpu.memory_space<hbm>> -> memref<256x64xf32, #tpu.memory_space<hbm>>
      %dma_start3A_376 = arith.constant 0 : i32
      %dma_start3A_377 = tpu.memref_slice %arg4[%mul3A_13, %dma_start3A_376] : memref<2048x64xf32, #tpu.memory_space<hbm>> -> memref<256x64xf32, #tpu.memory_space<hbm>>
      tpu.enqueue_dma source(%dma_start3A_377 : memref<256x64xf32, #tpu.memory_space<hbm>>) target(%arg9 : memref<256x64xf32, #tpu.memory_space<vmem>>) target_semaphore(%run_scoped3A : memref<!tpu.dma_semaphore, #tpu.memory_space<semaphore_mem>>)
      %dma_wait3A_378 = arith.constant 0 : i32
      %dma_wait3A_379 = tpu.memref_slice %arg4[%mul3A_13, %dma_wait3A_378] : memref<2048x64xf32, #tpu.memory_space<hbm>> -> memref<256x64xf32, #tpu.memory_space<hbm>>
      %dma_wait3A_380 = arith.constant 0 : i32
      %dma_wait3A_381 = tpu.memref_slice %arg4[%mul3A_13, %dma_wait3A_380] : memref<2048x64xf32, #tpu.memory_space<hbm>> -> memref<256x64xf32, #tpu.memory_space<hbm>>
      tpu.wait_dma2 semaphore(%run_scoped3A : memref<!tpu.dma_semaphore, #tpu.memory_space<semaphore_mem>>) src(%dma_wait3A_381 : memref<256x64xf32, #tpu.memory_space<hbm>>) dst(%arg9 : memref<256x64xf32, #tpu.memory_space<vmem>>)
      tpu.yield
    }) : () -> ()
    %eq3A_16 = arith.constant 0 : i32
    %eq3A_17 = arith.cmpi eq, %mul3A_13, %eq3A_16 : i32
    %convert_element_type3A = arith.extui %eq3A_17 : i1 to i32
    %cond3A = arith.constant 0 : i32
    %cond3A_18 = arith.cmpi ne, %convert_element_type3A, %cond3A : i32
    scf.if %cond3A_18 {
      %broadcast_in_dim3A_374 = arith.constant 0.000000e+00 : f32
      %broadcast_in_dim3A_375 = vector.broadcast %broadcast_in_dim3A_374 : f32 to vector<16xf32>
      %swap3A_376 = arith.constant 0 : i32
      %swap3A_377 = arith.index_cast %swap3A_376 : i32 to index
      %swap3A_378 = arith.constant 0 : index
      %swap3A_379 = tpu.vector_load %arg9[%swap3A_377, %swap3A_378] {strides = array<i32>} : memref<256x64xf32, #tpu.memory_space<vmem>>, vector<16xf32>,
      tpu.vector_store %arg9[%swap3A_377, %swap3A_378], %broadcast_in_dim3A_375 {strides = array<i32>} : memref<256x64xf32, #tpu.memory_space<vmem>>, vector<16xf32>,
      %broadcast_in_dim3A_380 = arith.constant 0.000000e+00 : f32
      %broadcast_in_dim3A_381 = vector.broadcast %broadcast_in_dim3A_380 : f32 to vector<16xf32>
      %swap3A_382 = arith.constant 0 : i32
      %swap3A_383 = arith.index_cast %swap3A_382 : i32 to index
      %swap3A_384 = arith.constant 16 : index
      %swap3A_385 = tpu.vector_load %arg9[%swap3A_383, %swap3A_384] {strides = array<i32>} : memref<256x64xf32, #tpu.memory_space<vmem>>, vector<16xf32>,
      tpu.vector_store %arg9[%swap3A_383, %swap3A_384], %broadcast_in_dim3A_381 {strides = array<i32>} : memref<256x64xf32, #tpu.memory_space<vmem>>, vector<16xf32>,
      %broadcast_in_dim3A_386 = arith.constant 0.000000e+00 : f32
      %broadcast_in_dim3A_387 = vector.broadcast %broadcast_in_dim3A_386 : f32 to vector<16xf32>
      %swap3A_388 = arith.constant 0 : i32
      %swap3A_389 = arith.index_cast %swap3A_388 : i32 to index
      %swap3A_390 = arith.constant 32 : index
      %swap3A_391 = tpu.vector_load %arg9[%swap3A_389, %swap3A_390] {strides = array<i32>} : memref<256x64xf32, #tpu.memory_space<vmem>>, vector<16xf32>,
      tpu.vector_store %arg9[%swap3A_389, %swap3A_390], %broadcast_in_dim3A_387 {strides = array<i32>} : memref<256x64xf32, #tpu.memory_space<vmem>>, vector<16xf32>,
      %broadcast_in_dim3A_392 = arith.constant 0.000000e+00 : f32
      %broadcast_in_dim3A_393 = vector.broadcast %broadcast_in_dim3A_392 : f32 to vector<16xf32>
      %swap3A_394 = arith.constant 0 : i32
      %swap3A_395 = arith.index_cast %swap3A_394 : i32 to index
      %swap3A_396 = arith.constant 48 : index
      %swap3A_397 = tpu.vector_load %arg9[%swap3A_395, %swap3A_396] {strides = array<i32>} : memref<256x64xf32, #tpu.memory_space<vmem>>, vector<16xf32>,
      tpu.vector_store %arg9[%swap3A_395, %swap3A_396], %broadcast_in_dim3A_393 {strides = array<i32>} : memref<256x64xf32, #tpu.memory_space<vmem>>, vector<16xf32>,
    } else {
    }
    %get3A = arith.constant 0 : index
    %get3A_19 = tpu.vector_load %arg6[%get3A] {strides = array<i32>} : memref<272xi32, #tpu.memory_space<vmem>>, vector<16xi32>,
    %slice3A = vector.extract_strided_slice %get3A_19 {offsets = [0], sizes = [1], strides = [1]} : vector<16xi32> to vector<1xi32>
    %squeeze3A = vector.extract %slice3A[0] : i32 from vector<1xi32>
    %jit3A_20 = arith.constant 128 : i32
    %div3A = arith.divsi %squeeze3A, %jit3A_20 : i32
    %sign3A = arith.constant 0 : i32
    %sign3A_21 = arith.cmpi sgt, %squeeze3A, %sign3A : i32
    %sign3A_22 = arith.extui %sign3A_21 : i1 to i32
    %sign3A_23 = arith.constant 0 : i32
    %sign3A_24 = arith.cmpi slt, %squeeze3A, %sign3A_23 : i32
    %sign3A_25 = arith.extui %sign3A_24 : i1 to i32
    %sign3A_26 = arith.subi %sign3A_22, %sign3A_25 : i32
    %sign3A_27 = arith.constant 0 : i32
    %sign3A_28 = arith.cmpi sgt, %jit3A_20, %sign3A_27 : i32
    %sign3A_29 = arith.extui %sign3A_28 : i1 to i32
    %sign3A_30 = arith.constant 0 : i32
    %sign3A_31 = arith.cmpi slt, %jit3A_20, %sign3A_30 : i32
    %sign3A_32 = arith.extui %sign3A_31 : i1 to i32
    %sign3A_33 = arith.subi %sign3A_29, %sign3A_32 : i32
    %ne3A_34 = arith.cmpi ne, %sign3A_26, %sign3A_33 : i32
    %rem3A_35 = arith.remsi %squeeze3A, %jit3A_20 : i32
    %ne3A_36 = arith.constant 0 : i32
    %ne3A_37 = arith.cmpi ne, %rem3A_35, %ne3A_36 : i32
    %and3A_38 = arith.andi %ne3A_34, %ne3A_37 : i1
    %sub3A = arith.constant 1 : i32
    %sub3A_39 = arith.subi %div3A, %sub3A : i32
    %select_n3A_40 = arith.select %and3A_38, %sub3A_39, %div3A : i32
    %mul3A_41 = arith.constant 128 : i32
    %mul3A_42 = arith.muli %select_n3A_40, %mul3A_41 : i32
    %multiple_of3A = tpu.assume_multiple %mul3A_42, 128 : i32
    %dma_start3A = arith.constant 0 : i32
    %dma_start3A_43 = arith.constant 0 : i32
    %dma_start3A_44 = arith.constant 0 : i32
    %dma_start3A_45 = tpu.memref_slice %arg7[%dma_start3A_43, %dma_start3A_44] : memref<512x128xf32, #tpu.memory_space<vmem>> -> memref<64x128xf32, #tpu.memory_space<vmem>>
    %dma_start3A_46 = arith.constant 0 : i32
    %dma_start3A_47 = tpu.memref_slice %arg3[%dma_start3A_46, %multiple_of3A] : memref<64x1000000xf32, #tpu.memory_space<hbm>> -> memref<64x128xf32, #tpu.memory_space<hbm>>
    %dma_start3A_48 = tpu.memref_slice %arg10[%dma_start3A] : memref<8x!tpu.dma_semaphore, #tpu.memory_space<semaphore_mem>> -> memref<1x!tpu.dma_semaphore, #tpu.memory_space<semaphore_mem>>
    %dma_start3A_49 = tpu.memref_squeeze %dma_start3A_48 : memref<1x!tpu.dma_semaphore, #tpu.memory_space<semaphore_mem>> -> memref<!tpu.dma_semaphore, #tpu.memory_space<semaphore_mem>>
    %dma_start3A_50 = arith.constant 0 : i32
    %dma_start3A_51 = arith.constant 0 : i32
    %dma_start3A_52 = tpu.memref_slice %arg7[%dma_start3A_50, %dma_start3A_51] : memref<512x128xf32, #tpu.memory_space<vmem>> -> memref<64x128xf32, #tpu.memory_space<vmem>>
    %dma_start3A_53 = arith.constant 0 : i32
    %dma_start3A_54 = tpu.memref_slice %arg3[%dma_start3A_53, %multiple_of3A] : memref<64x1000000xf32, #tpu.memory_space<hbm>> -> memref<64x128xf32, #tpu.memory_space<hbm>>
    tpu.enqueue_dma source(%dma_start3A_54 : memref<64x128xf32, #tpu.memory_space<hbm>>) target(%dma_start3A_52 : memref<64x128xf32, #tpu.memory_space<vmem>>) target_semaphore(%dma_start3A_49 : memref<!tpu.dma_semaphore, #tpu.memory_space<semaphore_mem>>)
    %slice3A_55 = vector.extract_strided_slice %get3A_19 {offsets = [1], sizes = [1], strides = [1]} : vector<16xi32> to vector<1xi32>
    %squeeze3A_56 = vector.extract %slice3A_55[0] : i32 from vector<1xi32>
    %jit3A_57 = arith.constant 128 : i32
    %div3A_58 = arith.divsi %squeeze3A_56, %jit3A_57 : i32
    %sign3A_59 = arith.constant 0 : i32
    %sign3A_60 = arith.cmpi sgt, %squeeze3A_56, %sign3A_59 : i32
    %sign3A_61 = arith.extui %sign3A_60 : i1 to i32
    %sign3A_62 = arith.constant 0 : i32
    %sign3A_63 = arith.cmpi slt, %squeeze3A_56, %sign3A_62 : i32
    %sign3A_64 = arith.extui %sign3A_63 : i1 to i32
    %sign3A_65 = arith.subi %sign3A_61, %sign3A_64 : i32
    %sign3A_66 = arith.constant 0 : i32
    %sign3A_67 = arith.cmpi sgt, %jit3A_57, %sign3A_66 : i32
    %sign3A_68 = arith.extui %sign3A_67 : i1 to i32
    %sign3A_69 = arith.constant 0 : i32
    %sign3A_70 = arith.cmpi slt, %jit3A_57, %sign3A_69 : i32
    %sign3A_71 = arith.extui %sign3A_70 : i1 to i32
    %sign3A_72 = arith.subi %sign3A_68, %sign3A_71 : i32
    %ne3A_73 = arith.cmpi ne, %sign3A_65, %sign3A_72 : i32
    %rem3A_74 = arith.remsi %squeeze3A_56, %jit3A_57 : i32
    %ne3A_75 = arith.constant 0 : i32
    %ne3A_76 = arith.cmpi ne, %rem3A_74, %ne3A_75 : i32
    %and3A_77 = arith.andi %ne3A_73, %ne3A_76 : i1
    %sub3A_78 = arith.constant 1 : i32
    %sub3A_79 = arith.subi %div3A_58, %sub3A_78 : i32
    %select_n3A_80 = arith.select %and3A_77, %sub3A_79, %div3A_58 : i32
    %mul3A_81 = arith.constant 128 : i32
    %mul3A_82 = arith.muli %select_n3A_80, %mul3A_81 : i32
    %multiple_of3A_83 = tpu.assume_multiple %mul3A_82, 128 : i32
    %dma_start3A_84 = arith.constant 1 : i32
    %dma_start3A_85 = arith.constant 64 : i32
    %dma_start3A_86 = arith.constant 0 : i32
    %dma_start3A_87 = tpu.memref_slice %arg7[%dma_start3A_85, %dma_start3A_86] : memref<512x128xf32, #tpu.memory_space<vmem>> -> memref<64x128xf32, #tpu.memory_space<vmem>>
    %dma_start3A_88 = arith.constant 0 : i32
    %dma_start3A_89 = tpu.memref_slice %arg3[%dma_start3A_88, %multiple_of3A_83] : memref<64x1000000xf32, #tpu.memory_space<hbm>> -> memref<64x128xf32, #tpu.memory_space<hbm>>
    %dma_start3A_90 = tpu.memref_slice %arg10[%dma_start3A_84] : memref<8x!tpu.dma_semaphore, #tpu.memory_space<semaphore_mem>> -> memref<1x!tpu.dma_semaphore, #tpu.memory_space<semaphore_mem>>
    %dma_start3A_91 = tpu.memref_squeeze %dma_start3A_90 : memref<1x!tpu.dma_semaphore, #tpu.memory_space<semaphore_mem>> -> memref<!tpu.dma_semaphore, #tpu.memory_space<semaphore_mem>>
    %dma_start3A_92 = arith.constant 64 : i32
    %dma_start3A_93 = arith.constant 0 : i32
    %dma_start3A_94 = tpu.memref_slice %arg7[%dma_start3A_92, %dma_start3A_93] : memref<512x128xf32, #tpu.memory_space<vmem>> -> memref<64x128xf32, #tpu.memory_space<vmem>>
    %dma_start3A_95 = arith.constant 0 : i32
    %dma_start3A_96 = tpu.memref_slice %arg3[%dma_start3A_95, %multiple_of3A_83] : memref<64x1000000xf32, #tpu.memory_space<hbm>> -> memref<64x128xf32, #tpu.memory_space<hbm>>
    tpu.enqueue_dma source(%dma_start3A_96 : memref<64x128xf32, #tpu.memory_space<hbm>>) target(%dma_start3A_94 : memref<64x128xf32, #tpu.memory_space<vmem>>) target_semaphore(%dma_start3A_91 : memref<!tpu.dma_semaphore, #tpu.memory_space<semaphore_mem>>)
    %slice3A_97 = vector.extract_strided_slice %get3A_19 {offsets = [2], sizes = [1], strides = [1]} : vector<16xi32> to vector<1xi32>
    %squeeze3A_98 = vector.extract %slice3A_97[0] : i32 from vector<1xi32>
    %jit3A_99 = arith.constant 128 : i32
    %div3A_100 = arith.divsi %squeeze3A_98, %jit3A_99 : i32
    %sign3A_101 = arith.constant 0 : i32
    %sign3A_102 = arith.cmpi sgt, %squeeze3A_98, %sign3A_101 : i32
    %sign3A_103 = arith.extui %sign3A_102 : i1 to i32
    %sign3A_104 = arith.constant 0 : i32
    %sign3A_105 = arith.cmpi slt, %squeeze3A_98, %sign3A_104 : i32
    %sign3A_106 = arith.extui %sign3A_105 : i1 to i32
    %sign3A_107 = arith.subi %sign3A_103, %sign3A_106 : i32
    %sign3A_108 = arith.constant 0 : i32
    %sign3A_109 = arith.cmpi sgt, %jit3A_99, %sign3A_108 : i32
    %sign3A_110 = arith.extui %sign3A_109 : i1 to i32
    %sign3A_111 = arith.constant 0 : i32
    %sign3A_112 = arith.cmpi slt, %jit3A_99, %sign3A_111 : i32
    %sign3A_113 = arith.extui %sign3A_112 : i1 to i32
    %sign3A_114 = arith.subi %sign3A_110, %sign3A_113 : i32
    %ne3A_115 = arith.cmpi ne, %sign3A_107, %sign3A_114 : i32
    %rem3A_116 = arith.remsi %squeeze3A_98, %jit3A_99 : i32
    %ne3A_117 = arith.constant 0 : i32
    %ne3A_118 = arith.cmpi ne, %rem3A_116, %ne3A_117 : i32
    %and3A_119 = arith.andi %ne3A_115, %ne3A_118 : i1
    %sub3A_120 = arith.constant 1 : i32
    %sub3A_121 = arith.subi %div3A_100, %sub3A_120 : i32
    %select_n3A_122 = arith.select %and3A_119, %sub3A_121, %div3A_100 : i32
    %mul3A_123 = arith.constant 128 : i32
    %mul3A_124 = arith.muli %select_n3A_122, %mul3A_123 : i32
    %multiple_of3A_125 = tpu.assume_multiple %mul3A_124, 128 : i32
    %dma_start3A_126 = arith.constant 2 : i32
    %dma_start3A_127 = arith.constant 128 : i32
    %dma_start3A_128 = arith.constant 0 : i32
    %dma_start3A_129 = tpu.memref_slice %arg7[%dma_start3A_127, %dma_start3A_128] : memref<512x128xf32, #tpu.memory_space<vmem>> -> memref<64x128xf32, #tpu.memory_space<vmem>>
    %dma_start3A_130 = arith.constant 0 : i32
    %dma_start3A_131 = tpu.memref_slice %arg3[%dma_start3A_130, %multiple_of3A_125] : memref<64x1000000xf32, #tpu.memory_space<hbm>> -> memref<64x128xf32, #tpu.memory_space<hbm>>
    %dma_start3A_132 = tpu.memref_slice %arg10[%dma_start3A_126] : memref<8x!tpu.dma_semaphore, #tpu.memory_space<semaphore_mem>> -> memref<1x!tpu.dma_semaphore, #tpu.memory_space<semaphore_mem>>
    %dma_start3A_133 = tpu.memref_squeeze %dma_start3A_132 : memref<1x!tpu.dma_semaphore, #tpu.memory_space<semaphore_mem>> -> memref<!tpu.dma_semaphore, #tpu.memory_space<semaphore_mem>>
    %dma_start3A_134 = arith.constant 128 : i32
    %dma_start3A_135 = arith.constant 0 : i32
    %dma_start3A_136 = tpu.memref_slice %arg7[%dma_start3A_134, %dma_start3A_135] : memref<512x128xf32, #tpu.memory_space<vmem>> -> memref<64x128xf32, #tpu.memory_space<vmem>>
    %dma_start3A_137 = arith.constant 0 : i32
    %dma_start3A_138 = tpu.memref_slice %arg3[%dma_start3A_137, %multiple_of3A_125] : memref<64x1000000xf32, #tpu.memory_space<hbm>> -> memref<64x128xf32, #tpu.memory_space<hbm>>
    tpu.enqueue_dma source(%dma_start3A_138 : memref<64x128xf32, #tpu.memory_space<hbm>>) target(%dma_start3A_136 : memref<64x128xf32, #tpu.memory_space<vmem>>) target_semaphore(%dma_start3A_133 : memref<!tpu.dma_semaphore, #tpu.memory_space<semaphore_mem>>)
    %slice3A_139 = vector.extract_strided_slice %get3A_19 {offsets = [3], sizes = [1], strides = [1]} : vector<16xi32> to vector<1xi32>
    %squeeze3A_140 = vector.extract %slice3A_139[0] : i32 from vector<1xi32>
    %jit3A_141 = arith.constant 128 : i32
    %div3A_142 = arith.divsi %squeeze3A_140, %jit3A_141 : i32
    %sign3A_143 = arith.constant 0 : i32
    %sign3A_144 = arith.cmpi sgt, %squeeze3A_140, %sign3A_143 : i32
    %sign3A_145 = arith.extui %sign3A_144 : i1 to i32
    %sign3A_146 = arith.constant 0 : i32
    %sign3A_147 = arith.cmpi slt, %squeeze3A_140, %sign3A_146 : i32
    %sign3A_148 = arith.extui %sign3A_147 : i1 to i32
    %sign3A_149 = arith.subi %sign3A_145, %sign3A_148 : i32
    %sign3A_150 = arith.constant 0 : i32
    %sign3A_151 = arith.cmpi sgt, %jit3A_141, %sign3A_150 : i32
    %sign3A_152 = arith.extui %sign3A_151 : i1 to i32
    %sign3A_153 = arith.constant 0 : i32
    %sign3A_154 = arith.cmpi slt, %jit3A_141, %sign3A_153 : i32
    %sign3A_155 = arith.extui %sign3A_154 : i1 to i32
    %sign3A_156 = arith.subi %sign3A_152, %sign3A_155 : i32
    %ne3A_157 = arith.cmpi ne, %sign3A_149, %sign3A_156 : i32
    %rem3A_158 = arith.remsi %squeeze3A_140, %jit3A_141 : i32
    %ne3A_159 = arith.constant 0 : i32
    %ne3A_160 = arith.cmpi ne, %rem3A_158, %ne3A_159 : i32
    %and3A_161 = arith.andi %ne3A_157, %ne3A_160 : i1
    %sub3A_162 = arith.constant 1 : i32
    %sub3A_163 = arith.subi %div3A_142, %sub3A_162 : i32
    %select_n3A_164 = arith.select %and3A_161, %sub3A_163, %div3A_142 : i32
    %mul3A_165 = arith.constant 128 : i32
    %mul3A_166 = arith.muli %select_n3A_164, %mul3A_165 : i32
    %multiple_of3A_167 = tpu.assume_multiple %mul3A_166, 128 : i32
    %dma_start3A_168 = arith.constant 3 : i32
    %dma_start3A_169 = arith.constant 192 : i32
    %dma_start3A_170 = arith.constant 0 : i32
    %dma_start3A_171 = tpu.memref_slice %arg7[%dma_start3A_169, %dma_start3A_170] : memref<512x128xf32, #tpu.memory_space<vmem>> -> memref<64x128xf32, #tpu.memory_space<vmem>>
    %dma_start3A_172 = arith.constant 0 : i32
    %dma_start3A_173 = tpu.memref_slice %arg3[%dma_start3A_172, %multiple_of3A_167] : memref<64x1000000xf32, #tpu.memory_space<hbm>> -> memref<64x128xf32, #tpu.memory_space<hbm>>
    %dma_start3A_174 = tpu.memref_slice %arg10[%dma_start3A_168] : memref<8x!tpu.dma_semaphore, #tpu.memory_space<semaphore_mem>> -> memref<1x!tpu.dma_semaphore, #tpu.memory_space<semaphore_mem>>
    %dma_start3A_175 = tpu.memref_squeeze %dma_start3A_174 : memref<1x!tpu.dma_semaphore, #tpu.memory_space<semaphore_mem>> -> memref<!tpu.dma_semaphore, #tpu.memory_space<semaphore_mem>>
    %dma_start3A_176 = arith.constant 192 : i32
    %dma_start3A_177 = arith.constant 0 : i32
    %dma_start3A_178 = tpu.memref_slice %arg7[%dma_start3A_176, %dma_start3A_177] : memref<512x128xf32, #tpu.memory_space<vmem>> -> memref<64x128xf32, #tpu.memory_space<vmem>>
    %dma_start3A_179 = arith.constant 0 : i32
    %dma_start3A_180 = tpu.memref_slice %arg3[%dma_start3A_179, %multiple_of3A_167] : memref<64x1000000xf32, #tpu.memory_space<hbm>> -> memref<64x128xf32, #tpu.memory_space<hbm>>
    tpu.enqueue_dma source(%dma_start3A_180 : memref<64x128xf32, #tpu.memory_space<hbm>>) target(%dma_start3A_178 : memref<64x128xf32, #tpu.memory_space<vmem>>) target_semaphore(%dma_start3A_175 : memref<!tpu.dma_semaphore, #tpu.memory_space<semaphore_mem>>)
    %slice3A_181 = vector.extract_strided_slice %get3A_19 {offsets = [4], sizes = [1], strides = [1]} : vector<16xi32> to vector<1xi32>
    %squeeze3A_182 = vector.extract %slice3A_181[0] : i32 from vector<1xi32>
    %jit3A_183 = arith.constant 128 : i32
    %div3A_184 = arith.divsi %squeeze3A_182, %jit3A_183 : i32
    %sign3A_185 = arith.constant 0 : i32
    %sign3A_186 = arith.cmpi sgt, %squeeze3A_182, %sign3A_185 : i32
    %sign3A_187 = arith.extui %sign3A_186 : i1 to i32
    %sign3A_188 = arith.constant 0 : i32
    %sign3A_189 = arith.cmpi slt, %squeeze3A_182, %sign3A_188 : i32
    %sign3A_190 = arith.extui %sign3A_189 : i1 to i32
    %sign3A_191 = arith.subi %sign3A_187, %sign3A_190 : i32
    %sign3A_192 = arith.constant 0 : i32
    %sign3A_193 = arith.cmpi sgt, %jit3A_183, %sign3A_192 : i32
    %sign3A_194 = arith.extui %sign3A_193 : i1 to i32
    %sign3A_195 = arith.constant 0 : i32
    %sign3A_196 = arith.cmpi slt, %jit3A_183, %sign3A_195 : i32
    %sign3A_197 = arith.extui %sign3A_196 : i1 to i32
    %sign3A_198 = arith.subi %sign3A_194, %sign3A_197 : i32
    %ne3A_199 = arith.cmpi ne, %sign3A_191, %sign3A_198 : i32
    %rem3A_200 = arith.remsi %squeeze3A_182, %jit3A_183 : i32
    %ne3A_201 = arith.constant 0 : i32
    %ne3A_202 = arith.cmpi ne, %rem3A_200, %ne3A_201 : i32
    %and3A_203 = arith.andi %ne3A_199, %ne3A_202 : i1
    %sub3A_204 = arith.constant 1 : i32
    %sub3A_205 = arith.subi %div3A_184, %sub3A_204 : i32
    %select_n3A_206 = arith.select %and3A_203, %sub3A_205, %div3A_184 : i32
    %mul3A_207 = arith.constant 128 : i32
    %mul3A_208 = arith.muli %select_n3A_206, %mul3A_207 : i32
    %multiple_of3A_209 = tpu.assume_multiple %mul3A_208, 128 : i32
    %dma_start3A_210 = arith.constant 4 : i32
    %dma_start3A_211 = arith.constant 256 : i32
    %dma_start3A_212 = arith.constant 0 : i32
    %dma_start3A_213 = tpu.memref_slice %arg7[%dma_start3A_211, %dma_start3A_212] : memref<512x128xf32, #tpu.memory_space<vmem>> -> memref<64x128xf32, #tpu.memory_space<vmem>>
    %dma_start3A_214 = arith.constant 0 : i32
    %dma_start3A_215 = tpu.memref_slice %arg3[%dma_start3A_214, %multiple_of3A_209] : memref<64x1000000xf32, #tpu.memory_space<hbm>> -> memref<64x128xf32, #tpu.memory_space<hbm>>
    %dma_start3A_216 = tpu.memref_slice %arg10[%dma_start3A_210] : memref<8x!tpu.dma_semaphore, #tpu.memory_space<semaphore_mem>> -> memref<1x!tpu.dma_semaphore, #tpu.memory_space<semaphore_mem>>
    %dma_start3A_217 = tpu.memref_squeeze %dma_start3A_216 : memref<1x!tpu.dma_semaphore, #tpu.memory_space<semaphore_mem>> -> memref<!tpu.dma_semaphore, #tpu.memory_space<semaphore_mem>>
    %dma_start3A_218 = arith.constant 256 : i32
    %dma_start3A_219 = arith.constant 0 : i32
    %dma_start3A_220 = tpu.memref_slice %arg7[%dma_start3A_218, %dma_start3A_219] : memref<512x128xf32, #tpu.memory_space<vmem>> -> memref<64x128xf32, #tpu.memory_space<vmem>>
    %dma_start3A_221 = arith.constant 0 : i32
    %dma_start3A_222 = tpu.memref_slice %arg3[%dma_start3A_221, %multiple_of3A_209] : memref<64x1000000xf32, #tpu.memory_space<hbm>> -> memref<64x128xf32, #tpu.memory_space<hbm>>
    tpu.enqueue_dma source(%dma_start3A_222 : memref<64x128xf32, #tpu.memory_space<hbm>>) target(%dma_start3A_220 : memref<64x128xf32, #tpu.memory_space<vmem>>) target_semaphore(%dma_start3A_217 : memref<!tpu.dma_semaphore, #tpu.memory_space<semaphore_mem>>)
    %slice3A_223 = vector.extract_strided_slice %get3A_19 {offsets = [5], sizes = [1], strides = [1]} : vector<16xi32> to vector<1xi32>
    %squeeze3A_224 = vector.extract %slice3A_223[0] : i32 from vector<1xi32>
    %jit3A_225 = arith.constant 128 : i32
    %div3A_226 = arith.divsi %squeeze3A_224, %jit3A_225 : i32
    %sign3A_227 = arith.constant 0 : i32
    %sign3A_228 = arith.cmpi sgt, %squeeze3A_224, %sign3A_227 : i32
    %sign3A_229 = arith.extui %sign3A_228 : i1 to i32
    %sign3A_230 = arith.constant 0 : i32
    %sign3A_231 = arith.cmpi slt, %squeeze3A_224, %sign3A_230 : i32
    %sign3A_232 = arith.extui %sign3A_231 : i1 to i32
    %sign3A_233 = arith.subi %sign3A_229, %sign3A_232 : i32
    %sign3A_234 = arith.constant 0 : i32
    %sign3A_235 = arith.cmpi sgt, %jit3A_225, %sign3A_234 : i32
    %sign3A_236 = arith.extui %sign3A_235 : i1 to i32
    %sign3A_237 = arith.constant 0 : i32
    %sign3A_238 = arith.cmpi slt, %jit3A_225, %sign3A_237 : i32
    %sign3A_239 = arith.extui %sign3A_238 : i1 to i32
    %sign3A_240 = arith.subi %sign3A_236, %sign3A_239 : i32
    %ne3A_241 = arith.cmpi ne, %sign3A_233, %sign3A_240 : i32
    %rem3A_242 = arith.remsi %squeeze3A_224, %jit3A_225 : i32
    %ne3A_243 = arith.constant 0 : i32
    %ne3A_244 = arith.cmpi ne, %rem3A_242, %ne3A_243 : i32
    %and3A_245 = arith.andi %ne3A_241, %ne3A_244 : i1
    %sub3A_246 = arith.constant 1 : i32
    %sub3A_247 = arith.subi %div3A_226, %sub3A_246 : i32
    %select_n3A_248 = arith.select %and3A_245, %sub3A_247, %div3A_226 : i32
    %mul3A_249 = arith.constant 128 : i32
    %mul3A_250 = arith.muli %select_n3A_248, %mul3A_249 : i32
    %multiple_of3A_251 = tpu.assume_multiple %mul3A_250, 128 : i32
    %dma_start3A_252 = arith.constant 5 : i32
    %dma_start3A_253 = arith.constant 320 : i32
    %dma_start3A_254 = arith.constant 0 : i32
    %dma_start3A_255 = tpu.memref_slice %arg7[%dma_start3A_253, %dma_start3A_254] : memref<512x128xf32, #tpu.memory_space<vmem>> -> memref<64x128xf32, #tpu.memory_space<vmem>>
    %dma_start3A_256 = arith.constant 0 : i32
    %dma_start3A_257 = tpu.memref_slice %arg3[%dma_start3A_256, %multiple_of3A_251] : memref<64x1000000xf32, #tpu.memory_space<hbm>> -> memref<64x128xf32, #tpu.memory_space<hbm>>
    %dma_start3A_258 = tpu.memref_slice %arg10[%dma_start3A_252] : memref<8x!tpu.dma_semaphore, #tpu.memory_space<semaphore_mem>> -> memref<1x!tpu.dma_semaphore, #tpu.memory_space<semaphore_mem>>
    %dma_start3A_259 = tpu.memref_squeeze %dma_start3A_258 : memref<1x!tpu.dma_semaphore, #tpu.memory_space<semaphore_mem>> -> memref<!tpu.dma_semaphore, #tpu.memory_space<semaphore_mem>>
    %dma_start3A_260 = arith.constant 320 : i32
    %dma_start3A_261 = arith.constant 0 : i32
    %dma_start3A_262 = tpu.memref_slice %arg7[%dma_start3A_260, %dma_start3A_261] : memref<512x128xf32, #tpu.memory_space<vmem>> -> memref<64x128xf32, #tpu.memory_space<vmem>>
    %dma_start3A_263 = arith.constant 0 : i32
    %dma_start3A_264 = tpu.memref_slice %arg3[%dma_start3A_263, %multiple_of3A_251] : memref<64x1000000xf32, #tpu.memory_space<hbm>> -> memref<64x128xf32, #tpu.memory_space<hbm>>
    tpu.enqueue_dma source(%dma_start3A_264 : memref<64x128xf32, #tpu.memory_space<hbm>>) target(%dma_start3A_262 : memref<64x128xf32, #tpu.memory_space<vmem>>) target_semaphore(%dma_start3A_259 : memref<!tpu.dma_semaphore, #tpu.memory_space<semaphore_mem>>)
    %slice3A_265 = vector.extract_strided_slice %get3A_19 {offsets = [6], sizes = [1], strides = [1]} : vector<16xi32> to vector<1xi32>
    %squeeze3A_266 = vector.extract %slice3A_265[0] : i32 from vector<1xi32>
    %jit3A_267 = arith.constant 128 : i32
    %div3A_268 = arith.divsi %squeeze3A_266, %jit3A_267 : i32
    %sign3A_269 = arith.constant 0 : i32
    %sign3A_270 = arith.cmpi sgt, %squeeze3A_266, %sign3A_269 : i32
    %sign3A_271 = arith.extui %sign3A_270 : i1 to i32
    %sign3A_272 = arith.constant 0 : i32
    %sign3A_273 = arith.cmpi slt, %squeeze3A_266, %sign3A_272 : i32
    %sign3A_274 = arith.extui %sign3A_273 : i1 to i32
    %sign3A_275 = arith.subi %sign3A_271, %sign3A_274 : i32
    %sign3A_276 = arith.constant 0 : i32
    %sign3A_277 = arith.cmpi sgt, %jit3A_267, %sign3A_276 : i32
    %sign3A_278 = arith.extui %sign3A_277 : i1 to i32
    %sign3A_279 = arith.constant 0 : i32
    %sign3A_280 = arith.cmpi slt, %jit3A_267, %sign3A_279 : i32
    %sign3A_281 = arith.extui %sign3A_280 : i1 to i32
    %sign3A_282 = arith.subi %sign3A_278, %sign3A_281 : i32
    %ne3A_283 = arith.cmpi ne, %sign3A_275, %sign3A_282 : i32
    %rem3A_284 = arith.remsi %squeeze3A_266, %jit3A_267 : i32
    %ne3A_285 = arith.constant 0 : i32
    %ne3A_286 = arith.cmpi ne, %rem3A_284, %ne3A_285 : i32
    %and3A_287 = arith.andi %ne3A_283, %ne3A_286 : i1
    %sub3A_288 = arith.constant 1 : i32
    %sub3A_289 = arith.subi %div3A_268, %sub3A_288 : i32
    %select_n3A_290 = arith.select %and3A_287, %sub3A_289, %div3A_268 : i32
    %mul3A_291 = arith.constant 128 : i32
    %mul3A_292 = arith.muli %select_n3A_290, %mul3A_291 : i32
    %multiple_of3A_293 = tpu.assume_multiple %mul3A_292, 128 : i32
    %dma_start3A_294 = arith.constant 6 : i32
    %dma_start3A_295 = arith.constant 384 : i32
    %dma_start3A_296 = arith.constant 0 : i32
    %dma_start3A_297 = tpu.memref_slice %arg7[%dma_start3A_295, %dma_start3A_296] : memref<512x128xf32, #tpu.memory_space<vmem>> -> memref<64x128xf32, #tpu.memory_space<vmem>>
    %dma_start3A_298 = arith.constant 0 : i32
    %dma_start3A_299 = tpu.memref_slice %arg3[%dma_start3A_298, %multiple_of3A_293] : memref<64x1000000xf32, #tpu.memory_space<hbm>> -> memref<64x128xf32, #tpu.memory_space<hbm>>
    %dma_start3A_300 = tpu.memref_slice %arg10[%dma_start3A_294] : memref<8x!tpu.dma_semaphore, #tpu.memory_space<semaphore_mem>> -> memref<1x!tpu.dma_semaphore, #tpu.memory_space<semaphore_mem>>
    %dma_start3A_301 = tpu.memref_squeeze %dma_start3A_300 : memref<1x!tpu.dma_semaphore, #tpu.memory_space<semaphore_mem>> -> memref<!tpu.dma_semaphore, #tpu.memory_space<semaphore_mem>>
    %dma_start3A_302 = arith.constant 384 : i32
    %dma_start3A_303 = arith.constant 0 : i32
    %dma_start3A_304 = tpu.memref_slice %arg7[%dma_start3A_302, %dma_start3A_303] : memref<512x128xf32, #tpu.memory_space<vmem>> -> memref<64x128xf32, #tpu.memory_space<vmem>>
    %dma_start3A_305 = arith.constant 0 : i32
    %dma_start3A_306 = tpu.memref_slice %arg3[%dma_start3A_305, %multiple_of3A_293] : memref<64x1000000xf32, #tpu.memory_space<hbm>> -> memref<64x128xf32, #tpu.memory_space<hbm>>
    tpu.enqueue_dma source(%dma_start3A_306 : memref<64x128xf32, #tpu.memory_space<hbm>>) target(%dma_start3A_304 : memref<64x128xf32, #tpu.memory_space<vmem>>) target_semaphore(%dma_start3A_301 : memref<!tpu.dma_semaphore, #tpu.memory_space<semaphore_mem>>)
    %slice3A_307 = vector.extract_strided_slice %get3A_19 {offsets = [7], sizes = [1], strides = [1]} : vector<16xi32> to vector<1xi32>
    %squeeze3A_308 = vector.extract %slice3A_307[0] : i32 from vector<1xi32>
    %jit3A_309 = arith.constant 128 : i32
    %div3A_310 = arith.divsi %squeeze3A_308, %jit3A_309 : i32
    %sign3A_311 = arith.constant 0 : i32
    %sign3A_312 = arith.cmpi sgt, %squeeze3A_308, %sign3A_311 : i32
    %sign3A_313 = arith.extui %sign3A_312 : i1 to i32
    %sign3A_314 = arith.constant 0 : i32
    %sign3A_315 = arith.cmpi slt, %squeeze3A_308, %sign3A_314 : i32
    %sign3A_316 = arith.extui %sign3A_315 : i1 to i32
    %sign3A_317 = arith.subi %sign3A_313, %sign3A_316 : i32
    %sign3A_318 = arith.constant 0 : i32
    %sign3A_319 = arith.cmpi sgt, %jit3A_309, %sign3A_318 : i32
    %sign3A_320 = arith.extui %sign3A_319 : i1 to i32
    %sign3A_321 = arith.constant 0 : i32
    %sign3A_322 = arith.cmpi slt, %jit3A_309, %sign3A_321 : i32
    %sign3A_323 = arith.extui %sign3A_322 : i1 to i32
    %sign3A_324 = arith.subi %sign3A_320, %sign3A_323 : i32
    %ne3A_325 = arith.cmpi ne, %sign3A_317, %sign3A_324 : i32
    %rem3A_326 = arith.remsi %squeeze3A_308, %jit3A_309 : i32
    %ne3A_327 = arith.constant 0 : i32
    %ne3A_328 = arith.cmpi ne, %rem3A_326, %ne3A_327 : i32
    %and3A_329 = arith.andi %ne3A_325, %ne3A_328 : i1
    %sub3A_330 = arith.constant 1 : i32
    %sub3A_331 = arith.subi %div3A_310, %sub3A_330 : i32
    %select_n3A_332 = arith.select %and3A_329, %sub3A_331, %div3A_310 : i32
    %mul3A_333 = arith.constant 128 : i32
    %mul3A_334 = arith.muli %select_n3A_332, %mul3A_333 : i32
    %multiple_of3A_335 = tpu.assume_multiple %mul3A_334, 128 : i32
    %dma_start3A_336 = arith.constant 7 : i32
    %dma_start3A_337 = arith.constant 448 : i32
    %dma_start3A_338 = arith.constant 0 : i32
    %dma_start3A_339 = tpu.memref_slice %arg7[%dma_start3A_337, %dma_start3A_338] : memref<512x128xf32, #tpu.memory_space<vmem>> -> memref<64x128xf32, #tpu.memory_space<vmem>>
    %dma_start3A_340 = arith.constant 0 : i32
    %dma_start3A_341 = tpu.memref_slice %arg3[%dma_start3A_340, %multiple_of3A_335] : memref<64x1000000xf32, #tpu.memory_space<hbm>> -> memref<64x128xf32, #tpu.memory_space<hbm>>
    %dma_start3A_342 = tpu.memref_slice %arg10[%dma_start3A_336] : memref<8x!tpu.dma_semaphore, #tpu.memory_space<semaphore_mem>> -> memref<1x!tpu.dma_semaphore, #tpu.memory_space<semaphore_mem>>
    %dma_start3A_343 = tpu.memref_squeeze %dma_start3A_342 : memref<1x!tpu.dma_semaphore, #tpu.memory_space<semaphore_mem>> -> memref<!tpu.dma_semaphore, #tpu.memory_space<semaphore_mem>>
    %dma_start3A_344 = arith.constant 448 : i32
    %dma_start3A_345 = arith.constant 0 : i32
    %dma_start3A_346 = tpu.memref_slice %arg7[%dma_start3A_344, %dma_start3A_345] : memref<512x128xf32, #tpu.memory_space<vmem>> -> memref<64x128xf32, #tpu.memory_space<vmem>>
    %dma_start3A_347 = arith.constant 0 : i32
    %dma_start3A_348 = tpu.memref_slice %arg3[%dma_start3A_347, %multiple_of3A_335] : memref<64x1000000xf32, #tpu.memory_space<hbm>> -> memref<64x128xf32, #tpu.memory_space<hbm>>
    tpu.enqueue_dma source(%dma_start3A_348 : memref<64x128xf32, #tpu.memory_space<hbm>>) target(%dma_start3A_346 : memref<64x128xf32, #tpu.memory_space<vmem>>) target_semaphore(%dma_start3A_343 : memref<!tpu.dma_semaphore, #tpu.memory_space<semaphore_mem>>)
    %scan3A = arith.constant 0 : i32
    %scan3A_349 = arith.constant 0 : i32
    %scan3A_350 = arith.constant 16 : i32
    %scan3A_351 = arith.addi %scan3A_349, %scan3A_350 : i32
    %scan3A_352 = arith.constant 1 : i32
    %scan3A_353 = scf.for %scan3A_374 = %scan3A_349 to %scan3A_351 step %scan3A_352 iter_args(%scan3A_375 = %scan3A) -> (i32)  : i32 {
      %mul3A_376 = arith.constant 16 : i32
      %mul3A_377 = arith.muli %scan3A_374, %mul3A_376 : i32
      %get3A_378 = arith.index_cast %mul3A_377 : i32 to index
      %get3A_379 = tpu.vector_load %arg6[%get3A_378] {strides = array<i32>} : memref<272xi32, #tpu.memory_space<vmem>>, vector<16xi32>,
      %mul3A_380 = arith.constant 16 : i32
      %mul3A_381 = arith.muli %scan3A_374, %mul3A_380 : i32
      %add3A_382 = arith.constant 16 : i32
      %add3A_383 = arith.addi %mul3A_381, %add3A_382 : i32
      %get3A_384 = arith.index_cast %add3A_383 : i32 to index
      %get3A_385 = tpu.vector_load %arg6[%get3A_384] {strides = array<i32>} : memref<272xi32, #tpu.memory_space<vmem>>, vector<16xi32>,
      %eq3A_386 = arith.constant 0 : i32
      %eq3A_387 = vector.broadcast %eq3A_386 : i32 to vector<16xi32>
      %eq3A_388 = arith.cmpi eq, %get3A_379, %eq3A_387 : vector<16xi32>
      %jit3A_389 = arith.constant 0.000000e+00 : f32
      %jit3A_390 = arith.constant 1.000000e+00 : f32
      %broadcast_in_dim3A_391 = vector.broadcast %jit3A_389 : f32 to vector<16xf32>
      %broadcast_in_dim3A_392 = vector.broadcast %jit3A_390 : f32 to vector<16xf32>
      %select_n3A_393 = arith.select %eq3A_388, %broadcast_in_dim3A_391, %broadcast_in_dim3A_392 : vector<16xi1>, vector<16xf32>
      %jit3A_394 = arith.constant 2 : i32
      %eq3A_395 = arith.constant 0 : i32
      %eq3A_396 = arith.cmpi eq, %jit3A_394, %eq3A_395 : i32
      %jit3A_397 = arith.constant 1 : i32
      %select_n3A_398 = arith.select %eq3A_396, %jit3A_397, %jit3A_394 : i32
      %rem3A_399 = arith.remsi %scan3A_374, %select_n3A_398 : i32
      %ne3A_400 = arith.constant 0 : i32
      %ne3A_401 = arith.cmpi ne, %rem3A_399, %ne3A_400 : i32
      %lt3A_402 = arith.constant 0 : i32
      %lt3A_403 = arith.cmpi slt, %rem3A_399, %lt3A_402 : i32
      %lt3A_404 = arith.constant 0 : i32
      %lt3A_405 = arith.cmpi slt, %select_n3A_398, %lt3A_404 : i32
      %ne3A_406 = arith.xori %lt3A_403, %lt3A_405 : i1
      %and3A_407 = arith.andi %ne3A_406, %ne3A_401 : i1
      %add3A_408 = arith.addi %rem3A_399, %select_n3A_398 : i32
      %select_n3A_409 = arith.select %and3A_407, %add3A_408, %rem3A_399 : i32
      %mul3A_410 = arith.constant 16 : i32
      %mul3A_411 = arith.muli %select_n3A_409, %mul3A_410 : i32
      %ge3A = arith.constant 2 : i32
      %ge3A_412 = arith.cmpi sge, %scan3A_374, %ge3A : i32
      %convert_element_type3A_413 = arith.extui %ge3A_412 : i1 to i32
      %cond3A_414 = arith.constant 0 : i32
      %cond3A_415 = arith.cmpi ne, %convert_element_type3A_413, %cond3A_414 : i32
      scf.if %cond3A_415 {
        %dma_wait3A_2627 = arith.constant 0 : i32
        %dma_wait3A_2628 = arith.constant 0 : i32
        %dma_wait3A_2629 = tpu.memref_slice %arg8[%dma_wait3A_2627, %dma_wait3A_2628] : memref<32x64xf32, #tpu.memory_space<vmem>> -> memref<16x64xf32, #tpu.memory_space<vmem>>
        %dma_wait3A_2630 = arith.constant 0 : i32
        %dma_wait3A_2631 = tpu.memref_slice %arg5[%mul3A_2, %dma_wait3A_2630] : memref<8192x64xf32, #tpu.memory_space<hbm>> -> memref<16x64xf32, #tpu.memory_space<hbm>>
        %dma_wait3A_2632 = arith.constant 0 : i32
        %dma_wait3A_2633 = tpu.memref_slice %arg5[%mul3A_2, %dma_wait3A_2632] : memref<8192x64xf32, #tpu.memory_space<hbm>> -> memref<16x64xf32, #tpu.memory_space<hbm>>
        %dma_wait3A_2634 = arith.constant 0 : i32
        %dma_wait3A_2635 = arith.constant 0 : i32
        %dma_wait3A_2636 = tpu.memref_slice %arg8[%dma_wait3A_2634, %dma_wait3A_2635] : memref<32x64xf32, #tpu.memory_space<vmem>> -> memref<16x64xf32, #tpu.memory_space<vmem>>
        tpu.wait_dma2 semaphore(%arg11 : memref<!tpu.dma_semaphore, #tpu.memory_space<semaphore_mem>>) src(%dma_wait3A_2636 : memref<16x64xf32, #tpu.memory_space<vmem>>) dst(%dma_wait3A_2633 : memref<16x64xf32, #tpu.memory_space<hbm>>)
      } else {
      }
      %dma_wait3A_416 = arith.constant 0 : i32
      %dma_wait3A_417 = arith.constant 0 : i32
      %dma_wait3A_418 = arith.constant 0 : i32
      %dma_wait3A_419 = tpu.memref_slice %arg7[%dma_wait3A_417, %dma_wait3A_418] : memref<512x128xf32, #tpu.memory_space<vmem>> -> memref<64x128xf32, #tpu.memory_space<vmem>>
      %dma_wait3A_420 = arith.constant 0 : i32
      %dma_wait3A_421 = arith.constant 0 : i32
      %dma_wait3A_422 = tpu.memref_slice %arg3[%dma_wait3A_420, %dma_wait3A_421] : memref<64x1000000xf32, #tpu.memory_space<hbm>> -> memref<64x128xf32, #tpu.memory_space<hbm>>
      %dma_wait3A_423 = tpu.memref_slice %arg10[%dma_wait3A_416] : memref<8x!tpu.dma_semaphore, #tpu.memory_space<semaphore_mem>> -> memref<1x!tpu.dma_semaphore, #tpu.memory_space<semaphore_mem>>
      %dma_wait3A_424 = tpu.memref_squeeze %dma_wait3A_423 : memref<1x!tpu.dma_semaphore, #tpu.memory_space<semaphore_mem>> -> memref<!tpu.dma_semaphore, #tpu.memory_space<semaphore_mem>>
      %dma_wait3A_425 = arith.constant 0 : i32
      %dma_wait3A_426 = arith.constant 0 : i32
      %dma_wait3A_427 = tpu.memref_slice %arg7[%dma_wait3A_425, %dma_wait3A_426] : memref<512x128xf32, #tpu.memory_space<vmem>> -> memref<64x128xf32, #tpu.memory_space<vmem>>
      %dma_wait3A_428 = arith.constant 0 : i32
      %dma_wait3A_429 = arith.constant 0 : i32
      %dma_wait3A_430 = tpu.memref_slice %arg3[%dma_wait3A_428, %dma_wait3A_429] : memref<64x1000000xf32, #tpu.memory_space<hbm>> -> memref<64x128xf32, #tpu.memory_space<hbm>>
      tpu.wait_dma2 semaphore(%dma_wait3A_424 : memref<!tpu.dma_semaphore, #tpu.memory_space<semaphore_mem>>) src(%dma_wait3A_430 : memref<64x128xf32, #tpu.memory_space<hbm>>) dst(%dma_wait3A_427 : memref<64x128xf32, #tpu.memory_space<vmem>>)
      %slice3A_431 = vector.extract_strided_slice %get3A_379 {offsets = [0], sizes = [1], strides = [1]} : vector<16xi32> to vector<1xi32>
      %squeeze3A_432 = vector.extract %slice3A_431[0] : i32 from vector<1xi32>
      %jit3A_433 = arith.constant 128 : i32
      %eq3A_434 = arith.constant 0 : i32
      %eq3A_435 = arith.cmpi eq, %jit3A_433, %eq3A_434 : i32
      %jit3A_436 = arith.constant 1 : i32
      %select_n3A_437 = arith.select %eq3A_435, %jit3A_436, %jit3A_433 : i32
      %rem3A_438 = arith.remsi %squeeze3A_432, %select_n3A_437 : i32
      %ne3A_439 = arith.constant 0 : i32
      %ne3A_440 = arith.cmpi ne, %rem3A_438, %ne3A_439 : i32
      %lt3A_441 = arith.constant 0 : i32
      %lt3A_442 = arith.cmpi slt, %rem3A_438, %lt3A_441 : i32
      %lt3A_443 = arith.constant 0 : i32
      %lt3A_444 = arith.cmpi slt, %select_n3A_437, %lt3A_443 : i32
      %ne3A_445 = arith.xori %lt3A_442, %lt3A_444 : i1
      %and3A_446 = arith.andi %ne3A_445, %ne3A_440 : i1
      %add3A_447 = arith.addi %rem3A_438, %select_n3A_437 : i32
      %select_n3A_448 = arith.select %and3A_446, %add3A_447, %rem3A_438 : i32
      %add3A_449 = vector.broadcast %select_n3A_448 : i32 to vector<16xi32>
      %add3A_450 = arith.addi %add3A_449, %broadcast_in_dim3A_14 : vector<16xi32>
      %slice3A_451 = vector.extract_strided_slice %select_n3A_393 {offsets = [0], sizes = [1], strides = [1]} : vector<16xf32> to vector<1xf32>
      %squeeze3A_452 = vector.extract %slice3A_451[0] : f32 from vector<1xf32>
      %add3A_453 = arith.constant 0 : i32
      %add3A_454 = vector.broadcast %add3A_453 : i32 to vector<16xi32>
      %add3A_455 = arith.addi %add3A_454, %iota3A : vector<16xi32>
      %gather3A = tpu.vector_load_idx %arg7[%add3A_455, %add3A_450] : memref<512x128xf32, #tpu.memory_space<vmem>>[vector<16xi32>, vector<16xi32>], vector<16xf32>,
      %mul3A_456 = vector.broadcast %squeeze3A_452 : f32 to vector<16xf32>
      %mul3A_457 = arith.mulf %gather3A, %mul3A_456 : vector<16xf32>
      %mul3A_458 = arith.constant 16 : i32
      %mul3A_459 = arith.muli %scan3A_374, %mul3A_458 : i32
      %add3A_460 = arith.constant 0 : i32
      %add3A_461 = arith.addi %mul3A_459, %add3A_460 : i32
      %get3A_462 = arith.index_cast %add3A_461 : i32 to index
      %get3A_463 = arith.constant 0 : index
      %get3A_464 = tpu.vector_load %arg9[%get3A_462, %get3A_463] {strides = array<i32>} : memref<256x64xf32, #tpu.memory_space<vmem>>, vector<16xf32>,
      %add3A_465 = arith.addf %mul3A_457, %get3A_464 : vector<16xf32>
      %add3A_466 = arith.constant 0 : i32
      %add3A_467 = arith.addi %mul3A_411, %add3A_466 : i32
      %swap3A_468 = arith.index_cast %add3A_467 : i32 to index
      %swap3A_469 = arith.constant 0 : index
      %swap3A_470 = tpu.vector_load %arg8[%swap3A_468, %swap3A_469] {strides = array<i32>} : memref<32x64xf32, #tpu.memory_space<vmem>>, vector<16xf32>,
      tpu.vector_store %arg8[%swap3A_468, %swap3A_469], %add3A_465 {strides = array<i32>} : memref<32x64xf32, #tpu.memory_space<vmem>>, vector<16xf32>,
      %add3A_471 = arith.constant 16 : i32
      %add3A_472 = vector.broadcast %add3A_471 : i32 to vector<16xi32>
      %add3A_473 = arith.addi %add3A_472, %iota3A : vector<16xi32>
      %gather3A_474 = tpu.vector_load_idx %arg7[%add3A_473, %add3A_450] : memref<512x128xf32, #tpu.memory_space<vmem>>[vector<16xi32>, vector<16xi32>], vector<16xf32>,
      %mul3A_475 = vector.broadcast %squeeze3A_452 : f32 to vector<16xf32>
      %mul3A_476 = arith.mulf %gather3A_474, %mul3A_475 : vector<16xf32>
      %mul3A_477 = arith.constant 16 : i32
      %mul3A_478 = arith.muli %scan3A_374, %mul3A_477 : i32
      %add3A_479 = arith.constant 0 : i32
      %add3A_480 = arith.addi %mul3A_478, %add3A_479 : i32
      %get3A_481 = arith.index_cast %add3A_480 : i32 to index
      %get3A_482 = arith.constant 16 : index
      %get3A_483 = tpu.vector_load %arg9[%get3A_481, %get3A_482] {strides = array<i32>} : memref<256x64xf32, #tpu.memory_space<vmem>>, vector<16xf32>,
      %add3A_484 = arith.addf %mul3A_476, %get3A_483 : vector<16xf32>
      %add3A_485 = arith.constant 0 : i32
      %add3A_486 = arith.addi %mul3A_411, %add3A_485 : i32
      %swap3A_487 = arith.index_cast %add3A_486 : i32 to index
      %swap3A_488 = arith.constant 16 : index
      %swap3A_489 = tpu.vector_load %arg8[%swap3A_487, %swap3A_488] {strides = array<i32>} : memref<32x64xf32, #tpu.memory_space<vmem>>, vector<16xf32>,
      tpu.vector_store %arg8[%swap3A_487, %swap3A_488], %add3A_484 {strides = array<i32>} : memref<32x64xf32, #tpu.memory_space<vmem>>, vector<16xf32>,
      %add3A_490 = arith.constant 32 : i32
      %add3A_491 = vector.broadcast %add3A_490 : i32 to vector<16xi32>
      %add3A_492 = arith.addi %add3A_491, %iota3A : vector<16xi32>
      %gather3A_493 = tpu.vector_load_idx %arg7[%add3A_492, %add3A_450] : memref<512x128xf32, #tpu.memory_space<vmem>>[vector<16xi32>, vector<16xi32>], vector<16xf32>,
      %mul3A_494 = vector.broadcast %squeeze3A_452 : f32 to vector<16xf32>
      %mul3A_495 = arith.mulf %gather3A_493, %mul3A_494 : vector<16xf32>
      %mul3A_496 = arith.constant 16 : i32
      %mul3A_497 = arith.muli %scan3A_374, %mul3A_496 : i32
      %add3A_498 = arith.constant 0 : i32
      %add3A_499 = arith.addi %mul3A_497, %add3A_498 : i32
      %get3A_500 = arith.index_cast %add3A_499 : i32 to index
      %get3A_501 = arith.constant 32 : index
      %get3A_502 = tpu.vector_load %arg9[%get3A_500, %get3A_501] {strides = array<i32>} : memref<256x64xf32, #tpu.memory_space<vmem>>, vector<16xf32>,
      %add3A_503 = arith.addf %mul3A_495, %get3A_502 : vector<16xf32>
      %add3A_504 = arith.constant 0 : i32
      %add3A_505 = arith.addi %mul3A_411, %add3A_504 : i32
      %swap3A_506 = arith.index_cast %add3A_505 : i32 to index
      %swap3A_507 = arith.constant 32 : index
      %swap3A_508 = tpu.vector_load %arg8[%swap3A_506, %swap3A_507] {strides = array<i32>} : memref<32x64xf32, #tpu.memory_space<vmem>>, vector<16xf32>,
      tpu.vector_store %arg8[%swap3A_506, %swap3A_507], %add3A_503 {strides = array<i32>} : memref<32x64xf32, #tpu.memory_space<vmem>>, vector<16xf32>,
      %add3A_509 = arith.constant 48 : i32
      %add3A_510 = vector.broadcast %add3A_509 : i32 to vector<16xi32>
      %add3A_511 = arith.addi %add3A_510, %iota3A : vector<16xi32>
      %gather3A_512 = tpu.vector_load_idx %arg7[%add3A_511, %add3A_450] : memref<512x128xf32, #tpu.memory_space<vmem>>[vector<16xi32>, vector<16xi32>], vector<16xf32>,
      %mul3A_513 = vector.broadcast %squeeze3A_452 : f32 to vector<16xf32>
      %mul3A_514 = arith.mulf %gather3A_512, %mul3A_513 : vector<16xf32>
      %mul3A_515 = arith.constant 16 : i32
      %mul3A_516 = arith.muli %scan3A_374, %mul3A_515 : i32
      %add3A_517 = arith.constant 0 : i32
      %add3A_518 = arith.addi %mul3A_516, %add3A_517 : i32
      %get3A_519 = arith.index_cast %add3A_518 : i32 to index
      %get3A_520 = arith.constant 48 : index
      %get3A_521 = tpu.vector_load %arg9[%get3A_519, %get3A_520] {strides = array<i32>} : memref<256x64xf32, #tpu.memory_space<vmem>>, vector<16xf32>,
      %add3A_522 = arith.addf %mul3A_514, %get3A_521 : vector<16xf32>
      %add3A_523 = arith.constant 0 : i32
      %add3A_524 = arith.addi %mul3A_411, %add3A_523 : i32
      %swap3A_525 = arith.index_cast %add3A_524 : i32 to index
      %swap3A_526 = arith.constant 48 : index
      %swap3A_527 = tpu.vector_load %arg8[%swap3A_525, %swap3A_526] {strides = array<i32>} : memref<32x64xf32, #tpu.memory_space<vmem>>, vector<16xf32>,
      tpu.vector_store %arg8[%swap3A_525, %swap3A_526], %add3A_522 {strides = array<i32>} : memref<32x64xf32, #tpu.memory_space<vmem>>, vector<16xf32>,
      %slice3A_528 = vector.extract_strided_slice %get3A_379 {offsets = [8], sizes = [1], strides = [1]} : vector<16xi32> to vector<1xi32>
      %squeeze3A_529 = vector.extract %slice3A_528[0] : i32 from vector<1xi32>
      %jit3A_530 = arith.constant 128 : i32
      %div3A_531 = arith.divsi %squeeze3A_529, %jit3A_530 : i32
      %sign3A_532 = arith.constant 0 : i32
      %sign3A_533 = arith.cmpi sgt, %squeeze3A_529, %sign3A_532 : i32
      %sign3A_534 = arith.extui %sign3A_533 : i1 to i32
      %sign3A_535 = arith.constant 0 : i32
      %sign3A_536 = arith.cmpi slt, %squeeze3A_529, %sign3A_535 : i32
      %sign3A_537 = arith.extui %sign3A_536 : i1 to i32
      %sign3A_538 = arith.subi %sign3A_534, %sign3A_537 : i32
      %sign3A_539 = arith.constant 0 : i32
      %sign3A_540 = arith.cmpi sgt, %jit3A_530, %sign3A_539 : i32
      %sign3A_541 = arith.extui %sign3A_540 : i1 to i32
      %sign3A_542 = arith.constant 0 : i32
      %sign3A_543 = arith.cmpi slt, %jit3A_530, %sign3A_542 : i32
      %sign3A_544 = arith.extui %sign3A_543 : i1 to i32
      %sign3A_545 = arith.subi %sign3A_541, %sign3A_544 : i32
      %ne3A_546 = arith.cmpi ne, %sign3A_538, %sign3A_545 : i32
      %rem3A_547 = arith.remsi %squeeze3A_529, %jit3A_530 : i32
      %ne3A_548 = arith.constant 0 : i32
      %ne3A_549 = arith.cmpi ne, %rem3A_547, %ne3A_548 : i32
      %and3A_550 = arith.andi %ne3A_546, %ne3A_549 : i1
      %sub3A_551 = arith.constant 1 : i32
      %sub3A_552 = arith.subi %div3A_531, %sub3A_551 : i32
      %select_n3A_553 = arith.select %and3A_550, %sub3A_552, %div3A_531 : i32
      %mul3A_554 = arith.constant 128 : i32
      %mul3A_555 = arith.muli %select_n3A_553, %mul3A_554 : i32
      %multiple_of3A_556 = tpu.assume_multiple %mul3A_555, 128 : i32
      %dma_start3A_557 = arith.constant 0 : i32
      %dma_start3A_558 = arith.constant 0 : i32
      %dma_start3A_559 = arith.constant 0 : i32
      %dma_start3A_560 = tpu.memref_slice %arg7[%dma_start3A_558, %dma_start3A_559] : memref<512x128xf32, #tpu.memory_space<vmem>> -> memref<64x128xf32, #tpu.memory_space<vmem>>
      %dma_start3A_561 = arith.constant 0 : i32
      %dma_start3A_562 = tpu.memref_slice %arg3[%dma_start3A_561, %multiple_of3A_556] : memref<64x1000000xf32, #tpu.memory_space<hbm>> -> memref<64x128xf32, #tpu.memory_space<hbm>>
      %dma_start3A_563 = tpu.memref_slice %arg10[%dma_start3A_557] : memref<8x!tpu.dma_semaphore, #tpu.memory_space<semaphore_mem>> -> memref<1x!tpu.dma_semaphore, #tpu.memory_space<semaphore_mem>>
      %dma_start3A_564 = tpu.memref_squeeze %dma_start3A_563 : memref<1x!tpu.dma_semaphore, #tpu.memory_space<semaphore_mem>> -> memref<!tpu.dma_semaphore, #tpu.memory_space<semaphore_mem>>
      %dma_start3A_565 = arith.constant 0 : i32
      %dma_start3A_566 = arith.constant 0 : i32
      %dma_start3A_567 = tpu.memref_slice %arg7[%dma_start3A_565, %dma_start3A_566] : memref<512x128xf32, #tpu.memory_space<vmem>> -> memref<64x128xf32, #tpu.memory_space<vmem>>
      %dma_start3A_568 = arith.constant 0 : i32
      %dma_start3A_569 = tpu.memref_slice %arg3[%dma_start3A_568, %multiple_of3A_556] : memref<64x1000000xf32, #tpu.memory_space<hbm>> -> memref<64x128xf32, #tpu.memory_space<hbm>>
      tpu.enqueue_dma source(%dma_start3A_569 : memref<64x128xf32, #tpu.memory_space<hbm>>) target(%dma_start3A_567 : memref<64x128xf32, #tpu.memory_space<vmem>>) target_semaphore(%dma_start3A_564 : memref<!tpu.dma_semaphore, #tpu.memory_space<semaphore_mem>>)
      %dma_wait3A_570 = arith.constant 1 : i32
      %dma_wait3A_571 = arith.constant 64 : i32
      %dma_wait3A_572 = arith.constant 0 : i32
      %dma_wait3A_573 = tpu.memref_slice %arg7[%dma_wait3A_571, %dma_wait3A_572] : memref<512x128xf32, #tpu.memory_space<vmem>> -> memref<64x128xf32, #tpu.memory_space<vmem>>
      %dma_wait3A_574 = arith.constant 0 : i32
      %dma_wait3A_575 = arith.constant 0 : i32
      %dma_wait3A_576 = tpu.memref_slice %arg3[%dma_wait3A_574, %dma_wait3A_575] : memref<64x1000000xf32, #tpu.memory_space<hbm>> -> memref<64x128xf32, #tpu.memory_space<hbm>>
      %dma_wait3A_577 = tpu.memref_slice %arg10[%dma_wait3A_570] : memref<8x!tpu.dma_semaphore, #tpu.memory_space<semaphore_mem>> -> memref<1x!tpu.dma_semaphore, #tpu.memory_space<semaphore_mem>>
      %dma_wait3A_578 = tpu.memref_squeeze %dma_wait3A_577 : memref<1x!tpu.dma_semaphore, #tpu.memory_space<semaphore_mem>> -> memref<!tpu.dma_semaphore, #tpu.memory_space<semaphore_mem>>
      %dma_wait3A_579 = arith.constant 64 : i32
      %dma_wait3A_580 = arith.constant 0 : i32
      %dma_wait3A_581 = tpu.memref_slice %arg7[%dma_wait3A_579, %dma_wait3A_580] : memref<512x128xf32, #tpu.memory_space<vmem>> -> memref<64x128xf32, #tpu.memory_space<vmem>>
      %dma_wait3A_582 = arith.constant 0 : i32
      %dma_wait3A_583 = arith.constant 0 : i32
      %dma_wait3A_584 = tpu.memref_slice %arg3[%dma_wait3A_582, %dma_wait3A_583] : memref<64x1000000xf32, #tpu.memory_space<hbm>> -> memref<64x128xf32, #tpu.memory_space<hbm>>
      tpu.wait_dma2 semaphore(%dma_wait3A_578 : memref<!tpu.dma_semaphore, #tpu.memory_space<semaphore_mem>>) src(%dma_wait3A_584 : memref<64x128xf32, #tpu.memory_space<hbm>>) dst(%dma_wait3A_581 : memref<64x128xf32, #tpu.memory_space<vmem>>)
      %slice3A_585 = vector.extract_strided_slice %get3A_379 {offsets = [1], sizes = [1], strides = [1]} : vector<16xi32> to vector<1xi32>
      %squeeze3A_586 = vector.extract %slice3A_585[0] : i32 from vector<1xi32>
      %jit3A_587 = arith.constant 128 : i32
      %eq3A_588 = arith.constant 0 : i32
      %eq3A_589 = arith.cmpi eq, %jit3A_587, %eq3A_588 : i32
      %jit3A_590 = arith.constant 1 : i32
      %select_n3A_591 = arith.select %eq3A_589, %jit3A_590, %jit3A_587 : i32
      %rem3A_592 = arith.remsi %squeeze3A_586, %select_n3A_591 : i32
      %ne3A_593 = arith.constant 0 : i32
      %ne3A_594 = arith.cmpi ne, %rem3A_592, %ne3A_593 : i32
      %lt3A_595 = arith.constant 0 : i32
      %lt3A_596 = arith.cmpi slt, %rem3A_592, %lt3A_595 : i32
      %lt3A_597 = arith.constant 0 : i32
      %lt3A_598 = arith.cmpi slt, %select_n3A_591, %lt3A_597 : i32
      %ne3A_599 = arith.xori %lt3A_596, %lt3A_598 : i1
      %and3A_600 = arith.andi %ne3A_599, %ne3A_594 : i1
      %add3A_601 = arith.addi %rem3A_592, %select_n3A_591 : i32
      %select_n3A_602 = arith.select %and3A_600, %add3A_601, %rem3A_592 : i32
      %add3A_603 = vector.broadcast %select_n3A_602 : i32 to vector<16xi32>
      %add3A_604 = arith.addi %add3A_603, %broadcast_in_dim3A_14 : vector<16xi32>
      %slice3A_605 = vector.extract_strided_slice %select_n3A_393 {offsets = [1], sizes = [1], strides = [1]} : vector<16xf32> to vector<1xf32>
      %squeeze3A_606 = vector.extract %slice3A_605[0] : f32 from vector<1xf32>
      %add3A_607 = arith.constant 64 : i32
      %add3A_608 = vector.broadcast %add3A_607 : i32 to vector<16xi32>
      %add3A_609 = arith.addi %add3A_608, %iota3A : vector<16xi32>
      %gather3A_610 = tpu.vector_load_idx %arg7[%add3A_609, %add3A_604] : memref<512x128xf32, #tpu.memory_space<vmem>>[vector<16xi32>, vector<16xi32>], vector<16xf32>,
      %mul3A_611 = vector.broadcast %squeeze3A_606 : f32 to vector<16xf32>
      %mul3A_612 = arith.mulf %gather3A_610, %mul3A_611 : vector<16xf32>
      %mul3A_613 = arith.constant 16 : i32
      %mul3A_614 = arith.muli %scan3A_374, %mul3A_613 : i32
      %add3A_615 = arith.constant 1 : i32
      %add3A_616 = arith.addi %mul3A_614, %add3A_615 : i32
      %get3A_617 = arith.index_cast %add3A_616 : i32 to index
      %get3A_618 = arith.constant 0 : index
      %get3A_619 = tpu.vector_load %arg9[%get3A_617, %get3A_618] {strides = array<i32>} : memref<256x64xf32, #tpu.memory_space<vmem>>, vector<16xf32>,
      %add3A_620 = arith.addf %mul3A_612, %get3A_619 : vector<16xf32>
      %add3A_621 = arith.constant 1 : i32
      %add3A_622 = arith.addi %mul3A_411, %add3A_621 : i32
      %swap3A_623 = arith.index_cast %add3A_622 : i32 to index
      %swap3A_624 = arith.constant 0 : index
      %swap3A_625 = tpu.vector_load %arg8[%swap3A_623, %swap3A_624] {strides = array<i32>} : memref<32x64xf32, #tpu.memory_space<vmem>>, vector<16xf32>,
      tpu.vector_store %arg8[%swap3A_623, %swap3A_624], %add3A_620 {strides = array<i32>} : memref<32x64xf32, #tpu.memory_space<vmem>>, vector<16xf32>,
      %add3A_626 = arith.constant 80 : i32
      %add3A_627 = vector.broadcast %add3A_626 : i32 to vector<16xi32>
      %add3A_628 = arith.addi %add3A_627, %iota3A : vector<16xi32>
      %gather3A_629 = tpu.vector_load_idx %arg7[%add3A_628, %add3A_604] : memref<512x128xf32, #tpu.memory_space<vmem>>[vector<16xi32>, vector<16xi32>], vector<16xf32>,
      %mul3A_630 = vector.broadcast %squeeze3A_606 : f32 to vector<16xf32>
      %mul3A_631 = arith.mulf %gather3A_629, %mul3A_630 : vector<16xf32>
      %mul3A_632 = arith.constant 16 : i32
      %mul3A_633 = arith.muli %scan3A_374, %mul3A_632 : i32
      %add3A_634 = arith.constant 1 : i32
      %add3A_635 = arith.addi %mul3A_633, %add3A_634 : i32
      %get3A_636 = arith.index_cast %add3A_635 : i32 to index
      %get3A_637 = arith.constant 16 : index
      %get3A_638 = tpu.vector_load %arg9[%get3A_636, %get3A_637] {strides = array<i32>} : memref<256x64xf32, #tpu.memory_space<vmem>>, vector<16xf32>,
      %add3A_639 = arith.addf %mul3A_631, %get3A_638 : vector<16xf32>
      %add3A_640 = arith.constant 1 : i32
      %add3A_641 = arith.addi %mul3A_411, %add3A_640 : i32
      %swap3A_642 = arith.index_cast %add3A_641 : i32 to index
      %swap3A_643 = arith.constant 16 : index
      %swap3A_644 = tpu.vector_load %arg8[%swap3A_642, %swap3A_643] {strides = array<i32>} : memref<32x64xf32, #tpu.memory_space<vmem>>, vector<16xf32>,
      tpu.vector_store %arg8[%swap3A_642, %swap3A_643], %add3A_639 {strides = array<i32>} : memref<32x64xf32, #tpu.memory_space<vmem>>, vector<16xf32>,
      %add3A_645 = arith.constant 96 : i32
      %add3A_646 = vector.broadcast %add3A_645 : i32 to vector<16xi32>
      %add3A_647 = arith.addi %add3A_646, %iota3A : vector<16xi32>
      %gather3A_648 = tpu.vector_load_idx %arg7[%add3A_647, %add3A_604] : memref<512x128xf32, #tpu.memory_space<vmem>>[vector<16xi32>, vector<16xi32>], vector<16xf32>,
      %mul3A_649 = vector.broadcast %squeeze3A_606 : f32 to vector<16xf32>
      %mul3A_650 = arith.mulf %gather3A_648, %mul3A_649 : vector<16xf32>
      %mul3A_651 = arith.constant 16 : i32
      %mul3A_652 = arith.muli %scan3A_374, %mul3A_651 : i32
      %add3A_653 = arith.constant 1 : i32
      %add3A_654 = arith.addi %mul3A_652, %add3A_653 : i32
      %get3A_655 = arith.index_cast %add3A_654 : i32 to index
      %get3A_656 = arith.constant 32 : index
      %get3A_657 = tpu.vector_load %arg9[%get3A_655, %get3A_656] {strides = array<i32>} : memref<256x64xf32, #tpu.memory_space<vmem>>, vector<16xf32>,
      %add3A_658 = arith.addf %mul3A_650, %get3A_657 : vector<16xf32>
      %add3A_659 = arith.constant 1 : i32
      %add3A_660 = arith.addi %mul3A_411, %add3A_659 : i32
      %swap3A_661 = arith.index_cast %add3A_660 : i32 to index
      %swap3A_662 = arith.constant 32 : index
      %swap3A_663 = tpu.vector_load %arg8[%swap3A_661, %swap3A_662] {strides = array<i32>} : memref<32x64xf32, #tpu.memory_space<vmem>>, vector<16xf32>,
      tpu.vector_store %arg8[%swap3A_661, %swap3A_662], %add3A_658 {strides = array<i32>} : memref<32x64xf32, #tpu.memory_space<vmem>>, vector<16xf32>,
      %add3A_664 = arith.constant 112 : i32
      %add3A_665 = vector.broadcast %add3A_664 : i32 to vector<16xi32>
      %add3A_666 = arith.addi %add3A_665, %iota3A : vector<16xi32>
      %gather3A_667 = tpu.vector_load_idx %arg7[%add3A_666, %add3A_604] : memref<512x128xf32, #tpu.memory_space<vmem>>[vector<16xi32>, vector<16xi32>], vector<16xf32>,
      %mul3A_668 = vector.broadcast %squeeze3A_606 : f32 to vector<16xf32>
      %mul3A_669 = arith.mulf %gather3A_667, %mul3A_668 : vector<16xf32>
      %mul3A_670 = arith.constant 16 : i32
      %mul3A_671 = arith.muli %scan3A_374, %mul3A_670 : i32
      %add3A_672 = arith.constant 1 : i32
      %add3A_673 = arith.addi %mul3A_671, %add3A_672 : i32
      %get3A_674 = arith.index_cast %add3A_673 : i32 to index
      %get3A_675 = arith.constant 48 : index
      %get3A_676 = tpu.vector_load %arg9[%get3A_674, %get3A_675] {strides = array<i32>} : memref<256x64xf32, #tpu.memory_space<vmem>>, vector<16xf32>,
      %add3A_677 = arith.addf %mul3A_669, %get3A_676 : vector<16xf32>
      %add3A_678 = arith.constant 1 : i32
      %add3A_679 = arith.addi %mul3A_411, %add3A_678 : i32
      %swap3A_680 = arith.index_cast %add3A_679 : i32 to index
      %swap3A_681 = arith.constant 48 : index
      %swap3A_682 = tpu.vector_load %arg8[%swap3A_680, %swap3A_681] {strides = array<i32>} : memref<32x64xf32, #tpu.memory_space<vmem>>, vector<16xf32>,
      tpu.vector_store %arg8[%swap3A_680, %swap3A_681], %add3A_677 {strides = array<i32>} : memref<32x64xf32, #tpu.memory_space<vmem>>, vector<16xf32>,
      %slice3A_683 = vector.extract_strided_slice %get3A_379 {offsets = [9], sizes = [1], strides = [1]} : vector<16xi32> to vector<1xi32>
      %squeeze3A_684 = vector.extract %slice3A_683[0] : i32 from vector<1xi32>
      %jit3A_685 = arith.constant 128 : i32
      %div3A_686 = arith.divsi %squeeze3A_684, %jit3A_685 : i32
      %sign3A_687 = arith.constant 0 : i32
      %sign3A_688 = arith.cmpi sgt, %squeeze3A_684, %sign3A_687 : i32
      %sign3A_689 = arith.extui %sign3A_688 : i1 to i32
      %sign3A_690 = arith.constant 0 : i32
      %sign3A_691 = arith.cmpi slt, %squeeze3A_684, %sign3A_690 : i32
      %sign3A_692 = arith.extui %sign3A_691 : i1 to i32
      %sign3A_693 = arith.subi %sign3A_689, %sign3A_692 : i32
      %sign3A_694 = arith.constant 0 : i32
      %sign3A_695 = arith.cmpi sgt, %jit3A_685, %sign3A_694 : i32
      %sign3A_696 = arith.extui %sign3A_695 : i1 to i32
      %sign3A_697 = arith.constant 0 : i32
      %sign3A_698 = arith.cmpi slt, %jit3A_685, %sign3A_697 : i32
      %sign3A_699 = arith.extui %sign3A_698 : i1 to i32
      %sign3A_700 = arith.subi %sign3A_696, %sign3A_699 : i32
      %ne3A_701 = arith.cmpi ne, %sign3A_693, %sign3A_700 : i32
      %rem3A_702 = arith.remsi %squeeze3A_684, %jit3A_685 : i32
      %ne3A_703 = arith.constant 0 : i32
      %ne3A_704 = arith.cmpi ne, %rem3A_702, %ne3A_703 : i32
      %and3A_705 = arith.andi %ne3A_701, %ne3A_704 : i1
      %sub3A_706 = arith.constant 1 : i32
      %sub3A_707 = arith.subi %div3A_686, %sub3A_706 : i32
      %select_n3A_708 = arith.select %and3A_705, %sub3A_707, %div3A_686 : i32
      %mul3A_709 = arith.constant 128 : i32
      %mul3A_710 = arith.muli %select_n3A_708, %mul3A_709 : i32
      %multiple_of3A_711 = tpu.assume_multiple %mul3A_710, 128 : i32
      %dma_start3A_712 = arith.constant 1 : i32
      %dma_start3A_713 = arith.constant 64 : i32
      %dma_start3A_714 = arith.constant 0 : i32
      %dma_start3A_715 = tpu.memref_slice %arg7[%dma_start3A_713, %dma_start3A_714] : memref<512x128xf32, #tpu.memory_space<vmem>> -> memref<64x128xf32, #tpu.memory_space<vmem>>
      %dma_start3A_716 = arith.constant 0 : i32
      %dma_start3A_717 = tpu.memref_slice %arg3[%dma_start3A_716, %multiple_of3A_711] : memref<64x1000000xf32, #tpu.memory_space<hbm>> -> memref<64x128xf32, #tpu.memory_space<hbm>>
      %dma_start3A_718 = tpu.memref_slice %arg10[%dma_start3A_712] : memref<8x!tpu.dma_semaphore, #tpu.memory_space<semaphore_mem>> -> memref<1x!tpu.dma_semaphore, #tpu.memory_space<semaphore_mem>>
      %dma_start3A_719 = tpu.memref_squeeze %dma_start3A_718 : memref<1x!tpu.dma_semaphore, #tpu.memory_space<semaphore_mem>> -> memref<!tpu.dma_semaphore, #tpu.memory_space<semaphore_mem>>
      %dma_start3A_720 = arith.constant 64 : i32
      %dma_start3A_721 = arith.constant 0 : i32
      %dma_start3A_722 = tpu.memref_slice %arg7[%dma_start3A_720, %dma_start3A_721] : memref<512x128xf32, #tpu.memory_space<vmem>> -> memref<64x128xf32, #tpu.memory_space<vmem>>
      %dma_start3A_723 = arith.constant 0 : i32
      %dma_start3A_724 = tpu.memref_slice %arg3[%dma_start3A_723, %multiple_of3A_711] : memref<64x1000000xf32, #tpu.memory_space<hbm>> -> memref<64x128xf32, #tpu.memory_space<hbm>>
      tpu.enqueue_dma source(%dma_start3A_724 : memref<64x128xf32, #tpu.memory_space<hbm>>) target(%dma_start3A_722 : memref<64x128xf32, #tpu.memory_space<vmem>>) target_semaphore(%dma_start3A_719 : memref<!tpu.dma_semaphore, #tpu.memory_space<semaphore_mem>>)
      %dma_wait3A_725 = arith.constant 2 : i32
      %dma_wait3A_726 = arith.constant 128 : i32
      %dma_wait3A_727 = arith.constant 0 : i32
      %dma_wait3A_728 = tpu.memref_slice %arg7[%dma_wait3A_726, %dma_wait3A_727] : memref<512x128xf32, #tpu.memory_space<vmem>> -> memref<64x128xf32, #tpu.memory_space<vmem>>
      %dma_wait3A_729 = arith.constant 0 : i32
      %dma_wait3A_730 = arith.constant 0 : i32
      %dma_wait3A_731 = tpu.memref_slice %arg3[%dma_wait3A_729, %dma_wait3A_730] : memref<64x1000000xf32, #tpu.memory_space<hbm>> -> memref<64x128xf32, #tpu.memory_space<hbm>>
      %dma_wait3A_732 = tpu.memref_slice %arg10[%dma_wait3A_725] : memref<8x!tpu.dma_semaphore, #tpu.memory_space<semaphore_mem>> -> memref<1x!tpu.dma_semaphore, #tpu.memory_space<semaphore_mem>>
      %dma_wait3A_733 = tpu.memref_squeeze %dma_wait3A_732 : memref<1x!tpu.dma_semaphore, #tpu.memory_space<semaphore_mem>> -> memref<!tpu.dma_semaphore, #tpu.memory_space<semaphore_mem>>
      %dma_wait3A_734 = arith.constant 128 : i32
      %dma_wait3A_735 = arith.constant 0 : i32
      %dma_wait3A_736 = tpu.memref_slice %arg7[%dma_wait3A_734, %dma_wait3A_735] : memref<512x128xf32, #tpu.memory_space<vmem>> -> memref<64x128xf32, #tpu.memory_space<vmem>>
      %dma_wait3A_737 = arith.constant 0 : i32
      %dma_wait3A_738 = arith.constant 0 : i32
      %dma_wait3A_739 = tpu.memref_slice %arg3[%dma_wait3A_737, %dma_wait3A_738] : memref<64x1000000xf32, #tpu.memory_space<hbm>> -> memref<64x128xf32, #tpu.memory_space<hbm>>
      tpu.wait_dma2 semaphore(%dma_wait3A_733 : memref<!tpu.dma_semaphore, #tpu.memory_space<semaphore_mem>>) src(%dma_wait3A_739 : memref<64x128xf32, #tpu.memory_space<hbm>>) dst(%dma_wait3A_736 : memref<64x128xf32, #tpu.memory_space<vmem>>)
      %slice3A_740 = vector.extract_strided_slice %get3A_379 {offsets = [2], sizes = [1], strides = [1]} : vector<16xi32> to vector<1xi32>
      %squeeze3A_741 = vector.extract %slice3A_740[0] : i32 from vector<1xi32>
      %jit3A_742 = arith.constant 128 : i32
      %eq3A_743 = arith.constant 0 : i32
      %eq3A_744 = arith.cmpi eq, %jit3A_742, %eq3A_743 : i32
      %jit3A_745 = arith.constant 1 : i32
      %select_n3A_746 = arith.select %eq3A_744, %jit3A_745, %jit3A_742 : i32
      %rem3A_747 = arith.remsi %squeeze3A_741, %select_n3A_746 : i32
      %ne3A_748 = arith.constant 0 : i32
      %ne3A_749 = arith.cmpi ne, %rem3A_747, %ne3A_748 : i32
      %lt3A_750 = arith.constant 0 : i32
      %lt3A_751 = arith.cmpi slt, %rem3A_747, %lt3A_750 : i32
      %lt3A_752 = arith.constant 0 : i32
      %lt3A_753 = arith.cmpi slt, %select_n3A_746, %lt3A_752 : i32
      %ne3A_754 = arith.xori %lt3A_751, %lt3A_753 : i1
      %and3A_755 = arith.andi %ne3A_754, %ne3A_749 : i1
      %add3A_756 = arith.addi %rem3A_747, %select_n3A_746 : i32
      %select_n3A_757 = arith.select %and3A_755, %add3A_756, %rem3A_747 : i32
      %add3A_758 = vector.broadcast %select_n3A_757 : i32 to vector<16xi32>
      %add3A_759 = arith.addi %add3A_758, %broadcast_in_dim3A_14 : vector<16xi32>
      %slice3A_760 = vector.extract_strided_slice %select_n3A_393 {offsets = [2], sizes = [1], strides = [1]} : vector<16xf32> to vector<1xf32>
      %squeeze3A_761 = vector.extract %slice3A_760[0] : f32 from vector<1xf32>
      %add3A_762 = arith.constant 128 : i32
      %add3A_763 = vector.broadcast %add3A_762 : i32 to vector<16xi32>
      %add3A_764 = arith.addi %add3A_763, %iota3A : vector<16xi32>
      %gather3A_765 = tpu.vector_load_idx %arg7[%add3A_764, %add3A_759] : memref<512x128xf32, #tpu.memory_space<vmem>>[vector<16xi32>, vector<16xi32>], vector<16xf32>,
      %mul3A_766 = vector.broadcast %squeeze3A_761 : f32 to vector<16xf32>
      %mul3A_767 = arith.mulf %gather3A_765, %mul3A_766 : vector<16xf32>
      %mul3A_768 = arith.constant 16 : i32
      %mul3A_769 = arith.muli %scan3A_374, %mul3A_768 : i32
      %add3A_770 = arith.constant 2 : i32
      %add3A_771 = arith.addi %mul3A_769, %add3A_770 : i32
      %get3A_772 = arith.index_cast %add3A_771 : i32 to index
      %get3A_773 = arith.constant 0 : index
      %get3A_774 = tpu.vector_load %arg9[%get3A_772, %get3A_773] {strides = array<i32>} : memref<256x64xf32, #tpu.memory_space<vmem>>, vector<16xf32>,
      %add3A_775 = arith.addf %mul3A_767, %get3A_774 : vector<16xf32>
      %add3A_776 = arith.constant 2 : i32
      %add3A_777 = arith.addi %mul3A_411, %add3A_776 : i32
      %swap3A_778 = arith.index_cast %add3A_777 : i32 to index
      %swap3A_779 = arith.constant 0 : index
      %swap3A_780 = tpu.vector_load %arg8[%swap3A_778, %swap3A_779] {strides = array<i32>} : memref<32x64xf32, #tpu.memory_space<vmem>>, vector<16xf32>,
      tpu.vector_store %arg8[%swap3A_778, %swap3A_779], %add3A_775 {strides = array<i32>} : memref<32x64xf32, #tpu.memory_space<vmem>>, vector<16xf32>,
      %add3A_781 = arith.constant 144 : i32
      %add3A_782 = vector.broadcast %add3A_781 : i32 to vector<16xi32>
      %add3A_783 = arith.addi %add3A_782, %iota3A : vector<16xi32>
      %gather3A_784 = tpu.vector_load_idx %arg7[%add3A_783, %add3A_759] : memref<512x128xf32, #tpu.memory_space<vmem>>[vector<16xi32>, vector<16xi32>], vector<16xf32>,
      %mul3A_785 = vector.broadcast %squeeze3A_761 : f32 to vector<16xf32>
      %mul3A_786 = arith.mulf %gather3A_784, %mul3A_785 : vector<16xf32>
      %mul3A_787 = arith.constant 16 : i32
      %mul3A_788 = arith.muli %scan3A_374, %mul3A_787 : i32
      %add3A_789 = arith.constant 2 : i32
      %add3A_790 = arith.addi %mul3A_788, %add3A_789 : i32
      %get3A_791 = arith.index_cast %add3A_790 : i32 to index
      %get3A_792 = arith.constant 16 : index
      %get3A_793 = tpu.vector_load %arg9[%get3A_791, %get3A_792] {strides = array<i32>} : memref<256x64xf32, #tpu.memory_space<vmem>>, vector<16xf32>,
      %add3A_794 = arith.addf %mul3A_786, %get3A_793 : vector<16xf32>
      %add3A_795 = arith.constant 2 : i32
      %add3A_796 = arith.addi %mul3A_411, %add3A_795 : i32
      %swap3A_797 = arith.index_cast %add3A_796 : i32 to index
      %swap3A_798 = arith.constant 16 : index
      %swap3A_799 = tpu.vector_load %arg8[%swap3A_797, %swap3A_798] {strides = array<i32>} : memref<32x64xf32, #tpu.memory_space<vmem>>, vector<16xf32>,
      tpu.vector_store %arg8[%swap3A_797, %swap3A_798], %add3A_794 {strides = array<i32>} : memref<32x64xf32, #tpu.memory_space<vmem>>, vector<16xf32>,
      %add3A_800 = arith.constant 160 : i32
      %add3A_801 = vector.broadcast %add3A_800 : i32 to vector<16xi32>
      %add3A_802 = arith.addi %add3A_801, %iota3A : vector<16xi32>
      %gather3A_803 = tpu.vector_load_idx %arg7[%add3A_802, %add3A_759] : memref<512x128xf32, #tpu.memory_space<vmem>>[vector<16xi32>, vector<16xi32>], vector<16xf32>,
      %mul3A_804 = vector.broadcast %squeeze3A_761 : f32 to vector<16xf32>
      %mul3A_805 = arith.mulf %gather3A_803, %mul3A_804 : vector<16xf32>
      %mul3A_806 = arith.constant 16 : i32
      %mul3A_807 = arith.muli %scan3A_374, %mul3A_806 : i32
      %add3A_808 = arith.constant 2 : i32
      %add3A_809 = arith.addi %mul3A_807, %add3A_808 : i32
      %get3A_810 = arith.index_cast %add3A_809 : i32 to index
      %get3A_811 = arith.constant 32 : index
      %get3A_812 = tpu.vector_load %arg9[%get3A_810, %get3A_811] {strides = array<i32>} : memref<256x64xf32, #tpu.memory_space<vmem>>, vector<16xf32>,
      %add3A_813 = arith.addf %mul3A_805, %get3A_812 : vector<16xf32>
      %add3A_814 = arith.constant 2 : i32
      %add3A_815 = arith.addi %mul3A_411, %add3A_814 : i32
      %swap3A_816 = arith.index_cast %add3A_815 : i32 to index
      %swap3A_817 = arith.constant 32 : index
      %swap3A_818 = tpu.vector_load %arg8[%swap3A_816, %swap3A_817] {strides = array<i32>} : memref<32x64xf32, #tpu.memory_space<vmem>>, vector<16xf32>,
      tpu.vector_store %arg8[%swap3A_816, %swap3A_817], %add3A_813 {strides = array<i32>} : memref<32x64xf32, #tpu.memory_space<vmem>>, vector<16xf32>,
      %add3A_819 = arith.constant 176 : i32
      %add3A_820 = vector.broadcast %add3A_819 : i32 to vector<16xi32>
      %add3A_821 = arith.addi %add3A_820, %iota3A : vector<16xi32>
      %gather3A_822 = tpu.vector_load_idx %arg7[%add3A_821, %add3A_759] : memref<512x128xf32, #tpu.memory_space<vmem>>[vector<16xi32>, vector<16xi32>], vector<16xf32>,
      %mul3A_823 = vector.broadcast %squeeze3A_761 : f32 to vector<16xf32>
      %mul3A_824 = arith.mulf %gather3A_822, %mul3A_823 : vector<16xf32>
      %mul3A_825 = arith.constant 16 : i32
      %mul3A_826 = arith.muli %scan3A_374, %mul3A_825 : i32
      %add3A_827 = arith.constant 2 : i32
      %add3A_828 = arith.addi %mul3A_826, %add3A_827 : i32
      %get3A_829 = arith.index_cast %add3A_828 : i32 to index
      %get3A_830 = arith.constant 48 : index
      %get3A_831 = tpu.vector_load %arg9[%get3A_829, %get3A_830] {strides = array<i32>} : memref<256x64xf32, #tpu.memory_space<vmem>>, vector<16xf32>,
      %add3A_832 = arith.addf %mul3A_824, %get3A_831 : vector<16xf32>
      %add3A_833 = arith.constant 2 : i32
      %add3A_834 = arith.addi %mul3A_411, %add3A_833 : i32
      %swap3A_835 = arith.index_cast %add3A_834 : i32 to index
      %swap3A_836 = arith.constant 48 : index
      %swap3A_837 = tpu.vector_load %arg8[%swap3A_835, %swap3A_836] {strides = array<i32>} : memref<32x64xf32, #tpu.memory_space<vmem>>, vector<16xf32>,
      tpu.vector_store %arg8[%swap3A_835, %swap3A_836], %add3A_832 {strides = array<i32>} : memref<32x64xf32, #tpu.memory_space<vmem>>, vector<16xf32>,
      %slice3A_838 = vector.extract_strided_slice %get3A_379 {offsets = [10], sizes = [1], strides = [1]} : vector<16xi32> to vector<1xi32>
      %squeeze3A_839 = vector.extract %slice3A_838[0] : i32 from vector<1xi32>
      %jit3A_840 = arith.constant 128 : i32
      %div3A_841 = arith.divsi %squeeze3A_839, %jit3A_840 : i32
      %sign3A_842 = arith.constant 0 : i32
      %sign3A_843 = arith.cmpi sgt, %squeeze3A_839, %sign3A_842 : i32
      %sign3A_844 = arith.extui %sign3A_843 : i1 to i32
      %sign3A_845 = arith.constant 0 : i32
      %sign3A_846 = arith.cmpi slt, %squeeze3A_839, %sign3A_845 : i32
      %sign3A_847 = arith.extui %sign3A_846 : i1 to i32
      %sign3A_848 = arith.subi %sign3A_844, %sign3A_847 : i32
      %sign3A_849 = arith.constant 0 : i32
      %sign3A_850 = arith.cmpi sgt, %jit3A_840, %sign3A_849 : i32
      %sign3A_851 = arith.extui %sign3A_850 : i1 to i32
      %sign3A_852 = arith.constant 0 : i32
      %sign3A_853 = arith.cmpi slt, %jit3A_840, %sign3A_852 : i32
      %sign3A_854 = arith.extui %sign3A_853 : i1 to i32
      %sign3A_855 = arith.subi %sign3A_851, %sign3A_854 : i32
      %ne3A_856 = arith.cmpi ne, %sign3A_848, %sign3A_855 : i32
      %rem3A_857 = arith.remsi %squeeze3A_839, %jit3A_840 : i32
      %ne3A_858 = arith.constant 0 : i32
      %ne3A_859 = arith.cmpi ne, %rem3A_857, %ne3A_858 : i32
      %and3A_860 = arith.andi %ne3A_856, %ne3A_859 : i1
      %sub3A_861 = arith.constant 1 : i32
      %sub3A_862 = arith.subi %div3A_841, %sub3A_861 : i32
      %select_n3A_863 = arith.select %and3A_860, %sub3A_862, %div3A_841 : i32
      %mul3A_864 = arith.constant 128 : i32
      %mul3A_865 = arith.muli %select_n3A_863, %mul3A_864 : i32
      %multiple_of3A_866 = tpu.assume_multiple %mul3A_865, 128 : i32
      %dma_start3A_867 = arith.constant 2 : i32
      %dma_start3A_868 = arith.constant 128 : i32
      %dma_start3A_869 = arith.constant 0 : i32
      %dma_start3A_870 = tpu.memref_slice %arg7[%dma_start3A_868, %dma_start3A_869] : memref<512x128xf32, #tpu.memory_space<vmem>> -> memref<64x128xf32, #tpu.memory_space<vmem>>
      %dma_start3A_871 = arith.constant 0 : i32
      %dma_start3A_872 = tpu.memref_slice %arg3[%dma_start3A_871, %multiple_of3A_866] : memref<64x1000000xf32, #tpu.memory_space<hbm>> -> memref<64x128xf32, #tpu.memory_space<hbm>>
      %dma_start3A_873 = tpu.memref_slice %arg10[%dma_start3A_867] : memref<8x!tpu.dma_semaphore, #tpu.memory_space<semaphore_mem>> -> memref<1x!tpu.dma_semaphore, #tpu.memory_space<semaphore_mem>>
      %dma_start3A_874 = tpu.memref_squeeze %dma_start3A_873 : memref<1x!tpu.dma_semaphore, #tpu.memory_space<semaphore_mem>> -> memref<!tpu.dma_semaphore, #tpu.memory_space<semaphore_mem>>
      %dma_start3A_875 = arith.constant 128 : i32
      %dma_start3A_876 = arith.constant 0 : i32
      %dma_start3A_877 = tpu.memref_slice %arg7[%dma_start3A_875, %dma_start3A_876] : memref<512x128xf32, #tpu.memory_space<vmem>> -> memref<64x128xf32, #tpu.memory_space<vmem>>
      %dma_start3A_878 = arith.constant 0 : i32
      %dma_start3A_879 = tpu.memref_slice %arg3[%dma_start3A_878, %multiple_of3A_866] : memref<64x1000000xf32, #tpu.memory_space<hbm>> -> memref<64x128xf32, #tpu.memory_space<hbm>>
      tpu.enqueue_dma source(%dma_start3A_879 : memref<64x128xf32, #tpu.memory_space<hbm>>) target(%dma_start3A_877 : memref<64x128xf32, #tpu.memory_space<vmem>>) target_semaphore(%dma_start3A_874 : memref<!tpu.dma_semaphore, #tpu.memory_space<semaphore_mem>>)
      %dma_wait3A_880 = arith.constant 3 : i32
      %dma_wait3A_881 = arith.constant 192 : i32
      %dma_wait3A_882 = arith.constant 0 : i32
      %dma_wait3A_883 = tpu.memref_slice %arg7[%dma_wait3A_881, %dma_wait3A_882] : memref<512x128xf32, #tpu.memory_space<vmem>> -> memref<64x128xf32, #tpu.memory_space<vmem>>
      %dma_wait3A_884 = arith.constant 0 : i32
      %dma_wait3A_885 = arith.constant 0 : i32
      %dma_wait3A_886 = tpu.memref_slice %arg3[%dma_wait3A_884, %dma_wait3A_885] : memref<64x1000000xf32, #tpu.memory_space<hbm>> -> memref<64x128xf32, #tpu.memory_space<hbm>>
      %dma_wait3A_887 = tpu.memref_slice %arg10[%dma_wait3A_880] : memref<8x!tpu.dma_semaphore, #tpu.memory_space<semaphore_mem>> -> memref<1x!tpu.dma_semaphore, #tpu.memory_space<semaphore_mem>>
      %dma_wait3A_888 = tpu.memref_squeeze %dma_wait3A_887 : memref<1x!tpu.dma_semaphore, #tpu.memory_space<semaphore_mem>> -> memref<!tpu.dma_semaphore, #tpu.memory_space<semaphore_mem>>
      %dma_wait3A_889 = arith.constant 192 : i32
      %dma_wait3A_890 = arith.constant 0 : i32
      %dma_wait3A_891 = tpu.memref_slice %arg7[%dma_wait3A_889, %dma_wait3A_890] : memref<512x128xf32, #tpu.memory_space<vmem>> -> memref<64x128xf32, #tpu.memory_space<vmem>>
      %dma_wait3A_892 = arith.constant 0 : i32
      %dma_wait3A_893 = arith.constant 0 : i32
      %dma_wait3A_894 = tpu.memref_slice %arg3[%dma_wait3A_892, %dma_wait3A_893] : memref<64x1000000xf32, #tpu.memory_space<hbm>> -> memref<64x128xf32, #tpu.memory_space<hbm>>
      tpu.wait_dma2 semaphore(%dma_wait3A_888 : memref<!tpu.dma_semaphore, #tpu.memory_space<semaphore_mem>>) src(%dma_wait3A_894 : memref<64x128xf32, #tpu.memory_space<hbm>>) dst(%dma_wait3A_891 : memref<64x128xf32, #tpu.memory_space<vmem>>)
      %slice3A_895 = vector.extract_strided_slice %get3A_379 {offsets = [3], sizes = [1], strides = [1]} : vector<16xi32> to vector<1xi32>
      %squeeze3A_896 = vector.extract %slice3A_895[0] : i32 from vector<1xi32>
      %jit3A_897 = arith.constant 128 : i32
      %eq3A_898 = arith.constant 0 : i32
      %eq3A_899 = arith.cmpi eq, %jit3A_897, %eq3A_898 : i32
      %jit3A_900 = arith.constant 1 : i32
      %select_n3A_901 = arith.select %eq3A_899, %jit3A_900, %jit3A_897 : i32
      %rem3A_902 = arith.remsi %squeeze3A_896, %select_n3A_901 : i32
      %ne3A_903 = arith.constant 0 : i32
      %ne3A_904 = arith.cmpi ne, %rem3A_902, %ne3A_903 : i32
      %lt3A_905 = arith.constant 0 : i32
      %lt3A_906 = arith.cmpi slt, %rem3A_902, %lt3A_905 : i32
      %lt3A_907 = arith.constant 0 : i32
      %lt3A_908 = arith.cmpi slt, %select_n3A_901, %lt3A_907 : i32
      %ne3A_909 = arith.xori %lt3A_906, %lt3A_908 : i1
      %and3A_910 = arith.andi %ne3A_909, %ne3A_904 : i1
      %add3A_911 = arith.addi %rem3A_902, %select_n3A_901 : i32
      %select_n3A_912 = arith.select %and3A_910, %add3A_911, %rem3A_902 : i32
      %add3A_913 = vector.broadcast %select_n3A_912 : i32 to vector<16xi32>
      %add3A_914 = arith.addi %add3A_913, %broadcast_in_dim3A_14 : vector<16xi32>
      %slice3A_915 = vector.extract_strided_slice %select_n3A_393 {offsets = [3], sizes = [1], strides = [1]} : vector<16xf32> to vector<1xf32>
      %squeeze3A_916 = vector.extract %slice3A_915[0] : f32 from vector<1xf32>
      %add3A_917 = arith.constant 192 : i32
      %add3A_918 = vector.broadcast %add3A_917 : i32 to vector<16xi32>
      %add3A_919 = arith.addi %add3A_918, %iota3A : vector<16xi32>
      %gather3A_920 = tpu.vector_load_idx %arg7[%add3A_919, %add3A_914] : memref<512x128xf32, #tpu.memory_space<vmem>>[vector<16xi32>, vector<16xi32>], vector<16xf32>,
      %mul3A_921 = vector.broadcast %squeeze3A_916 : f32 to vector<16xf32>
      %mul3A_922 = arith.mulf %gather3A_920, %mul3A_921 : vector<16xf32>
      %mul3A_923 = arith.constant 16 : i32
      %mul3A_924 = arith.muli %scan3A_374, %mul3A_923 : i32
      %add3A_925 = arith.constant 3 : i32
      %add3A_926 = arith.addi %mul3A_924, %add3A_925 : i32
      %get3A_927 = arith.index_cast %add3A_926 : i32 to index
      %get3A_928 = arith.constant 0 : index
      %get3A_929 = tpu.vector_load %arg9[%get3A_927, %get3A_928] {strides = array<i32>} : memref<256x64xf32, #tpu.memory_space<vmem>>, vector<16xf32>,
      %add3A_930 = arith.addf %mul3A_922, %get3A_929 : vector<16xf32>
      %add3A_931 = arith.constant 3 : i32
      %add3A_932 = arith.addi %mul3A_411, %add3A_931 : i32
      %swap3A_933 = arith.index_cast %add3A_932 : i32 to index
      %swap3A_934 = arith.constant 0 : index
      %swap3A_935 = tpu.vector_load %arg8[%swap3A_933, %swap3A_934] {strides = array<i32>} : memref<32x64xf32, #tpu.memory_space<vmem>>, vector<16xf32>,
      tpu.vector_store %arg8[%swap3A_933, %swap3A_934], %add3A_930 {strides = array<i32>} : memref<32x64xf32, #tpu.memory_space<vmem>>, vector<16xf32>,
      %add3A_936 = arith.constant 208 : i32
      %add3A_937 = vector.broadcast %add3A_936 : i32 to vector<16xi32>
      %add3A_938 = arith.addi %add3A_937, %iota3A : vector<16xi32>
      %gather3A_939 = tpu.vector_load_idx %arg7[%add3A_938, %add3A_914] : memref<512x128xf32, #tpu.memory_space<vmem>>[vector<16xi32>, vector<16xi32>], vector<16xf32>,
      %mul3A_940 = vector.broadcast %squeeze3A_916 : f32 to vector<16xf32>
      %mul3A_941 = arith.mulf %gather3A_939, %mul3A_940 : vector<16xf32>
      %mul3A_942 = arith.constant 16 : i32
      %mul3A_943 = arith.muli %scan3A_374, %mul3A_942 : i32
      %add3A_944 = arith.constant 3 : i32
      %add3A_945 = arith.addi %mul3A_943, %add3A_944 : i32
      %get3A_946 = arith.index_cast %add3A_945 : i32 to index
      %get3A_947 = arith.constant 16 : index
      %get3A_948 = tpu.vector_load %arg9[%get3A_946, %get3A_947] {strides = array<i32>} : memref<256x64xf32, #tpu.memory_space<vmem>>, vector<16xf32>,
      %add3A_949 = arith.addf %mul3A_941, %get3A_948 : vector<16xf32>
      %add3A_950 = arith.constant 3 : i32
      %add3A_951 = arith.addi %mul3A_411, %add3A_950 : i32
      %swap3A_952 = arith.index_cast %add3A_951 : i32 to index
      %swap3A_953 = arith.constant 16 : index
      %swap3A_954 = tpu.vector_load %arg8[%swap3A_952, %swap3A_953] {strides = array<i32>} : memref<32x64xf32, #tpu.memory_space<vmem>>, vector<16xf32>,
      tpu.vector_store %arg8[%swap3A_952, %swap3A_953], %add3A_949 {strides = array<i32>} : memref<32x64xf32, #tpu.memory_space<vmem>>, vector<16xf32>,
      %add3A_955 = arith.constant 224 : i32
      %add3A_956 = vector.broadcast %add3A_955 : i32 to vector<16xi32>
      %add3A_957 = arith.addi %add3A_956, %iota3A : vector<16xi32>
      %gather3A_958 = tpu.vector_load_idx %arg7[%add3A_957, %add3A_914] : memref<512x128xf32, #tpu.memory_space<vmem>>[vector<16xi32>, vector<16xi32>], vector<16xf32>,
      %mul3A_959 = vector.broadcast %squeeze3A_916 : f32 to vector<16xf32>
      %mul3A_960 = arith.mulf %gather3A_958, %mul3A_959 : vector<16xf32>
      %mul3A_961 = arith.constant 16 : i32
      %mul3A_962 = arith.muli %scan3A_374, %mul3A_961 : i32
      %add3A_963 = arith.constant 3 : i32
      %add3A_964 = arith.addi %mul3A_962, %add3A_963 : i32
      %get3A_965 = arith.index_cast %add3A_964 : i32 to index
      %get3A_966 = arith.constant 32 : index
      %get3A_967 = tpu.vector_load %arg9[%get3A_965, %get3A_966] {strides = array<i32>} : memref<256x64xf32, #tpu.memory_space<vmem>>, vector<16xf32>,
      %add3A_968 = arith.addf %mul3A_960, %get3A_967 : vector<16xf32>
      %add3A_969 = arith.constant 3 : i32
      %add3A_970 = arith.addi %mul3A_411, %add3A_969 : i32
      %swap3A_971 = arith.index_cast %add3A_970 : i32 to index
      %swap3A_972 = arith.constant 32 : index
      %swap3A_973 = tpu.vector_load %arg8[%swap3A_971, %swap3A_972] {strides = array<i32>} : memref<32x64xf32, #tpu.memory_space<vmem>>, vector<16xf32>,
      tpu.vector_store %arg8[%swap3A_971, %swap3A_972], %add3A_968 {strides = array<i32>} : memref<32x64xf32, #tpu.memory_space<vmem>>, vector<16xf32>,
      %add3A_974 = arith.constant 240 : i32
      %add3A_975 = vector.broadcast %add3A_974 : i32 to vector<16xi32>
      %add3A_976 = arith.addi %add3A_975, %iota3A : vector<16xi32>
      %gather3A_977 = tpu.vector_load_idx %arg7[%add3A_976, %add3A_914] : memref<512x128xf32, #tpu.memory_space<vmem>>[vector<16xi32>, vector<16xi32>], vector<16xf32>,
      %mul3A_978 = vector.broadcast %squeeze3A_916 : f32 to vector<16xf32>
      %mul3A_979 = arith.mulf %gather3A_977, %mul3A_978 : vector<16xf32>
      %mul3A_980 = arith.constant 16 : i32
      %mul3A_981 = arith.muli %scan3A_374, %mul3A_980 : i32
      %add3A_982 = arith.constant 3 : i32
      %add3A_983 = arith.addi %mul3A_981, %add3A_982 : i32
      %get3A_984 = arith.index_cast %add3A_983 : i32 to index
      %get3A_985 = arith.constant 48 : index
      %get3A_986 = tpu.vector_load %arg9[%get3A_984, %get3A_985] {strides = array<i32>} : memref<256x64xf32, #tpu.memory_space<vmem>>, vector<16xf32>,
      %add3A_987 = arith.addf %mul3A_979, %get3A_986 : vector<16xf32>
      %add3A_988 = arith.constant 3 : i32
      %add3A_989 = arith.addi %mul3A_411, %add3A_988 : i32
      %swap3A_990 = arith.index_cast %add3A_989 : i32 to index
      %swap3A_991 = arith.constant 48 : index
      %swap3A_992 = tpu.vector_load %arg8[%swap3A_990, %swap3A_991] {strides = array<i32>} : memref<32x64xf32, #tpu.memory_space<vmem>>, vector<16xf32>,
      tpu.vector_store %arg8[%swap3A_990, %swap3A_991], %add3A_987 {strides = array<i32>} : memref<32x64xf32, #tpu.memory_space<vmem>>, vector<16xf32>,
      %slice3A_993 = vector.extract_strided_slice %get3A_379 {offsets = [11], sizes = [1], strides = [1]} : vector<16xi32> to vector<1xi32>
      %squeeze3A_994 = vector.extract %slice3A_993[0] : i32 from vector<1xi32>
      %jit3A_995 = arith.constant 128 : i32
      %div3A_996 = arith.divsi %squeeze3A_994, %jit3A_995 : i32
      %sign3A_997 = arith.constant 0 : i32
      %sign3A_998 = arith.cmpi sgt, %squeeze3A_994, %sign3A_997 : i32
      %sign3A_999 = arith.extui %sign3A_998 : i1 to i32
      %sign3A_1000 = arith.constant 0 : i32
      %sign3A_1001 = arith.cmpi slt, %squeeze3A_994, %sign3A_1000 : i32
      %sign3A_1002 = arith.extui %sign3A_1001 : i1 to i32
      %sign3A_1003 = arith.subi %sign3A_999, %sign3A_1002 : i32
      %sign3A_1004 = arith.constant 0 : i32
      %sign3A_1005 = arith.cmpi sgt, %jit3A_995, %sign3A_1004 : i32
      %sign3A_1006 = arith.extui %sign3A_1005 : i1 to i32
      %sign3A_1007 = arith.constant 0 : i32
      %sign3A_1008 = arith.cmpi slt, %jit3A_995, %sign3A_1007 : i32
      %sign3A_1009 = arith.extui %sign3A_1008 : i1 to i32
      %sign3A_1010 = arith.subi %sign3A_1006, %sign3A_1009 : i32
      %ne3A_1011 = arith.cmpi ne, %sign3A_1003, %sign3A_1010 : i32
      %rem3A_1012 = arith.remsi %squeeze3A_994, %jit3A_995 : i32
      %ne3A_1013 = arith.constant 0 : i32
      %ne3A_1014 = arith.cmpi ne, %rem3A_1012, %ne3A_1013 : i32
      %and3A_1015 = arith.andi %ne3A_1011, %ne3A_1014 : i1
      %sub3A_1016 = arith.constant 1 : i32
      %sub3A_1017 = arith.subi %div3A_996, %sub3A_1016 : i32
      %select_n3A_1018 = arith.select %and3A_1015, %sub3A_1017, %div3A_996 : i32
      %mul3A_1019 = arith.constant 128 : i32
      %mul3A_1020 = arith.muli %select_n3A_1018, %mul3A_1019 : i32
      %multiple_of3A_1021 = tpu.assume_multiple %mul3A_1020, 128 : i32
      %dma_start3A_1022 = arith.constant 3 : i32
      %dma_start3A_1023 = arith.constant 192 : i32
      %dma_start3A_1024 = arith.constant 0 : i32
      %dma_start3A_1025 = tpu.memref_slice %arg7[%dma_start3A_1023, %dma_start3A_1024] : memref<512x128xf32, #tpu.memory_space<vmem>> -> memref<64x128xf32, #tpu.memory_space<vmem>>
      %dma_start3A_1026 = arith.constant 0 : i32
      %dma_start3A_1027 = tpu.memref_slice %arg3[%dma_start3A_1026, %multiple_of3A_1021] : memref<64x1000000xf32, #tpu.memory_space<hbm>> -> memref<64x128xf32, #tpu.memory_space<hbm>>
      %dma_start3A_1028 = tpu.memref_slice %arg10[%dma_start3A_1022] : memref<8x!tpu.dma_semaphore, #tpu.memory_space<semaphore_mem>> -> memref<1x!tpu.dma_semaphore, #tpu.memory_space<semaphore_mem>>
      %dma_start3A_1029 = tpu.memref_squeeze %dma_start3A_1028 : memref<1x!tpu.dma_semaphore, #tpu.memory_space<semaphore_mem>> -> memref<!tpu.dma_semaphore, #tpu.memory_space<semaphore_mem>>
      %dma_start3A_1030 = arith.constant 192 : i32
      %dma_start3A_1031 = arith.constant 0 : i32
      %dma_start3A_1032 = tpu.memref_slice %arg7[%dma_start3A_1030, %dma_start3A_1031] : memref<512x128xf32, #tpu.memory_space<vmem>> -> memref<64x128xf32, #tpu.memory_space<vmem>>
      %dma_start3A_1033 = arith.constant 0 : i32
      %dma_start3A_1034 = tpu.memref_slice %arg3[%dma_start3A_1033, %multiple_of3A_1021] : memref<64x1000000xf32, #tpu.memory_space<hbm>> -> memref<64x128xf32, #tpu.memory_space<hbm>>
      tpu.enqueue_dma source(%dma_start3A_1034 : memref<64x128xf32, #tpu.memory_space<hbm>>) target(%dma_start3A_1032 : memref<64x128xf32, #tpu.memory_space<vmem>>) target_semaphore(%dma_start3A_1029 : memref<!tpu.dma_semaphore, #tpu.memory_space<semaphore_mem>>)
      %dma_wait3A_1035 = arith.constant 4 : i32
      %dma_wait3A_1036 = arith.constant 256 : i32
      %dma_wait3A_1037 = arith.constant 0 : i32
      %dma_wait3A_1038 = tpu.memref_slice %arg7[%dma_wait3A_1036, %dma_wait3A_1037] : memref<512x128xf32, #tpu.memory_space<vmem>> -> memref<64x128xf32, #tpu.memory_space<vmem>>
      %dma_wait3A_1039 = arith.constant 0 : i32
      %dma_wait3A_1040 = arith.constant 0 : i32
      %dma_wait3A_1041 = tpu.memref_slice %arg3[%dma_wait3A_1039, %dma_wait3A_1040] : memref<64x1000000xf32, #tpu.memory_space<hbm>> -> memref<64x128xf32, #tpu.memory_space<hbm>>
      %dma_wait3A_1042 = tpu.memref_slice %arg10[%dma_wait3A_1035] : memref<8x!tpu.dma_semaphore, #tpu.memory_space<semaphore_mem>> -> memref<1x!tpu.dma_semaphore, #tpu.memory_space<semaphore_mem>>
      %dma_wait3A_1043 = tpu.memref_squeeze %dma_wait3A_1042 : memref<1x!tpu.dma_semaphore, #tpu.memory_space<semaphore_mem>> -> memref<!tpu.dma_semaphore, #tpu.memory_space<semaphore_mem>>
      %dma_wait3A_1044 = arith.constant 256 : i32
      %dma_wait3A_1045 = arith.constant 0 : i32
      %dma_wait3A_1046 = tpu.memref_slice %arg7[%dma_wait3A_1044, %dma_wait3A_1045] : memref<512x128xf32, #tpu.memory_space<vmem>> -> memref<64x128xf32, #tpu.memory_space<vmem>>
      %dma_wait3A_1047 = arith.constant 0 : i32
      %dma_wait3A_1048 = arith.constant 0 : i32
      %dma_wait3A_1049 = tpu.memref_slice %arg3[%dma_wait3A_1047, %dma_wait3A_1048] : memref<64x1000000xf32, #tpu.memory_space<hbm>> -> memref<64x128xf32, #tpu.memory_space<hbm>>
      tpu.wait_dma2 semaphore(%dma_wait3A_1043 : memref<!tpu.dma_semaphore, #tpu.memory_space<semaphore_mem>>) src(%dma_wait3A_1049 : memref<64x128xf32, #tpu.memory_space<hbm>>) dst(%dma_wait3A_1046 : memref<64x128xf32, #tpu.memory_space<vmem>>)
      %slice3A_1050 = vector.extract_strided_slice %get3A_379 {offsets = [4], sizes = [1], strides = [1]} : vector<16xi32> to vector<1xi32>
      %squeeze3A_1051 = vector.extract %slice3A_1050[0] : i32 from vector<1xi32>
      %jit3A_1052 = arith.constant 128 : i32
      %eq3A_1053 = arith.constant 0 : i32
      %eq3A_1054 = arith.cmpi eq, %jit3A_1052, %eq3A_1053 : i32
      %jit3A_1055 = arith.constant 1 : i32
      %select_n3A_1056 = arith.select %eq3A_1054, %jit3A_1055, %jit3A_1052 : i32
      %rem3A_1057 = arith.remsi %squeeze3A_1051, %select_n3A_1056 : i32
      %ne3A_1058 = arith.constant 0 : i32
      %ne3A_1059 = arith.cmpi ne, %rem3A_1057, %ne3A_1058 : i32
      %lt3A_1060 = arith.constant 0 : i32
      %lt3A_1061 = arith.cmpi slt, %rem3A_1057, %lt3A_1060 : i32
      %lt3A_1062 = arith.constant 0 : i32
      %lt3A_1063 = arith.cmpi slt, %select_n3A_1056, %lt3A_1062 : i32
      %ne3A_1064 = arith.xori %lt3A_1061, %lt3A_1063 : i1
      %and3A_1065 = arith.andi %ne3A_1064, %ne3A_1059 : i1
      %add3A_1066 = arith.addi %rem3A_1057, %select_n3A_1056 : i32
      %select_n3A_1067 = arith.select %and3A_1065, %add3A_1066, %rem3A_1057 : i32
      %add3A_1068 = vector.broadcast %select_n3A_1067 : i32 to vector<16xi32>
      %add3A_1069 = arith.addi %add3A_1068, %broadcast_in_dim3A_14 : vector<16xi32>
      %slice3A_1070 = vector.extract_strided_slice %select_n3A_393 {offsets = [4], sizes = [1], strides = [1]} : vector<16xf32> to vector<1xf32>
      %squeeze3A_1071 = vector.extract %slice3A_1070[0] : f32 from vector<1xf32>
      %add3A_1072 = arith.constant 256 : i32
      %add3A_1073 = vector.broadcast %add3A_1072 : i32 to vector<16xi32>
      %add3A_1074 = arith.addi %add3A_1073, %iota3A : vector<16xi32>
      %gather3A_1075 = tpu.vector_load_idx %arg7[%add3A_1074, %add3A_1069] : memref<512x128xf32, #tpu.memory_space<vmem>>[vector<16xi32>, vector<16xi32>], vector<16xf32>,
      %mul3A_1076 = vector.broadcast %squeeze3A_1071 : f32 to vector<16xf32>
      %mul3A_1077 = arith.mulf %gather3A_1075, %mul3A_1076 : vector<16xf32>
      %mul3A_1078 = arith.constant 16 : i32
      %mul3A_1079 = arith.muli %scan3A_374, %mul3A_1078 : i32
      %add3A_1080 = arith.constant 4 : i32
      %add3A_1081 = arith.addi %mul3A_1079, %add3A_1080 : i32
      %get3A_1082 = arith.index_cast %add3A_1081 : i32 to index
      %get3A_1083 = arith.constant 0 : index
      %get3A_1084 = tpu.vector_load %arg9[%get3A_1082, %get3A_1083] {strides = array<i32>} : memref<256x64xf32, #tpu.memory_space<vmem>>, vector<16xf32>,
      %add3A_1085 = arith.addf %mul3A_1077, %get3A_1084 : vector<16xf32>
      %add3A_1086 = arith.constant 4 : i32
      %add3A_1087 = arith.addi %mul3A_411, %add3A_1086 : i32
      %swap3A_1088 = arith.index_cast %add3A_1087 : i32 to index
      %swap3A_1089 = arith.constant 0 : index
      %swap3A_1090 = tpu.vector_load %arg8[%swap3A_1088, %swap3A_1089] {strides = array<i32>} : memref<32x64xf32, #tpu.memory_space<vmem>>, vector<16xf32>,
      tpu.vector_store %arg8[%swap3A_1088, %swap3A_1089], %add3A_1085 {strides = array<i32>} : memref<32x64xf32, #tpu.memory_space<vmem>>, vector<16xf32>,
      %add3A_1091 = arith.constant 272 : i32
      %add3A_1092 = vector.broadcast %add3A_1091 : i32 to vector<16xi32>
      %add3A_1093 = arith.addi %add3A_1092, %iota3A : vector<16xi32>
      %gather3A_1094 = tpu.vector_load_idx %arg7[%add3A_1093, %add3A_1069] : memref<512x128xf32, #tpu.memory_space<vmem>>[vector<16xi32>, vector<16xi32>], vector<16xf32>,
      %mul3A_1095 = vector.broadcast %squeeze3A_1071 : f32 to vector<16xf32>
      %mul3A_1096 = arith.mulf %gather3A_1094, %mul3A_1095 : vector<16xf32>
      %mul3A_1097 = arith.constant 16 : i32
      %mul3A_1098 = arith.muli %scan3A_374, %mul3A_1097 : i32
      %add3A_1099 = arith.constant 4 : i32
      %add3A_1100 = arith.addi %mul3A_1098, %add3A_1099 : i32
      %get3A_1101 = arith.index_cast %add3A_1100 : i32 to index
      %get3A_1102 = arith.constant 16 : index
      %get3A_1103 = tpu.vector_load %arg9[%get3A_1101, %get3A_1102] {strides = array<i32>} : memref<256x64xf32, #tpu.memory_space<vmem>>, vector<16xf32>,
      %add3A_1104 = arith.addf %mul3A_1096, %get3A_1103 : vector<16xf32>
      %add3A_1105 = arith.constant 4 : i32
      %add3A_1106 = arith.addi %mul3A_411, %add3A_1105 : i32
      %swap3A_1107 = arith.index_cast %add3A_1106 : i32 to index
      %swap3A_1108 = arith.constant 16 : index
      %swap3A_1109 = tpu.vector_load %arg8[%swap3A_1107, %swap3A_1108] {strides = array<i32>} : memref<32x64xf32, #tpu.memory_space<vmem>>, vector<16xf32>,
      tpu.vector_store %arg8[%swap3A_1107, %swap3A_1108], %add3A_1104 {strides = array<i32>} : memref<32x64xf32, #tpu.memory_space<vmem>>, vector<16xf32>,
      %add3A_1110 = arith.constant 288 : i32
      %add3A_1111 = vector.broadcast %add3A_1110 : i32 to vector<16xi32>
      %add3A_1112 = arith.addi %add3A_1111, %iota3A : vector<16xi32>
      %gather3A_1113 = tpu.vector_load_idx %arg7[%add3A_1112, %add3A_1069] : memref<512x128xf32, #tpu.memory_space<vmem>>[vector<16xi32>, vector<16xi32>], vector<16xf32>,
      %mul3A_1114 = vector.broadcast %squeeze3A_1071 : f32 to vector<16xf32>
      %mul3A_1115 = arith.mulf %gather3A_1113, %mul3A_1114 : vector<16xf32>
      %mul3A_1116 = arith.constant 16 : i32
      %mul3A_1117 = arith.muli %scan3A_374, %mul3A_1116 : i32
      %add3A_1118 = arith.constant 4 : i32
      %add3A_1119 = arith.addi %mul3A_1117, %add3A_1118 : i32
      %get3A_1120 = arith.index_cast %add3A_1119 : i32 to index
      %get3A_1121 = arith.constant 32 : index
      %get3A_1122 = tpu.vector_load %arg9[%get3A_1120, %get3A_1121] {strides = array<i32>} : memref<256x64xf32, #tpu.memory_space<vmem>>, vector<16xf32>,
      %add3A_1123 = arith.addf %mul3A_1115, %get3A_1122 : vector<16xf32>
      %add3A_1124 = arith.constant 4 : i32
      %add3A_1125 = arith.addi %mul3A_411, %add3A_1124 : i32
      %swap3A_1126 = arith.index_cast %add3A_1125 : i32 to index
      %swap3A_1127 = arith.constant 32 : index
      %swap3A_1128 = tpu.vector_load %arg8[%swap3A_1126, %swap3A_1127] {strides = array<i32>} : memref<32x64xf32, #tpu.memory_space<vmem>>, vector<16xf32>,
      tpu.vector_store %arg8[%swap3A_1126, %swap3A_1127], %add3A_1123 {strides = array<i32>} : memref<32x64xf32, #tpu.memory_space<vmem>>, vector<16xf32>,
      %add3A_1129 = arith.constant 304 : i32
      %add3A_1130 = vector.broadcast %add3A_1129 : i32 to vector<16xi32>
      %add3A_1131 = arith.addi %add3A_1130, %iota3A : vector<16xi32>
      %gather3A_1132 = tpu.vector_load_idx %arg7[%add3A_1131, %add3A_1069] : memref<512x128xf32, #tpu.memory_space<vmem>>[vector<16xi32>, vector<16xi32>], vector<16xf32>,
      %mul3A_1133 = vector.broadcast %squeeze3A_1071 : f32 to vector<16xf32>
      %mul3A_1134 = arith.mulf %gather3A_1132, %mul3A_1133 : vector<16xf32>
      %mul3A_1135 = arith.constant 16 : i32
      %mul3A_1136 = arith.muli %scan3A_374, %mul3A_1135 : i32
      %add3A_1137 = arith.constant 4 : i32
      %add3A_1138 = arith.addi %mul3A_1136, %add3A_1137 : i32
      %get3A_1139 = arith.index_cast %add3A_1138 : i32 to index
      %get3A_1140 = arith.constant 48 : index
      %get3A_1141 = tpu.vector_load %arg9[%get3A_1139, %get3A_1140] {strides = array<i32>} : memref<256x64xf32, #tpu.memory_space<vmem>>, vector<16xf32>,
      %add3A_1142 = arith.addf %mul3A_1134, %get3A_1141 : vector<16xf32>
      %add3A_1143 = arith.constant 4 : i32
      %add3A_1144 = arith.addi %mul3A_411, %add3A_1143 : i32
      %swap3A_1145 = arith.index_cast %add3A_1144 : i32 to index
      %swap3A_1146 = arith.constant 48 : index
      %swap3A_1147 = tpu.vector_load %arg8[%swap3A_1145, %swap3A_1146] {strides = array<i32>} : memref<32x64xf32, #tpu.memory_space<vmem>>, vector<16xf32>,
      tpu.vector_store %arg8[%swap3A_1145, %swap3A_1146], %add3A_1142 {strides = array<i32>} : memref<32x64xf32, #tpu.memory_space<vmem>>, vector<16xf32>,
      %slice3A_1148 = vector.extract_strided_slice %get3A_379 {offsets = [12], sizes = [1], strides = [1]} : vector<16xi32> to vector<1xi32>
      %squeeze3A_1149 = vector.extract %slice3A_1148[0] : i32 from vector<1xi32>
      %jit3A_1150 = arith.constant 128 : i32
      %div3A_1151 = arith.divsi %squeeze3A_1149, %jit3A_1150 : i32
      %sign3A_1152 = arith.constant 0 : i32
      %sign3A_1153 = arith.cmpi sgt, %squeeze3A_1149, %sign3A_1152 : i32
      %sign3A_1154 = arith.extui %sign3A_1153 : i1 to i32
      %sign3A_1155 = arith.constant 0 : i32
      %sign3A_1156 = arith.cmpi slt, %squeeze3A_1149, %sign3A_1155 : i32
      %sign3A_1157 = arith.extui %sign3A_1156 : i1 to i32
      %sign3A_1158 = arith.subi %sign3A_1154, %sign3A_1157 : i32
      %sign3A_1159 = arith.constant 0 : i32
      %sign3A_1160 = arith.cmpi sgt, %jit3A_1150, %sign3A_1159 : i32
      %sign3A_1161 = arith.extui %sign3A_1160 : i1 to i32
      %sign3A_1162 = arith.constant 0 : i32
      %sign3A_1163 = arith.cmpi slt, %jit3A_1150, %sign3A_1162 : i32
      %sign3A_1164 = arith.extui %sign3A_1163 : i1 to i32
      %sign3A_1165 = arith.subi %sign3A_1161, %sign3A_1164 : i32
      %ne3A_1166 = arith.cmpi ne, %sign3A_1158, %sign3A_1165 : i32
      %rem3A_1167 = arith.remsi %squeeze3A_1149, %jit3A_1150 : i32
      %ne3A_1168 = arith.constant 0 : i32
      %ne3A_1169 = arith.cmpi ne, %rem3A_1167, %ne3A_1168 : i32
      %and3A_1170 = arith.andi %ne3A_1166, %ne3A_1169 : i1
      %sub3A_1171 = arith.constant 1 : i32
      %sub3A_1172 = arith.subi %div3A_1151, %sub3A_1171 : i32
      %select_n3A_1173 = arith.select %and3A_1170, %sub3A_1172, %div3A_1151 : i32
      %mul3A_1174 = arith.constant 128 : i32
      %mul3A_1175 = arith.muli %select_n3A_1173, %mul3A_1174 : i32
      %multiple_of3A_1176 = tpu.assume_multiple %mul3A_1175, 128 : i32
      %dma_start3A_1177 = arith.constant 4 : i32
      %dma_start3A_1178 = arith.constant 256 : i32
      %dma_start3A_1179 = arith.constant 0 : i32
      %dma_start3A_1180 = tpu.memref_slice %arg7[%dma_start3A_1178, %dma_start3A_1179] : memref<512x128xf32, #tpu.memory_space<vmem>> -> memref<64x128xf32, #tpu.memory_space<vmem>>
      %dma_start3A_1181 = arith.constant 0 : i32
      %dma_start3A_1182 = tpu.memref_slice %arg3[%dma_start3A_1181, %multiple_of3A_1176] : memref<64x1000000xf32, #tpu.memory_space<hbm>> -> memref<64x128xf32, #tpu.memory_space<hbm>>
      %dma_start3A_1183 = tpu.memref_slice %arg10[%dma_start3A_1177] : memref<8x!tpu.dma_semaphore, #tpu.memory_space<semaphore_mem>> -> memref<1x!tpu.dma_semaphore, #tpu.memory_space<semaphore_mem>>
      %dma_start3A_1184 = tpu.memref_squeeze %dma_start3A_1183 : memref<1x!tpu.dma_semaphore, #tpu.memory_space<semaphore_mem>> -> memref<!tpu.dma_semaphore, #tpu.memory_space<semaphore_mem>>
      %dma_start3A_1185 = arith.constant 256 : i32
      %dma_start3A_1186 = arith.constant 0 : i32
      %dma_start3A_1187 = tpu.memref_slice %arg7[%dma_start3A_1185, %dma_start3A_1186] : memref<512x128xf32, #tpu.memory_space<vmem>> -> memref<64x128xf32, #tpu.memory_space<vmem>>
      %dma_start3A_1188 = arith.constant 0 : i32
      %dma_start3A_1189 = tpu.memref_slice %arg3[%dma_start3A_1188, %multiple_of3A_1176] : memref<64x1000000xf32, #tpu.memory_space<hbm>> -> memref<64x128xf32, #tpu.memory_space<hbm>>
      tpu.enqueue_dma source(%dma_start3A_1189 : memref<64x128xf32, #tpu.memory_space<hbm>>) target(%dma_start3A_1187 : memref<64x128xf32, #tpu.memory_space<vmem>>) target_semaphore(%dma_start3A_1184 : memref<!tpu.dma_semaphore, #tpu.memory_space<semaphore_mem>>)
      %dma_wait3A_1190 = arith.constant 5 : i32
      %dma_wait3A_1191 = arith.constant 320 : i32
      %dma_wait3A_1192 = arith.constant 0 : i32
      %dma_wait3A_1193 = tpu.memref_slice %arg7[%dma_wait3A_1191, %dma_wait3A_1192] : memref<512x128xf32, #tpu.memory_space<vmem>> -> memref<64x128xf32, #tpu.memory_space<vmem>>
      %dma_wait3A_1194 = arith.constant 0 : i32
      %dma_wait3A_1195 = arith.constant 0 : i32
      %dma_wait3A_1196 = tpu.memref_slice %arg3[%dma_wait3A_1194, %dma_wait3A_1195] : memref<64x1000000xf32, #tpu.memory_space<hbm>> -> memref<64x128xf32, #tpu.memory_space<hbm>>
      %dma_wait3A_1197 = tpu.memref_slice %arg10[%dma_wait3A_1190] : memref<8x!tpu.dma_semaphore, #tpu.memory_space<semaphore_mem>> -> memref<1x!tpu.dma_semaphore, #tpu.memory_space<semaphore_mem>>
      %dma_wait3A_1198 = tpu.memref_squeeze %dma_wait3A_1197 : memref<1x!tpu.dma_semaphore, #tpu.memory_space<semaphore_mem>> -> memref<!tpu.dma_semaphore, #tpu.memory_space<semaphore_mem>>
      %dma_wait3A_1199 = arith.constant 320 : i32
      %dma_wait3A_1200 = arith.constant 0 : i32
      %dma_wait3A_1201 = tpu.memref_slice %arg7[%dma_wait3A_1199, %dma_wait3A_1200] : memref<512x128xf32, #tpu.memory_space<vmem>> -> memref<64x128xf32, #tpu.memory_space<vmem>>
      %dma_wait3A_1202 = arith.constant 0 : i32
      %dma_wait3A_1203 = arith.constant 0 : i32
      %dma_wait3A_1204 = tpu.memref_slice %arg3[%dma_wait3A_1202, %dma_wait3A_1203] : memref<64x1000000xf32, #tpu.memory_space<hbm>> -> memref<64x128xf32, #tpu.memory_space<hbm>>
      tpu.wait_dma2 semaphore(%dma_wait3A_1198 : memref<!tpu.dma_semaphore, #tpu.memory_space<semaphore_mem>>) src(%dma_wait3A_1204 : memref<64x128xf32, #tpu.memory_space<hbm>>) dst(%dma_wait3A_1201 : memref<64x128xf32, #tpu.memory_space<vmem>>)
      %slice3A_1205 = vector.extract_strided_slice %get3A_379 {offsets = [5], sizes = [1], strides = [1]} : vector<16xi32> to vector<1xi32>
      %squeeze3A_1206 = vector.extract %slice3A_1205[0] : i32 from vector<1xi32>
      %jit3A_1207 = arith.constant 128 : i32
      %eq3A_1208 = arith.constant 0 : i32
      %eq3A_1209 = arith.cmpi eq, %jit3A_1207, %eq3A_1208 : i32
      %jit3A_1210 = arith.constant 1 : i32
      %select_n3A_1211 = arith.select %eq3A_1209, %jit3A_1210, %jit3A_1207 : i32
      %rem3A_1212 = arith.remsi %squeeze3A_1206, %select_n3A_1211 : i32
      %ne3A_1213 = arith.constant 0 : i32
      %ne3A_1214 = arith.cmpi ne, %rem3A_1212, %ne3A_1213 : i32
      %lt3A_1215 = arith.constant 0 : i32
      %lt3A_1216 = arith.cmpi slt, %rem3A_1212, %lt3A_1215 : i32
      %lt3A_1217 = arith.constant 0 : i32
      %lt3A_1218 = arith.cmpi slt, %select_n3A_1211, %lt3A_1217 : i32
      %ne3A_1219 = arith.xori %lt3A_1216, %lt3A_1218 : i1
      %and3A_1220 = arith.andi %ne3A_1219, %ne3A_1214 : i1
      %add3A_1221 = arith.addi %rem3A_1212, %select_n3A_1211 : i32
      %select_n3A_1222 = arith.select %and3A_1220, %add3A_1221, %rem3A_1212 : i32
      %add3A_1223 = vector.broadcast %select_n3A_1222 : i32 to vector<16xi32>
      %add3A_1224 = arith.addi %add3A_1223, %broadcast_in_dim3A_14 : vector<16xi32>
      %slice3A_1225 = vector.extract_strided_slice %select_n3A_393 {offsets = [5], sizes = [1], strides = [1]} : vector<16xf32> to vector<1xf32>
      %squeeze3A_1226 = vector.extract %slice3A_1225[0] : f32 from vector<1xf32>
      %add3A_1227 = arith.constant 320 : i32
      %add3A_1228 = vector.broadcast %add3A_1227 : i32 to vector<16xi32>
      %add3A_1229 = arith.addi %add3A_1228, %iota3A : vector<16xi32>
      %gather3A_1230 = tpu.vector_load_idx %arg7[%add3A_1229, %add3A_1224] : memref<512x128xf32, #tpu.memory_space<vmem>>[vector<16xi32>, vector<16xi32>], vector<16xf32>,
      %mul3A_1231 = vector.broadcast %squeeze3A_1226 : f32 to vector<16xf32>
      %mul3A_1232 = arith.mulf %gather3A_1230, %mul3A_1231 : vector<16xf32>
      %mul3A_1233 = arith.constant 16 : i32
      %mul3A_1234 = arith.muli %scan3A_374, %mul3A_1233 : i32
      %add3A_1235 = arith.constant 5 : i32
      %add3A_1236 = arith.addi %mul3A_1234, %add3A_1235 : i32
      %get3A_1237 = arith.index_cast %add3A_1236 : i32 to index
      %get3A_1238 = arith.constant 0 : index
      %get3A_1239 = tpu.vector_load %arg9[%get3A_1237, %get3A_1238] {strides = array<i32>} : memref<256x64xf32, #tpu.memory_space<vmem>>, vector<16xf32>,
      %add3A_1240 = arith.addf %mul3A_1232, %get3A_1239 : vector<16xf32>
      %add3A_1241 = arith.constant 5 : i32
      %add3A_1242 = arith.addi %mul3A_411, %add3A_1241 : i32
      %swap3A_1243 = arith.index_cast %add3A_1242 : i32 to index
      %swap3A_1244 = arith.constant 0 : index
      %swap3A_1245 = tpu.vector_load %arg8[%swap3A_1243, %swap3A_1244] {strides = array<i32>} : memref<32x64xf32, #tpu.memory_space<vmem>>, vector<16xf32>,
      tpu.vector_store %arg8[%swap3A_1243, %swap3A_1244], %add3A_1240 {strides = array<i32>} : memref<32x64xf32, #tpu.memory_space<vmem>>, vector<16xf32>,
      %add3A_1246 = arith.constant 336 : i32
      %add3A_1247 = vector.broadcast %add3A_1246 : i32 to vector<16xi32>
      %add3A_1248 = arith.addi %add3A_1247, %iota3A : vector<16xi32>
      %gather3A_1249 = tpu.vector_load_idx %arg7[%add3A_1248, %add3A_1224] : memref<512x128xf32, #tpu.memory_space<vmem>>[vector<16xi32>, vector<16xi32>], vector<16xf32>,
      %mul3A_1250 = vector.broadcast %squeeze3A_1226 : f32 to vector<16xf32>
      %mul3A_1251 = arith.mulf %gather3A_1249, %mul3A_1250 : vector<16xf32>
      %mul3A_1252 = arith.constant 16 : i32
      %mul3A_1253 = arith.muli %scan3A_374, %mul3A_1252 : i32
      %add3A_1254 = arith.constant 5 : i32
      %add3A_1255 = arith.addi %mul3A_1253, %add3A_1254 : i32
      %get3A_1256 = arith.index_cast %add3A_1255 : i32 to index
      %get3A_1257 = arith.constant 16 : index
      %get3A_1258 = tpu.vector_load %arg9[%get3A_1256, %get3A_1257] {strides = array<i32>} : memref<256x64xf32, #tpu.memory_space<vmem>>, vector<16xf32>,
      %add3A_1259 = arith.addf %mul3A_1251, %get3A_1258 : vector<16xf32>
      %add3A_1260 = arith.constant 5 : i32
      %add3A_1261 = arith.addi %mul3A_411, %add3A_1260 : i32
      %swap3A_1262 = arith.index_cast %add3A_1261 : i32 to index
      %swap3A_1263 = arith.constant 16 : index
      %swap3A_1264 = tpu.vector_load %arg8[%swap3A_1262, %swap3A_1263] {strides = array<i32>} : memref<32x64xf32, #tpu.memory_space<vmem>>, vector<16xf32>,
      tpu.vector_store %arg8[%swap3A_1262, %swap3A_1263], %add3A_1259 {strides = array<i32>} : memref<32x64xf32, #tpu.memory_space<vmem>>, vector<16xf32>,
      %add3A_1265 = arith.constant 352 : i32
      %add3A_1266 = vector.broadcast %add3A_1265 : i32 to vector<16xi32>
      %add3A_1267 = arith.addi %add3A_1266, %iota3A : vector<16xi32>
      %gather3A_1268 = tpu.vector_load_idx %arg7[%add3A_1267, %add3A_1224] : memref<512x128xf32, #tpu.memory_space<vmem>>[vector<16xi32>, vector<16xi32>], vector<16xf32>,
      %mul3A_1269 = vector.broadcast %squeeze3A_1226 : f32 to vector<16xf32>
      %mul3A_1270 = arith.mulf %gather3A_1268, %mul3A_1269 : vector<16xf32>
      %mul3A_1271 = arith.constant 16 : i32
      %mul3A_1272 = arith.muli %scan3A_374, %mul3A_1271 : i32
      %add3A_1273 = arith.constant 5 : i32
      %add3A_1274 = arith.addi %mul3A_1272, %add3A_1273 : i32
      %get3A_1275 = arith.index_cast %add3A_1274 : i32 to index
      %get3A_1276 = arith.constant 32 : index
      %get3A_1277 = tpu.vector_load %arg9[%get3A_1275, %get3A_1276] {strides = array<i32>} : memref<256x64xf32, #tpu.memory_space<vmem>>, vector<16xf32>,
      %add3A_1278 = arith.addf %mul3A_1270, %get3A_1277 : vector<16xf32>
      %add3A_1279 = arith.constant 5 : i32
      %add3A_1280 = arith.addi %mul3A_411, %add3A_1279 : i32
      %swap3A_1281 = arith.index_cast %add3A_1280 : i32 to index
      %swap3A_1282 = arith.constant 32 : index
      %swap3A_1283 = tpu.vector_load %arg8[%swap3A_1281, %swap3A_1282] {strides = array<i32>} : memref<32x64xf32, #tpu.memory_space<vmem>>, vector<16xf32>,
      tpu.vector_store %arg8[%swap3A_1281, %swap3A_1282], %add3A_1278 {strides = array<i32>} : memref<32x64xf32, #tpu.memory_space<vmem>>, vector<16xf32>,
      %add3A_1284 = arith.constant 368 : i32
      %add3A_1285 = vector.broadcast %add3A_1284 : i32 to vector<16xi32>
      %add3A_1286 = arith.addi %add3A_1285, %iota3A : vector<16xi32>
      %gather3A_1287 = tpu.vector_load_idx %arg7[%add3A_1286, %add3A_1224] : memref<512x128xf32, #tpu.memory_space<vmem>>[vector<16xi32>, vector<16xi32>], vector<16xf32>,
      %mul3A_1288 = vector.broadcast %squeeze3A_1226 : f32 to vector<16xf32>
      %mul3A_1289 = arith.mulf %gather3A_1287, %mul3A_1288 : vector<16xf32>
      %mul3A_1290 = arith.constant 16 : i32
      %mul3A_1291 = arith.muli %scan3A_374, %mul3A_1290 : i32
      %add3A_1292 = arith.constant 5 : i32
      %add3A_1293 = arith.addi %mul3A_1291, %add3A_1292 : i32
      %get3A_1294 = arith.index_cast %add3A_1293 : i32 to index
      %get3A_1295 = arith.constant 48 : index
      %get3A_1296 = tpu.vector_load %arg9[%get3A_1294, %get3A_1295] {strides = array<i32>} : memref<256x64xf32, #tpu.memory_space<vmem>>, vector<16xf32>,
      %add3A_1297 = arith.addf %mul3A_1289, %get3A_1296 : vector<16xf32>
      %add3A_1298 = arith.constant 5 : i32
      %add3A_1299 = arith.addi %mul3A_411, %add3A_1298 : i32
      %swap3A_1300 = arith.index_cast %add3A_1299 : i32 to index
      %swap3A_1301 = arith.constant 48 : index
      %swap3A_1302 = tpu.vector_load %arg8[%swap3A_1300, %swap3A_1301] {strides = array<i32>} : memref<32x64xf32, #tpu.memory_space<vmem>>, vector<16xf32>,
      tpu.vector_store %arg8[%swap3A_1300, %swap3A_1301], %add3A_1297 {strides = array<i32>} : memref<32x64xf32, #tpu.memory_space<vmem>>, vector<16xf32>,
      %slice3A_1303 = vector.extract_strided_slice %get3A_379 {offsets = [13], sizes = [1], strides = [1]} : vector<16xi32> to vector<1xi32>
      %squeeze3A_1304 = vector.extract %slice3A_1303[0] : i32 from vector<1xi32>
      %jit3A_1305 = arith.constant 128 : i32
      %div3A_1306 = arith.divsi %squeeze3A_1304, %jit3A_1305 : i32
      %sign3A_1307 = arith.constant 0 : i32
      %sign3A_1308 = arith.cmpi sgt, %squeeze3A_1304, %sign3A_1307 : i32
      %sign3A_1309 = arith.extui %sign3A_1308 : i1 to i32
      %sign3A_1310 = arith.constant 0 : i32
      %sign3A_1311 = arith.cmpi slt, %squeeze3A_1304, %sign3A_1310 : i32
      %sign3A_1312 = arith.extui %sign3A_1311 : i1 to i32
      %sign3A_1313 = arith.subi %sign3A_1309, %sign3A_1312 : i32
      %sign3A_1314 = arith.constant 0 : i32
      %sign3A_1315 = arith.cmpi sgt, %jit3A_1305, %sign3A_1314 : i32
      %sign3A_1316 = arith.extui %sign3A_1315 : i1 to i32
      %sign3A_1317 = arith.constant 0 : i32
      %sign3A_1318 = arith.cmpi slt, %jit3A_1305, %sign3A_1317 : i32
      %sign3A_1319 = arith.extui %sign3A_1318 : i1 to i32
      %sign3A_1320 = arith.subi %sign3A_1316, %sign3A_1319 : i32
      %ne3A_1321 = arith.cmpi ne, %sign3A_1313, %sign3A_1320 : i32
      %rem3A_1322 = arith.remsi %squeeze3A_1304, %jit3A_1305 : i32
      %ne3A_1323 = arith.constant 0 : i32
      %ne3A_1324 = arith.cmpi ne, %rem3A_1322, %ne3A_1323 : i32
      %and3A_1325 = arith.andi %ne3A_1321, %ne3A_1324 : i1
      %sub3A_1326 = arith.constant 1 : i32
      %sub3A_1327 = arith.subi %div3A_1306, %sub3A_1326 : i32
      %select_n3A_1328 = arith.select %and3A_1325, %sub3A_1327, %div3A_1306 : i32
      %mul3A_1329 = arith.constant 128 : i32
      %mul3A_1330 = arith.muli %select_n3A_1328, %mul3A_1329 : i32
      %multiple_of3A_1331 = tpu.assume_multiple %mul3A_1330, 128 : i32
      %dma_start3A_1332 = arith.constant 5 : i32
      %dma_start3A_1333 = arith.constant 320 : i32
      %dma_start3A_1334 = arith.constant 0 : i32
      %dma_start3A_1335 = tpu.memref_slice %arg7[%dma_start3A_1333, %dma_start3A_1334] : memref<512x128xf32, #tpu.memory_space<vmem>> -> memref<64x128xf32, #tpu.memory_space<vmem>>
      %dma_start3A_1336 = arith.constant 0 : i32
      %dma_start3A_1337 = tpu.memref_slice %arg3[%dma_start3A_1336, %multiple_of3A_1331] : memref<64x1000000xf32, #tpu.memory_space<hbm>> -> memref<64x128xf32, #tpu.memory_space<hbm>>
      %dma_start3A_1338 = tpu.memref_slice %arg10[%dma_start3A_1332] : memref<8x!tpu.dma_semaphore, #tpu.memory_space<semaphore_mem>> -> memref<1x!tpu.dma_semaphore, #tpu.memory_space<semaphore_mem>>
      %dma_start3A_1339 = tpu.memref_squeeze %dma_start3A_1338 : memref<1x!tpu.dma_semaphore, #tpu.memory_space<semaphore_mem>> -> memref<!tpu.dma_semaphore, #tpu.memory_space<semaphore_mem>>
      %dma_start3A_1340 = arith.constant 320 : i32
      %dma_start3A_1341 = arith.constant 0 : i32
      %dma_start3A_1342 = tpu.memref_slice %arg7[%dma_start3A_1340, %dma_start3A_1341] : memref<512x128xf32, #tpu.memory_space<vmem>> -> memref<64x128xf32, #tpu.memory_space<vmem>>
      %dma_start3A_1343 = arith.constant 0 : i32
      %dma_start3A_1344 = tpu.memref_slice %arg3[%dma_start3A_1343, %multiple_of3A_1331] : memref<64x1000000xf32, #tpu.memory_space<hbm>> -> memref<64x128xf32, #tpu.memory_space<hbm>>
      tpu.enqueue_dma source(%dma_start3A_1344 : memref<64x128xf32, #tpu.memory_space<hbm>>) target(%dma_start3A_1342 : memref<64x128xf32, #tpu.memory_space<vmem>>) target_semaphore(%dma_start3A_1339 : memref<!tpu.dma_semaphore, #tpu.memory_space<semaphore_mem>>)
      %dma_wait3A_1345 = arith.constant 6 : i32
      %dma_wait3A_1346 = arith.constant 384 : i32
      %dma_wait3A_1347 = arith.constant 0 : i32
      %dma_wait3A_1348 = tpu.memref_slice %arg7[%dma_wait3A_1346, %dma_wait3A_1347] : memref<512x128xf32, #tpu.memory_space<vmem>> -> memref<64x128xf32, #tpu.memory_space<vmem>>
      %dma_wait3A_1349 = arith.constant 0 : i32
      %dma_wait3A_1350 = arith.constant 0 : i32
      %dma_wait3A_1351 = tpu.memref_slice %arg3[%dma_wait3A_1349, %dma_wait3A_1350] : memref<64x1000000xf32, #tpu.memory_space<hbm>> -> memref<64x128xf32, #tpu.memory_space<hbm>>
      %dma_wait3A_1352 = tpu.memref_slice %arg10[%dma_wait3A_1345] : memref<8x!tpu.dma_semaphore, #tpu.memory_space<semaphore_mem>> -> memref<1x!tpu.dma_semaphore, #tpu.memory_space<semaphore_mem>>
      %dma_wait3A_1353 = tpu.memref_squeeze %dma_wait3A_1352 : memref<1x!tpu.dma_semaphore, #tpu.memory_space<semaphore_mem>> -> memref<!tpu.dma_semaphore, #tpu.memory_space<semaphore_mem>>
      %dma_wait3A_1354 = arith.constant 384 : i32
      %dma_wait3A_1355 = arith.constant 0 : i32
      %dma_wait3A_1356 = tpu.memref_slice %arg7[%dma_wait3A_1354, %dma_wait3A_1355] : memref<512x128xf32, #tpu.memory_space<vmem>> -> memref<64x128xf32, #tpu.memory_space<vmem>>
      %dma_wait3A_1357 = arith.constant 0 : i32
      %dma_wait3A_1358 = arith.constant 0 : i32
      %dma_wait3A_1359 = tpu.memref_slice %arg3[%dma_wait3A_1357, %dma_wait3A_1358] : memref<64x1000000xf32, #tpu.memory_space<hbm>> -> memref<64x128xf32, #tpu.memory_space<hbm>>
      tpu.wait_dma2 semaphore(%dma_wait3A_1353 : memref<!tpu.dma_semaphore, #tpu.memory_space<semaphore_mem>>) src(%dma_wait3A_1359 : memref<64x128xf32, #tpu.memory_space<hbm>>) dst(%dma_wait3A_1356 : memref<64x128xf32, #tpu.memory_space<vmem>>)
      %slice3A_1360 = vector.extract_strided_slice %get3A_379 {offsets = [6], sizes = [1], strides = [1]} : vector<16xi32> to vector<1xi32>
      %squeeze3A_1361 = vector.extract %slice3A_1360[0] : i32 from vector<1xi32>
      %jit3A_1362 = arith.constant 128 : i32
      %eq3A_1363 = arith.constant 0 : i32
      %eq3A_1364 = arith.cmpi eq, %jit3A_1362, %eq3A_1363 : i32
      %jit3A_1365 = arith.constant 1 : i32
      %select_n3A_1366 = arith.select %eq3A_1364, %jit3A_1365, %jit3A_1362 : i32
      %rem3A_1367 = arith.remsi %squeeze3A_1361, %select_n3A_1366 : i32
      %ne3A_1368 = arith.constant 0 : i32
      %ne3A_1369 = arith.cmpi ne, %rem3A_1367, %ne3A_1368 : i32
      %lt3A_1370 = arith.constant 0 : i32
      %lt3A_1371 = arith.cmpi slt, %rem3A_1367, %lt3A_1370 : i32
      %lt3A_1372 = arith.constant 0 : i32
      %lt3A_1373 = arith.cmpi slt, %select_n3A_1366, %lt3A_1372 : i32
      %ne3A_1374 = arith.xori %lt3A_1371, %lt3A_1373 : i1
      %and3A_1375 = arith.andi %ne3A_1374, %ne3A_1369 : i1
      %add3A_1376 = arith.addi %rem3A_1367, %select_n3A_1366 : i32
      %select_n3A_1377 = arith.select %and3A_1375, %add3A_1376, %rem3A_1367 : i32
      %add3A_1378 = vector.broadcast %select_n3A_1377 : i32 to vector<16xi32>
      %add3A_1379 = arith.addi %add3A_1378, %broadcast_in_dim3A_14 : vector<16xi32>
      %slice3A_1380 = vector.extract_strided_slice %select_n3A_393 {offsets = [6], sizes = [1], strides = [1]} : vector<16xf32> to vector<1xf32>
      %squeeze3A_1381 = vector.extract %slice3A_1380[0] : f32 from vector<1xf32>
      %add3A_1382 = arith.constant 384 : i32
      %add3A_1383 = vector.broadcast %add3A_1382 : i32 to vector<16xi32>
      %add3A_1384 = arith.addi %add3A_1383, %iota3A : vector<16xi32>
      %gather3A_1385 = tpu.vector_load_idx %arg7[%add3A_1384, %add3A_1379] : memref<512x128xf32, #tpu.memory_space<vmem>>[vector<16xi32>, vector<16xi32>], vector<16xf32>,
      %mul3A_1386 = vector.broadcast %squeeze3A_1381 : f32 to vector<16xf32>
      %mul3A_1387 = arith.mulf %gather3A_1385, %mul3A_1386 : vector<16xf32>
      %mul3A_1388 = arith.constant 16 : i32
      %mul3A_1389 = arith.muli %scan3A_374, %mul3A_1388 : i32
      %add3A_1390 = arith.constant 6 : i32
      %add3A_1391 = arith.addi %mul3A_1389, %add3A_1390 : i32
      %get3A_1392 = arith.index_cast %add3A_1391 : i32 to index
      %get3A_1393 = arith.constant 0 : index
      %get3A_1394 = tpu.vector_load %arg9[%get3A_1392, %get3A_1393] {strides = array<i32>} : memref<256x64xf32, #tpu.memory_space<vmem>>, vector<16xf32>,
      %add3A_1395 = arith.addf %mul3A_1387, %get3A_1394 : vector<16xf32>
      %add3A_1396 = arith.constant 6 : i32
      %add3A_1397 = arith.addi %mul3A_411, %add3A_1396 : i32
      %swap3A_1398 = arith.index_cast %add3A_1397 : i32 to index
      %swap3A_1399 = arith.constant 0 : index
      %swap3A_1400 = tpu.vector_load %arg8[%swap3A_1398, %swap3A_1399] {strides = array<i32>} : memref<32x64xf32, #tpu.memory_space<vmem>>, vector<16xf32>,
      tpu.vector_store %arg8[%swap3A_1398, %swap3A_1399], %add3A_1395 {strides = array<i32>} : memref<32x64xf32, #tpu.memory_space<vmem>>, vector<16xf32>,
      %add3A_1401 = arith.constant 400 : i32
      %add3A_1402 = vector.broadcast %add3A_1401 : i32 to vector<16xi32>
      %add3A_1403 = arith.addi %add3A_1402, %iota3A : vector<16xi32>
      %gather3A_1404 = tpu.vector_load_idx %arg7[%add3A_1403, %add3A_1379] : memref<512x128xf32, #tpu.memory_space<vmem>>[vector<16xi32>, vector<16xi32>], vector<16xf32>,
      %mul3A_1405 = vector.broadcast %squeeze3A_1381 : f32 to vector<16xf32>
      %mul3A_1406 = arith.mulf %gather3A_1404, %mul3A_1405 : vector<16xf32>
      %mul3A_1407 = arith.constant 16 : i32
      %mul3A_1408 = arith.muli %scan3A_374, %mul3A_1407 : i32
      %add3A_1409 = arith.constant 6 : i32
      %add3A_1410 = arith.addi %mul3A_1408, %add3A_1409 : i32
      %get3A_1411 = arith.index_cast %add3A_1410 : i32 to index
      %get3A_1412 = arith.constant 16 : index
      %get3A_1413 = tpu.vector_load %arg9[%get3A_1411, %get3A_1412] {strides = array<i32>} : memref<256x64xf32, #tpu.memory_space<vmem>>, vector<16xf32>,
      %add3A_1414 = arith.addf %mul3A_1406, %get3A_1413 : vector<16xf32>
      %add3A_1415 = arith.constant 6 : i32
      %add3A_1416 = arith.addi %mul3A_411, %add3A_1415 : i32
      %swap3A_1417 = arith.index_cast %add3A_1416 : i32 to index
      %swap3A_1418 = arith.constant 16 : index
      %swap3A_1419 = tpu.vector_load %arg8[%swap3A_1417, %swap3A_1418] {strides = array<i32>} : memref<32x64xf32, #tpu.memory_space<vmem>>, vector<16xf32>,
      tpu.vector_store %arg8[%swap3A_1417, %swap3A_1418], %add3A_1414 {strides = array<i32>} : memref<32x64xf32, #tpu.memory_space<vmem>>, vector<16xf32>,
      %add3A_1420 = arith.constant 416 : i32
      %add3A_1421 = vector.broadcast %add3A_1420 : i32 to vector<16xi32>
      %add3A_1422 = arith.addi %add3A_1421, %iota3A : vector<16xi32>
      %gather3A_1423 = tpu.vector_load_idx %arg7[%add3A_1422, %add3A_1379] : memref<512x128xf32, #tpu.memory_space<vmem>>[vector<16xi32>, vector<16xi32>], vector<16xf32>,
      %mul3A_1424 = vector.broadcast %squeeze3A_1381 : f32 to vector<16xf32>
      %mul3A_1425 = arith.mulf %gather3A_1423, %mul3A_1424 : vector<16xf32>
      %mul3A_1426 = arith.constant 16 : i32
      %mul3A_1427 = arith.muli %scan3A_374, %mul3A_1426 : i32
      %add3A_1428 = arith.constant 6 : i32
      %add3A_1429 = arith.addi %mul3A_1427, %add3A_1428 : i32
      %get3A_1430 = arith.index_cast %add3A_1429 : i32 to index
      %get3A_1431 = arith.constant 32 : index
      %get3A_1432 = tpu.vector_load %arg9[%get3A_1430, %get3A_1431] {strides = array<i32>} : memref<256x64xf32, #tpu.memory_space<vmem>>, vector<16xf32>,
      %add3A_1433 = arith.addf %mul3A_1425, %get3A_1432 : vector<16xf32>
      %add3A_1434 = arith.constant 6 : i32
      %add3A_1435 = arith.addi %mul3A_411, %add3A_1434 : i32
      %swap3A_1436 = arith.index_cast %add3A_1435 : i32 to index
      %swap3A_1437 = arith.constant 32 : index
      %swap3A_1438 = tpu.vector_load %arg8[%swap3A_1436, %swap3A_1437] {strides = array<i32>} : memref<32x64xf32, #tpu.memory_space<vmem>>, vector<16xf32>,
      tpu.vector_store %arg8[%swap3A_1436, %swap3A_1437], %add3A_1433 {strides = array<i32>} : memref<32x64xf32, #tpu.memory_space<vmem>>, vector<16xf32>,
      %add3A_1439 = arith.constant 432 : i32
      %add3A_1440 = vector.broadcast %add3A_1439 : i32 to vector<16xi32>
      %add3A_1441 = arith.addi %add3A_1440, %iota3A : vector<16xi32>
      %gather3A_1442 = tpu.vector_load_idx %arg7[%add3A_1441, %add3A_1379] : memref<512x128xf32, #tpu.memory_space<vmem>>[vector<16xi32>, vector<16xi32>], vector<16xf32>,
      %mul3A_1443 = vector.broadcast %squeeze3A_1381 : f32 to vector<16xf32>
      %mul3A_1444 = arith.mulf %gather3A_1442, %mul3A_1443 : vector<16xf32>
      %mul3A_1445 = arith.constant 16 : i32
      %mul3A_1446 = arith.muli %scan3A_374, %mul3A_1445 : i32
      %add3A_1447 = arith.constant 6 : i32
      %add3A_1448 = arith.addi %mul3A_1446, %add3A_1447 : i32
      %get3A_1449 = arith.index_cast %add3A_1448 : i32 to index
      %get3A_1450 = arith.constant 48 : index
      %get3A_1451 = tpu.vector_load %arg9[%get3A_1449, %get3A_1450] {strides = array<i32>} : memref<256x64xf32, #tpu.memory_space<vmem>>, vector<16xf32>,
      %add3A_1452 = arith.addf %mul3A_1444, %get3A_1451 : vector<16xf32>
      %add3A_1453 = arith.constant 6 : i32
      %add3A_1454 = arith.addi %mul3A_411, %add3A_1453 : i32
      %swap3A_1455 = arith.index_cast %add3A_1454 : i32 to index
      %swap3A_1456 = arith.constant 48 : index
      %swap3A_1457 = tpu.vector_load %arg8[%swap3A_1455, %swap3A_1456] {strides = array<i32>} : memref<32x64xf32, #tpu.memory_space<vmem>>, vector<16xf32>,
      tpu.vector_store %arg8[%swap3A_1455, %swap3A_1456], %add3A_1452 {strides = array<i32>} : memref<32x64xf32, #tpu.memory_space<vmem>>, vector<16xf32>,
      %slice3A_1458 = vector.extract_strided_slice %get3A_379 {offsets = [14], sizes = [1], strides = [1]} : vector<16xi32> to vector<1xi32>
      %squeeze3A_1459 = vector.extract %slice3A_1458[0] : i32 from vector<1xi32>
      %jit3A_1460 = arith.constant 128 : i32
      %div3A_1461 = arith.divsi %squeeze3A_1459, %jit3A_1460 : i32
      %sign3A_1462 = arith.constant 0 : i32
      %sign3A_1463 = arith.cmpi sgt, %squeeze3A_1459, %sign3A_1462 : i32
      %sign3A_1464 = arith.extui %sign3A_1463 : i1 to i32
      %sign3A_1465 = arith.constant 0 : i32
      %sign3A_1466 = arith.cmpi slt, %squeeze3A_1459, %sign3A_1465 : i32
      %sign3A_1467 = arith.extui %sign3A_1466 : i1 to i32
      %sign3A_1468 = arith.subi %sign3A_1464, %sign3A_1467 : i32
      %sign3A_1469 = arith.constant 0 : i32
      %sign3A_1470 = arith.cmpi sgt, %jit3A_1460, %sign3A_1469 : i32
      %sign3A_1471 = arith.extui %sign3A_1470 : i1 to i32
      %sign3A_1472 = arith.constant 0 : i32
      %sign3A_1473 = arith.cmpi slt, %jit3A_1460, %sign3A_1472 : i32
      %sign3A_1474 = arith.extui %sign3A_1473 : i1 to i32
      %sign3A_1475 = arith.subi %sign3A_1471, %sign3A_1474 : i32
      %ne3A_1476 = arith.cmpi ne, %sign3A_1468, %sign3A_1475 : i32
      %rem3A_1477 = arith.remsi %squeeze3A_1459, %jit3A_1460 : i32
      %ne3A_1478 = arith.constant 0 : i32
      %ne3A_1479 = arith.cmpi ne, %rem3A_1477, %ne3A_1478 : i32
      %and3A_1480 = arith.andi %ne3A_1476, %ne3A_1479 : i1
      %sub3A_1481 = arith.constant 1 : i32
      %sub3A_1482 = arith.subi %div3A_1461, %sub3A_1481 : i32
      %select_n3A_1483 = arith.select %and3A_1480, %sub3A_1482, %div3A_1461 : i32
      %mul3A_1484 = arith.constant 128 : i32
      %mul3A_1485 = arith.muli %select_n3A_1483, %mul3A_1484 : i32
      %multiple_of3A_1486 = tpu.assume_multiple %mul3A_1485, 128 : i32
      %dma_start3A_1487 = arith.constant 6 : i32
      %dma_start3A_1488 = arith.constant 384 : i32
      %dma_start3A_1489 = arith.constant 0 : i32
      %dma_start3A_1490 = tpu.memref_slice %arg7[%dma_start3A_1488, %dma_start3A_1489] : memref<512x128xf32, #tpu.memory_space<vmem>> -> memref<64x128xf32, #tpu.memory_space<vmem>>
      %dma_start3A_1491 = arith.constant 0 : i32
      %dma_start3A_1492 = tpu.memref_slice %arg3[%dma_start3A_1491, %multiple_of3A_1486] : memref<64x1000000xf32, #tpu.memory_space<hbm>> -> memref<64x128xf32, #tpu.memory_space<hbm>>
      %dma_start3A_1493 = tpu.memref_slice %arg10[%dma_start3A_1487] : memref<8x!tpu.dma_semaphore, #tpu.memory_space<semaphore_mem>> -> memref<1x!tpu.dma_semaphore, #tpu.memory_space<semaphore_mem>>
      %dma_start3A_1494 = tpu.memref_squeeze %dma_start3A_1493 : memref<1x!tpu.dma_semaphore, #tpu.memory_space<semaphore_mem>> -> memref<!tpu.dma_semaphore, #tpu.memory_space<semaphore_mem>>
      %dma_start3A_1495 = arith.constant 384 : i32
      %dma_start3A_1496 = arith.constant 0 : i32
      %dma_start3A_1497 = tpu.memref_slice %arg7[%dma_start3A_1495, %dma_start3A_1496] : memref<512x128xf32, #tpu.memory_space<vmem>> -> memref<64x128xf32, #tpu.memory_space<vmem>>
      %dma_start3A_1498 = arith.constant 0 : i32
      %dma_start3A_1499 = tpu.memref_slice %arg3[%dma_start3A_1498, %multiple_of3A_1486] : memref<64x1000000xf32, #tpu.memory_space<hbm>> -> memref<64x128xf32, #tpu.memory_space<hbm>>
      tpu.enqueue_dma source(%dma_start3A_1499 : memref<64x128xf32, #tpu.memory_space<hbm>>) target(%dma_start3A_1497 : memref<64x128xf32, #tpu.memory_space<vmem>>) target_semaphore(%dma_start3A_1494 : memref<!tpu.dma_semaphore, #tpu.memory_space<semaphore_mem>>)
      %dma_wait3A_1500 = arith.constant 7 : i32
      %dma_wait3A_1501 = arith.constant 448 : i32
      %dma_wait3A_1502 = arith.constant 0 : i32
      %dma_wait3A_1503 = tpu.memref_slice %arg7[%dma_wait3A_1501, %dma_wait3A_1502] : memref<512x128xf32, #tpu.memory_space<vmem>> -> memref<64x128xf32, #tpu.memory_space<vmem>>
      %dma_wait3A_1504 = arith.constant 0 : i32
      %dma_wait3A_1505 = arith.constant 0 : i32
      %dma_wait3A_1506 = tpu.memref_slice %arg3[%dma_wait3A_1504, %dma_wait3A_1505] : memref<64x1000000xf32, #tpu.memory_space<hbm>> -> memref<64x128xf32, #tpu.memory_space<hbm>>
      %dma_wait3A_1507 = tpu.memref_slice %arg10[%dma_wait3A_1500] : memref<8x!tpu.dma_semaphore, #tpu.memory_space<semaphore_mem>> -> memref<1x!tpu.dma_semaphore, #tpu.memory_space<semaphore_mem>>
      %dma_wait3A_1508 = tpu.memref_squeeze %dma_wait3A_1507 : memref<1x!tpu.dma_semaphore, #tpu.memory_space<semaphore_mem>> -> memref<!tpu.dma_semaphore, #tpu.memory_space<semaphore_mem>>
      %dma_wait3A_1509 = arith.constant 448 : i32
      %dma_wait3A_1510 = arith.constant 0 : i32
      %dma_wait3A_1511 = tpu.memref_slice %arg7[%dma_wait3A_1509, %dma_wait3A_1510] : memref<512x128xf32, #tpu.memory_space<vmem>> -> memref<64x128xf32, #tpu.memory_space<vmem>>
      %dma_wait3A_1512 = arith.constant 0 : i32
      %dma_wait3A_1513 = arith.constant 0 : i32
      %dma_wait3A_1514 = tpu.memref_slice %arg3[%dma_wait3A_1512, %dma_wait3A_1513] : memref<64x1000000xf32, #tpu.memory_space<hbm>> -> memref<64x128xf32, #tpu.memory_space<hbm>>
      tpu.wait_dma2 semaphore(%dma_wait3A_1508 : memref<!tpu.dma_semaphore, #tpu.memory_space<semaphore_mem>>) src(%dma_wait3A_1514 : memref<64x128xf32, #tpu.memory_space<hbm>>) dst(%dma_wait3A_1511 : memref<64x128xf32, #tpu.memory_space<vmem>>)
      %slice3A_1515 = vector.extract_strided_slice %get3A_379 {offsets = [7], sizes = [1], strides = [1]} : vector<16xi32> to vector<1xi32>
      %squeeze3A_1516 = vector.extract %slice3A_1515[0] : i32 from vector<1xi32>
      %jit3A_1517 = arith.constant 128 : i32
      %eq3A_1518 = arith.constant 0 : i32
      %eq3A_1519 = arith.cmpi eq, %jit3A_1517, %eq3A_1518 : i32
      %jit3A_1520 = arith.constant 1 : i32
      %select_n3A_1521 = arith.select %eq3A_1519, %jit3A_1520, %jit3A_1517 : i32
      %rem3A_1522 = arith.remsi %squeeze3A_1516, %select_n3A_1521 : i32
      %ne3A_1523 = arith.constant 0 : i32
      %ne3A_1524 = arith.cmpi ne, %rem3A_1522, %ne3A_1523 : i32
      %lt3A_1525 = arith.constant 0 : i32
      %lt3A_1526 = arith.cmpi slt, %rem3A_1522, %lt3A_1525 : i32
      %lt3A_1527 = arith.constant 0 : i32
      %lt3A_1528 = arith.cmpi slt, %select_n3A_1521, %lt3A_1527 : i32
      %ne3A_1529 = arith.xori %lt3A_1526, %lt3A_1528 : i1
      %and3A_1530 = arith.andi %ne3A_1529, %ne3A_1524 : i1
      %add3A_1531 = arith.addi %rem3A_1522, %select_n3A_1521 : i32
      %select_n3A_1532 = arith.select %and3A_1530, %add3A_1531, %rem3A_1522 : i32
      %add3A_1533 = vector.broadcast %select_n3A_1532 : i32 to vector<16xi32>
      %add3A_1534 = arith.addi %add3A_1533, %broadcast_in_dim3A_14 : vector<16xi32>
      %slice3A_1535 = vector.extract_strided_slice %select_n3A_393 {offsets = [7], sizes = [1], strides = [1]} : vector<16xf32> to vector<1xf32>
      %squeeze3A_1536 = vector.extract %slice3A_1535[0] : f32 from vector<1xf32>
      %add3A_1537 = arith.constant 448 : i32
      %add3A_1538 = vector.broadcast %add3A_1537 : i32 to vector<16xi32>
      %add3A_1539 = arith.addi %add3A_1538, %iota3A : vector<16xi32>
      %gather3A_1540 = tpu.vector_load_idx %arg7[%add3A_1539, %add3A_1534] : memref<512x128xf32, #tpu.memory_space<vmem>>[vector<16xi32>, vector<16xi32>], vector<16xf32>,
      %mul3A_1541 = vector.broadcast %squeeze3A_1536 : f32 to vector<16xf32>
      %mul3A_1542 = arith.mulf %gather3A_1540, %mul3A_1541 : vector<16xf32>
      %mul3A_1543 = arith.constant 16 : i32
      %mul3A_1544 = arith.muli %scan3A_374, %mul3A_1543 : i32
      %add3A_1545 = arith.constant 7 : i32
      %add3A_1546 = arith.addi %mul3A_1544, %add3A_1545 : i32
      %get3A_1547 = arith.index_cast %add3A_1546 : i32 to index
      %get3A_1548 = arith.constant 0 : index
      %get3A_1549 = tpu.vector_load %arg9[%get3A_1547, %get3A_1548] {strides = array<i32>} : memref<256x64xf32, #tpu.memory_space<vmem>>, vector<16xf32>,
      %add3A_1550 = arith.addf %mul3A_1542, %get3A_1549 : vector<16xf32>
      %add3A_1551 = arith.constant 7 : i32
      %add3A_1552 = arith.addi %mul3A_411, %add3A_1551 : i32
      %swap3A_1553 = arith.index_cast %add3A_1552 : i32 to index
      %swap3A_1554 = arith.constant 0 : index
      %swap3A_1555 = tpu.vector_load %arg8[%swap3A_1553, %swap3A_1554] {strides = array<i32>} : memref<32x64xf32, #tpu.memory_space<vmem>>, vector<16xf32>,
      tpu.vector_store %arg8[%swap3A_1553, %swap3A_1554], %add3A_1550 {strides = array<i32>} : memref<32x64xf32, #tpu.memory_space<vmem>>, vector<16xf32>,
      %add3A_1556 = arith.constant 464 : i32
      %add3A_1557 = vector.broadcast %add3A_1556 : i32 to vector<16xi32>
      %add3A_1558 = arith.addi %add3A_1557, %iota3A : vector<16xi32>
      %gather3A_1559 = tpu.vector_load_idx %arg7[%add3A_1558, %add3A_1534] : memref<512x128xf32, #tpu.memory_space<vmem>>[vector<16xi32>, vector<16xi32>], vector<16xf32>,
      %mul3A_1560 = vector.broadcast %squeeze3A_1536 : f32 to vector<16xf32>
      %mul3A_1561 = arith.mulf %gather3A_1559, %mul3A_1560 : vector<16xf32>
      %mul3A_1562 = arith.constant 16 : i32
      %mul3A_1563 = arith.muli %scan3A_374, %mul3A_1562 : i32
      %add3A_1564 = arith.constant 7 : i32
      %add3A_1565 = arith.addi %mul3A_1563, %add3A_1564 : i32
      %get3A_1566 = arith.index_cast %add3A_1565 : i32 to index
      %get3A_1567 = arith.constant 16 : index
      %get3A_1568 = tpu.vector_load %arg9[%get3A_1566, %get3A_1567] {strides = array<i32>} : memref<256x64xf32, #tpu.memory_space<vmem>>, vector<16xf32>,
      %add3A_1569 = arith.addf %mul3A_1561, %get3A_1568 : vector<16xf32>
      %add3A_1570 = arith.constant 7 : i32
      %add3A_1571 = arith.addi %mul3A_411, %add3A_1570 : i32
      %swap3A_1572 = arith.index_cast %add3A_1571 : i32 to index
      %swap3A_1573 = arith.constant 16 : index
      %swap3A_1574 = tpu.vector_load %arg8[%swap3A_1572, %swap3A_1573] {strides = array<i32>} : memref<32x64xf32, #tpu.memory_space<vmem>>, vector<16xf32>,
      tpu.vector_store %arg8[%swap3A_1572, %swap3A_1573], %add3A_1569 {strides = array<i32>} : memref<32x64xf32, #tpu.memory_space<vmem>>, vector<16xf32>,
      %add3A_1575 = arith.constant 480 : i32
      %add3A_1576 = vector.broadcast %add3A_1575 : i32 to vector<16xi32>
      %add3A_1577 = arith.addi %add3A_1576, %iota3A : vector<16xi32>
      %gather3A_1578 = tpu.vector_load_idx %arg7[%add3A_1577, %add3A_1534] : memref<512x128xf32, #tpu.memory_space<vmem>>[vector<16xi32>, vector<16xi32>], vector<16xf32>,
      %mul3A_1579 = vector.broadcast %squeeze3A_1536 : f32 to vector<16xf32>
      %mul3A_1580 = arith.mulf %gather3A_1578, %mul3A_1579 : vector<16xf32>
      %mul3A_1581 = arith.constant 16 : i32
      %mul3A_1582 = arith.muli %scan3A_374, %mul3A_1581 : i32
      %add3A_1583 = arith.constant 7 : i32
      %add3A_1584 = arith.addi %mul3A_1582, %add3A_1583 : i32
      %get3A_1585 = arith.index_cast %add3A_1584 : i32 to index
      %get3A_1586 = arith.constant 32 : index
      %get3A_1587 = tpu.vector_load %arg9[%get3A_1585, %get3A_1586] {strides = array<i32>} : memref<256x64xf32, #tpu.memory_space<vmem>>, vector<16xf32>,
      %add3A_1588 = arith.addf %mul3A_1580, %get3A_1587 : vector<16xf32>
      %add3A_1589 = arith.constant 7 : i32
      %add3A_1590 = arith.addi %mul3A_411, %add3A_1589 : i32
      %swap3A_1591 = arith.index_cast %add3A_1590 : i32 to index
      %swap3A_1592 = arith.constant 32 : index
      %swap3A_1593 = tpu.vector_load %arg8[%swap3A_1591, %swap3A_1592] {strides = array<i32>} : memref<32x64xf32, #tpu.memory_space<vmem>>, vector<16xf32>,
      tpu.vector_store %arg8[%swap3A_1591, %swap3A_1592], %add3A_1588 {strides = array<i32>} : memref<32x64xf32, #tpu.memory_space<vmem>>, vector<16xf32>,
      %add3A_1594 = arith.constant 496 : i32
      %add3A_1595 = vector.broadcast %add3A_1594 : i32 to vector<16xi32>
      %add3A_1596 = arith.addi %add3A_1595, %iota3A : vector<16xi32>
      %gather3A_1597 = tpu.vector_load_idx %arg7[%add3A_1596, %add3A_1534] : memref<512x128xf32, #tpu.memory_space<vmem>>[vector<16xi32>, vector<16xi32>], vector<16xf32>,
      %mul3A_1598 = vector.broadcast %squeeze3A_1536 : f32 to vector<16xf32>
      %mul3A_1599 = arith.mulf %gather3A_1597, %mul3A_1598 : vector<16xf32>
      %mul3A_1600 = arith.constant 16 : i32
      %mul3A_1601 = arith.muli %scan3A_374, %mul3A_1600 : i32
      %add3A_1602 = arith.constant 7 : i32
      %add3A_1603 = arith.addi %mul3A_1601, %add3A_1602 : i32
      %get3A_1604 = arith.index_cast %add3A_1603 : i32 to index
      %get3A_1605 = arith.constant 48 : index
      %get3A_1606 = tpu.vector_load %arg9[%get3A_1604, %get3A_1605] {strides = array<i32>} : memref<256x64xf32, #tpu.memory_space<vmem>>, vector<16xf32>,
      %add3A_1607 = arith.addf %mul3A_1599, %get3A_1606 : vector<16xf32>
      %add3A_1608 = arith.constant 7 : i32
      %add3A_1609 = arith.addi %mul3A_411, %add3A_1608 : i32
      %swap3A_1610 = arith.index_cast %add3A_1609 : i32 to index
      %swap3A_1611 = arith.constant 48 : index
      %swap3A_1612 = tpu.vector_load %arg8[%swap3A_1610, %swap3A_1611] {strides = array<i32>} : memref<32x64xf32, #tpu.memory_space<vmem>>, vector<16xf32>,
      tpu.vector_store %arg8[%swap3A_1610, %swap3A_1611], %add3A_1607 {strides = array<i32>} : memref<32x64xf32, #tpu.memory_space<vmem>>, vector<16xf32>,
      %slice3A_1613 = vector.extract_strided_slice %get3A_379 {offsets = [15], sizes = [1], strides = [1]} : vector<16xi32> to vector<1xi32>
      %squeeze3A_1614 = vector.extract %slice3A_1613[0] : i32 from vector<1xi32>
      %jit3A_1615 = arith.constant 128 : i32
      %div3A_1616 = arith.divsi %squeeze3A_1614, %jit3A_1615 : i32
      %sign3A_1617 = arith.constant 0 : i32
      %sign3A_1618 = arith.cmpi sgt, %squeeze3A_1614, %sign3A_1617 : i32
      %sign3A_1619 = arith.extui %sign3A_1618 : i1 to i32
      %sign3A_1620 = arith.constant 0 : i32
      %sign3A_1621 = arith.cmpi slt, %squeeze3A_1614, %sign3A_1620 : i32
      %sign3A_1622 = arith.extui %sign3A_1621 : i1 to i32
      %sign3A_1623 = arith.subi %sign3A_1619, %sign3A_1622 : i32
      %sign3A_1624 = arith.constant 0 : i32
      %sign3A_1625 = arith.cmpi sgt, %jit3A_1615, %sign3A_1624 : i32
      %sign3A_1626 = arith.extui %sign3A_1625 : i1 to i32
      %sign3A_1627 = arith.constant 0 : i32
      %sign3A_1628 = arith.cmpi slt, %jit3A_1615, %sign3A_1627 : i32
      %sign3A_1629 = arith.extui %sign3A_1628 : i1 to i32
      %sign3A_1630 = arith.subi %sign3A_1626, %sign3A_1629 : i32
      %ne3A_1631 = arith.cmpi ne, %sign3A_1623, %sign3A_1630 : i32
      %rem3A_1632 = arith.remsi %squeeze3A_1614, %jit3A_1615 : i32
      %ne3A_1633 = arith.constant 0 : i32
      %ne3A_1634 = arith.cmpi ne, %rem3A_1632, %ne3A_1633 : i32
      %and3A_1635 = arith.andi %ne3A_1631, %ne3A_1634 : i1
      %sub3A_1636 = arith.constant 1 : i32
      %sub3A_1637 = arith.subi %div3A_1616, %sub3A_1636 : i32
      %select_n3A_1638 = arith.select %and3A_1635, %sub3A_1637, %div3A_1616 : i32
      %mul3A_1639 = arith.constant 128 : i32
      %mul3A_1640 = arith.muli %select_n3A_1638, %mul3A_1639 : i32
      %multiple_of3A_1641 = tpu.assume_multiple %mul3A_1640, 128 : i32
      %dma_start3A_1642 = arith.constant 7 : i32
      %dma_start3A_1643 = arith.constant 448 : i32
      %dma_start3A_1644 = arith.constant 0 : i32
      %dma_start3A_1645 = tpu.memref_slice %arg7[%dma_start3A_1643, %dma_start3A_1644] : memref<512x128xf32, #tpu.memory_space<vmem>> -> memref<64x128xf32, #tpu.memory_space<vmem>>
      %dma_start3A_1646 = arith.constant 0 : i32
      %dma_start3A_1647 = tpu.memref_slice %arg3[%dma_start3A_1646, %multiple_of3A_1641] : memref<64x1000000xf32, #tpu.memory_space<hbm>> -> memref<64x128xf32, #tpu.memory_space<hbm>>
      %dma_start3A_1648 = tpu.memref_slice %arg10[%dma_start3A_1642] : memref<8x!tpu.dma_semaphore, #tpu.memory_space<semaphore_mem>> -> memref<1x!tpu.dma_semaphore, #tpu.memory_space<semaphore_mem>>
      %dma_start3A_1649 = tpu.memref_squeeze %dma_start3A_1648 : memref<1x!tpu.dma_semaphore, #tpu.memory_space<semaphore_mem>> -> memref<!tpu.dma_semaphore, #tpu.memory_space<semaphore_mem>>
      %dma_start3A_1650 = arith.constant 448 : i32
      %dma_start3A_1651 = arith.constant 0 : i32
      %dma_start3A_1652 = tpu.memref_slice %arg7[%dma_start3A_1650, %dma_start3A_1651] : memref<512x128xf32, #tpu.memory_space<vmem>> -> memref<64x128xf32, #tpu.memory_space<vmem>>
      %dma_start3A_1653 = arith.constant 0 : i32
      %dma_start3A_1654 = tpu.memref_slice %arg3[%dma_start3A_1653, %multiple_of3A_1641] : memref<64x1000000xf32, #tpu.memory_space<hbm>> -> memref<64x128xf32, #tpu.memory_space<hbm>>
      tpu.enqueue_dma source(%dma_start3A_1654 : memref<64x128xf32, #tpu.memory_space<hbm>>) target(%dma_start3A_1652 : memref<64x128xf32, #tpu.memory_space<vmem>>) target_semaphore(%dma_start3A_1649 : memref<!tpu.dma_semaphore, #tpu.memory_space<semaphore_mem>>)
      %dma_wait3A_1655 = arith.constant 0 : i32
      %dma_wait3A_1656 = arith.constant 0 : i32
      %dma_wait3A_1657 = arith.constant 0 : i32
      %dma_wait3A_1658 = tpu.memref_slice %arg7[%dma_wait3A_1656, %dma_wait3A_1657] : memref<512x128xf32, #tpu.memory_space<vmem>> -> memref<64x128xf32, #tpu.memory_space<vmem>>
      %dma_wait3A_1659 = arith.constant 0 : i32
      %dma_wait3A_1660 = arith.constant 0 : i32
      %dma_wait3A_1661 = tpu.memref_slice %arg3[%dma_wait3A_1659, %dma_wait3A_1660] : memref<64x1000000xf32, #tpu.memory_space<hbm>> -> memref<64x128xf32, #tpu.memory_space<hbm>>
      %dma_wait3A_1662 = tpu.memref_slice %arg10[%dma_wait3A_1655] : memref<8x!tpu.dma_semaphore, #tpu.memory_space<semaphore_mem>> -> memref<1x!tpu.dma_semaphore, #tpu.memory_space<semaphore_mem>>
      %dma_wait3A_1663 = tpu.memref_squeeze %dma_wait3A_1662 : memref<1x!tpu.dma_semaphore, #tpu.memory_space<semaphore_mem>> -> memref<!tpu.dma_semaphore, #tpu.memory_space<semaphore_mem>>
      %dma_wait3A_1664 = arith.constant 0 : i32
      %dma_wait3A_1665 = arith.constant 0 : i32
      %dma_wait3A_1666 = tpu.memref_slice %arg7[%dma_wait3A_1664, %dma_wait3A_1665] : memref<512x128xf32, #tpu.memory_space<vmem>> -> memref<64x128xf32, #tpu.memory_space<vmem>>
      %dma_wait3A_1667 = arith.constant 0 : i32
      %dma_wait3A_1668 = arith.constant 0 : i32
      %dma_wait3A_1669 = tpu.memref_slice %arg3[%dma_wait3A_1667, %dma_wait3A_1668] : memref<64x1000000xf32, #tpu.memory_space<hbm>> -> memref<64x128xf32, #tpu.memory_space<hbm>>
      tpu.wait_dma2 semaphore(%dma_wait3A_1663 : memref<!tpu.dma_semaphore, #tpu.memory_space<semaphore_mem>>) src(%dma_wait3A_1669 : memref<64x128xf32, #tpu.memory_space<hbm>>) dst(%dma_wait3A_1666 : memref<64x128xf32, #tpu.memory_space<vmem>>)
      %slice3A_1670 = vector.extract_strided_slice %get3A_379 {offsets = [8], sizes = [1], strides = [1]} : vector<16xi32> to vector<1xi32>
      %squeeze3A_1671 = vector.extract %slice3A_1670[0] : i32 from vector<1xi32>
      %jit3A_1672 = arith.constant 128 : i32
      %eq3A_1673 = arith.constant 0 : i32
      %eq3A_1674 = arith.cmpi eq, %jit3A_1672, %eq3A_1673 : i32
      %jit3A_1675 = arith.constant 1 : i32
      %select_n3A_1676 = arith.select %eq3A_1674, %jit3A_1675, %jit3A_1672 : i32
      %rem3A_1677 = arith.remsi %squeeze3A_1671, %select_n3A_1676 : i32
      %ne3A_1678 = arith.constant 0 : i32
      %ne3A_1679 = arith.cmpi ne, %rem3A_1677, %ne3A_1678 : i32
      %lt3A_1680 = arith.constant 0 : i32
      %lt3A_1681 = arith.cmpi slt, %rem3A_1677, %lt3A_1680 : i32
      %lt3A_1682 = arith.constant 0 : i32
      %lt3A_1683 = arith.cmpi slt, %select_n3A_1676, %lt3A_1682 : i32
      %ne3A_1684 = arith.xori %lt3A_1681, %lt3A_1683 : i1
      %and3A_1685 = arith.andi %ne3A_1684, %ne3A_1679 : i1
      %add3A_1686 = arith.addi %rem3A_1677, %select_n3A_1676 : i32
      %select_n3A_1687 = arith.select %and3A_1685, %add3A_1686, %rem3A_1677 : i32
      %add3A_1688 = vector.broadcast %select_n3A_1687 : i32 to vector<16xi32>
      %add3A_1689 = arith.addi %add3A_1688, %broadcast_in_dim3A_14 : vector<16xi32>
      %slice3A_1690 = vector.extract_strided_slice %select_n3A_393 {offsets = [8], sizes = [1], strides = [1]} : vector<16xf32> to vector<1xf32>
      %squeeze3A_1691 = vector.extract %slice3A_1690[0] : f32 from vector<1xf32>
      %add3A_1692 = arith.constant 0 : i32
      %add3A_1693 = vector.broadcast %add3A_1692 : i32 to vector<16xi32>
      %add3A_1694 = arith.addi %add3A_1693, %iota3A : vector<16xi32>
      %gather3A_1695 = tpu.vector_load_idx %arg7[%add3A_1694, %add3A_1689] : memref<512x128xf32, #tpu.memory_space<vmem>>[vector<16xi32>, vector<16xi32>], vector<16xf32>,
      %mul3A_1696 = vector.broadcast %squeeze3A_1691 : f32 to vector<16xf32>
      %mul3A_1697 = arith.mulf %gather3A_1695, %mul3A_1696 : vector<16xf32>
      %mul3A_1698 = arith.constant 16 : i32
      %mul3A_1699 = arith.muli %scan3A_374, %mul3A_1698 : i32
      %add3A_1700 = arith.constant 8 : i32
      %add3A_1701 = arith.addi %mul3A_1699, %add3A_1700 : i32
      %get3A_1702 = arith.index_cast %add3A_1701 : i32 to index
      %get3A_1703 = arith.constant 0 : index
      %get3A_1704 = tpu.vector_load %arg9[%get3A_1702, %get3A_1703] {strides = array<i32>} : memref<256x64xf32, #tpu.memory_space<vmem>>, vector<16xf32>,
      %add3A_1705 = arith.addf %mul3A_1697, %get3A_1704 : vector<16xf32>
      %add3A_1706 = arith.constant 8 : i32
      %add3A_1707 = arith.addi %mul3A_411, %add3A_1706 : i32
      %swap3A_1708 = arith.index_cast %add3A_1707 : i32 to index
      %swap3A_1709 = arith.constant 0 : index
      %swap3A_1710 = tpu.vector_load %arg8[%swap3A_1708, %swap3A_1709] {strides = array<i32>} : memref<32x64xf32, #tpu.memory_space<vmem>>, vector<16xf32>,
      tpu.vector_store %arg8[%swap3A_1708, %swap3A_1709], %add3A_1705 {strides = array<i32>} : memref<32x64xf32, #tpu.memory_space<vmem>>, vector<16xf32>,
      %add3A_1711 = arith.constant 16 : i32
      %add3A_1712 = vector.broadcast %add3A_1711 : i32 to vector<16xi32>
      %add3A_1713 = arith.addi %add3A_1712, %iota3A : vector<16xi32>
      %gather3A_1714 = tpu.vector_load_idx %arg7[%add3A_1713, %add3A_1689] : memref<512x128xf32, #tpu.memory_space<vmem>>[vector<16xi32>, vector<16xi32>], vector<16xf32>,
      %mul3A_1715 = vector.broadcast %squeeze3A_1691 : f32 to vector<16xf32>
      %mul3A_1716 = arith.mulf %gather3A_1714, %mul3A_1715 : vector<16xf32>
      %mul3A_1717 = arith.constant 16 : i32
      %mul3A_1718 = arith.muli %scan3A_374, %mul3A_1717 : i32
      %add3A_1719 = arith.constant 8 : i32
      %add3A_1720 = arith.addi %mul3A_1718, %add3A_1719 : i32
      %get3A_1721 = arith.index_cast %add3A_1720 : i32 to index
      %get3A_1722 = arith.constant 16 : index
      %get3A_1723 = tpu.vector_load %arg9[%get3A_1721, %get3A_1722] {strides = array<i32>} : memref<256x64xf32, #tpu.memory_space<vmem>>, vector<16xf32>,
      %add3A_1724 = arith.addf %mul3A_1716, %get3A_1723 : vector<16xf32>
      %add3A_1725 = arith.constant 8 : i32
      %add3A_1726 = arith.addi %mul3A_411, %add3A_1725 : i32
      %swap3A_1727 = arith.index_cast %add3A_1726 : i32 to index
      %swap3A_1728 = arith.constant 16 : index
      %swap3A_1729 = tpu.vector_load %arg8[%swap3A_1727, %swap3A_1728] {strides = array<i32>} : memref<32x64xf32, #tpu.memory_space<vmem>>, vector<16xf32>,
      tpu.vector_store %arg8[%swap3A_1727, %swap3A_1728], %add3A_1724 {strides = array<i32>} : memref<32x64xf32, #tpu.memory_space<vmem>>, vector<16xf32>,
      %add3A_1730 = arith.constant 32 : i32
      %add3A_1731 = vector.broadcast %add3A_1730 : i32 to vector<16xi32>
      %add3A_1732 = arith.addi %add3A_1731, %iota3A : vector<16xi32>
      %gather3A_1733 = tpu.vector_load_idx %arg7[%add3A_1732, %add3A_1689] : memref<512x128xf32, #tpu.memory_space<vmem>>[vector<16xi32>, vector<16xi32>], vector<16xf32>,
      %mul3A_1734 = vector.broadcast %squeeze3A_1691 : f32 to vector<16xf32>
      %mul3A_1735 = arith.mulf %gather3A_1733, %mul3A_1734 : vector<16xf32>
      %mul3A_1736 = arith.constant 16 : i32
      %mul3A_1737 = arith.muli %scan3A_374, %mul3A_1736 : i32
      %add3A_1738 = arith.constant 8 : i32
      %add3A_1739 = arith.addi %mul3A_1737, %add3A_1738 : i32
      %get3A_1740 = arith.index_cast %add3A_1739 : i32 to index
      %get3A_1741 = arith.constant 32 : index
      %get3A_1742 = tpu.vector_load %arg9[%get3A_1740, %get3A_1741] {strides = array<i32>} : memref<256x64xf32, #tpu.memory_space<vmem>>, vector<16xf32>,
      %add3A_1743 = arith.addf %mul3A_1735, %get3A_1742 : vector<16xf32>
      %add3A_1744 = arith.constant 8 : i32
      %add3A_1745 = arith.addi %mul3A_411, %add3A_1744 : i32
      %swap3A_1746 = arith.index_cast %add3A_1745 : i32 to index
      %swap3A_1747 = arith.constant 32 : index
      %swap3A_1748 = tpu.vector_load %arg8[%swap3A_1746, %swap3A_1747] {strides = array<i32>} : memref<32x64xf32, #tpu.memory_space<vmem>>, vector<16xf32>,
      tpu.vector_store %arg8[%swap3A_1746, %swap3A_1747], %add3A_1743 {strides = array<i32>} : memref<32x64xf32, #tpu.memory_space<vmem>>, vector<16xf32>,
      %add3A_1749 = arith.constant 48 : i32
      %add3A_1750 = vector.broadcast %add3A_1749 : i32 to vector<16xi32>
      %add3A_1751 = arith.addi %add3A_1750, %iota3A : vector<16xi32>
      %gather3A_1752 = tpu.vector_load_idx %arg7[%add3A_1751, %add3A_1689] : memref<512x128xf32, #tpu.memory_space<vmem>>[vector<16xi32>, vector<16xi32>], vector<16xf32>,
      %mul3A_1753 = vector.broadcast %squeeze3A_1691 : f32 to vector<16xf32>
      %mul3A_1754 = arith.mulf %gather3A_1752, %mul3A_1753 : vector<16xf32>
      %mul3A_1755 = arith.constant 16 : i32
      %mul3A_1756 = arith.muli %scan3A_374, %mul3A_1755 : i32
      %add3A_1757 = arith.constant 8 : i32
      %add3A_1758 = arith.addi %mul3A_1756, %add3A_1757 : i32
      %get3A_1759 = arith.index_cast %add3A_1758 : i32 to index
      %get3A_1760 = arith.constant 48 : index
      %get3A_1761 = tpu.vector_load %arg9[%get3A_1759, %get3A_1760] {strides = array<i32>} : memref<256x64xf32, #tpu.memory_space<vmem>>, vector<16xf32>,
      %add3A_1762 = arith.addf %mul3A_1754, %get3A_1761 : vector<16xf32>
      %add3A_1763 = arith.constant 8 : i32
      %add3A_1764 = arith.addi %mul3A_411, %add3A_1763 : i32
      %swap3A_1765 = arith.index_cast %add3A_1764 : i32 to index
      %swap3A_1766 = arith.constant 48 : index
      %swap3A_1767 = tpu.vector_load %arg8[%swap3A_1765, %swap3A_1766] {strides = array<i32>} : memref<32x64xf32, #tpu.memory_space<vmem>>, vector<16xf32>,
      tpu.vector_store %arg8[%swap3A_1765, %swap3A_1766], %add3A_1762 {strides = array<i32>} : memref<32x64xf32, #tpu.memory_space<vmem>>, vector<16xf32>,
      %slice3A_1768 = vector.extract_strided_slice %get3A_385 {offsets = [0], sizes = [1], strides = [1]} : vector<16xi32> to vector<1xi32>
      %squeeze3A_1769 = vector.extract %slice3A_1768[0] : i32 from vector<1xi32>
      %lt3A_1770 = arith.constant 15 : i32
      %lt3A_1771 = arith.cmpi slt, %scan3A_374, %lt3A_1770 : i32
      %convert_element_type3A_1772 = arith.extui %lt3A_1771 : i1 to i32
      %cond3A_1773 = arith.constant 0 : i32
      %cond3A_1774 = arith.cmpi ne, %convert_element_type3A_1772, %cond3A_1773 : i32
      scf.if %cond3A_1774 {
        %jit3A_2627 = arith.constant 128 : i32
        %div3A_2628 = arith.divsi %squeeze3A_1769, %jit3A_2627 : i32
        %sign3A_2629 = arith.constant 0 : i32
        %sign3A_2630 = arith.cmpi sgt, %squeeze3A_1769, %sign3A_2629 : i32
        %sign3A_2631 = arith.extui %sign3A_2630 : i1 to i32
        %sign3A_2632 = arith.constant 0 : i32
        %sign3A_2633 = arith.cmpi slt, %squeeze3A_1769, %sign3A_2632 : i32
        %sign3A_2634 = arith.extui %sign3A_2633 : i1 to i32
        %sign3A_2635 = arith.subi %sign3A_2631, %sign3A_2634 : i32
        %sign3A_2636 = arith.constant 0 : i32
        %sign3A_2637 = arith.cmpi sgt, %jit3A_2627, %sign3A_2636 : i32
        %sign3A_2638 = arith.extui %sign3A_2637 : i1 to i32
        %sign3A_2639 = arith.constant 0 : i32
        %sign3A_2640 = arith.cmpi slt, %jit3A_2627, %sign3A_2639 : i32
        %sign3A_2641 = arith.extui %sign3A_2640 : i1 to i32
        %sign3A_2642 = arith.subi %sign3A_2638, %sign3A_2641 : i32
        %ne3A_2643 = arith.cmpi ne, %sign3A_2635, %sign3A_2642 : i32
        %rem3A_2644 = arith.remsi %squeeze3A_1769, %jit3A_2627 : i32
        %ne3A_2645 = arith.constant 0 : i32
        %ne3A_2646 = arith.cmpi ne, %rem3A_2644, %ne3A_2645 : i32
        %and3A_2647 = arith.andi %ne3A_2643, %ne3A_2646 : i1
        %sub3A_2648 = arith.constant 1 : i32
        %sub3A_2649 = arith.subi %div3A_2628, %sub3A_2648 : i32
        %select_n3A_2650 = arith.select %and3A_2647, %sub3A_2649, %div3A_2628 : i32
        %mul3A_2651 = arith.constant 128 : i32
        %mul3A_2652 = arith.muli %select_n3A_2650, %mul3A_2651 : i32
        %multiple_of3A_2653 = tpu.assume_multiple %mul3A_2652, 128 : i32
        %dma_start3A_2654 = arith.constant 0 : i32
        %dma_start3A_2655 = arith.constant 0 : i32
        %dma_start3A_2656 = arith.constant 0 : i32
        %dma_start3A_2657 = tpu.memref_slice %arg7[%dma_start3A_2655, %dma_start3A_2656] : memref<512x128xf32, #tpu.memory_space<vmem>> -> memref<64x128xf32, #tpu.memory_space<vmem>>
        %dma_start3A_2658 = arith.constant 0 : i32
        %dma_start3A_2659 = tpu.memref_slice %arg3[%dma_start3A_2658, %multiple_of3A_2653] : memref<64x1000000xf32, #tpu.memory_space<hbm>> -> memref<64x128xf32, #tpu.memory_space<hbm>>
        %dma_start3A_2660 = tpu.memref_slice %arg10[%dma_start3A_2654] : memref<8x!tpu.dma_semaphore, #tpu.memory_space<semaphore_mem>> -> memref<1x!tpu.dma_semaphore, #tpu.memory_space<semaphore_mem>>
        %dma_start3A_2661 = tpu.memref_squeeze %dma_start3A_2660 : memref<1x!tpu.dma_semaphore, #tpu.memory_space<semaphore_mem>> -> memref<!tpu.dma_semaphore, #tpu.memory_space<semaphore_mem>>
        %dma_start3A_2662 = arith.constant 0 : i32
        %dma_start3A_2663 = arith.constant 0 : i32
        %dma_start3A_2664 = tpu.memref_slice %arg7[%dma_start3A_2662, %dma_start3A_2663] : memref<512x128xf32, #tpu.memory_space<vmem>> -> memref<64x128xf32, #tpu.memory_space<vmem>>
        %dma_start3A_2665 = arith.constant 0 : i32
        %dma_start3A_2666 = tpu.memref_slice %arg3[%dma_start3A_2665, %multiple_of3A_2653] : memref<64x1000000xf32, #tpu.memory_space<hbm>> -> memref<64x128xf32, #tpu.memory_space<hbm>>
        tpu.enqueue_dma source(%dma_start3A_2666 : memref<64x128xf32, #tpu.memory_space<hbm>>) target(%dma_start3A_2664 : memref<64x128xf32, #tpu.memory_space<vmem>>) target_semaphore(%dma_start3A_2661 : memref<!tpu.dma_semaphore, #tpu.memory_space<semaphore_mem>>)
      } else {
      }
      %dma_wait3A_1775 = arith.constant 1 : i32
      %dma_wait3A_1776 = arith.constant 64 : i32
      %dma_wait3A_1777 = arith.constant 0 : i32
      %dma_wait3A_1778 = tpu.memref_slice %arg7[%dma_wait3A_1776, %dma_wait3A_1777] : memref<512x128xf32, #tpu.memory_space<vmem>> -> memref<64x128xf32, #tpu.memory_space<vmem>>
      %dma_wait3A_1779 = arith.constant 0 : i32
      %dma_wait3A_1780 = arith.constant 0 : i32
      %dma_wait3A_1781 = tpu.memref_slice %arg3[%dma_wait3A_1779, %dma_wait3A_1780] : memref<64x1000000xf32, #tpu.memory_space<hbm>> -> memref<64x128xf32, #tpu.memory_space<hbm>>
      %dma_wait3A_1782 = tpu.memref_slice %arg10[%dma_wait3A_1775] : memref<8x!tpu.dma_semaphore, #tpu.memory_space<semaphore_mem>> -> memref<1x!tpu.dma_semaphore, #tpu.memory_space<semaphore_mem>>
      %dma_wait3A_1783 = tpu.memref_squeeze %dma_wait3A_1782 : memref<1x!tpu.dma_semaphore, #tpu.memory_space<semaphore_mem>> -> memref<!tpu.dma_semaphore, #tpu.memory_space<semaphore_mem>>
      %dma_wait3A_1784 = arith.constant 64 : i32
      %dma_wait3A_1785 = arith.constant 0 : i32
      %dma_wait3A_1786 = tpu.memref_slice %arg7[%dma_wait3A_1784, %dma_wait3A_1785] : memref<512x128xf32, #tpu.memory_space<vmem>> -> memref<64x128xf32, #tpu.memory_space<vmem>>
      %dma_wait3A_1787 = arith.constant 0 : i32
      %dma_wait3A_1788 = arith.constant 0 : i32
      %dma_wait3A_1789 = tpu.memref_slice %arg3[%dma_wait3A_1787, %dma_wait3A_1788] : memref<64x1000000xf32, #tpu.memory_space<hbm>> -> memref<64x128xf32, #tpu.memory_space<hbm>>
      tpu.wait_dma2 semaphore(%dma_wait3A_1783 : memref<!tpu.dma_semaphore, #tpu.memory_space<semaphore_mem>>) src(%dma_wait3A_1789 : memref<64x128xf32, #tpu.memory_space<hbm>>) dst(%dma_wait3A_1786 : memref<64x128xf32, #tpu.memory_space<vmem>>)
      %slice3A_1790 = vector.extract_strided_slice %get3A_379 {offsets = [9], sizes = [1], strides = [1]} : vector<16xi32> to vector<1xi32>
      %squeeze3A_1791 = vector.extract %slice3A_1790[0] : i32 from vector<1xi32>
      %jit3A_1792 = arith.constant 128 : i32
      %eq3A_1793 = arith.constant 0 : i32
      %eq3A_1794 = arith.cmpi eq, %jit3A_1792, %eq3A_1793 : i32
      %jit3A_1795 = arith.constant 1 : i32
      %select_n3A_1796 = arith.select %eq3A_1794, %jit3A_1795, %jit3A_1792 : i32
      %rem3A_1797 = arith.remsi %squeeze3A_1791, %select_n3A_1796 : i32
      %ne3A_1798 = arith.constant 0 : i32
      %ne3A_1799 = arith.cmpi ne, %rem3A_1797, %ne3A_1798 : i32
      %lt3A_1800 = arith.constant 0 : i32
      %lt3A_1801 = arith.cmpi slt, %rem3A_1797, %lt3A_1800 : i32
      %lt3A_1802 = arith.constant 0 : i32
      %lt3A_1803 = arith.cmpi slt, %select_n3A_1796, %lt3A_1802 : i32
      %ne3A_1804 = arith.xori %lt3A_1801, %lt3A_1803 : i1
      %and3A_1805 = arith.andi %ne3A_1804, %ne3A_1799 : i1
      %add3A_1806 = arith.addi %rem3A_1797, %select_n3A_1796 : i32
      %select_n3A_1807 = arith.select %and3A_1805, %add3A_1806, %rem3A_1797 : i32
      %add3A_1808 = vector.broadcast %select_n3A_1807 : i32 to vector<16xi32>
      %add3A_1809 = arith.addi %add3A_1808, %broadcast_in_dim3A_14 : vector<16xi32>
      %slice3A_1810 = vector.extract_strided_slice %select_n3A_393 {offsets = [9], sizes = [1], strides = [1]} : vector<16xf32> to vector<1xf32>
      %squeeze3A_1811 = vector.extract %slice3A_1810[0] : f32 from vector<1xf32>
      %add3A_1812 = arith.constant 64 : i32
      %add3A_1813 = vector.broadcast %add3A_1812 : i32 to vector<16xi32>
      %add3A_1814 = arith.addi %add3A_1813, %iota3A : vector<16xi32>
      %gather3A_1815 = tpu.vector_load_idx %arg7[%add3A_1814, %add3A_1809] : memref<512x128xf32, #tpu.memory_space<vmem>>[vector<16xi32>, vector<16xi32>], vector<16xf32>,
      %mul3A_1816 = vector.broadcast %squeeze3A_1811 : f32 to vector<16xf32>
      %mul3A_1817 = arith.mulf %gather3A_1815, %mul3A_1816 : vector<16xf32>
      %mul3A_1818 = arith.constant 16 : i32
      %mul3A_1819 = arith.muli %scan3A_374, %mul3A_1818 : i32
      %add3A_1820 = arith.constant 9 : i32
      %add3A_1821 = arith.addi %mul3A_1819, %add3A_1820 : i32
      %get3A_1822 = arith.index_cast %add3A_1821 : i32 to index
      %get3A_1823 = arith.constant 0 : index
      %get3A_1824 = tpu.vector_load %arg9[%get3A_1822, %get3A_1823] {strides = array<i32>} : memref<256x64xf32, #tpu.memory_space<vmem>>, vector<16xf32>,
      %add3A_1825 = arith.addf %mul3A_1817, %get3A_1824 : vector<16xf32>
      %add3A_1826 = arith.constant 9 : i32
      %add3A_1827 = arith.addi %mul3A_411, %add3A_1826 : i32
      %swap3A_1828 = arith.index_cast %add3A_1827 : i32 to index
      %swap3A_1829 = arith.constant 0 : index
      %swap3A_1830 = tpu.vector_load %arg8[%swap3A_1828, %swap3A_1829] {strides = array<i32>} : memref<32x64xf32, #tpu.memory_space<vmem>>, vector<16xf32>,
      tpu.vector_store %arg8[%swap3A_1828, %swap3A_1829], %add3A_1825 {strides = array<i32>} : memref<32x64xf32, #tpu.memory_space<vmem>>, vector<16xf32>,
      %add3A_1831 = arith.constant 80 : i32
      %add3A_1832 = vector.broadcast %add3A_1831 : i32 to vector<16xi32>
      %add3A_1833 = arith.addi %add3A_1832, %iota3A : vector<16xi32>
      %gather3A_1834 = tpu.vector_load_idx %arg7[%add3A_1833, %add3A_1809] : memref<512x128xf32, #tpu.memory_space<vmem>>[vector<16xi32>, vector<16xi32>], vector<16xf32>,
      %mul3A_1835 = vector.broadcast %squeeze3A_1811 : f32 to vector<16xf32>
      %mul3A_1836 = arith.mulf %gather3A_1834, %mul3A_1835 : vector<16xf32>
      %mul3A_1837 = arith.constant 16 : i32
      %mul3A_1838 = arith.muli %scan3A_374, %mul3A_1837 : i32
      %add3A_1839 = arith.constant 9 : i32
      %add3A_1840 = arith.addi %mul3A_1838, %add3A_1839 : i32
      %get3A_1841 = arith.index_cast %add3A_1840 : i32 to index
      %get3A_1842 = arith.constant 16 : index
      %get3A_1843 = tpu.vector_load %arg9[%get3A_1841, %get3A_1842] {strides = array<i32>} : memref<256x64xf32, #tpu.memory_space<vmem>>, vector<16xf32>,
      %add3A_1844 = arith.addf %mul3A_1836, %get3A_1843 : vector<16xf32>
      %add3A_1845 = arith.constant 9 : i32
      %add3A_1846 = arith.addi %mul3A_411, %add3A_1845 : i32
      %swap3A_1847 = arith.index_cast %add3A_1846 : i32 to index
      %swap3A_1848 = arith.constant 16 : index
      %swap3A_1849 = tpu.vector_load %arg8[%swap3A_1847, %swap3A_1848] {strides = array<i32>} : memref<32x64xf32, #tpu.memory_space<vmem>>, vector<16xf32>,
      tpu.vector_store %arg8[%swap3A_1847, %swap3A_1848], %add3A_1844 {strides = array<i32>} : memref<32x64xf32, #tpu.memory_space<vmem>>, vector<16xf32>,
      %add3A_1850 = arith.constant 96 : i32
      %add3A_1851 = vector.broadcast %add3A_1850 : i32 to vector<16xi32>
      %add3A_1852 = arith.addi %add3A_1851, %iota3A : vector<16xi32>
      %gather3A_1853 = tpu.vector_load_idx %arg7[%add3A_1852, %add3A_1809] : memref<512x128xf32, #tpu.memory_space<vmem>>[vector<16xi32>, vector<16xi32>], vector<16xf32>,
      %mul3A_1854 = vector.broadcast %squeeze3A_1811 : f32 to vector<16xf32>
      %mul3A_1855 = arith.mulf %gather3A_1853, %mul3A_1854 : vector<16xf32>
      %mul3A_1856 = arith.constant 16 : i32
      %mul3A_1857 = arith.muli %scan3A_374, %mul3A_1856 : i32
      %add3A_1858 = arith.constant 9 : i32
      %add3A_1859 = arith.addi %mul3A_1857, %add3A_1858 : i32
      %get3A_1860 = arith.index_cast %add3A_1859 : i32 to index
      %get3A_1861 = arith.constant 32 : index
      %get3A_1862 = tpu.vector_load %arg9[%get3A_1860, %get3A_1861] {strides = array<i32>} : memref<256x64xf32, #tpu.memory_space<vmem>>, vector<16xf32>,
      %add3A_1863 = arith.addf %mul3A_1855, %get3A_1862 : vector<16xf32>
      %add3A_1864 = arith.constant 9 : i32
      %add3A_1865 = arith.addi %mul3A_411, %add3A_1864 : i32
      %swap3A_1866 = arith.index_cast %add3A_1865 : i32 to index
      %swap3A_1867 = arith.constant 32 : index
      %swap3A_1868 = tpu.vector_load %arg8[%swap3A_1866, %swap3A_1867] {strides = array<i32>} : memref<32x64xf32, #tpu.memory_space<vmem>>, vector<16xf32>,
      tpu.vector_store %arg8[%swap3A_1866, %swap3A_1867], %add3A_1863 {strides = array<i32>} : memref<32x64xf32, #tpu.memory_space<vmem>>, vector<16xf32>,
      %add3A_1869 = arith.constant 112 : i32
      %add3A_1870 = vector.broadcast %add3A_1869 : i32 to vector<16xi32>
      %add3A_1871 = arith.addi %add3A_1870, %iota3A : vector<16xi32>
      %gather3A_1872 = tpu.vector_load_idx %arg7[%add3A_1871, %add3A_1809] : memref<512x128xf32, #tpu.memory_space<vmem>>[vector<16xi32>, vector<16xi32>], vector<16xf32>,
      %mul3A_1873 = vector.broadcast %squeeze3A_1811 : f32 to vector<16xf32>
      %mul3A_1874 = arith.mulf %gather3A_1872, %mul3A_1873 : vector<16xf32>
      %mul3A_1875 = arith.constant 16 : i32
      %mul3A_1876 = arith.muli %scan3A_374, %mul3A_1875 : i32
      %add3A_1877 = arith.constant 9 : i32
      %add3A_1878 = arith.addi %mul3A_1876, %add3A_1877 : i32
      %get3A_1879 = arith.index_cast %add3A_1878 : i32 to index
      %get3A_1880 = arith.constant 48 : index
      %get3A_1881 = tpu.vector_load %arg9[%get3A_1879, %get3A_1880] {strides = array<i32>} : memref<256x64xf32, #tpu.memory_space<vmem>>, vector<16xf32>,
      %add3A_1882 = arith.addf %mul3A_1874, %get3A_1881 : vector<16xf32>
      %add3A_1883 = arith.constant 9 : i32
      %add3A_1884 = arith.addi %mul3A_411, %add3A_1883 : i32
      %swap3A_1885 = arith.index_cast %add3A_1884 : i32 to index
      %swap3A_1886 = arith.constant 48 : index
      %swap3A_1887 = tpu.vector_load %arg8[%swap3A_1885, %swap3A_1886] {strides = array<i32>} : memref<32x64xf32, #tpu.memory_space<vmem>>, vector<16xf32>,
      tpu.vector_store %arg8[%swap3A_1885, %swap3A_1886], %add3A_1882 {strides = array<i32>} : memref<32x64xf32, #tpu.memory_space<vmem>>, vector<16xf32>,
      %slice3A_1888 = vector.extract_strided_slice %get3A_385 {offsets = [1], sizes = [1], strides = [1]} : vector<16xi32> to vector<1xi32>
      %squeeze3A_1889 = vector.extract %slice3A_1888[0] : i32 from vector<1xi32>
      %lt3A_1890 = arith.constant 15 : i32
      %lt3A_1891 = arith.cmpi slt, %scan3A_374, %lt3A_1890 : i32
      %convert_element_type3A_1892 = arith.extui %lt3A_1891 : i1 to i32
      %cond3A_1893 = arith.constant 0 : i32
      %cond3A_1894 = arith.cmpi ne, %convert_element_type3A_1892, %cond3A_1893 : i32
      scf.if %cond3A_1894 {
        %jit3A_2627 = arith.constant 128 : i32
        %div3A_2628 = arith.divsi %squeeze3A_1889, %jit3A_2627 : i32
        %sign3A_2629 = arith.constant 0 : i32
        %sign3A_2630 = arith.cmpi sgt, %squeeze3A_1889, %sign3A_2629 : i32
        %sign3A_2631 = arith.extui %sign3A_2630 : i1 to i32
        %sign3A_2632 = arith.constant 0 : i32
        %sign3A_2633 = arith.cmpi slt, %squeeze3A_1889, %sign3A_2632 : i32
        %sign3A_2634 = arith.extui %sign3A_2633 : i1 to i32
        %sign3A_2635 = arith.subi %sign3A_2631, %sign3A_2634 : i32
        %sign3A_2636 = arith.constant 0 : i32
        %sign3A_2637 = arith.cmpi sgt, %jit3A_2627, %sign3A_2636 : i32
        %sign3A_2638 = arith.extui %sign3A_2637 : i1 to i32
        %sign3A_2639 = arith.constant 0 : i32
        %sign3A_2640 = arith.cmpi slt, %jit3A_2627, %sign3A_2639 : i32
        %sign3A_2641 = arith.extui %sign3A_2640 : i1 to i32
        %sign3A_2642 = arith.subi %sign3A_2638, %sign3A_2641 : i32
        %ne3A_2643 = arith.cmpi ne, %sign3A_2635, %sign3A_2642 : i32
        %rem3A_2644 = arith.remsi %squeeze3A_1889, %jit3A_2627 : i32
        %ne3A_2645 = arith.constant 0 : i32
        %ne3A_2646 = arith.cmpi ne, %rem3A_2644, %ne3A_2645 : i32
        %and3A_2647 = arith.andi %ne3A_2643, %ne3A_2646 : i1
        %sub3A_2648 = arith.constant 1 : i32
        %sub3A_2649 = arith.subi %div3A_2628, %sub3A_2648 : i32
        %select_n3A_2650 = arith.select %and3A_2647, %sub3A_2649, %div3A_2628 : i32
        %mul3A_2651 = arith.constant 128 : i32
        %mul3A_2652 = arith.muli %select_n3A_2650, %mul3A_2651 : i32
        %multiple_of3A_2653 = tpu.assume_multiple %mul3A_2652, 128 : i32
        %dma_start3A_2654 = arith.constant 1 : i32
        %dma_start3A_2655 = arith.constant 64 : i32
        %dma_start3A_2656 = arith.constant 0 : i32
        %dma_start3A_2657 = tpu.memref_slice %arg7[%dma_start3A_2655, %dma_start3A_2656] : memref<512x128xf32, #tpu.memory_space<vmem>> -> memref<64x128xf32, #tpu.memory_space<vmem>>
        %dma_start3A_2658 = arith.constant 0 : i32
        %dma_start3A_2659 = tpu.memref_slice %arg3[%dma_start3A_2658, %multiple_of3A_2653] : memref<64x1000000xf32, #tpu.memory_space<hbm>> -> memref<64x128xf32, #tpu.memory_space<hbm>>
        %dma_start3A_2660 = tpu.memref_slice %arg10[%dma_start3A_2654] : memref<8x!tpu.dma_semaphore, #tpu.memory_space<semaphore_mem>> -> memref<1x!tpu.dma_semaphore, #tpu.memory_space<semaphore_mem>>
        %dma_start3A_2661 = tpu.memref_squeeze %dma_start3A_2660 : memref<1x!tpu.dma_semaphore, #tpu.memory_space<semaphore_mem>> -> memref<!tpu.dma_semaphore, #tpu.memory_space<semaphore_mem>>
        %dma_start3A_2662 = arith.constant 64 : i32
        %dma_start3A_2663 = arith.constant 0 : i32
        %dma_start3A_2664 = tpu.memref_slice %arg7[%dma_start3A_2662, %dma_start3A_2663] : memref<512x128xf32, #tpu.memory_space<vmem>> -> memref<64x128xf32, #tpu.memory_space<vmem>>
        %dma_start3A_2665 = arith.constant 0 : i32
        %dma_start3A_2666 = tpu.memref_slice %arg3[%dma_start3A_2665, %multiple_of3A_2653] : memref<64x1000000xf32, #tpu.memory_space<hbm>> -> memref<64x128xf32, #tpu.memory_space<hbm>>
        tpu.enqueue_dma source(%dma_start3A_2666 : memref<64x128xf32, #tpu.memory_space<hbm>>) target(%dma_start3A_2664 : memref<64x128xf32, #tpu.memory_space<vmem>>) target_semaphore(%dma_start3A_2661 : memref<!tpu.dma_semaphore, #tpu.memory_space<semaphore_mem>>)
      } else {
      }
      %dma_wait3A_1895 = arith.constant 2 : i32
      %dma_wait3A_1896 = arith.constant 128 : i32
      %dma_wait3A_1897 = arith.constant 0 : i32
      %dma_wait3A_1898 = tpu.memref_slice %arg7[%dma_wait3A_1896, %dma_wait3A_1897] : memref<512x128xf32, #tpu.memory_space<vmem>> -> memref<64x128xf32, #tpu.memory_space<vmem>>
      %dma_wait3A_1899 = arith.constant 0 : i32
      %dma_wait3A_1900 = arith.constant 0 : i32
      %dma_wait3A_1901 = tpu.memref_slice %arg3[%dma_wait3A_1899, %dma_wait3A_1900] : memref<64x1000000xf32, #tpu.memory_space<hbm>> -> memref<64x128xf32, #tpu.memory_space<hbm>>
      %dma_wait3A_1902 = tpu.memref_slice %arg10[%dma_wait3A_1895] : memref<8x!tpu.dma_semaphore, #tpu.memory_space<semaphore_mem>> -> memref<1x!tpu.dma_semaphore, #tpu.memory_space<semaphore_mem>>
      %dma_wait3A_1903 = tpu.memref_squeeze %dma_wait3A_1902 : memref<1x!tpu.dma_semaphore, #tpu.memory_space<semaphore_mem>> -> memref<!tpu.dma_semaphore, #tpu.memory_space<semaphore_mem>>
      %dma_wait3A_1904 = arith.constant 128 : i32
      %dma_wait3A_1905 = arith.constant 0 : i32
      %dma_wait3A_1906 = tpu.memref_slice %arg7[%dma_wait3A_1904, %dma_wait3A_1905] : memref<512x128xf32, #tpu.memory_space<vmem>> -> memref<64x128xf32, #tpu.memory_space<vmem>>
      %dma_wait3A_1907 = arith.constant 0 : i32
      %dma_wait3A_1908 = arith.constant 0 : i32
      %dma_wait3A_1909 = tpu.memref_slice %arg3[%dma_wait3A_1907, %dma_wait3A_1908] : memref<64x1000000xf32, #tpu.memory_space<hbm>> -> memref<64x128xf32, #tpu.memory_space<hbm>>
      tpu.wait_dma2 semaphore(%dma_wait3A_1903 : memref<!tpu.dma_semaphore, #tpu.memory_space<semaphore_mem>>) src(%dma_wait3A_1909 : memref<64x128xf32, #tpu.memory_space<hbm>>) dst(%dma_wait3A_1906 : memref<64x128xf32, #tpu.memory_space<vmem>>)
      %slice3A_1910 = vector.extract_strided_slice %get3A_379 {offsets = [10], sizes = [1], strides = [1]} : vector<16xi32> to vector<1xi32>
      %squeeze3A_1911 = vector.extract %slice3A_1910[0] : i32 from vector<1xi32>
      %jit3A_1912 = arith.constant 128 : i32
      %eq3A_1913 = arith.constant 0 : i32
      %eq3A_1914 = arith.cmpi eq, %jit3A_1912, %eq3A_1913 : i32
      %jit3A_1915 = arith.constant 1 : i32
      %select_n3A_1916 = arith.select %eq3A_1914, %jit3A_1915, %jit3A_1912 : i32
      %rem3A_1917 = arith.remsi %squeeze3A_1911, %select_n3A_1916 : i32
      %ne3A_1918 = arith.constant 0 : i32
      %ne3A_1919 = arith.cmpi ne, %rem3A_1917, %ne3A_1918 : i32
      %lt3A_1920 = arith.constant 0 : i32
      %lt3A_1921 = arith.cmpi slt, %rem3A_1917, %lt3A_1920 : i32
      %lt3A_1922 = arith.constant 0 : i32
      %lt3A_1923 = arith.cmpi slt, %select_n3A_1916, %lt3A_1922 : i32
      %ne3A_1924 = arith.xori %lt3A_1921, %lt3A_1923 : i1
      %and3A_1925 = arith.andi %ne3A_1924, %ne3A_1919 : i1
      %add3A_1926 = arith.addi %rem3A_1917, %select_n3A_1916 : i32
      %select_n3A_1927 = arith.select %and3A_1925, %add3A_1926, %rem3A_1917 : i32
      %add3A_1928 = vector.broadcast %select_n3A_1927 : i32 to vector<16xi32>
      %add3A_1929 = arith.addi %add3A_1928, %broadcast_in_dim3A_14 : vector<16xi32>
      %slice3A_1930 = vector.extract_strided_slice %select_n3A_393 {offsets = [10], sizes = [1], strides = [1]} : vector<16xf32> to vector<1xf32>
      %squeeze3A_1931 = vector.extract %slice3A_1930[0] : f32 from vector<1xf32>
      %add3A_1932 = arith.constant 128 : i32
      %add3A_1933 = vector.broadcast %add3A_1932 : i32 to vector<16xi32>
      %add3A_1934 = arith.addi %add3A_1933, %iota3A : vector<16xi32>
      %gather3A_1935 = tpu.vector_load_idx %arg7[%add3A_1934, %add3A_1929] : memref<512x128xf32, #tpu.memory_space<vmem>>[vector<16xi32>, vector<16xi32>], vector<16xf32>,
      %mul3A_1936 = vector.broadcast %squeeze3A_1931 : f32 to vector<16xf32>
      %mul3A_1937 = arith.mulf %gather3A_1935, %mul3A_1936 : vector<16xf32>
      %mul3A_1938 = arith.constant 16 : i32
      %mul3A_1939 = arith.muli %scan3A_374, %mul3A_1938 : i32
      %add3A_1940 = arith.constant 10 : i32
      %add3A_1941 = arith.addi %mul3A_1939, %add3A_1940 : i32
      %get3A_1942 = arith.index_cast %add3A_1941 : i32 to index
      %get3A_1943 = arith.constant 0 : index
      %get3A_1944 = tpu.vector_load %arg9[%get3A_1942, %get3A_1943] {strides = array<i32>} : memref<256x64xf32, #tpu.memory_space<vmem>>, vector<16xf32>,
      %add3A_1945 = arith.addf %mul3A_1937, %get3A_1944 : vector<16xf32>
      %add3A_1946 = arith.constant 10 : i32
      %add3A_1947 = arith.addi %mul3A_411, %add3A_1946 : i32
      %swap3A_1948 = arith.index_cast %add3A_1947 : i32 to index
      %swap3A_1949 = arith.constant 0 : index
      %swap3A_1950 = tpu.vector_load %arg8[%swap3A_1948, %swap3A_1949] {strides = array<i32>} : memref<32x64xf32, #tpu.memory_space<vmem>>, vector<16xf32>,
      tpu.vector_store %arg8[%swap3A_1948, %swap3A_1949], %add3A_1945 {strides = array<i32>} : memref<32x64xf32, #tpu.memory_space<vmem>>, vector<16xf32>,
      %add3A_1951 = arith.constant 144 : i32
      %add3A_1952 = vector.broadcast %add3A_1951 : i32 to vector<16xi32>
      %add3A_1953 = arith.addi %add3A_1952, %iota3A : vector<16xi32>
      %gather3A_1954 = tpu.vector_load_idx %arg7[%add3A_1953, %add3A_1929] : memref<512x128xf32, #tpu.memory_space<vmem>>[vector<16xi32>, vector<16xi32>], vector<16xf32>,
      %mul3A_1955 = vector.broadcast %squeeze3A_1931 : f32 to vector<16xf32>
      %mul3A_1956 = arith.mulf %gather3A_1954, %mul3A_1955 : vector<16xf32>
      %mul3A_1957 = arith.constant 16 : i32
      %mul3A_1958 = arith.muli %scan3A_374, %mul3A_1957 : i32
      %add3A_1959 = arith.constant 10 : i32
      %add3A_1960 = arith.addi %mul3A_1958, %add3A_1959 : i32
      %get3A_1961 = arith.index_cast %add3A_1960 : i32 to index
      %get3A_1962 = arith.constant 16 : index
      %get3A_1963 = tpu.vector_load %arg9[%get3A_1961, %get3A_1962] {strides = array<i32>} : memref<256x64xf32, #tpu.memory_space<vmem>>, vector<16xf32>,
      %add3A_1964 = arith.addf %mul3A_1956, %get3A_1963 : vector<16xf32>
      %add3A_1965 = arith.constant 10 : i32
      %add3A_1966 = arith.addi %mul3A_411, %add3A_1965 : i32
      %swap3A_1967 = arith.index_cast %add3A_1966 : i32 to index
      %swap3A_1968 = arith.constant 16 : index
      %swap3A_1969 = tpu.vector_load %arg8[%swap3A_1967, %swap3A_1968] {strides = array<i32>} : memref<32x64xf32, #tpu.memory_space<vmem>>, vector<16xf32>,
      tpu.vector_store %arg8[%swap3A_1967, %swap3A_1968], %add3A_1964 {strides = array<i32>} : memref<32x64xf32, #tpu.memory_space<vmem>>, vector<16xf32>,
      %add3A_1970 = arith.constant 160 : i32
      %add3A_1971 = vector.broadcast %add3A_1970 : i32 to vector<16xi32>
      %add3A_1972 = arith.addi %add3A_1971, %iota3A : vector<16xi32>
      %gather3A_1973 = tpu.vector_load_idx %arg7[%add3A_1972, %add3A_1929] : memref<512x128xf32, #tpu.memory_space<vmem>>[vector<16xi32>, vector<16xi32>], vector<16xf32>,
      %mul3A_1974 = vector.broadcast %squeeze3A_1931 : f32 to vector<16xf32>
      %mul3A_1975 = arith.mulf %gather3A_1973, %mul3A_1974 : vector<16xf32>
      %mul3A_1976 = arith.constant 16 : i32
      %mul3A_1977 = arith.muli %scan3A_374, %mul3A_1976 : i32
      %add3A_1978 = arith.constant 10 : i32
      %add3A_1979 = arith.addi %mul3A_1977, %add3A_1978 : i32
      %get3A_1980 = arith.index_cast %add3A_1979 : i32 to index
      %get3A_1981 = arith.constant 32 : index
      %get3A_1982 = tpu.vector_load %arg9[%get3A_1980, %get3A_1981] {strides = array<i32>} : memref<256x64xf32, #tpu.memory_space<vmem>>, vector<16xf32>,
      %add3A_1983 = arith.addf %mul3A_1975, %get3A_1982 : vector<16xf32>
      %add3A_1984 = arith.constant 10 : i32
      %add3A_1985 = arith.addi %mul3A_411, %add3A_1984 : i32
      %swap3A_1986 = arith.index_cast %add3A_1985 : i32 to index
      %swap3A_1987 = arith.constant 32 : index
      %swap3A_1988 = tpu.vector_load %arg8[%swap3A_1986, %swap3A_1987] {strides = array<i32>} : memref<32x64xf32, #tpu.memory_space<vmem>>, vector<16xf32>,
      tpu.vector_store %arg8[%swap3A_1986, %swap3A_1987], %add3A_1983 {strides = array<i32>} : memref<32x64xf32, #tpu.memory_space<vmem>>, vector<16xf32>,
      %add3A_1989 = arith.constant 176 : i32
      %add3A_1990 = vector.broadcast %add3A_1989 : i32 to vector<16xi32>
      %add3A_1991 = arith.addi %add3A_1990, %iota3A : vector<16xi32>
      %gather3A_1992 = tpu.vector_load_idx %arg7[%add3A_1991, %add3A_1929] : memref<512x128xf32, #tpu.memory_space<vmem>>[vector<16xi32>, vector<16xi32>], vector<16xf32>,
      %mul3A_1993 = vector.broadcast %squeeze3A_1931 : f32 to vector<16xf32>
      %mul3A_1994 = arith.mulf %gather3A_1992, %mul3A_1993 : vector<16xf32>
      %mul3A_1995 = arith.constant 16 : i32
      %mul3A_1996 = arith.muli %scan3A_374, %mul3A_1995 : i32
      %add3A_1997 = arith.constant 10 : i32
      %add3A_1998 = arith.addi %mul3A_1996, %add3A_1997 : i32
      %get3A_1999 = arith.index_cast %add3A_1998 : i32 to index
      %get3A_2000 = arith.constant 48 : index
      %get3A_2001 = tpu.vector_load %arg9[%get3A_1999, %get3A_2000] {strides = array<i32>} : memref<256x64xf32, #tpu.memory_space<vmem>>, vector<16xf32>,
      %add3A_2002 = arith.addf %mul3A_1994, %get3A_2001 : vector<16xf32>
      %add3A_2003 = arith.constant 10 : i32
      %add3A_2004 = arith.addi %mul3A_411, %add3A_2003 : i32
      %swap3A_2005 = arith.index_cast %add3A_2004 : i32 to index
      %swap3A_2006 = arith.constant 48 : index
      %swap3A_2007 = tpu.vector_load %arg8[%swap3A_2005, %swap3A_2006] {strides = array<i32>} : memref<32x64xf32, #tpu.memory_space<vmem>>, vector<16xf32>,
      tpu.vector_store %arg8[%swap3A_2005, %swap3A_2006], %add3A_2002 {strides = array<i32>} : memref<32x64xf32, #tpu.memory_space<vmem>>, vector<16xf32>,
      %slice3A_2008 = vector.extract_strided_slice %get3A_385 {offsets = [2], sizes = [1], strides = [1]} : vector<16xi32> to vector<1xi32>
      %squeeze3A_2009 = vector.extract %slice3A_2008[0] : i32 from vector<1xi32>
      %lt3A_2010 = arith.constant 15 : i32
      %lt3A_2011 = arith.cmpi slt, %scan3A_374, %lt3A_2010 : i32
      %convert_element_type3A_2012 = arith.extui %lt3A_2011 : i1 to i32
      %cond3A_2013 = arith.constant 0 : i32
      %cond3A_2014 = arith.cmpi ne, %convert_element_type3A_2012, %cond3A_2013 : i32
      scf.if %cond3A_2014 {
        %jit3A_2627 = arith.constant 128 : i32
        %div3A_2628 = arith.divsi %squeeze3A_2009, %jit3A_2627 : i32
        %sign3A_2629 = arith.constant 0 : i32
        %sign3A_2630 = arith.cmpi sgt, %squeeze3A_2009, %sign3A_2629 : i32
        %sign3A_2631 = arith.extui %sign3A_2630 : i1 to i32
        %sign3A_2632 = arith.constant 0 : i32
        %sign3A_2633 = arith.cmpi slt, %squeeze3A_2009, %sign3A_2632 : i32
        %sign3A_2634 = arith.extui %sign3A_2633 : i1 to i32
        %sign3A_2635 = arith.subi %sign3A_2631, %sign3A_2634 : i32
        %sign3A_2636 = arith.constant 0 : i32
        %sign3A_2637 = arith.cmpi sgt, %jit3A_2627, %sign3A_2636 : i32
        %sign3A_2638 = arith.extui %sign3A_2637 : i1 to i32
        %sign3A_2639 = arith.constant 0 : i32
        %sign3A_2640 = arith.cmpi slt, %jit3A_2627, %sign3A_2639 : i32
        %sign3A_2641 = arith.extui %sign3A_2640 : i1 to i32
        %sign3A_2642 = arith.subi %sign3A_2638, %sign3A_2641 : i32
        %ne3A_2643 = arith.cmpi ne, %sign3A_2635, %sign3A_2642 : i32
        %rem3A_2644 = arith.remsi %squeeze3A_2009, %jit3A_2627 : i32
        %ne3A_2645 = arith.constant 0 : i32
        %ne3A_2646 = arith.cmpi ne, %rem3A_2644, %ne3A_2645 : i32
        %and3A_2647 = arith.andi %ne3A_2643, %ne3A_2646 : i1
        %sub3A_2648 = arith.constant 1 : i32
        %sub3A_2649 = arith.subi %div3A_2628, %sub3A_2648 : i32
        %select_n3A_2650 = arith.select %and3A_2647, %sub3A_2649, %div3A_2628 : i32
        %mul3A_2651 = arith.constant 128 : i32
        %mul3A_2652 = arith.muli %select_n3A_2650, %mul3A_2651 : i32
        %multiple_of3A_2653 = tpu.assume_multiple %mul3A_2652, 128 : i32
        %dma_start3A_2654 = arith.constant 2 : i32
        %dma_start3A_2655 = arith.constant 128 : i32
        %dma_start3A_2656 = arith.constant 0 : i32
        %dma_start3A_2657 = tpu.memref_slice %arg7[%dma_start3A_2655, %dma_start3A_2656] : memref<512x128xf32, #tpu.memory_space<vmem>> -> memref<64x128xf32, #tpu.memory_space<vmem>>
        %dma_start3A_2658 = arith.constant 0 : i32
        %dma_start3A_2659 = tpu.memref_slice %arg3[%dma_start3A_2658, %multiple_of3A_2653] : memref<64x1000000xf32, #tpu.memory_space<hbm>> -> memref<64x128xf32, #tpu.memory_space<hbm>>
        %dma_start3A_2660 = tpu.memref_slice %arg10[%dma_start3A_2654] : memref<8x!tpu.dma_semaphore, #tpu.memory_space<semaphore_mem>> -> memref<1x!tpu.dma_semaphore, #tpu.memory_space<semaphore_mem>>
        %dma_start3A_2661 = tpu.memref_squeeze %dma_start3A_2660 : memref<1x!tpu.dma_semaphore, #tpu.memory_space<semaphore_mem>> -> memref<!tpu.dma_semaphore, #tpu.memory_space<semaphore_mem>>
        %dma_start3A_2662 = arith.constant 128 : i32
        %dma_start3A_2663 = arith.constant 0 : i32
        %dma_start3A_2664 = tpu.memref_slice %arg7[%dma_start3A_2662, %dma_start3A_2663] : memref<512x128xf32, #tpu.memory_space<vmem>> -> memref<64x128xf32, #tpu.memory_space<vmem>>
        %dma_start3A_2665 = arith.constant 0 : i32
        %dma_start3A_2666 = tpu.memref_slice %arg3[%dma_start3A_2665, %multiple_of3A_2653] : memref<64x1000000xf32, #tpu.memory_space<hbm>> -> memref<64x128xf32, #tpu.memory_space<hbm>>
        tpu.enqueue_dma source(%dma_start3A_2666 : memref<64x128xf32, #tpu.memory_space<hbm>>) target(%dma_start3A_2664 : memref<64x128xf32, #tpu.memory_space<vmem>>) target_semaphore(%dma_start3A_2661 : memref<!tpu.dma_semaphore, #tpu.memory_space<semaphore_mem>>)
      } else {
      }
      %dma_wait3A_2015 = arith.constant 3 : i32
      %dma_wait3A_2016 = arith.constant 192 : i32
      %dma_wait3A_2017 = arith.constant 0 : i32
      %dma_wait3A_2018 = tpu.memref_slice %arg7[%dma_wait3A_2016, %dma_wait3A_2017] : memref<512x128xf32, #tpu.memory_space<vmem>> -> memref<64x128xf32, #tpu.memory_space<vmem>>
      %dma_wait3A_2019 = arith.constant 0 : i32
      %dma_wait3A_2020 = arith.constant 0 : i32
      %dma_wait3A_2021 = tpu.memref_slice %arg3[%dma_wait3A_2019, %dma_wait3A_2020] : memref<64x1000000xf32, #tpu.memory_space<hbm>> -> memref<64x128xf32, #tpu.memory_space<hbm>>
      %dma_wait3A_2022 = tpu.memref_slice %arg10[%dma_wait3A_2015] : memref<8x!tpu.dma_semaphore, #tpu.memory_space<semaphore_mem>> -> memref<1x!tpu.dma_semaphore, #tpu.memory_space<semaphore_mem>>
      %dma_wait3A_2023 = tpu.memref_squeeze %dma_wait3A_2022 : memref<1x!tpu.dma_semaphore, #tpu.memory_space<semaphore_mem>> -> memref<!tpu.dma_semaphore, #tpu.memory_space<semaphore_mem>>
      %dma_wait3A_2024 = arith.constant 192 : i32
      %dma_wait3A_2025 = arith.constant 0 : i32
      %dma_wait3A_2026 = tpu.memref_slice %arg7[%dma_wait3A_2024, %dma_wait3A_2025] : memref<512x128xf32, #tpu.memory_space<vmem>> -> memref<64x128xf32, #tpu.memory_space<vmem>>
      %dma_wait3A_2027 = arith.constant 0 : i32
      %dma_wait3A_2028 = arith.constant 0 : i32
      %dma_wait3A_2029 = tpu.memref_slice %arg3[%dma_wait3A_2027, %dma_wait3A_2028] : memref<64x1000000xf32, #tpu.memory_space<hbm>> -> memref<64x128xf32, #tpu.memory_space<hbm>>
      tpu.wait_dma2 semaphore(%dma_wait3A_2023 : memref<!tpu.dma_semaphore, #tpu.memory_space<semaphore_mem>>) src(%dma_wait3A_2029 : memref<64x128xf32, #tpu.memory_space<hbm>>) dst(%dma_wait3A_2026 : memref<64x128xf32, #tpu.memory_space<vmem>>)
      %slice3A_2030 = vector.extract_strided_slice %get3A_379 {offsets = [11], sizes = [1], strides = [1]} : vector<16xi32> to vector<1xi32>
      %squeeze3A_2031 = vector.extract %slice3A_2030[0] : i32 from vector<1xi32>
      %jit3A_2032 = arith.constant 128 : i32
      %eq3A_2033 = arith.constant 0 : i32
      %eq3A_2034 = arith.cmpi eq, %jit3A_2032, %eq3A_2033 : i32
      %jit3A_2035 = arith.constant 1 : i32
      %select_n3A_2036 = arith.select %eq3A_2034, %jit3A_2035, %jit3A_2032 : i32
      %rem3A_2037 = arith.remsi %squeeze3A_2031, %select_n3A_2036 : i32
      %ne3A_2038 = arith.constant 0 : i32
      %ne3A_2039 = arith.cmpi ne, %rem3A_2037, %ne3A_2038 : i32
      %lt3A_2040 = arith.constant 0 : i32
      %lt3A_2041 = arith.cmpi slt, %rem3A_2037, %lt3A_2040 : i32
      %lt3A_2042 = arith.constant 0 : i32
      %lt3A_2043 = arith.cmpi slt, %select_n3A_2036, %lt3A_2042 : i32
      %ne3A_2044 = arith.xori %lt3A_2041, %lt3A_2043 : i1
      %and3A_2045 = arith.andi %ne3A_2044, %ne3A_2039 : i1
      %add3A_2046 = arith.addi %rem3A_2037, %select_n3A_2036 : i32
      %select_n3A_2047 = arith.select %and3A_2045, %add3A_2046, %rem3A_2037 : i32
      %add3A_2048 = vector.broadcast %select_n3A_2047 : i32 to vector<16xi32>
      %add3A_2049 = arith.addi %add3A_2048, %broadcast_in_dim3A_14 : vector<16xi32>
      %slice3A_2050 = vector.extract_strided_slice %select_n3A_393 {offsets = [11], sizes = [1], strides = [1]} : vector<16xf32> to vector<1xf32>
      %squeeze3A_2051 = vector.extract %slice3A_2050[0] : f32 from vector<1xf32>
      %add3A_2052 = arith.constant 192 : i32
      %add3A_2053 = vector.broadcast %add3A_2052 : i32 to vector<16xi32>
      %add3A_2054 = arith.addi %add3A_2053, %iota3A : vector<16xi32>
      %gather3A_2055 = tpu.vector_load_idx %arg7[%add3A_2054, %add3A_2049] : memref<512x128xf32, #tpu.memory_space<vmem>>[vector<16xi32>, vector<16xi32>], vector<16xf32>,
      %mul3A_2056 = vector.broadcast %squeeze3A_2051 : f32 to vector<16xf32>
      %mul3A_2057 = arith.mulf %gather3A_2055, %mul3A_2056 : vector<16xf32>
      %mul3A_2058 = arith.constant 16 : i32
      %mul3A_2059 = arith.muli %scan3A_374, %mul3A_2058 : i32
      %add3A_2060 = arith.constant 11 : i32
      %add3A_2061 = arith.addi %mul3A_2059, %add3A_2060 : i32
      %get3A_2062 = arith.index_cast %add3A_2061 : i32 to index
      %get3A_2063 = arith.constant 0 : index
      %get3A_2064 = tpu.vector_load %arg9[%get3A_2062, %get3A_2063] {strides = array<i32>} : memref<256x64xf32, #tpu.memory_space<vmem>>, vector<16xf32>,
      %add3A_2065 = arith.addf %mul3A_2057, %get3A_2064 : vector<16xf32>
      %add3A_2066 = arith.constant 11 : i32
      %add3A_2067 = arith.addi %mul3A_411, %add3A_2066 : i32
      %swap3A_2068 = arith.index_cast %add3A_2067 : i32 to index
      %swap3A_2069 = arith.constant 0 : index
      %swap3A_2070 = tpu.vector_load %arg8[%swap3A_2068, %swap3A_2069] {strides = array<i32>} : memref<32x64xf32, #tpu.memory_space<vmem>>, vector<16xf32>,
      tpu.vector_store %arg8[%swap3A_2068, %swap3A_2069], %add3A_2065 {strides = array<i32>} : memref<32x64xf32, #tpu.memory_space<vmem>>, vector<16xf32>,
      %add3A_2071 = arith.constant 208 : i32
      %add3A_2072 = vector.broadcast %add3A_2071 : i32 to vector<16xi32>
      %add3A_2073 = arith.addi %add3A_2072, %iota3A : vector<16xi32>
      %gather3A_2074 = tpu.vector_load_idx %arg7[%add3A_2073, %add3A_2049] : memref<512x128xf32, #tpu.memory_space<vmem>>[vector<16xi32>, vector<16xi32>], vector<16xf32>,
      %mul3A_2075 = vector.broadcast %squeeze3A_2051 : f32 to vector<16xf32>
      %mul3A_2076 = arith.mulf %gather3A_2074, %mul3A_2075 : vector<16xf32>
      %mul3A_2077 = arith.constant 16 : i32
      %mul3A_2078 = arith.muli %scan3A_374, %mul3A_2077 : i32
      %add3A_2079 = arith.constant 11 : i32
      %add3A_2080 = arith.addi %mul3A_2078, %add3A_2079 : i32
      %get3A_2081 = arith.index_cast %add3A_2080 : i32 to index
      %get3A_2082 = arith.constant 16 : index
      %get3A_2083 = tpu.vector_load %arg9[%get3A_2081, %get3A_2082] {strides = array<i32>} : memref<256x64xf32, #tpu.memory_space<vmem>>, vector<16xf32>,
      %add3A_2084 = arith.addf %mul3A_2076, %get3A_2083 : vector<16xf32>
      %add3A_2085 = arith.constant 11 : i32
      %add3A_2086 = arith.addi %mul3A_411, %add3A_2085 : i32
      %swap3A_2087 = arith.index_cast %add3A_2086 : i32 to index
      %swap3A_2088 = arith.constant 16 : index
      %swap3A_2089 = tpu.vector_load %arg8[%swap3A_2087, %swap3A_2088] {strides = array<i32>} : memref<32x64xf32, #tpu.memory_space<vmem>>, vector<16xf32>,
      tpu.vector_store %arg8[%swap3A_2087, %swap3A_2088], %add3A_2084 {strides = array<i32>} : memref<32x64xf32, #tpu.memory_space<vmem>>, vector<16xf32>,
      %add3A_2090 = arith.constant 224 : i32
      %add3A_2091 = vector.broadcast %add3A_2090 : i32 to vector<16xi32>
      %add3A_2092 = arith.addi %add3A_2091, %iota3A : vector<16xi32>
      %gather3A_2093 = tpu.vector_load_idx %arg7[%add3A_2092, %add3A_2049] : memref<512x128xf32, #tpu.memory_space<vmem>>[vector<16xi32>, vector<16xi32>], vector<16xf32>,
      %mul3A_2094 = vector.broadcast %squeeze3A_2051 : f32 to vector<16xf32>
      %mul3A_2095 = arith.mulf %gather3A_2093, %mul3A_2094 : vector<16xf32>
      %mul3A_2096 = arith.constant 16 : i32
      %mul3A_2097 = arith.muli %scan3A_374, %mul3A_2096 : i32
      %add3A_2098 = arith.constant 11 : i32
      %add3A_2099 = arith.addi %mul3A_2097, %add3A_2098 : i32
      %get3A_2100 = arith.index_cast %add3A_2099 : i32 to index
      %get3A_2101 = arith.constant 32 : index
      %get3A_2102 = tpu.vector_load %arg9[%get3A_2100, %get3A_2101] {strides = array<i32>} : memref<256x64xf32, #tpu.memory_space<vmem>>, vector<16xf32>,
      %add3A_2103 = arith.addf %mul3A_2095, %get3A_2102 : vector<16xf32>
      %add3A_2104 = arith.constant 11 : i32
      %add3A_2105 = arith.addi %mul3A_411, %add3A_2104 : i32
      %swap3A_2106 = arith.index_cast %add3A_2105 : i32 to index
      %swap3A_2107 = arith.constant 32 : index
      %swap3A_2108 = tpu.vector_load %arg8[%swap3A_2106, %swap3A_2107] {strides = array<i32>} : memref<32x64xf32, #tpu.memory_space<vmem>>, vector<16xf32>,
      tpu.vector_store %arg8[%swap3A_2106, %swap3A_2107], %add3A_2103 {strides = array<i32>} : memref<32x64xf32, #tpu.memory_space<vmem>>, vector<16xf32>,
      %add3A_2109 = arith.constant 240 : i32
      %add3A_2110 = vector.broadcast %add3A_2109 : i32 to vector<16xi32>
      %add3A_2111 = arith.addi %add3A_2110, %iota3A : vector<16xi32>
      %gather3A_2112 = tpu.vector_load_idx %arg7[%add3A_2111, %add3A_2049] : memref<512x128xf32, #tpu.memory_space<vmem>>[vector<16xi32>, vector<16xi32>], vector<16xf32>,
      %mul3A_2113 = vector.broadcast %squeeze3A_2051 : f32 to vector<16xf32>
      %mul3A_2114 = arith.mulf %gather3A_2112, %mul3A_2113 : vector<16xf32>
      %mul3A_2115 = arith.constant 16 : i32
      %mul3A_2116 = arith.muli %scan3A_374, %mul3A_2115 : i32
      %add3A_2117 = arith.constant 11 : i32
      %add3A_2118 = arith.addi %mul3A_2116, %add3A_2117 : i32
      %get3A_2119 = arith.index_cast %add3A_2118 : i32 to index
      %get3A_2120 = arith.constant 48 : index
      %get3A_2121 = tpu.vector_load %arg9[%get3A_2119, %get3A_2120] {strides = array<i32>} : memref<256x64xf32, #tpu.memory_space<vmem>>, vector<16xf32>,
      %add3A_2122 = arith.addf %mul3A_2114, %get3A_2121 : vector<16xf32>
      %add3A_2123 = arith.constant 11 : i32
      %add3A_2124 = arith.addi %mul3A_411, %add3A_2123 : i32
      %swap3A_2125 = arith.index_cast %add3A_2124 : i32 to index
      %swap3A_2126 = arith.constant 48 : index
      %swap3A_2127 = tpu.vector_load %arg8[%swap3A_2125, %swap3A_2126] {strides = array<i32>} : memref<32x64xf32, #tpu.memory_space<vmem>>, vector<16xf32>,
      tpu.vector_store %arg8[%swap3A_2125, %swap3A_2126], %add3A_2122 {strides = array<i32>} : memref<32x64xf32, #tpu.memory_space<vmem>>, vector<16xf32>,
      %slice3A_2128 = vector.extract_strided_slice %get3A_385 {offsets = [3], sizes = [1], strides = [1]} : vector<16xi32> to vector<1xi32>
      %squeeze3A_2129 = vector.extract %slice3A_2128[0] : i32 from vector<1xi32>
      %lt3A_2130 = arith.constant 15 : i32
      %lt3A_2131 = arith.cmpi slt, %scan3A_374, %lt3A_2130 : i32
      %convert_element_type3A_2132 = arith.extui %lt3A_2131 : i1 to i32
      %cond3A_2133 = arith.constant 0 : i32
      %cond3A_2134 = arith.cmpi ne, %convert_element_type3A_2132, %cond3A_2133 : i32
      scf.if %cond3A_2134 {
        %jit3A_2627 = arith.constant 128 : i32
        %div3A_2628 = arith.divsi %squeeze3A_2129, %jit3A_2627 : i32
        %sign3A_2629 = arith.constant 0 : i32
        %sign3A_2630 = arith.cmpi sgt, %squeeze3A_2129, %sign3A_2629 : i32
        %sign3A_2631 = arith.extui %sign3A_2630 : i1 to i32
        %sign3A_2632 = arith.constant 0 : i32
        %sign3A_2633 = arith.cmpi slt, %squeeze3A_2129, %sign3A_2632 : i32
        %sign3A_2634 = arith.extui %sign3A_2633 : i1 to i32
        %sign3A_2635 = arith.subi %sign3A_2631, %sign3A_2634 : i32
        %sign3A_2636 = arith.constant 0 : i32
        %sign3A_2637 = arith.cmpi sgt, %jit3A_2627, %sign3A_2636 : i32
        %sign3A_2638 = arith.extui %sign3A_2637 : i1 to i32
        %sign3A_2639 = arith.constant 0 : i32
        %sign3A_2640 = arith.cmpi slt, %jit3A_2627, %sign3A_2639 : i32
        %sign3A_2641 = arith.extui %sign3A_2640 : i1 to i32
        %sign3A_2642 = arith.subi %sign3A_2638, %sign3A_2641 : i32
        %ne3A_2643 = arith.cmpi ne, %sign3A_2635, %sign3A_2642 : i32
        %rem3A_2644 = arith.remsi %squeeze3A_2129, %jit3A_2627 : i32
        %ne3A_2645 = arith.constant 0 : i32
        %ne3A_2646 = arith.cmpi ne, %rem3A_2644, %ne3A_2645 : i32
        %and3A_2647 = arith.andi %ne3A_2643, %ne3A_2646 : i1
        %sub3A_2648 = arith.constant 1 : i32
        %sub3A_2649 = arith.subi %div3A_2628, %sub3A_2648 : i32
        %select_n3A_2650 = arith.select %and3A_2647, %sub3A_2649, %div3A_2628 : i32
        %mul3A_2651 = arith.constant 128 : i32
        %mul3A_2652 = arith.muli %select_n3A_2650, %mul3A_2651 : i32
        %multiple_of3A_2653 = tpu.assume_multiple %mul3A_2652, 128 : i32
        %dma_start3A_2654 = arith.constant 3 : i32
        %dma_start3A_2655 = arith.constant 192 : i32
        %dma_start3A_2656 = arith.constant 0 : i32
        %dma_start3A_2657 = tpu.memref_slice %arg7[%dma_start3A_2655, %dma_start3A_2656] : memref<512x128xf32, #tpu.memory_space<vmem>> -> memref<64x128xf32, #tpu.memory_space<vmem>>
        %dma_start3A_2658 = arith.constant 0 : i32
        %dma_start3A_2659 = tpu.memref_slice %arg3[%dma_start3A_2658, %multiple_of3A_2653] : memref<64x1000000xf32, #tpu.memory_space<hbm>> -> memref<64x128xf32, #tpu.memory_space<hbm>>
        %dma_start3A_2660 = tpu.memref_slice %arg10[%dma_start3A_2654] : memref<8x!tpu.dma_semaphore, #tpu.memory_space<semaphore_mem>> -> memref<1x!tpu.dma_semaphore, #tpu.memory_space<semaphore_mem>>
        %dma_start3A_2661 = tpu.memref_squeeze %dma_start3A_2660 : memref<1x!tpu.dma_semaphore, #tpu.memory_space<semaphore_mem>> -> memref<!tpu.dma_semaphore, #tpu.memory_space<semaphore_mem>>
        %dma_start3A_2662 = arith.constant 192 : i32
        %dma_start3A_2663 = arith.constant 0 : i32
        %dma_start3A_2664 = tpu.memref_slice %arg7[%dma_start3A_2662, %dma_start3A_2663] : memref<512x128xf32, #tpu.memory_space<vmem>> -> memref<64x128xf32, #tpu.memory_space<vmem>>
        %dma_start3A_2665 = arith.constant 0 : i32
        %dma_start3A_2666 = tpu.memref_slice %arg3[%dma_start3A_2665, %multiple_of3A_2653] : memref<64x1000000xf32, #tpu.memory_space<hbm>> -> memref<64x128xf32, #tpu.memory_space<hbm>>
        tpu.enqueue_dma source(%dma_start3A_2666 : memref<64x128xf32, #tpu.memory_space<hbm>>) target(%dma_start3A_2664 : memref<64x128xf32, #tpu.memory_space<vmem>>) target_semaphore(%dma_start3A_2661 : memref<!tpu.dma_semaphore, #tpu.memory_space<semaphore_mem>>)
      } else {
      }
      %dma_wait3A_2135 = arith.constant 4 : i32
      %dma_wait3A_2136 = arith.constant 256 : i32
      %dma_wait3A_2137 = arith.constant 0 : i32
      %dma_wait3A_2138 = tpu.memref_slice %arg7[%dma_wait3A_2136, %dma_wait3A_2137] : memref<512x128xf32, #tpu.memory_space<vmem>> -> memref<64x128xf32, #tpu.memory_space<vmem>>
      %dma_wait3A_2139 = arith.constant 0 : i32
      %dma_wait3A_2140 = arith.constant 0 : i32
      %dma_wait3A_2141 = tpu.memref_slice %arg3[%dma_wait3A_2139, %dma_wait3A_2140] : memref<64x1000000xf32, #tpu.memory_space<hbm>> -> memref<64x128xf32, #tpu.memory_space<hbm>>
      %dma_wait3A_2142 = tpu.memref_slice %arg10[%dma_wait3A_2135] : memref<8x!tpu.dma_semaphore, #tpu.memory_space<semaphore_mem>> -> memref<1x!tpu.dma_semaphore, #tpu.memory_space<semaphore_mem>>
      %dma_wait3A_2143 = tpu.memref_squeeze %dma_wait3A_2142 : memref<1x!tpu.dma_semaphore, #tpu.memory_space<semaphore_mem>> -> memref<!tpu.dma_semaphore, #tpu.memory_space<semaphore_mem>>
      %dma_wait3A_2144 = arith.constant 256 : i32
      %dma_wait3A_2145 = arith.constant 0 : i32
      %dma_wait3A_2146 = tpu.memref_slice %arg7[%dma_wait3A_2144, %dma_wait3A_2145] : memref<512x128xf32, #tpu.memory_space<vmem>> -> memref<64x128xf32, #tpu.memory_space<vmem>>
      %dma_wait3A_2147 = arith.constant 0 : i32
      %dma_wait3A_2148 = arith.constant 0 : i32
      %dma_wait3A_2149 = tpu.memref_slice %arg3[%dma_wait3A_2147, %dma_wait3A_2148] : memref<64x1000000xf32, #tpu.memory_space<hbm>> -> memref<64x128xf32, #tpu.memory_space<hbm>>
      tpu.wait_dma2 semaphore(%dma_wait3A_2143 : memref<!tpu.dma_semaphore, #tpu.memory_space<semaphore_mem>>) src(%dma_wait3A_2149 : memref<64x128xf32, #tpu.memory_space<hbm>>) dst(%dma_wait3A_2146 : memref<64x128xf32, #tpu.memory_space<vmem>>)
      %slice3A_2150 = vector.extract_strided_slice %get3A_379 {offsets = [12], sizes = [1], strides = [1]} : vector<16xi32> to vector<1xi32>
      %squeeze3A_2151 = vector.extract %slice3A_2150[0] : i32 from vector<1xi32>
      %jit3A_2152 = arith.constant 128 : i32
      %eq3A_2153 = arith.constant 0 : i32
      %eq3A_2154 = arith.cmpi eq, %jit3A_2152, %eq3A_2153 : i32
      %jit3A_2155 = arith.constant 1 : i32
      %select_n3A_2156 = arith.select %eq3A_2154, %jit3A_2155, %jit3A_2152 : i32
      %rem3A_2157 = arith.remsi %squeeze3A_2151, %select_n3A_2156 : i32
      %ne3A_2158 = arith.constant 0 : i32
      %ne3A_2159 = arith.cmpi ne, %rem3A_2157, %ne3A_2158 : i32
      %lt3A_2160 = arith.constant 0 : i32
      %lt3A_2161 = arith.cmpi slt, %rem3A_2157, %lt3A_2160 : i32
      %lt3A_2162 = arith.constant 0 : i32
      %lt3A_2163 = arith.cmpi slt, %select_n3A_2156, %lt3A_2162 : i32
      %ne3A_2164 = arith.xori %lt3A_2161, %lt3A_2163 : i1
      %and3A_2165 = arith.andi %ne3A_2164, %ne3A_2159 : i1
      %add3A_2166 = arith.addi %rem3A_2157, %select_n3A_2156 : i32
      %select_n3A_2167 = arith.select %and3A_2165, %add3A_2166, %rem3A_2157 : i32
      %add3A_2168 = vector.broadcast %select_n3A_2167 : i32 to vector<16xi32>
      %add3A_2169 = arith.addi %add3A_2168, %broadcast_in_dim3A_14 : vector<16xi32>
      %slice3A_2170 = vector.extract_strided_slice %select_n3A_393 {offsets = [12], sizes = [1], strides = [1]} : vector<16xf32> to vector<1xf32>
      %squeeze3A_2171 = vector.extract %slice3A_2170[0] : f32 from vector<1xf32>
      %add3A_2172 = arith.constant 256 : i32
      %add3A_2173 = vector.broadcast %add3A_2172 : i32 to vector<16xi32>
      %add3A_2174 = arith.addi %add3A_2173, %iota3A : vector<16xi32>
      %gather3A_2175 = tpu.vector_load_idx %arg7[%add3A_2174, %add3A_2169] : memref<512x128xf32, #tpu.memory_space<vmem>>[vector<16xi32>, vector<16xi32>], vector<16xf32>,
      %mul3A_2176 = vector.broadcast %squeeze3A_2171 : f32 to vector<16xf32>
      %mul3A_2177 = arith.mulf %gather3A_2175, %mul3A_2176 : vector<16xf32>
      %mul3A_2178 = arith.constant 16 : i32
      %mul3A_2179 = arith.muli %scan3A_374, %mul3A_2178 : i32
      %add3A_2180 = arith.constant 12 : i32
      %add3A_2181 = arith.addi %mul3A_2179, %add3A_2180 : i32
      %get3A_2182 = arith.index_cast %add3A_2181 : i32 to index
      %get3A_2183 = arith.constant 0 : index
      %get3A_2184 = tpu.vector_load %arg9[%get3A_2182, %get3A_2183] {strides = array<i32>} : memref<256x64xf32, #tpu.memory_space<vmem>>, vector<16xf32>,
      %add3A_2185 = arith.addf %mul3A_2177, %get3A_2184 : vector<16xf32>
      %add3A_2186 = arith.constant 12 : i32
      %add3A_2187 = arith.addi %mul3A_411, %add3A_2186 : i32
      %swap3A_2188 = arith.index_cast %add3A_2187 : i32 to index
      %swap3A_2189 = arith.constant 0 : index
      %swap3A_2190 = tpu.vector_load %arg8[%swap3A_2188, %swap3A_2189] {strides = array<i32>} : memref<32x64xf32, #tpu.memory_space<vmem>>, vector<16xf32>,
      tpu.vector_store %arg8[%swap3A_2188, %swap3A_2189], %add3A_2185 {strides = array<i32>} : memref<32x64xf32, #tpu.memory_space<vmem>>, vector<16xf32>,
      %add3A_2191 = arith.constant 272 : i32
      %add3A_2192 = vector.broadcast %add3A_2191 : i32 to vector<16xi32>
      %add3A_2193 = arith.addi %add3A_2192, %iota3A : vector<16xi32>
      %gather3A_2194 = tpu.vector_load_idx %arg7[%add3A_2193, %add3A_2169] : memref<512x128xf32, #tpu.memory_space<vmem>>[vector<16xi32>, vector<16xi32>], vector<16xf32>,
      %mul3A_2195 = vector.broadcast %squeeze3A_2171 : f32 to vector<16xf32>
      %mul3A_2196 = arith.mulf %gather3A_2194, %mul3A_2195 : vector<16xf32>
      %mul3A_2197 = arith.constant 16 : i32
      %mul3A_2198 = arith.muli %scan3A_374, %mul3A_2197 : i32
      %add3A_2199 = arith.constant 12 : i32
      %add3A_2200 = arith.addi %mul3A_2198, %add3A_2199 : i32
      %get3A_2201 = arith.index_cast %add3A_2200 : i32 to index
      %get3A_2202 = arith.constant 16 : index
      %get3A_2203 = tpu.vector_load %arg9[%get3A_2201, %get3A_2202] {strides = array<i32>} : memref<256x64xf32, #tpu.memory_space<vmem>>, vector<16xf32>,
      %add3A_2204 = arith.addf %mul3A_2196, %get3A_2203 : vector<16xf32>
      %add3A_2205 = arith.constant 12 : i32
      %add3A_2206 = arith.addi %mul3A_411, %add3A_2205 : i32
      %swap3A_2207 = arith.index_cast %add3A_2206 : i32 to index
      %swap3A_2208 = arith.constant 16 : index
      %swap3A_2209 = tpu.vector_load %arg8[%swap3A_2207, %swap3A_2208] {strides = array<i32>} : memref<32x64xf32, #tpu.memory_space<vmem>>, vector<16xf32>,
      tpu.vector_store %arg8[%swap3A_2207, %swap3A_2208], %add3A_2204 {strides = array<i32>} : memref<32x64xf32, #tpu.memory_space<vmem>>, vector<16xf32>,
      %add3A_2210 = arith.constant 288 : i32
      %add3A_2211 = vector.broadcast %add3A_2210 : i32 to vector<16xi32>
      %add3A_2212 = arith.addi %add3A_2211, %iota3A : vector<16xi32>
      %gather3A_2213 = tpu.vector_load_idx %arg7[%add3A_2212, %add3A_2169] : memref<512x128xf32, #tpu.memory_space<vmem>>[vector<16xi32>, vector<16xi32>], vector<16xf32>,
      %mul3A_2214 = vector.broadcast %squeeze3A_2171 : f32 to vector<16xf32>
      %mul3A_2215 = arith.mulf %gather3A_2213, %mul3A_2214 : vector<16xf32>
      %mul3A_2216 = arith.constant 16 : i32
      %mul3A_2217 = arith.muli %scan3A_374, %mul3A_2216 : i32
      %add3A_2218 = arith.constant 12 : i32
      %add3A_2219 = arith.addi %mul3A_2217, %add3A_2218 : i32
      %get3A_2220 = arith.index_cast %add3A_2219 : i32 to index
      %get3A_2221 = arith.constant 32 : index
      %get3A_2222 = tpu.vector_load %arg9[%get3A_2220, %get3A_2221] {strides = array<i32>} : memref<256x64xf32, #tpu.memory_space<vmem>>, vector<16xf32>,
      %add3A_2223 = arith.addf %mul3A_2215, %get3A_2222 : vector<16xf32>
      %add3A_2224 = arith.constant 12 : i32
      %add3A_2225 = arith.addi %mul3A_411, %add3A_2224 : i32
      %swap3A_2226 = arith.index_cast %add3A_2225 : i32 to index
      %swap3A_2227 = arith.constant 32 : index
      %swap3A_2228 = tpu.vector_load %arg8[%swap3A_2226, %swap3A_2227] {strides = array<i32>} : memref<32x64xf32, #tpu.memory_space<vmem>>, vector<16xf32>,
      tpu.vector_store %arg8[%swap3A_2226, %swap3A_2227], %add3A_2223 {strides = array<i32>} : memref<32x64xf32, #tpu.memory_space<vmem>>, vector<16xf32>,
      %add3A_2229 = arith.constant 304 : i32
      %add3A_2230 = vector.broadcast %add3A_2229 : i32 to vector<16xi32>
      %add3A_2231 = arith.addi %add3A_2230, %iota3A : vector<16xi32>
      %gather3A_2232 = tpu.vector_load_idx %arg7[%add3A_2231, %add3A_2169] : memref<512x128xf32, #tpu.memory_space<vmem>>[vector<16xi32>, vector<16xi32>], vector<16xf32>,
      %mul3A_2233 = vector.broadcast %squeeze3A_2171 : f32 to vector<16xf32>
      %mul3A_2234 = arith.mulf %gather3A_2232, %mul3A_2233 : vector<16xf32>
      %mul3A_2235 = arith.constant 16 : i32
      %mul3A_2236 = arith.muli %scan3A_374, %mul3A_2235 : i32
      %add3A_2237 = arith.constant 12 : i32
      %add3A_2238 = arith.addi %mul3A_2236, %add3A_2237 : i32
      %get3A_2239 = arith.index_cast %add3A_2238 : i32 to index
      %get3A_2240 = arith.constant 48 : index
      %get3A_2241 = tpu.vector_load %arg9[%get3A_2239, %get3A_2240] {strides = array<i32>} : memref<256x64xf32, #tpu.memory_space<vmem>>, vector<16xf32>,
      %add3A_2242 = arith.addf %mul3A_2234, %get3A_2241 : vector<16xf32>
      %add3A_2243 = arith.constant 12 : i32
      %add3A_2244 = arith.addi %mul3A_411, %add3A_2243 : i32
      %swap3A_2245 = arith.index_cast %add3A_2244 : i32 to index
      %swap3A_2246 = arith.constant 48 : index
      %swap3A_2247 = tpu.vector_load %arg8[%swap3A_2245, %swap3A_2246] {strides = array<i32>} : memref<32x64xf32, #tpu.memory_space<vmem>>, vector<16xf32>,
      tpu.vector_store %arg8[%swap3A_2245, %swap3A_2246], %add3A_2242 {strides = array<i32>} : memref<32x64xf32, #tpu.memory_space<vmem>>, vector<16xf32>,
      %slice3A_2248 = vector.extract_strided_slice %get3A_385 {offsets = [4], sizes = [1], strides = [1]} : vector<16xi32> to vector<1xi32>
      %squeeze3A_2249 = vector.extract %slice3A_2248[0] : i32 from vector<1xi32>
      %lt3A_2250 = arith.constant 15 : i32
      %lt3A_2251 = arith.cmpi slt, %scan3A_374, %lt3A_2250 : i32
      %convert_element_type3A_2252 = arith.extui %lt3A_2251 : i1 to i32
      %cond3A_2253 = arith.constant 0 : i32
      %cond3A_2254 = arith.cmpi ne, %convert_element_type3A_2252, %cond3A_2253 : i32
      scf.if %cond3A_2254 {
        %jit3A_2627 = arith.constant 128 : i32
        %div3A_2628 = arith.divsi %squeeze3A_2249, %jit3A_2627 : i32
        %sign3A_2629 = arith.constant 0 : i32
        %sign3A_2630 = arith.cmpi sgt, %squeeze3A_2249, %sign3A_2629 : i32
        %sign3A_2631 = arith.extui %sign3A_2630 : i1 to i32
        %sign3A_2632 = arith.constant 0 : i32
        %sign3A_2633 = arith.cmpi slt, %squeeze3A_2249, %sign3A_2632 : i32
        %sign3A_2634 = arith.extui %sign3A_2633 : i1 to i32
        %sign3A_2635 = arith.subi %sign3A_2631, %sign3A_2634 : i32
        %sign3A_2636 = arith.constant 0 : i32
        %sign3A_2637 = arith.cmpi sgt, %jit3A_2627, %sign3A_2636 : i32
        %sign3A_2638 = arith.extui %sign3A_2637 : i1 to i32
        %sign3A_2639 = arith.constant 0 : i32
        %sign3A_2640 = arith.cmpi slt, %jit3A_2627, %sign3A_2639 : i32
        %sign3A_2641 = arith.extui %sign3A_2640 : i1 to i32
        %sign3A_2642 = arith.subi %sign3A_2638, %sign3A_2641 : i32
        %ne3A_2643 = arith.cmpi ne, %sign3A_2635, %sign3A_2642 : i32
        %rem3A_2644 = arith.remsi %squeeze3A_2249, %jit3A_2627 : i32
        %ne3A_2645 = arith.constant 0 : i32
        %ne3A_2646 = arith.cmpi ne, %rem3A_2644, %ne3A_2645 : i32
        %and3A_2647 = arith.andi %ne3A_2643, %ne3A_2646 : i1
        %sub3A_2648 = arith.constant 1 : i32
        %sub3A_2649 = arith.subi %div3A_2628, %sub3A_2648 : i32
        %select_n3A_2650 = arith.select %and3A_2647, %sub3A_2649, %div3A_2628 : i32
        %mul3A_2651 = arith.constant 128 : i32
        %mul3A_2652 = arith.muli %select_n3A_2650, %mul3A_2651 : i32
        %multiple_of3A_2653 = tpu.assume_multiple %mul3A_2652, 128 : i32
        %dma_start3A_2654 = arith.constant 4 : i32
        %dma_start3A_2655 = arith.constant 256 : i32
        %dma_start3A_2656 = arith.constant 0 : i32
        %dma_start3A_2657 = tpu.memref_slice %arg7[%dma_start3A_2655, %dma_start3A_2656] : memref<512x128xf32, #tpu.memory_space<vmem>> -> memref<64x128xf32, #tpu.memory_space<vmem>>
        %dma_start3A_2658 = arith.constant 0 : i32
        %dma_start3A_2659 = tpu.memref_slice %arg3[%dma_start3A_2658, %multiple_of3A_2653] : memref<64x1000000xf32, #tpu.memory_space<hbm>> -> memref<64x128xf32, #tpu.memory_space<hbm>>
        %dma_start3A_2660 = tpu.memref_slice %arg10[%dma_start3A_2654] : memref<8x!tpu.dma_semaphore, #tpu.memory_space<semaphore_mem>> -> memref<1x!tpu.dma_semaphore, #tpu.memory_space<semaphore_mem>>
        %dma_start3A_2661 = tpu.memref_squeeze %dma_start3A_2660 : memref<1x!tpu.dma_semaphore, #tpu.memory_space<semaphore_mem>> -> memref<!tpu.dma_semaphore, #tpu.memory_space<semaphore_mem>>
        %dma_start3A_2662 = arith.constant 256 : i32
        %dma_start3A_2663 = arith.constant 0 : i32
        %dma_start3A_2664 = tpu.memref_slice %arg7[%dma_start3A_2662, %dma_start3A_2663] : memref<512x128xf32, #tpu.memory_space<vmem>> -> memref<64x128xf32, #tpu.memory_space<vmem>>
        %dma_start3A_2665 = arith.constant 0 : i32
        %dma_start3A_2666 = tpu.memref_slice %arg3[%dma_start3A_2665, %multiple_of3A_2653] : memref<64x1000000xf32, #tpu.memory_space<hbm>> -> memref<64x128xf32, #tpu.memory_space<hbm>>
        tpu.enqueue_dma source(%dma_start3A_2666 : memref<64x128xf32, #tpu.memory_space<hbm>>) target(%dma_start3A_2664 : memref<64x128xf32, #tpu.memory_space<vmem>>) target_semaphore(%dma_start3A_2661 : memref<!tpu.dma_semaphore, #tpu.memory_space<semaphore_mem>>)
      } else {
      }
      %dma_wait3A_2255 = arith.constant 5 : i32
      %dma_wait3A_2256 = arith.constant 320 : i32
      %dma_wait3A_2257 = arith.constant 0 : i32
      %dma_wait3A_2258 = tpu.memref_slice %arg7[%dma_wait3A_2256, %dma_wait3A_2257] : memref<512x128xf32, #tpu.memory_space<vmem>> -> memref<64x128xf32, #tpu.memory_space<vmem>>
      %dma_wait3A_2259 = arith.constant 0 : i32
      %dma_wait3A_2260 = arith.constant 0 : i32
      %dma_wait3A_2261 = tpu.memref_slice %arg3[%dma_wait3A_2259, %dma_wait3A_2260] : memref<64x1000000xf32, #tpu.memory_space<hbm>> -> memref<64x128xf32, #tpu.memory_space<hbm>>
      %dma_wait3A_2262 = tpu.memref_slice %arg10[%dma_wait3A_2255] : memref<8x!tpu.dma_semaphore, #tpu.memory_space<semaphore_mem>> -> memref<1x!tpu.dma_semaphore, #tpu.memory_space<semaphore_mem>>
      %dma_wait3A_2263 = tpu.memref_squeeze %dma_wait3A_2262 : memref<1x!tpu.dma_semaphore, #tpu.memory_space<semaphore_mem>> -> memref<!tpu.dma_semaphore, #tpu.memory_space<semaphore_mem>>
      %dma_wait3A_2264 = arith.constant 320 : i32
      %dma_wait3A_2265 = arith.constant 0 : i32
      %dma_wait3A_2266 = tpu.memref_slice %arg7[%dma_wait3A_2264, %dma_wait3A_2265] : memref<512x128xf32, #tpu.memory_space<vmem>> -> memref<64x128xf32, #tpu.memory_space<vmem>>
      %dma_wait3A_2267 = arith.constant 0 : i32
      %dma_wait3A_2268 = arith.constant 0 : i32
      %dma_wait3A_2269 = tpu.memref_slice %arg3[%dma_wait3A_2267, %dma_wait3A_2268] : memref<64x1000000xf32, #tpu.memory_space<hbm>> -> memref<64x128xf32, #tpu.memory_space<hbm>>
      tpu.wait_dma2 semaphore(%dma_wait3A_2263 : memref<!tpu.dma_semaphore, #tpu.memory_space<semaphore_mem>>) src(%dma_wait3A_2269 : memref<64x128xf32, #tpu.memory_space<hbm>>) dst(%dma_wait3A_2266 : memref<64x128xf32, #tpu.memory_space<vmem>>)
      %slice3A_2270 = vector.extract_strided_slice %get3A_379 {offsets = [13], sizes = [1], strides = [1]} : vector<16xi32> to vector<1xi32>
      %squeeze3A_2271 = vector.extract %slice3A_2270[0] : i32 from vector<1xi32>
      %jit3A_2272 = arith.constant 128 : i32
      %eq3A_2273 = arith.constant 0 : i32
      %eq3A_2274 = arith.cmpi eq, %jit3A_2272, %eq3A_2273 : i32
      %jit3A_2275 = arith.constant 1 : i32
      %select_n3A_2276 = arith.select %eq3A_2274, %jit3A_2275, %jit3A_2272 : i32
      %rem3A_2277 = arith.remsi %squeeze3A_2271, %select_n3A_2276 : i32
      %ne3A_2278 = arith.constant 0 : i32
      %ne3A_2279 = arith.cmpi ne, %rem3A_2277, %ne3A_2278 : i32
      %lt3A_2280 = arith.constant 0 : i32
      %lt3A_2281 = arith.cmpi slt, %rem3A_2277, %lt3A_2280 : i32
      %lt3A_2282 = arith.constant 0 : i32
      %lt3A_2283 = arith.cmpi slt, %select_n3A_2276, %lt3A_2282 : i32
      %ne3A_2284 = arith.xori %lt3A_2281, %lt3A_2283 : i1
      %and3A_2285 = arith.andi %ne3A_2284, %ne3A_2279 : i1
      %add3A_2286 = arith.addi %rem3A_2277, %select_n3A_2276 : i32
      %select_n3A_2287 = arith.select %and3A_2285, %add3A_2286, %rem3A_2277 : i32
      %add3A_2288 = vector.broadcast %select_n3A_2287 : i32 to vector<16xi32>
      %add3A_2289 = arith.addi %add3A_2288, %broadcast_in_dim3A_14 : vector<16xi32>
      %slice3A_2290 = vector.extract_strided_slice %select_n3A_393 {offsets = [13], sizes = [1], strides = [1]} : vector<16xf32> to vector<1xf32>
      %squeeze3A_2291 = vector.extract %slice3A_2290[0] : f32 from vector<1xf32>
      %add3A_2292 = arith.constant 320 : i32
      %add3A_2293 = vector.broadcast %add3A_2292 : i32 to vector<16xi32>
      %add3A_2294 = arith.addi %add3A_2293, %iota3A : vector<16xi32>
      %gather3A_2295 = tpu.vector_load_idx %arg7[%add3A_2294, %add3A_2289] : memref<512x128xf32, #tpu.memory_space<vmem>>[vector<16xi32>, vector<16xi32>], vector<16xf32>,
      %mul3A_2296 = vector.broadcast %squeeze3A_2291 : f32 to vector<16xf32>
      %mul3A_2297 = arith.mulf %gather3A_2295, %mul3A_2296 : vector<16xf32>
      %mul3A_2298 = arith.constant 16 : i32
      %mul3A_2299 = arith.muli %scan3A_374, %mul3A_2298 : i32
      %add3A_2300 = arith.constant 13 : i32
      %add3A_2301 = arith.addi %mul3A_2299, %add3A_2300 : i32
      %get3A_2302 = arith.index_cast %add3A_2301 : i32 to index
      %get3A_2303 = arith.constant 0 : index
      %get3A_2304 = tpu.vector_load %arg9[%get3A_2302, %get3A_2303] {strides = array<i32>} : memref<256x64xf32, #tpu.memory_space<vmem>>, vector<16xf32>,
      %add3A_2305 = arith.addf %mul3A_2297, %get3A_2304 : vector<16xf32>
      %add3A_2306 = arith.constant 13 : i32
      %add3A_2307 = arith.addi %mul3A_411, %add3A_2306 : i32
      %swap3A_2308 = arith.index_cast %add3A_2307 : i32 to index
      %swap3A_2309 = arith.constant 0 : index
      %swap3A_2310 = tpu.vector_load %arg8[%swap3A_2308, %swap3A_2309] {strides = array<i32>} : memref<32x64xf32, #tpu.memory_space<vmem>>, vector<16xf32>,
      tpu.vector_store %arg8[%swap3A_2308, %swap3A_2309], %add3A_2305 {strides = array<i32>} : memref<32x64xf32, #tpu.memory_space<vmem>>, vector<16xf32>,
      %add3A_2311 = arith.constant 336 : i32
      %add3A_2312 = vector.broadcast %add3A_2311 : i32 to vector<16xi32>
      %add3A_2313 = arith.addi %add3A_2312, %iota3A : vector<16xi32>
      %gather3A_2314 = tpu.vector_load_idx %arg7[%add3A_2313, %add3A_2289] : memref<512x128xf32, #tpu.memory_space<vmem>>[vector<16xi32>, vector<16xi32>], vector<16xf32>,
      %mul3A_2315 = vector.broadcast %squeeze3A_2291 : f32 to vector<16xf32>
      %mul3A_2316 = arith.mulf %gather3A_2314, %mul3A_2315 : vector<16xf32>
      %mul3A_2317 = arith.constant 16 : i32
      %mul3A_2318 = arith.muli %scan3A_374, %mul3A_2317 : i32
      %add3A_2319 = arith.constant 13 : i32
      %add3A_2320 = arith.addi %mul3A_2318, %add3A_2319 : i32
      %get3A_2321 = arith.index_cast %add3A_2320 : i32 to index
      %get3A_2322 = arith.constant 16 : index
      %get3A_2323 = tpu.vector_load %arg9[%get3A_2321, %get3A_2322] {strides = array<i32>} : memref<256x64xf32, #tpu.memory_space<vmem>>, vector<16xf32>,
      %add3A_2324 = arith.addf %mul3A_2316, %get3A_2323 : vector<16xf32>
      %add3A_2325 = arith.constant 13 : i32
      %add3A_2326 = arith.addi %mul3A_411, %add3A_2325 : i32
      %swap3A_2327 = arith.index_cast %add3A_2326 : i32 to index
      %swap3A_2328 = arith.constant 16 : index
      %swap3A_2329 = tpu.vector_load %arg8[%swap3A_2327, %swap3A_2328] {strides = array<i32>} : memref<32x64xf32, #tpu.memory_space<vmem>>, vector<16xf32>,
      tpu.vector_store %arg8[%swap3A_2327, %swap3A_2328], %add3A_2324 {strides = array<i32>} : memref<32x64xf32, #tpu.memory_space<vmem>>, vector<16xf32>,
      %add3A_2330 = arith.constant 352 : i32
      %add3A_2331 = vector.broadcast %add3A_2330 : i32 to vector<16xi32>
      %add3A_2332 = arith.addi %add3A_2331, %iota3A : vector<16xi32>
      %gather3A_2333 = tpu.vector_load_idx %arg7[%add3A_2332, %add3A_2289] : memref<512x128xf32, #tpu.memory_space<vmem>>[vector<16xi32>, vector<16xi32>], vector<16xf32>,
      %mul3A_2334 = vector.broadcast %squeeze3A_2291 : f32 to vector<16xf32>
      %mul3A_2335 = arith.mulf %gather3A_2333, %mul3A_2334 : vector<16xf32>
      %mul3A_2336 = arith.constant 16 : i32
      %mul3A_2337 = arith.muli %scan3A_374, %mul3A_2336 : i32
      %add3A_2338 = arith.constant 13 : i32
      %add3A_2339 = arith.addi %mul3A_2337, %add3A_2338 : i32
      %get3A_2340 = arith.index_cast %add3A_2339 : i32 to index
      %get3A_2341 = arith.constant 32 : index
      %get3A_2342 = tpu.vector_load %arg9[%get3A_2340, %get3A_2341] {strides = array<i32>} : memref<256x64xf32, #tpu.memory_space<vmem>>, vector<16xf32>,
      %add3A_2343 = arith.addf %mul3A_2335, %get3A_2342 : vector<16xf32>
      %add3A_2344 = arith.constant 13 : i32
      %add3A_2345 = arith.addi %mul3A_411, %add3A_2344 : i32
      %swap3A_2346 = arith.index_cast %add3A_2345 : i32 to index
      %swap3A_2347 = arith.constant 32 : index
      %swap3A_2348 = tpu.vector_load %arg8[%swap3A_2346, %swap3A_2347] {strides = array<i32>} : memref<32x64xf32, #tpu.memory_space<vmem>>, vector<16xf32>,
      tpu.vector_store %arg8[%swap3A_2346, %swap3A_2347], %add3A_2343 {strides = array<i32>} : memref<32x64xf32, #tpu.memory_space<vmem>>, vector<16xf32>,
      %add3A_2349 = arith.constant 368 : i32
      %add3A_2350 = vector.broadcast %add3A_2349 : i32 to vector<16xi32>
      %add3A_2351 = arith.addi %add3A_2350, %iota3A : vector<16xi32>
      %gather3A_2352 = tpu.vector_load_idx %arg7[%add3A_2351, %add3A_2289] : memref<512x128xf32, #tpu.memory_space<vmem>>[vector<16xi32>, vector<16xi32>], vector<16xf32>,
      %mul3A_2353 = vector.broadcast %squeeze3A_2291 : f32 to vector<16xf32>
      %mul3A_2354 = arith.mulf %gather3A_2352, %mul3A_2353 : vector<16xf32>
      %mul3A_2355 = arith.constant 16 : i32
      %mul3A_2356 = arith.muli %scan3A_374, %mul3A_2355 : i32
      %add3A_2357 = arith.constant 13 : i32
      %add3A_2358 = arith.addi %mul3A_2356, %add3A_2357 : i32
      %get3A_2359 = arith.index_cast %add3A_2358 : i32 to index
      %get3A_2360 = arith.constant 48 : index
      %get3A_2361 = tpu.vector_load %arg9[%get3A_2359, %get3A_2360] {strides = array<i32>} : memref<256x64xf32, #tpu.memory_space<vmem>>, vector<16xf32>,
      %add3A_2362 = arith.addf %mul3A_2354, %get3A_2361 : vector<16xf32>
      %add3A_2363 = arith.constant 13 : i32
      %add3A_2364 = arith.addi %mul3A_411, %add3A_2363 : i32
      %swap3A_2365 = arith.index_cast %add3A_2364 : i32 to index
      %swap3A_2366 = arith.constant 48 : index
      %swap3A_2367 = tpu.vector_load %arg8[%swap3A_2365, %swap3A_2366] {strides = array<i32>} : memref<32x64xf32, #tpu.memory_space<vmem>>, vector<16xf32>,
      tpu.vector_store %arg8[%swap3A_2365, %swap3A_2366], %add3A_2362 {strides = array<i32>} : memref<32x64xf32, #tpu.memory_space<vmem>>, vector<16xf32>,
      %slice3A_2368 = vector.extract_strided_slice %get3A_385 {offsets = [5], sizes = [1], strides = [1]} : vector<16xi32> to vector<1xi32>
      %squeeze3A_2369 = vector.extract %slice3A_2368[0] : i32 from vector<1xi32>
      %lt3A_2370 = arith.constant 15 : i32
      %lt3A_2371 = arith.cmpi slt, %scan3A_374, %lt3A_2370 : i32
      %convert_element_type3A_2372 = arith.extui %lt3A_2371 : i1 to i32
      %cond3A_2373 = arith.constant 0 : i32
      %cond3A_2374 = arith.cmpi ne, %convert_element_type3A_2372, %cond3A_2373 : i32
      scf.if %cond3A_2374 {
        %jit3A_2627 = arith.constant 128 : i32
        %div3A_2628 = arith.divsi %squeeze3A_2369, %jit3A_2627 : i32
        %sign3A_2629 = arith.constant 0 : i32
        %sign3A_2630 = arith.cmpi sgt, %squeeze3A_2369, %sign3A_2629 : i32
        %sign3A_2631 = arith.extui %sign3A_2630 : i1 to i32
        %sign3A_2632 = arith.constant 0 : i32
        %sign3A_2633 = arith.cmpi slt, %squeeze3A_2369, %sign3A_2632 : i32
        %sign3A_2634 = arith.extui %sign3A_2633 : i1 to i32
        %sign3A_2635 = arith.subi %sign3A_2631, %sign3A_2634 : i32
        %sign3A_2636 = arith.constant 0 : i32
        %sign3A_2637 = arith.cmpi sgt, %jit3A_2627, %sign3A_2636 : i32
        %sign3A_2638 = arith.extui %sign3A_2637 : i1 to i32
        %sign3A_2639 = arith.constant 0 : i32
        %sign3A_2640 = arith.cmpi slt, %jit3A_2627, %sign3A_2639 : i32
        %sign3A_2641 = arith.extui %sign3A_2640 : i1 to i32
        %sign3A_2642 = arith.subi %sign3A_2638, %sign3A_2641 : i32
        %ne3A_2643 = arith.cmpi ne, %sign3A_2635, %sign3A_2642 : i32
        %rem3A_2644 = arith.remsi %squeeze3A_2369, %jit3A_2627 : i32
        %ne3A_2645 = arith.constant 0 : i32
        %ne3A_2646 = arith.cmpi ne, %rem3A_2644, %ne3A_2645 : i32
        %and3A_2647 = arith.andi %ne3A_2643, %ne3A_2646 : i1
        %sub3A_2648 = arith.constant 1 : i32
        %sub3A_2649 = arith.subi %div3A_2628, %sub3A_2648 : i32
        %select_n3A_2650 = arith.select %and3A_2647, %sub3A_2649, %div3A_2628 : i32
        %mul3A_2651 = arith.constant 128 : i32
        %mul3A_2652 = arith.muli %select_n3A_2650, %mul3A_2651 : i32
        %multiple_of3A_2653 = tpu.assume_multiple %mul3A_2652, 128 : i32
        %dma_start3A_2654 = arith.constant 5 : i32
        %dma_start3A_2655 = arith.constant 320 : i32
        %dma_start3A_2656 = arith.constant 0 : i32
        %dma_start3A_2657 = tpu.memref_slice %arg7[%dma_start3A_2655, %dma_start3A_2656] : memref<512x128xf32, #tpu.memory_space<vmem>> -> memref<64x128xf32, #tpu.memory_space<vmem>>
        %dma_start3A_2658 = arith.constant 0 : i32
        %dma_start3A_2659 = tpu.memref_slice %arg3[%dma_start3A_2658, %multiple_of3A_2653] : memref<64x1000000xf32, #tpu.memory_space<hbm>> -> memref<64x128xf32, #tpu.memory_space<hbm>>
        %dma_start3A_2660 = tpu.memref_slice %arg10[%dma_start3A_2654] : memref<8x!tpu.dma_semaphore, #tpu.memory_space<semaphore_mem>> -> memref<1x!tpu.dma_semaphore, #tpu.memory_space<semaphore_mem>>
        %dma_start3A_2661 = tpu.memref_squeeze %dma_start3A_2660 : memref<1x!tpu.dma_semaphore, #tpu.memory_space<semaphore_mem>> -> memref<!tpu.dma_semaphore, #tpu.memory_space<semaphore_mem>>
        %dma_start3A_2662 = arith.constant 320 : i32
        %dma_start3A_2663 = arith.constant 0 : i32
        %dma_start3A_2664 = tpu.memref_slice %arg7[%dma_start3A_2662, %dma_start3A_2663] : memref<512x128xf32, #tpu.memory_space<vmem>> -> memref<64x128xf32, #tpu.memory_space<vmem>>
        %dma_start3A_2665 = arith.constant 0 : i32
        %dma_start3A_2666 = tpu.memref_slice %arg3[%dma_start3A_2665, %multiple_of3A_2653] : memref<64x1000000xf32, #tpu.memory_space<hbm>> -> memref<64x128xf32, #tpu.memory_space<hbm>>
        tpu.enqueue_dma source(%dma_start3A_2666 : memref<64x128xf32, #tpu.memory_space<hbm>>) target(%dma_start3A_2664 : memref<64x128xf32, #tpu.memory_space<vmem>>) target_semaphore(%dma_start3A_2661 : memref<!tpu.dma_semaphore, #tpu.memory_space<semaphore_mem>>)
      } else {
      }
      %dma_wait3A_2375 = arith.constant 6 : i32
      %dma_wait3A_2376 = arith.constant 384 : i32
      %dma_wait3A_2377 = arith.constant 0 : i32
      %dma_wait3A_2378 = tpu.memref_slice %arg7[%dma_wait3A_2376, %dma_wait3A_2377] : memref<512x128xf32, #tpu.memory_space<vmem>> -> memref<64x128xf32, #tpu.memory_space<vmem>>
      %dma_wait3A_2379 = arith.constant 0 : i32
      %dma_wait3A_2380 = arith.constant 0 : i32
      %dma_wait3A_2381 = tpu.memref_slice %arg3[%dma_wait3A_2379, %dma_wait3A_2380] : memref<64x1000000xf32, #tpu.memory_space<hbm>> -> memref<64x128xf32, #tpu.memory_space<hbm>>
      %dma_wait3A_2382 = tpu.memref_slice %arg10[%dma_wait3A_2375] : memref<8x!tpu.dma_semaphore, #tpu.memory_space<semaphore_mem>> -> memref<1x!tpu.dma_semaphore, #tpu.memory_space<semaphore_mem>>
      %dma_wait3A_2383 = tpu.memref_squeeze %dma_wait3A_2382 : memref<1x!tpu.dma_semaphore, #tpu.memory_space<semaphore_mem>> -> memref<!tpu.dma_semaphore, #tpu.memory_space<semaphore_mem>>
      %dma_wait3A_2384 = arith.constant 384 : i32
      %dma_wait3A_2385 = arith.constant 0 : i32
      %dma_wait3A_2386 = tpu.memref_slice %arg7[%dma_wait3A_2384, %dma_wait3A_2385] : memref<512x128xf32, #tpu.memory_space<vmem>> -> memref<64x128xf32, #tpu.memory_space<vmem>>
      %dma_wait3A_2387 = arith.constant 0 : i32
      %dma_wait3A_2388 = arith.constant 0 : i32
      %dma_wait3A_2389 = tpu.memref_slice %arg3[%dma_wait3A_2387, %dma_wait3A_2388] : memref<64x1000000xf32, #tpu.memory_space<hbm>> -> memref<64x128xf32, #tpu.memory_space<hbm>>
      tpu.wait_dma2 semaphore(%dma_wait3A_2383 : memref<!tpu.dma_semaphore, #tpu.memory_space<semaphore_mem>>) src(%dma_wait3A_2389 : memref<64x128xf32, #tpu.memory_space<hbm>>) dst(%dma_wait3A_2386 : memref<64x128xf32, #tpu.memory_space<vmem>>)
      %slice3A_2390 = vector.extract_strided_slice %get3A_379 {offsets = [14], sizes = [1], strides = [1]} : vector<16xi32> to vector<1xi32>
      %squeeze3A_2391 = vector.extract %slice3A_2390[0] : i32 from vector<1xi32>
      %jit3A_2392 = arith.constant 128 : i32
      %eq3A_2393 = arith.constant 0 : i32
      %eq3A_2394 = arith.cmpi eq, %jit3A_2392, %eq3A_2393 : i32
      %jit3A_2395 = arith.constant 1 : i32
      %select_n3A_2396 = arith.select %eq3A_2394, %jit3A_2395, %jit3A_2392 : i32
      %rem3A_2397 = arith.remsi %squeeze3A_2391, %select_n3A_2396 : i32
      %ne3A_2398 = arith.constant 0 : i32
      %ne3A_2399 = arith.cmpi ne, %rem3A_2397, %ne3A_2398 : i32
      %lt3A_2400 = arith.constant 0 : i32
      %lt3A_2401 = arith.cmpi slt, %rem3A_2397, %lt3A_2400 : i32
      %lt3A_2402 = arith.constant 0 : i32
      %lt3A_2403 = arith.cmpi slt, %select_n3A_2396, %lt3A_2402 : i32
      %ne3A_2404 = arith.xori %lt3A_2401, %lt3A_2403 : i1
      %and3A_2405 = arith.andi %ne3A_2404, %ne3A_2399 : i1
      %add3A_2406 = arith.addi %rem3A_2397, %select_n3A_2396 : i32
      %select_n3A_2407 = arith.select %and3A_2405, %add3A_2406, %rem3A_2397 : i32
      %add3A_2408 = vector.broadcast %select_n3A_2407 : i32 to vector<16xi32>
      %add3A_2409 = arith.addi %add3A_2408, %broadcast_in_dim3A_14 : vector<16xi32>
      %slice3A_2410 = vector.extract_strided_slice %select_n3A_393 {offsets = [14], sizes = [1], strides = [1]} : vector<16xf32> to vector<1xf32>
      %squeeze3A_2411 = vector.extract %slice3A_2410[0] : f32 from vector<1xf32>
      %add3A_2412 = arith.constant 384 : i32
      %add3A_2413 = vector.broadcast %add3A_2412 : i32 to vector<16xi32>
      %add3A_2414 = arith.addi %add3A_2413, %iota3A : vector<16xi32>
      %gather3A_2415 = tpu.vector_load_idx %arg7[%add3A_2414, %add3A_2409] : memref<512x128xf32, #tpu.memory_space<vmem>>[vector<16xi32>, vector<16xi32>], vector<16xf32>,
      %mul3A_2416 = vector.broadcast %squeeze3A_2411 : f32 to vector<16xf32>
      %mul3A_2417 = arith.mulf %gather3A_2415, %mul3A_2416 : vector<16xf32>
      %mul3A_2418 = arith.constant 16 : i32
      %mul3A_2419 = arith.muli %scan3A_374, %mul3A_2418 : i32
      %add3A_2420 = arith.constant 14 : i32
      %add3A_2421 = arith.addi %mul3A_2419, %add3A_2420 : i32
      %get3A_2422 = arith.index_cast %add3A_2421 : i32 to index
      %get3A_2423 = arith.constant 0 : index
      %get3A_2424 = tpu.vector_load %arg9[%get3A_2422, %get3A_2423] {strides = array<i32>} : memref<256x64xf32, #tpu.memory_space<vmem>>, vector<16xf32>,
      %add3A_2425 = arith.addf %mul3A_2417, %get3A_2424 : vector<16xf32>
      %add3A_2426 = arith.constant 14 : i32
      %add3A_2427 = arith.addi %mul3A_411, %add3A_2426 : i32
      %swap3A_2428 = arith.index_cast %add3A_2427 : i32 to index
      %swap3A_2429 = arith.constant 0 : index
      %swap3A_2430 = tpu.vector_load %arg8[%swap3A_2428, %swap3A_2429] {strides = array<i32>} : memref<32x64xf32, #tpu.memory_space<vmem>>, vector<16xf32>,
      tpu.vector_store %arg8[%swap3A_2428, %swap3A_2429], %add3A_2425 {strides = array<i32>} : memref<32x64xf32, #tpu.memory_space<vmem>>, vector<16xf32>,
      %add3A_2431 = arith.constant 400 : i32
      %add3A_2432 = vector.broadcast %add3A_2431 : i32 to vector<16xi32>
      %add3A_2433 = arith.addi %add3A_2432, %iota3A : vector<16xi32>
      %gather3A_2434 = tpu.vector_load_idx %arg7[%add3A_2433, %add3A_2409] : memref<512x128xf32, #tpu.memory_space<vmem>>[vector<16xi32>, vector<16xi32>], vector<16xf32>,
      %mul3A_2435 = vector.broadcast %squeeze3A_2411 : f32 to vector<16xf32>
      %mul3A_2436 = arith.mulf %gather3A_2434, %mul3A_2435 : vector<16xf32>
      %mul3A_2437 = arith.constant 16 : i32
      %mul3A_2438 = arith.muli %scan3A_374, %mul3A_2437 : i32
      %add3A_2439 = arith.constant 14 : i32
      %add3A_2440 = arith.addi %mul3A_2438, %add3A_2439 : i32
      %get3A_2441 = arith.index_cast %add3A_2440 : i32 to index
      %get3A_2442 = arith.constant 16 : index
      %get3A_2443 = tpu.vector_load %arg9[%get3A_2441, %get3A_2442] {strides = array<i32>} : memref<256x64xf32, #tpu.memory_space<vmem>>, vector<16xf32>,
      %add3A_2444 = arith.addf %mul3A_2436, %get3A_2443 : vector<16xf32>
      %add3A_2445 = arith.constant 14 : i32
      %add3A_2446 = arith.addi %mul3A_411, %add3A_2445 : i32
      %swap3A_2447 = arith.index_cast %add3A_2446 : i32 to index
      %swap3A_2448 = arith.constant 16 : index
      %swap3A_2449 = tpu.vector_load %arg8[%swap3A_2447, %swap3A_2448] {strides = array<i32>} : memref<32x64xf32, #tpu.memory_space<vmem>>, vector<16xf32>,
      tpu.vector_store %arg8[%swap3A_2447, %swap3A_2448], %add3A_2444 {strides = array<i32>} : memref<32x64xf32, #tpu.memory_space<vmem>>, vector<16xf32>,
      %add3A_2450 = arith.constant 416 : i32
      %add3A_2451 = vector.broadcast %add3A_2450 : i32 to vector<16xi32>
      %add3A_2452 = arith.addi %add3A_2451, %iota3A : vector<16xi32>
      %gather3A_2453 = tpu.vector_load_idx %arg7[%add3A_2452, %add3A_2409] : memref<512x128xf32, #tpu.memory_space<vmem>>[vector<16xi32>, vector<16xi32>], vector<16xf32>,
      %mul3A_2454 = vector.broadcast %squeeze3A_2411 : f32 to vector<16xf32>
      %mul3A_2455 = arith.mulf %gather3A_2453, %mul3A_2454 : vector<16xf32>
      %mul3A_2456 = arith.constant 16 : i32
      %mul3A_2457 = arith.muli %scan3A_374, %mul3A_2456 : i32
      %add3A_2458 = arith.constant 14 : i32
      %add3A_2459 = arith.addi %mul3A_2457, %add3A_2458 : i32
      %get3A_2460 = arith.index_cast %add3A_2459 : i32 to index
      %get3A_2461 = arith.constant 32 : index
      %get3A_2462 = tpu.vector_load %arg9[%get3A_2460, %get3A_2461] {strides = array<i32>} : memref<256x64xf32, #tpu.memory_space<vmem>>, vector<16xf32>,
      %add3A_2463 = arith.addf %mul3A_2455, %get3A_2462 : vector<16xf32>
      %add3A_2464 = arith.constant 14 : i32
      %add3A_2465 = arith.addi %mul3A_411, %add3A_2464 : i32
      %swap3A_2466 = arith.index_cast %add3A_2465 : i32 to index
      %swap3A_2467 = arith.constant 32 : index
      %swap3A_2468 = tpu.vector_load %arg8[%swap3A_2466, %swap3A_2467] {strides = array<i32>} : memref<32x64xf32, #tpu.memory_space<vmem>>, vector<16xf32>,
      tpu.vector_store %arg8[%swap3A_2466, %swap3A_2467], %add3A_2463 {strides = array<i32>} : memref<32x64xf32, #tpu.memory_space<vmem>>, vector<16xf32>,
      %add3A_2469 = arith.constant 432 : i32
      %add3A_2470 = vector.broadcast %add3A_2469 : i32 to vector<16xi32>
      %add3A_2471 = arith.addi %add3A_2470, %iota3A : vector<16xi32>
      %gather3A_2472 = tpu.vector_load_idx %arg7[%add3A_2471, %add3A_2409] : memref<512x128xf32, #tpu.memory_space<vmem>>[vector<16xi32>, vector<16xi32>], vector<16xf32>,
      %mul3A_2473 = vector.broadcast %squeeze3A_2411 : f32 to vector<16xf32>
      %mul3A_2474 = arith.mulf %gather3A_2472, %mul3A_2473 : vector<16xf32>
      %mul3A_2475 = arith.constant 16 : i32
      %mul3A_2476 = arith.muli %scan3A_374, %mul3A_2475 : i32
      %add3A_2477 = arith.constant 14 : i32
      %add3A_2478 = arith.addi %mul3A_2476, %add3A_2477 : i32
      %get3A_2479 = arith.index_cast %add3A_2478 : i32 to index
      %get3A_2480 = arith.constant 48 : index
      %get3A_2481 = tpu.vector_load %arg9[%get3A_2479, %get3A_2480] {strides = array<i32>} : memref<256x64xf32, #tpu.memory_space<vmem>>, vector<16xf32>,
      %add3A_2482 = arith.addf %mul3A_2474, %get3A_2481 : vector<16xf32>
      %add3A_2483 = arith.constant 14 : i32
      %add3A_2484 = arith.addi %mul3A_411, %add3A_2483 : i32
      %swap3A_2485 = arith.index_cast %add3A_2484 : i32 to index
      %swap3A_2486 = arith.constant 48 : index
      %swap3A_2487 = tpu.vector_load %arg8[%swap3A_2485, %swap3A_2486] {strides = array<i32>} : memref<32x64xf32, #tpu.memory_space<vmem>>, vector<16xf32>,
      tpu.vector_store %arg8[%swap3A_2485, %swap3A_2486], %add3A_2482 {strides = array<i32>} : memref<32x64xf32, #tpu.memory_space<vmem>>, vector<16xf32>,
      %slice3A_2488 = vector.extract_strided_slice %get3A_385 {offsets = [6], sizes = [1], strides = [1]} : vector<16xi32> to vector<1xi32>
      %squeeze3A_2489 = vector.extract %slice3A_2488[0] : i32 from vector<1xi32>
      %lt3A_2490 = arith.constant 15 : i32
      %lt3A_2491 = arith.cmpi slt, %scan3A_374, %lt3A_2490 : i32
      %convert_element_type3A_2492 = arith.extui %lt3A_2491 : i1 to i32
      %cond3A_2493 = arith.constant 0 : i32
      %cond3A_2494 = arith.cmpi ne, %convert_element_type3A_2492, %cond3A_2493 : i32
      scf.if %cond3A_2494 {
        %jit3A_2627 = arith.constant 128 : i32
        %div3A_2628 = arith.divsi %squeeze3A_2489, %jit3A_2627 : i32
        %sign3A_2629 = arith.constant 0 : i32
        %sign3A_2630 = arith.cmpi sgt, %squeeze3A_2489, %sign3A_2629 : i32
        %sign3A_2631 = arith.extui %sign3A_2630 : i1 to i32
        %sign3A_2632 = arith.constant 0 : i32
        %sign3A_2633 = arith.cmpi slt, %squeeze3A_2489, %sign3A_2632 : i32
        %sign3A_2634 = arith.extui %sign3A_2633 : i1 to i32
        %sign3A_2635 = arith.subi %sign3A_2631, %sign3A_2634 : i32
        %sign3A_2636 = arith.constant 0 : i32
        %sign3A_2637 = arith.cmpi sgt, %jit3A_2627, %sign3A_2636 : i32
        %sign3A_2638 = arith.extui %sign3A_2637 : i1 to i32
        %sign3A_2639 = arith.constant 0 : i32
        %sign3A_2640 = arith.cmpi slt, %jit3A_2627, %sign3A_2639 : i32
        %sign3A_2641 = arith.extui %sign3A_2640 : i1 to i32
        %sign3A_2642 = arith.subi %sign3A_2638, %sign3A_2641 : i32
        %ne3A_2643 = arith.cmpi ne, %sign3A_2635, %sign3A_2642 : i32
        %rem3A_2644 = arith.remsi %squeeze3A_2489, %jit3A_2627 : i32
        %ne3A_2645 = arith.constant 0 : i32
        %ne3A_2646 = arith.cmpi ne, %rem3A_2644, %ne3A_2645 : i32
        %and3A_2647 = arith.andi %ne3A_2643, %ne3A_2646 : i1
        %sub3A_2648 = arith.constant 1 : i32
        %sub3A_2649 = arith.subi %div3A_2628, %sub3A_2648 : i32
        %select_n3A_2650 = arith.select %and3A_2647, %sub3A_2649, %div3A_2628 : i32
        %mul3A_2651 = arith.constant 128 : i32
        %mul3A_2652 = arith.muli %select_n3A_2650, %mul3A_2651 : i32
        %multiple_of3A_2653 = tpu.assume_multiple %mul3A_2652, 128 : i32
        %dma_start3A_2654 = arith.constant 6 : i32
        %dma_start3A_2655 = arith.constant 384 : i32
        %dma_start3A_2656 = arith.constant 0 : i32
        %dma_start3A_2657 = tpu.memref_slice %arg7[%dma_start3A_2655, %dma_start3A_2656] : memref<512x128xf32, #tpu.memory_space<vmem>> -> memref<64x128xf32, #tpu.memory_space<vmem>>
        %dma_start3A_2658 = arith.constant 0 : i32
        %dma_start3A_2659 = tpu.memref_slice %arg3[%dma_start3A_2658, %multiple_of3A_2653] : memref<64x1000000xf32, #tpu.memory_space<hbm>> -> memref<64x128xf32, #tpu.memory_space<hbm>>
        %dma_start3A_2660 = tpu.memref_slice %arg10[%dma_start3A_2654] : memref<8x!tpu.dma_semaphore, #tpu.memory_space<semaphore_mem>> -> memref<1x!tpu.dma_semaphore, #tpu.memory_space<semaphore_mem>>
        %dma_start3A_2661 = tpu.memref_squeeze %dma_start3A_2660 : memref<1x!tpu.dma_semaphore, #tpu.memory_space<semaphore_mem>> -> memref<!tpu.dma_semaphore, #tpu.memory_space<semaphore_mem>>
        %dma_start3A_2662 = arith.constant 384 : i32
        %dma_start3A_2663 = arith.constant 0 : i32
        %dma_start3A_2664 = tpu.memref_slice %arg7[%dma_start3A_2662, %dma_start3A_2663] : memref<512x128xf32, #tpu.memory_space<vmem>> -> memref<64x128xf32, #tpu.memory_space<vmem>>
        %dma_start3A_2665 = arith.constant 0 : i32
        %dma_start3A_2666 = tpu.memref_slice %arg3[%dma_start3A_2665, %multiple_of3A_2653] : memref<64x1000000xf32, #tpu.memory_space<hbm>> -> memref<64x128xf32, #tpu.memory_space<hbm>>
        tpu.enqueue_dma source(%dma_start3A_2666 : memref<64x128xf32, #tpu.memory_space<hbm>>) target(%dma_start3A_2664 : memref<64x128xf32, #tpu.memory_space<vmem>>) target_semaphore(%dma_start3A_2661 : memref<!tpu.dma_semaphore, #tpu.memory_space<semaphore_mem>>)
      } else {
      }
      %dma_wait3A_2495 = arith.constant 7 : i32
      %dma_wait3A_2496 = arith.constant 448 : i32
      %dma_wait3A_2497 = arith.constant 0 : i32
      %dma_wait3A_2498 = tpu.memref_slice %arg7[%dma_wait3A_2496, %dma_wait3A_2497] : memref<512x128xf32, #tpu.memory_space<vmem>> -> memref<64x128xf32, #tpu.memory_space<vmem>>
      %dma_wait3A_2499 = arith.constant 0 : i32
      %dma_wait3A_2500 = arith.constant 0 : i32
      %dma_wait3A_2501 = tpu.memref_slice %arg3[%dma_wait3A_2499, %dma_wait3A_2500] : memref<64x1000000xf32, #tpu.memory_space<hbm>> -> memref<64x128xf32, #tpu.memory_space<hbm>>
      %dma_wait3A_2502 = tpu.memref_slice %arg10[%dma_wait3A_2495] : memref<8x!tpu.dma_semaphore, #tpu.memory_space<semaphore_mem>> -> memref<1x!tpu.dma_semaphore, #tpu.memory_space<semaphore_mem>>
      %dma_wait3A_2503 = tpu.memref_squeeze %dma_wait3A_2502 : memref<1x!tpu.dma_semaphore, #tpu.memory_space<semaphore_mem>> -> memref<!tpu.dma_semaphore, #tpu.memory_space<semaphore_mem>>
      %dma_wait3A_2504 = arith.constant 448 : i32
      %dma_wait3A_2505 = arith.constant 0 : i32
      %dma_wait3A_2506 = tpu.memref_slice %arg7[%dma_wait3A_2504, %dma_wait3A_2505] : memref<512x128xf32, #tpu.memory_space<vmem>> -> memref<64x128xf32, #tpu.memory_space<vmem>>
      %dma_wait3A_2507 = arith.constant 0 : i32
      %dma_wait3A_2508 = arith.constant 0 : i32
      %dma_wait3A_2509 = tpu.memref_slice %arg3[%dma_wait3A_2507, %dma_wait3A_2508] : memref<64x1000000xf32, #tpu.memory_space<hbm>> -> memref<64x128xf32, #tpu.memory_space<hbm>>
      tpu.wait_dma2 semaphore(%dma_wait3A_2503 : memref<!tpu.dma_semaphore, #tpu.memory_space<semaphore_mem>>) src(%dma_wait3A_2509 : memref<64x128xf32, #tpu.memory_space<hbm>>) dst(%dma_wait3A_2506 : memref<64x128xf32, #tpu.memory_space<vmem>>)
      %slice3A_2510 = vector.extract_strided_slice %get3A_379 {offsets = [15], sizes = [1], strides = [1]} : vector<16xi32> to vector<1xi32>
      %squeeze3A_2511 = vector.extract %slice3A_2510[0] : i32 from vector<1xi32>
      %jit3A_2512 = arith.constant 128 : i32
      %eq3A_2513 = arith.constant 0 : i32
      %eq3A_2514 = arith.cmpi eq, %jit3A_2512, %eq3A_2513 : i32
      %jit3A_2515 = arith.constant 1 : i32
      %select_n3A_2516 = arith.select %eq3A_2514, %jit3A_2515, %jit3A_2512 : i32
      %rem3A_2517 = arith.remsi %squeeze3A_2511, %select_n3A_2516 : i32
      %ne3A_2518 = arith.constant 0 : i32
      %ne3A_2519 = arith.cmpi ne, %rem3A_2517, %ne3A_2518 : i32
      %lt3A_2520 = arith.constant 0 : i32
      %lt3A_2521 = arith.cmpi slt, %rem3A_2517, %lt3A_2520 : i32
      %lt3A_2522 = arith.constant 0 : i32
      %lt3A_2523 = arith.cmpi slt, %select_n3A_2516, %lt3A_2522 : i32
      %ne3A_2524 = arith.xori %lt3A_2521, %lt3A_2523 : i1
      %and3A_2525 = arith.andi %ne3A_2524, %ne3A_2519 : i1
      %add3A_2526 = arith.addi %rem3A_2517, %select_n3A_2516 : i32
      %select_n3A_2527 = arith.select %and3A_2525, %add3A_2526, %rem3A_2517 : i32
      %add3A_2528 = vector.broadcast %select_n3A_2527 : i32 to vector<16xi32>
      %add3A_2529 = arith.addi %add3A_2528, %broadcast_in_dim3A_14 : vector<16xi32>
      %slice3A_2530 = vector.extract_strided_slice %select_n3A_393 {offsets = [15], sizes = [1], strides = [1]} : vector<16xf32> to vector<1xf32>
      %squeeze3A_2531 = vector.extract %slice3A_2530[0] : f32 from vector<1xf32>
      %add3A_2532 = arith.constant 448 : i32
      %add3A_2533 = vector.broadcast %add3A_2532 : i32 to vector<16xi32>
      %add3A_2534 = arith.addi %add3A_2533, %iota3A : vector<16xi32>
      %gather3A_2535 = tpu.vector_load_idx %arg7[%add3A_2534, %add3A_2529] : memref<512x128xf32, #tpu.memory_space<vmem>>[vector<16xi32>, vector<16xi32>], vector<16xf32>,
      %mul3A_2536 = vector.broadcast %squeeze3A_2531 : f32 to vector<16xf32>
      %mul3A_2537 = arith.mulf %gather3A_2535, %mul3A_2536 : vector<16xf32>
      %mul3A_2538 = arith.constant 16 : i32
      %mul3A_2539 = arith.muli %scan3A_374, %mul3A_2538 : i32
      %add3A_2540 = arith.constant 15 : i32
      %add3A_2541 = arith.addi %mul3A_2539, %add3A_2540 : i32
      %get3A_2542 = arith.index_cast %add3A_2541 : i32 to index
      %get3A_2543 = arith.constant 0 : index
      %get3A_2544 = tpu.vector_load %arg9[%get3A_2542, %get3A_2543] {strides = array<i32>} : memref<256x64xf32, #tpu.memory_space<vmem>>, vector<16xf32>,
      %add3A_2545 = arith.addf %mul3A_2537, %get3A_2544 : vector<16xf32>
      %add3A_2546 = arith.constant 15 : i32
      %add3A_2547 = arith.addi %mul3A_411, %add3A_2546 : i32
      %swap3A_2548 = arith.index_cast %add3A_2547 : i32 to index
      %swap3A_2549 = arith.constant 0 : index
      %swap3A_2550 = tpu.vector_load %arg8[%swap3A_2548, %swap3A_2549] {strides = array<i32>} : memref<32x64xf32, #tpu.memory_space<vmem>>, vector<16xf32>,
      tpu.vector_store %arg8[%swap3A_2548, %swap3A_2549], %add3A_2545 {strides = array<i32>} : memref<32x64xf32, #tpu.memory_space<vmem>>, vector<16xf32>,
      %add3A_2551 = arith.constant 464 : i32
      %add3A_2552 = vector.broadcast %add3A_2551 : i32 to vector<16xi32>
      %add3A_2553 = arith.addi %add3A_2552, %iota3A : vector<16xi32>
      %gather3A_2554 = tpu.vector_load_idx %arg7[%add3A_2553, %add3A_2529] : memref<512x128xf32, #tpu.memory_space<vmem>>[vector<16xi32>, vector<16xi32>], vector<16xf32>,
      %mul3A_2555 = vector.broadcast %squeeze3A_2531 : f32 to vector<16xf32>
      %mul3A_2556 = arith.mulf %gather3A_2554, %mul3A_2555 : vector<16xf32>
      %mul3A_2557 = arith.constant 16 : i32
      %mul3A_2558 = arith.muli %scan3A_374, %mul3A_2557 : i32
      %add3A_2559 = arith.constant 15 : i32
      %add3A_2560 = arith.addi %mul3A_2558, %add3A_2559 : i32
      %get3A_2561 = arith.index_cast %add3A_2560 : i32 to index
      %get3A_2562 = arith.constant 16 : index
      %get3A_2563 = tpu.vector_load %arg9[%get3A_2561, %get3A_2562] {strides = array<i32>} : memref<256x64xf32, #tpu.memory_space<vmem>>, vector<16xf32>,
      %add3A_2564 = arith.addf %mul3A_2556, %get3A_2563 : vector<16xf32>
      %add3A_2565 = arith.constant 15 : i32
      %add3A_2566 = arith.addi %mul3A_411, %add3A_2565 : i32
      %swap3A_2567 = arith.index_cast %add3A_2566 : i32 to index
      %swap3A_2568 = arith.constant 16 : index
      %swap3A_2569 = tpu.vector_load %arg8[%swap3A_2567, %swap3A_2568] {strides = array<i32>} : memref<32x64xf32, #tpu.memory_space<vmem>>, vector<16xf32>,
      tpu.vector_store %arg8[%swap3A_2567, %swap3A_2568], %add3A_2564 {strides = array<i32>} : memref<32x64xf32, #tpu.memory_space<vmem>>, vector<16xf32>,
      %add3A_2570 = arith.constant 480 : i32
      %add3A_2571 = vector.broadcast %add3A_2570 : i32 to vector<16xi32>
      %add3A_2572 = arith.addi %add3A_2571, %iota3A : vector<16xi32>
      %gather3A_2573 = tpu.vector_load_idx %arg7[%add3A_2572, %add3A_2529] : memref<512x128xf32, #tpu.memory_space<vmem>>[vector<16xi32>, vector<16xi32>], vector<16xf32>,
      %mul3A_2574 = vector.broadcast %squeeze3A_2531 : f32 to vector<16xf32>
      %mul3A_2575 = arith.mulf %gather3A_2573, %mul3A_2574 : vector<16xf32>
      %mul3A_2576 = arith.constant 16 : i32
      %mul3A_2577 = arith.muli %scan3A_374, %mul3A_2576 : i32
      %add3A_2578 = arith.constant 15 : i32
      %add3A_2579 = arith.addi %mul3A_2577, %add3A_2578 : i32
      %get3A_2580 = arith.index_cast %add3A_2579 : i32 to index
      %get3A_2581 = arith.constant 32 : index
      %get3A_2582 = tpu.vector_load %arg9[%get3A_2580, %get3A_2581] {strides = array<i32>} : memref<256x64xf32, #tpu.memory_space<vmem>>, vector<16xf32>,
      %add3A_2583 = arith.addf %mul3A_2575, %get3A_2582 : vector<16xf32>
      %add3A_2584 = arith.constant 15 : i32
      %add3A_2585 = arith.addi %mul3A_411, %add3A_2584 : i32
      %swap3A_2586 = arith.index_cast %add3A_2585 : i32 to index
      %swap3A_2587 = arith.constant 32 : index
      %swap3A_2588 = tpu.vector_load %arg8[%swap3A_2586, %swap3A_2587] {strides = array<i32>} : memref<32x64xf32, #tpu.memory_space<vmem>>, vector<16xf32>,
      tpu.vector_store %arg8[%swap3A_2586, %swap3A_2587], %add3A_2583 {strides = array<i32>} : memref<32x64xf32, #tpu.memory_space<vmem>>, vector<16xf32>,
      %add3A_2589 = arith.constant 496 : i32
      %add3A_2590 = vector.broadcast %add3A_2589 : i32 to vector<16xi32>
      %add3A_2591 = arith.addi %add3A_2590, %iota3A : vector<16xi32>
      %gather3A_2592 = tpu.vector_load_idx %arg7[%add3A_2591, %add3A_2529] : memref<512x128xf32, #tpu.memory_space<vmem>>[vector<16xi32>, vector<16xi32>], vector<16xf32>,
      %mul3A_2593 = vector.broadcast %squeeze3A_2531 : f32 to vector<16xf32>
      %mul3A_2594 = arith.mulf %gather3A_2592, %mul3A_2593 : vector<16xf32>
      %mul3A_2595 = arith.constant 16 : i32
      %mul3A_2596 = arith.muli %scan3A_374, %mul3A_2595 : i32
      %add3A_2597 = arith.constant 15 : i32
      %add3A_2598 = arith.addi %mul3A_2596, %add3A_2597 : i32
      %get3A_2599 = arith.index_cast %add3A_2598 : i32 to index
      %get3A_2600 = arith.constant 48 : index
      %get3A_2601 = tpu.vector_load %arg9[%get3A_2599, %get3A_2600] {strides = array<i32>} : memref<256x64xf32, #tpu.memory_space<vmem>>, vector<16xf32>,
      %add3A_2602 = arith.addf %mul3A_2594, %get3A_2601 : vector<16xf32>
      %add3A_2603 = arith.constant 15 : i32
      %add3A_2604 = arith.addi %mul3A_411, %add3A_2603 : i32
      %swap3A_2605 = arith.index_cast %add3A_2604 : i32 to index
      %swap3A_2606 = arith.constant 48 : index
      %swap3A_2607 = tpu.vector_load %arg8[%swap3A_2605, %swap3A_2606] {strides = array<i32>} : memref<32x64xf32, #tpu.memory_space<vmem>>, vector<16xf32>,
      tpu.vector_store %arg8[%swap3A_2605, %swap3A_2606], %add3A_2602 {strides = array<i32>} : memref<32x64xf32, #tpu.memory_space<vmem>>, vector<16xf32>,
      %slice3A_2608 = vector.extract_strided_slice %get3A_385 {offsets = [7], sizes = [1], strides = [1]} : vector<16xi32> to vector<1xi32>
      %squeeze3A_2609 = vector.extract %slice3A_2608[0] : i32 from vector<1xi32>
      %lt3A_2610 = arith.constant 15 : i32
      %lt3A_2611 = arith.cmpi slt, %scan3A_374, %lt3A_2610 : i32
      %convert_element_type3A_2612 = arith.extui %lt3A_2611 : i1 to i32
      %cond3A_2613 = arith.constant 0 : i32
      %cond3A_2614 = arith.cmpi ne, %convert_element_type3A_2612, %cond3A_2613 : i32
      scf.if %cond3A_2614 {
        %jit3A_2627 = arith.constant 128 : i32
        %div3A_2628 = arith.divsi %squeeze3A_2609, %jit3A_2627 : i32
        %sign3A_2629 = arith.constant 0 : i32
        %sign3A_2630 = arith.cmpi sgt, %squeeze3A_2609, %sign3A_2629 : i32
        %sign3A_2631 = arith.extui %sign3A_2630 : i1 to i32
        %sign3A_2632 = arith.constant 0 : i32
        %sign3A_2633 = arith.cmpi slt, %squeeze3A_2609, %sign3A_2632 : i32
        %sign3A_2634 = arith.extui %sign3A_2633 : i1 to i32
        %sign3A_2635 = arith.subi %sign3A_2631, %sign3A_2634 : i32
        %sign3A_2636 = arith.constant 0 : i32
        %sign3A_2637 = arith.cmpi sgt, %jit3A_2627, %sign3A_2636 : i32
        %sign3A_2638 = arith.extui %sign3A_2637 : i1 to i32
        %sign3A_2639 = arith.constant 0 : i32
        %sign3A_2640 = arith.cmpi slt, %jit3A_2627, %sign3A_2639 : i32
        %sign3A_2641 = arith.extui %sign3A_2640 : i1 to i32
        %sign3A_2642 = arith.subi %sign3A_2638, %sign3A_2641 : i32
        %ne3A_2643 = arith.cmpi ne, %sign3A_2635, %sign3A_2642 : i32
        %rem3A_2644 = arith.remsi %squeeze3A_2609, %jit3A_2627 : i32
        %ne3A_2645 = arith.constant 0 : i32
        %ne3A_2646 = arith.cmpi ne, %rem3A_2644, %ne3A_2645 : i32
        %and3A_2647 = arith.andi %ne3A_2643, %ne3A_2646 : i1
        %sub3A_2648 = arith.constant 1 : i32
        %sub3A_2649 = arith.subi %div3A_2628, %sub3A_2648 : i32
        %select_n3A_2650 = arith.select %and3A_2647, %sub3A_2649, %div3A_2628 : i32
        %mul3A_2651 = arith.constant 128 : i32
        %mul3A_2652 = arith.muli %select_n3A_2650, %mul3A_2651 : i32
        %multiple_of3A_2653 = tpu.assume_multiple %mul3A_2652, 128 : i32
        %dma_start3A_2654 = arith.constant 7 : i32
        %dma_start3A_2655 = arith.constant 448 : i32
        %dma_start3A_2656 = arith.constant 0 : i32
        %dma_start3A_2657 = tpu.memref_slice %arg7[%dma_start3A_2655, %dma_start3A_2656] : memref<512x128xf32, #tpu.memory_space<vmem>> -> memref<64x128xf32, #tpu.memory_space<vmem>>
        %dma_start3A_2658 = arith.constant 0 : i32
        %dma_start3A_2659 = tpu.memref_slice %arg3[%dma_start3A_2658, %multiple_of3A_2653] : memref<64x1000000xf32, #tpu.memory_space<hbm>> -> memref<64x128xf32, #tpu.memory_space<hbm>>
        %dma_start3A_2660 = tpu.memref_slice %arg10[%dma_start3A_2654] : memref<8x!tpu.dma_semaphore, #tpu.memory_space<semaphore_mem>> -> memref<1x!tpu.dma_semaphore, #tpu.memory_space<semaphore_mem>>
        %dma_start3A_2661 = tpu.memref_squeeze %dma_start3A_2660 : memref<1x!tpu.dma_semaphore, #tpu.memory_space<semaphore_mem>> -> memref<!tpu.dma_semaphore, #tpu.memory_space<semaphore_mem>>
        %dma_start3A_2662 = arith.constant 448 : i32
        %dma_start3A_2663 = arith.constant 0 : i32
        %dma_start3A_2664 = tpu.memref_slice %arg7[%dma_start3A_2662, %dma_start3A_2663] : memref<512x128xf32, #tpu.memory_space<vmem>> -> memref<64x128xf32, #tpu.memory_space<vmem>>
        %dma_start3A_2665 = arith.constant 0 : i32
        %dma_start3A_2666 = tpu.memref_slice %arg3[%dma_start3A_2665, %multiple_of3A_2653] : memref<64x1000000xf32, #tpu.memory_space<hbm>> -> memref<64x128xf32, #tpu.memory_space<hbm>>
        tpu.enqueue_dma source(%dma_start3A_2666 : memref<64x128xf32, #tpu.memory_space<hbm>>) target(%dma_start3A_2664 : memref<64x128xf32, #tpu.memory_space<vmem>>) target_semaphore(%dma_start3A_2661 : memref<!tpu.dma_semaphore, #tpu.memory_space<semaphore_mem>>)
      } else {
      }
      %mul3A_2615 = arith.constant 16 : i32
      %mul3A_2616 = arith.muli %scan3A_374, %mul3A_2615 : i32
      %add3A_2617 = arith.addi %mul3A_2, %mul3A_2616 : i32
      %dma_start3A_2618 = arith.constant 0 : i32
      %dma_start3A_2619 = tpu.memref_slice %arg8[%mul3A_411, %dma_start3A_2618] : memref<32x64xf32, #tpu.memory_space<vmem>> -> memref<16x64xf32, #tpu.memory_space<vmem>>
      %dma_start3A_2620 = arith.constant 0 : i32
      %dma_start3A_2621 = tpu.memref_slice %arg5[%add3A_2617, %dma_start3A_2620] : memref<8192x64xf32, #tpu.memory_space<hbm>> -> memref<16x64xf32, #tpu.memory_space<hbm>>
      %dma_start3A_2622 = arith.constant 0 : i32
      %dma_start3A_2623 = tpu.memref_slice %arg5[%add3A_2617, %dma_start3A_2622] : memref<8192x64xf32, #tpu.memory_space<hbm>> -> memref<16x64xf32, #tpu.memory_space<hbm>>
      %dma_start3A_2624 = arith.constant 0 : i32
      %dma_start3A_2625 = tpu.memref_slice %arg8[%mul3A_411, %dma_start3A_2624] : memref<32x64xf32, #tpu.memory_space<vmem>> -> memref<16x64xf32, #tpu.memory_space<vmem>>
      tpu.enqueue_dma source(%dma_start3A_2625 : memref<16x64xf32, #tpu.memory_space<vmem>>) target(%dma_start3A_2623 : memref<16x64xf32, #tpu.memory_space<hbm>>) target_semaphore(%arg11 : memref<!tpu.dma_semaphore, #tpu.memory_space<semaphore_mem>>)
      %scan3A_2626 = arith.constant 0 : i32
      scf.yield %scan3A_2626 : i32
    }
    %scan3A_354 = arith.constant 16 : i32
    %dma_wait3A = arith.constant 0 : i32
    %dma_wait3A_355 = arith.constant 0 : i32
    %dma_wait3A_356 = tpu.memref_slice %arg8[%dma_wait3A, %dma_wait3A_355] : memref<32x64xf32, #tpu.memory_space<vmem>> -> memref<16x64xf32, #tpu.memory_space<vmem>>
    %dma_wait3A_357 = arith.constant 0 : i32
    %dma_wait3A_358 = tpu.memref_slice %arg5[%mul3A_2, %dma_wait3A_357] : memref<8192x64xf32, #tpu.memory_space<hbm>> -> memref<16x64xf32, #tpu.memory_space<hbm>>
    %dma_wait3A_359 = arith.constant 0 : i32
    %dma_wait3A_360 = tpu.memref_slice %arg5[%mul3A_2, %dma_wait3A_359] : memref<8192x64xf32, #tpu.memory_space<hbm>> -> memref<16x64xf32, #tpu.memory_space<hbm>>
    %dma_wait3A_361 = arith.constant 0 : i32
    %dma_wait3A_362 = arith.constant 0 : i32
    %dma_wait3A_363 = tpu.memref_slice %arg8[%dma_wait3A_361, %dma_wait3A_362] : memref<32x64xf32, #tpu.memory_space<vmem>> -> memref<16x64xf32, #tpu.memory_space<vmem>>
    tpu.wait_dma2 semaphore(%arg11 : memref<!tpu.dma_semaphore, #tpu.memory_space<semaphore_mem>>) src(%dma_wait3A_363 : memref<16x64xf32, #tpu.memory_space<vmem>>) dst(%dma_wait3A_360 : memref<16x64xf32, #tpu.memory_space<hbm>>)
    %dma_wait3A_364 = arith.constant 0 : i32
    %dma_wait3A_365 = arith.constant 0 : i32
    %dma_wait3A_366 = tpu.memref_slice %arg8[%dma_wait3A_364, %dma_wait3A_365] : memref<32x64xf32, #tpu.memory_space<vmem>> -> memref<16x64xf32, #tpu.memory_space<vmem>>
    %dma_wait3A_367 = arith.constant 0 : i32
    %dma_wait3A_368 = tpu.memref_slice %arg5[%mul3A_2, %dma_wait3A_367] : memref<8192x64xf32, #tpu.memory_space<hbm>> -> memref<16x64xf32, #tpu.memory_space<hbm>>
    %dma_wait3A_369 = arith.constant 0 : i32
    %dma_wait3A_370 = tpu.memref_slice %arg5[%mul3A_2, %dma_wait3A_369] : memref<8192x64xf32, #tpu.memory_space<hbm>> -> memref<16x64xf32, #tpu.memory_space<hbm>>
    %dma_wait3A_371 = arith.constant 0 : i32
    %dma_wait3A_372 = arith.constant 0 : i32
    %dma_wait3A_373 = tpu.memref_slice %arg8[%dma_wait3A_371, %dma_wait3A_372] : memref<32x64xf32, #tpu.memory_space<vmem>> -> memref<16x64xf32, #tpu.memory_space<vmem>>
    tpu.wait_dma2 semaphore(%arg11 : memref<!tpu.dma_semaphore, #tpu.memory_space<semaphore_mem>>) src(%dma_wait3A_373 : memref<16x64xf32, #tpu.memory_space<vmem>>) dst(%dma_wait3A_370 : memref<16x64xf32, #tpu.memory_space<hbm>>)
    return
  }
}

</mosaic_0001>

<sc_bundles>
// kernel: kernel.3.cloned.1.call-start
scs
__scs_entry_jumppad:
0x0: {  	(pc) =	sbr.rel $0x88, $3  }
0x1: {  	(tag) =	ssettag $0x0;
	lr =	simm.s32 $0x1  }
0x2: {  	[smem:$0x3F9D] =	sst lr;
	_ =	strace $0xD0000000  }
0x3: {  	_ = 	snop  }
0x4: {  	_ = 	snop  }
0x5: {  	_ = 	snop  }
0x6: {  	_ = 	snop  }
0x7: {  	_ = 	snop  }
__scs_overlays_trampoline_lowered:
0x8: {  	[smem:$0x3FAC] =	sst s0  }
0x9: {  	[smem:$0x3FAD] =	sst s1  }
0xa: {  	[smem:$0x3FAE] =	sst s2  }
0xb: {  	[smem:$0x3FAF] =	sst s3  }
0xc: {  	[smem:$0x3FB0] =	sst s4  }
0xd: {  	[smem:$0x3FB1] =	sst s5  }
0xe: {  	[smem:$0x3FB2] =	sst s6  }
0xf: {  	[smem:$0x3FB3] =	sst s7  }
0x10: {  	[smem:$0x3FB4] =	sst s8  }
0x11: {  	[smem:$0x3FB5] =	sst s9;
	s0 =	simm.s32 @!p0 $0x0  }
0x12: {  	s1 =	sld [smem:$0x3F9B];
	s0 =	simm.s32 @p0 $0x1  }
0x13: {  	[smem:$0x3FB6] =	sst s0;
	s0 =	simm.s32 @!p1 $0x0  }
0x14: {  	s2 =	sld [smem:$0x3F9A];
	s0 =	simm.s32 @p1 $0x1  }
0x15: {  	[smem:$0x3FB7] =	sst s0;
	s0 =	simm.s32 @!p2 $0x0  }
0x16: {  	s3 =	sld [smem:$0x3FDB];
	s0 =	simm.s32 @p2 $0x1  }
0x17: {  	s4 =	simm.s32 $0x1BF5;
	[smem:$0x3FB9] =	sst s0  }
0x18: {  	s0 =	sld [smem:$0x3F9C];
	_ =	swait.ge [sflag:s4], $0x0  }
0x19: {  	s7 =	sld [smem:$0x3F9D]  }
0x1a: {  	s8 =	sadd.s32 $0xFFFFE003, lr  }
0x1b: {  	s9 =	sadd.s32 $0xFFFFFEF7, lr;
	s5 =	simm.s32 $0xFFFFFFFF;
	p2 =	slt.u32 s8, $0xFFFFF086  }
0x1c: {  	p1 =	slt.u32 s9, $0xF7A;
	s5 =	simm.s32 @!p2 $0x0  }
0x1d: {  	s5 =	simm.s32 @p1 $0x1;
	p0 =	seq.s32 s7, s2  }
0x1e: {  	s7 =	smul.u32 @!p0 $0xF7A, s2;
	p2 =	seq.s32 @!p0 s5, $0x0  }
0x1f: {  	s9 =	smul.u32 $0xF7A, s1;
	s8 =	simm.s32 @!p0 $0x1BF5;
	p2 =	por !p2, p0  }
0x20: {  	[sflag:s8] =	ssyncset.s32 @!p0 $0xFFFFF086;
	s6 =	sadd.s32 @!p0 s3, s7;
	s7 =	simm.s32 @!p0 $0x108  }
0x21: {  	s3 =	sadd.s32 s3, s9;
	s6 =	sadd.s32 @!p0 $0x88, s6;
	s7 =	simm.s32 @p2 $0x1082  }
0x22: {  	[simem:s7], [sflag:s8] =	dma.local @!p0 [hbm:s6], $0xF7A  }
0x23: {  	s9 =	sor.u32 $0xD0000000, s2;
	s6 =	simm.s32 $0x108;
	_ =	swait.ge @!p0 [sflag:s8], $0x0  }
0x24: {  	s3 =	sadd.s32 $0x88, s3;
	s6 =	simm.s32 @!p1 $0x1082;
	[sflag:s4] =	ssyncset.s32 $0xFFFFF086  }
0x25: {  	[simem:s6], [sflag:s4] =	dma.local [hbm:s3], $0xF7A  }
0x26: {  	[smem:$0x3F9D] =	sst s1;
	(tag) =	ssettag s2;
	_ =	strace s9  }
0x27: {  	s1 =	sld [smem:$0x3FAD]  }
0x28: {  	s2 =	sld [smem:$0x3FAE]  }
0x29: {  	s4 =	sld [smem:$0x3FB0]  }
0x2a: {  	p0 =	seq.s32 s5, $0x0;
	s5 =	sld [smem:$0x3FB1]  }
0x2b: {  	s6 =	sld [smem:$0x3FB2]  }
0x2c: {  	s7 =	sld [smem:$0x3FB3]  }
0x2d: {  	s3 =	simm.s32 $0x108;
	s8 =	sld [smem:$0x3FB4]  }
0x2e: {  	s3 =	simm.s32 @!p0 $0x1082;
	s9 =	sld [smem:$0x3FB5]  }
0x2f: {  	lr =	sadd.s32 s0, s3;
	s0 =	sld [smem:$0x3FAC]  }
0x30: {  	s3 =	sld [smem:$0x3FAF]  }
0x31: {  	[smem:$0x3FB8] =	sst s10  }
0x32: {  	s10 =	sld [smem:$0x3FB6];
	_ =	sdelay $0x3  }
0x33: {  	p0 =	seq.s32 s10, $0x1;
	s10 =	sld [smem:$0x3FB8];
	_ =	sdelay $0x3  }
0x34: {  	[smem:$0x3FB8] =	sst s10  }
0x35: {  	s10 =	sld [smem:$0x3FB7];
	_ =	sdelay $0x3  }
0x36: {  	p1 =	seq.s32 s10, $0x1;
	s10 =	sld [smem:$0x3FB8];
	_ =	sdelay $0x3  }
0x37: {  	[smem:$0x3FB8] =	sst s10  }
0x38: {  	s10 =	sld [smem:$0x3FB9]  }
0x39: {  	_ = 	snop;
	(pc) =	sbr.ind lr, $3  }
0x3a: {  	_ = 	snop  }
0x3b: {  	_ = 	snop  }
0x3c: {  	p2 =	seq.s32 s10, $0x1;
	s10 =	sld [smem:$0x3FB8]  }
0x3d: {  	_ =	shalt  }
0x3e: {  	_ =	shalt  }
0x3f: {  	_ =	shalt  }
0x40: {  	_ =	shalt  }
0x41: {  	_ =	shalt  }
0x42: {  	_ =	shalt  }
0x43: {  	_ =	shalt  }
0x44: {  	_ =	shalt  }
0x45: {  	_ =	shalt  }
0x46: {  	_ =	shalt  }
0x47: {  	_ =	shalt  }
0x48: {  	_ =	shalt  }
0x49: {  	_ =	shalt  }
0x4a: {  	_ =	shalt  }
0x4b: {  	_ =	shalt  }
0x4c: {  	_ =	shalt  }
0x4d: {  	_ =	shalt  }
0x4e: {  	_ =	shalt  }
0x4f: {  	_ =	shalt  }
0x50: {  	_ =	shalt  }
0x51: {  	_ =	shalt  }
0x52: {  	_ =	shalt  }
0x53: {  	_ =	shalt  }
0x54: {  	_ =	shalt  }
0x55: {  	_ =	shalt  }
0x56: {  	_ =	shalt  }
0x57: {  	_ =	shalt  }
0x58: {  	_ =	shalt  }
0x59: {  	_ =	shalt  }
0x5a: {  	_ =	shalt  }
0x5b: {  	_ =	shalt  }
0x5c: {  	_ =	shalt  }
0x5d: {  	_ =	shalt  }
0x5e: {  	_ =	shalt  }
0x5f: {  	_ =	shalt  }
0x60: {  	_ =	shalt  }
0x61: {  	_ =	shalt  }
0x62: {  	_ =	shalt  }
0x63: {  	_ =	shalt  }
0x64: {  	_ =	shalt  }
0x65: {  	_ =	shalt  }
0x66: {  	_ =	shalt  }
0x67: {  	_ =	shalt  }
0x68: {  	_ =	shalt  }
0x69: {  	_ =	shalt  }
0x6a: {  	_ =	shalt  }
0x6b: {  	_ =	shalt  }
0x6c: {  	_ =	shalt  }
0x6d: {  	_ =	shalt  }
0x6e: {  	_ =	shalt  }
0x6f: {  	_ =	shalt  }
0x70: {  	_ =	shalt  }
0x71: {  	_ =	shalt  }
0x72: {  	_ =	shalt  }
0x73: {  	_ =	shalt  }
0x74: {  	_ =	shalt  }
0x75: {  	_ =	shalt  }
0x76: {  	_ =	shalt  }
0x77: {  	_ =	shalt  }
0x78: {  	_ =	shalt  }
0x79: {  	_ =	shalt  }
0x7a: {  	_ =	shalt  }
0x7b: {  	_ =	shalt  }
0x7c: {  	_ =	shalt  }
0x7d: {  	_ =	shalt  }
0x7e: {  	_ =	shalt  }
0x7f: {  	_ =	shalt  }
0x80: {  	_ =	shalt  }
0x81: {  	_ =	shalt  }
0x82: {  	_ =	shalt  }
0x83: {  	_ =	shalt  }
0x84: {  	_ =	shalt  }
0x85: {  	_ =	shalt  }
0x86: {  	_ =	shalt  }
0x87: {  	_ =	shalt  }
.Lfunc_end0:
.L_simem_size_0:
called_computation_lowered:
.L_overlay_start_0:
0x88: {  	s2 =	sld [smem:$0x3FD9]  }
0x89: {  	s3 =	sld [smem:$0x3FFE];
	_ =	sdelay $0x1  }
0x8a: {  	s1 =	srdreg.scid  }
0x8b: {  	s0 =	sand.u32 $0x1, s1  }
0x8c: {  	s14 =	sshll.u32 s0, $0xA;
	s2 =	sadd.s32 s3, s2  }
0x8d: {  	s2 =	sadd.s32 s2, s14  }
0x8e: {  	[smem:$0x3FC4] =	sst s2  }
0x8f: {  	_ = 	snop  }
0x90: {  	s2 =	sld [smem:$0x3FD0];
	_ =	sdelay $0x2  }
0x91: {  	s4 =	simm.s32 $0xA;
	s5 =	simm.s32 $0x10;
	s15 =	sld [smem:$0x3FC7]  }
0x92: {  	[smem:s5], [sflag:s4] =	dma.local [hbm:s2], $0x1  }
0x93: {  	_ =	swait.eq [sflag:s4], $0x1  }
0x94: {  	[sflag:s4] =	ssyncset.done $0x0  }
0x95: {  	s16 =	sld [smem:$0x10];
	[sflag:s4] =	ssyncadd.s32 $0xFFFFFFFF  }
0x96: {  	s17 =	sld [smem:$0x11];
	(tm) =	ssettm $0x1  }
0x97: {  	s18 =	sld [smem:$0x3FFB];
	_ =	sdelay $0x3  }
0x98: {  	_ =	strace s18  }
0x99: {  	s5 =	sld [smem:$0x3FFC];
	_ =	sdelay $0x3  }
0x9a: {  	_ =	strace s5  }
0x9b: {  	s5 =	sld [smem:$0x3FFD];
	_ =	sdelay $0x3  }
0x9c: {  	_ =	strace s5  }
0x9d: {  	_ =	strace $0x8FFFFFFF  }
0x9e: {  	s19 =	sld [smem:$0x3FDB];
	_ =	sdelay $0x1  }
0x9f: {  	s6 =	simm.s32 $_scs_section_size  }
0xa0: {  	s7 =	simm.s32 $_size__tile_overlayer_lowered;
	s8 =	simm.s32 $_tile_overlayer_lowered  }
0xa1: {  	s22 =	simm.s32 $0x1BFF;
	s21 =	sshll.u32 s8, $0x1;
	s5 =	sadd.s32 s6, s19  }
0xa2: {  	s9 =	simm.s32 $0x0;
	s20 =	sshll.u32 s7, $0x1;
	s7 =	sadd.s32 s21, s5  }
0xa3: {  	[timem:s9], [sflag:s22] =	dma.local [hbm:s7], s20  }
0xa4: {  	_ =	swait.ge [sflag:s22], s20  }
0xa5: {  	s6 =	ssub.s32 $0x0, s20;
	[sflag:s22] =	ssyncset.done $0x0  }
0xa6: {  	[sflag:s22] =	ssyncadd.s32 s6;
	_ =	sdelay $0x1  }
0xa7: {  	s23 =	simm.s32 $0x1B8B  }
0xa8: {  	_ =	swait.ge [sflag:s23], $0x1  }
0xa9: {  	[sflag:s23] =	ssyncset.done $0x0  }
0xaa: {  	s25 =	simm.s32 $0x1B8E;
	s24 =	sld [smem:$0x3FFE];
	[sflag:s23] =	ssyncadd.s32 $0xFFFFFFFF  }
0xab: {  	s26 =	simm.s32 $execute0_lowered;
	[smem:$0x3FD2] =	sst s25  }
0xac: {  	s7 =	sshll.u32 s26, $0x1;
	_ =	strace $0x80000046;
	[dreg:$0x1] =	wrdreg $0xFFFFFFFF  }
0xad: {  	s28 =	simm.s32 $_size_execute0_lowered;
	s5 =	sadd.s32 s5, s7;
	[dreg:$0x0] =	wrdreg $0x0  }
0xae: {  	s7 =	sshll.u32 s28, $0x1;
	[dreg:$0x2] =	wrdreg s5  }
0xaf: {  	[dreg:$0x3] =	wrdreg s7  }
0xb0: {  	[dreg:$0x4] =	wrdreg $0xC0  }
0xb1: {  	_ =	task [dreg:s9], $0x5FFFF  }
0xb2: {  	[dreg:$0x1] =	wrdreg $0xFFFFFFFF  }
0xb3: {  	[dreg:$0x0] =	wrdreg $0x60  }
0xb4: {  	[dreg:$0x2] =	wrdreg s17  }
0xb5: {  	[dreg:$0x3] =	wrdreg s15  }
0xb6: {  	[dreg:$0x4] =	wrdreg s16  }
0xb7: {  	[dreg:$0x5] =	wrdreg s24  }
0xb8: {  	[dreg:$0x6] =	wrdreg $0x9  }
0xb9: {  	_ =	task.clear_ibuf [dreg:s9], $0x7FFFF;
	_ =	strace $0x90000046  }
0xba: {  	s29 =	simm.s32 $0x9;
	_ =	strace $0x80000048  }
0xbb: {  	_ =	swait.ge [sflag:s29], $0x1  }
0xbc: {  	[sflag:s29] =	ssyncadd.s32 $0xFFFFFFFF  }
0xbd: {  	_ =	strace $0x90000048  }
0xbe: {  	_ =	sfence  }
0xbf: {  	s30 =	sld [smem:$0x0];
	_ =	sdelay $0x2  }
0xc0: {  	s31 =	sshll.u32 s1, $0xD;
	s1 =	sshrl.u32 s1, $0x2  }
0xc1: {  	s3 =	sand.u32 $0x4000, s31;
	s1 =	sadd.s32 s1, s30  }
0xc2: {  	s0 =	sor.u32 s3, s0;
	s1 =	sshll.u32 s1, $0x11  }
0xc3: {  	s0 =	sor.u32 s1, s0  }
0xc4: {  	s0 =	sadd.s32 $0x8F2B, s0  }
0xc5: {  	[sflag:s0] =	ssyncadd.remote.s32 $0x1  }
0xc6: {  	_ =	sfence.sel $0xFFFF  }
0xc7: {  	[dreg:$0x0] =	wrdreg $0xFFFFFFFF;
	(pc) =	sbr.abs _section_cstart, $3  }
0xc8: {  	[dreg:$0x1] =	wrdreg $0xFFFFFFFF  }
0xc9: {  	_ =	task.clear_ibuf [dreg:s9], $0x2FFFF;
	_ =	strace $0x9FFFFFFF  }
0xca: {  	(tm) =	ssettm $0x7FFFFFFF  }
0xcb: {  	_ =	shalt  }
tec
execute0_lowered:
.L_overlay_start_1:
0x0: {  	(tag) =	ssettag $0x1  }
0x1: {  	s0 =	rddreg [dreg:$0x0]  }
0x2: {  	s1 =	rddreg [dreg:$0x1]  }
0x3: {  	s2 =	rddreg [dreg:$0x2]  }
0x4: {  	s3 =	rddreg [dreg:$0x3];
	s9 =	simm.s32 $0x0  }
0x5: {  	s6 =	stileid.u32;
	s4 =	srdreg.scid;
	s10 =	simm.s32 $0x1  }
0x6: {  	s11 =	simm.s32 $0x7A1400;
	s12 =	simm.s32 $0x400;
	s13 =	simm.s32 $0x180  }
0x7: {  	v0 =	vlaneseq.u32;
	s16 =	simm.s32 $0x4180;
	s17 =	simm.s32 $0x6180;
	s18 =	simm.s32 $0x8180  }
0x8: {  	s21 =	simm.s32 $0x2;
	s22 =	simm.s32 $0x3;
	s23 =	simm.s32 $0x4;
	v0 =	vmul.u32 $0x80, v0  }
0x9: {  	s24 =	simm.s32 $0x5;
	s28 =	simm.s32 $0x8;
	s20 =	simm.s32 $0xC180  }
0xa: {  	v1 =	vimm.s32 $0x0;
	v2 =	vimm.f32 $1.000000000e+00;
	s19 =	simm.s32 $0xE180;
	[smem:$0x7FF] =	sst s9;
	s4 =	sand.u32 $0x1, s4;
	v3 =	vor.u32 $0x800, v0  }
0xb: {  	s5 =	sshll.u32 s6, $0x1;
	s6 =	sshll.u32 s6, $0xD;
	_ =	strace $0x80000047;
	v4 =	vor.u32 $0x1000, v0;
	v5 =	vor.u32 $0x1800, v0;
	v6 =	vor.u32 $0x2000, v0  }
0xc: {  	s7 =	ssub.s32 $0x2, s4;
	s5 =	sor.u32 s4, s5;
	s3 =	sadd.s32 s6, s3;
	v7 =	vor.u32 $0x2800, v0;
	v8 =	vor.u32 $0x3000, v0;
	v9 =	vor.u32 $0x3800, v0  }
0xd: {  	s4 =	sshll.u32 s4, $0xC;
	s25 =	sshrl.u32 s7, $0x1;
	s8 =	sshll.u32 s5, $0x8;
	v10 =	vor.u32 $0x4000, v0;
	v11 =	vor.u32 $0x4800, v0;
	v12 =	vor.u32 $0x5000, v0  }
0xe: {  	s5 =	sshll.u32 s5, $0x5;
	s31 =	sadd.s32 s4, s3;
	v13 =	vor.u32 $0x5800, v0;
	v14 =	vor.u32 $0x6000, v0;
	v15 =	vor.u32 $0x6800, v0;
	s4 =	simm.s32 $0xA180  }
0xf: {  	v16 =	vor.u32 $0x7000, v0;
	v17 =	vor.u32 $0x7800, v0;
	v18 =	vor.u32 $0x8000, v0;
	s3 =	simm.s32 $0x0;
	s6 =	ssub.s32 s7, s25;
	s26 =	sand.u32 $0x700, s8  }
0x10: {  	v19 =	vor.u32 $0x8800, v0;
	v20 =	vor.u32 $0x9000, v0;
	v21 =	vor.u32 $0x9800, v0;
	s0 =	sadd.s32 s0, s5;
	s8 =	simm.s32 $0x2180;
	s5 =	simm.s32 $0xC180  }
0x11: {  	v22 =	vor.u32 $0xA000, v0;
	v23 =	vor.u32 $0xA800, v0;
	v24 =	vor.u32 $0xB000, v0;
	[dreg:$0x5] =	wrdreg s0;
	s29 =	sshll.u32 s26, $0x4;
	s30 =	smax.u32 s6, $0x1  }
0x12: {  	v25 =	vor.u32 $0xB800, v0;
	v26 =	vor.u32 $0xC000, v0;
	v27 =	vor.u32 $0xC800, v0;
	s25 =	simm.s32 $0x6;
	s0 =	sadd.s32 s2, s29;
	[dreg:$0x7] =	wrdreg s30  }
0x13: {  	v28 =	vor.u32 $0xD000, v0;
	v29 =	vor.u32 $0xD800, v0;
	v30 =	vor.u32 $0xE000, v0;
	p0 =	sne.s32 s26, $0x0;
	[dreg:$0x6] =	wrdreg s0;
	s0 =	sadd.s32 $0x600, s31  }
0x14: {  	v31 =	vor.u32 $0xE800, v0;
	v32 =	vor.u32 $0xF000, v0;
	v33 =	vor.u32 $0xF800, v0;
	s6 =	simm.s32 $0xE180;
	s26 =	simm.s32 $0x7;
	[dreg:$0x8] =	wrdreg s0  }
.LBB2_1:
0x15: {  	[dreg:$0x9] =	wrdreg s3  }
0x16: {  	s0 =	rddreg [dreg:$0x5];
	s2 =	simm.s32 $0xA  }
0x17: {  	[tilespmem:s9], [sflag:$0xA] =	stream.linear.gather [hbm4b:s0+s9], $0x100, $0x38;
	[tilespmem:$0x19180] =	vst v63  }
0x18: {  	_ =	swait.ge [sflag:s2], $0x100  }
0x19: {  	[sflag:s2] =	ssyncset.done $0x0  }
0x1a: {  	[sflag:s2] =	ssyncadd.s32 $0xFFFFFF00  }
0x1b: {  	s29 =	simm.s32 $0x11180;
	s15 =	rddreg [dreg:$0x6];
	[tilespmem:$0x100] =	vst v1  }
0x1c: {  	[tilespmem:s29], [sflag:$0xA] =	stream.linear.gather [hbm4b:s15+s9], $0x8000, $0x38;
	[tilespmem:$0x19180] =	vst v63  }
0x1d: {  	_ =	swait.ge [sflag:s2], $0x8000  }
0x1e: {  	[sflag:s2] =	ssyncset.done $0x0  }
0x1f: {  	[sflag:s2] =	ssyncadd.s32 $0xFFFF8000  }
0x20: {  	v34 =	vld [tilespmem:$0x0];
	_ =	sdelay $0x4  }
0x21: {  	(v2sf) =	vpush v34, $0x0;
	_ =	sdelay $0x5  }
0x22: {  	(v2sf) =	vpush v34, $0x1;
	_ =	sdelay $0x8  }
0x23: {  	s30 =	spop (v2sf)  }
0x24: {  	(v2sf) =	vpush v34, $0x2;
	s7 =	sand.u32 $0x7F, s30  }
0x25: {  	s9 =	sshra.s32 s30, $0x1F;
	p1 =	slt.s32 s30, $0x1;
	p2 =	sne.s32 s7, $0x0  }
0x26: {  	s14 =	sshrl.u32 s9, $0x19;
	p1 =	por !p1, !p2  }
0x27: {  	s2 =	simm.s32 $0x1;
	s0 =	sadd.s32 s14, s30;
	p1 =	por !p1, !p1  }
0x28: {  	v35 =	vimm.f32 @!p0 $0.0e+00;
	s0 =	sshrl.u32 s0, $0x7;
	s2 =	simm.s32 @!p1 $0x0  }
0x29: {  	[tilespmem:$0x11180] =	vst @!p0 v35;
	s15 =	spop (v2sf);
	s0 =	ssub.s32 s0, s2  }
0x2a: {  	[tilespmem:$0x11190] =	vst @!p0 v35;
	s29 =	sand.u32 $0x7F, s15;
	p5 =	slt.s32 s15, $0x1;
	s0 =	sshll.u32 s0, $0x7  }
0x2b: {  	[tilespmem:$0x111A0] =	vst @!p0 v35;
	(v2sf) =	vpush v34, $0x3;
	s30 =	sshra.s32 s15, $0x1F;
	p6 =	sne.s32 s29, $0x0;
	s0 =	sand.u32 $0x1FFFFF80, s0  }
0x2c: {  	[tilespmem:$0x111B0] =	vst @!p0 v35;
	s7 =	sshrl.u32 s30, $0x19;
	p1 =	por !p5, !p6;
	s0 =	sadd.s32 s1, s0  }
0x2d: {  	[tilespmem:s13], [sflag:$0x1] =	stream.strided.gather [hbm4b:s0+s12], $0x2000, s11, s12, $0x38;
	[tilespmem:$0x19180] =	vst v63  }
0x2e: {  	p1 =	por !p1, !p1;
	s2 =	simm.s32 $0x1;
	s0 =	sadd.s32 s7, s15  }
0x2f: {  	s2 =	simm.s32 @!p1 $0x0;
	s0 =	sshrl.u32 s0, $0x7  }
0x30: {  	s0 =	ssub.s32 s0, s2  }
0x31: {  	s0 =	sshll.u32 s0, $0x7  }
0x32: {  	s0 =	sand.u32 $0x1FFFFF80, s0  }
0x33: {  	s0 =	sadd.s32 s1, s0;
	s9 =	spop (v2sf)  }
0x34: {  	[tilespmem:s8], [sflag:$0x2] =	stream.strided.gather [hbm4b:s0+s12], $0x2000, s11, s12, $0x38;
	[tilespmem:$0x19180] =	vst v63  }
0x35: {  	(v2sf) =	vpush v34, $0x4;
	s14 =	sand.u32 $0x7F, s9  }
0x36: {  	s15 =	sshra.s32 s9, $0x1F;
	p3 =	slt.s32 s9, $0x1;
	p4 =	sne.s32 s14, $0x0  }
0x37: {  	s29 =	sshrl.u32 s15, $0x19;
	p1 =	por !p3, !p4  }
0x38: {  	s2 =	simm.s32 $0x1;
	s0 =	sadd.s32 s29, s9;
	p1 =	por !p1, !p1  }
0x39: {  	s0 =	sshrl.u32 s0, $0x7;
	s2 =	simm.s32 @!p1 $0x0  }
0x3a: {  	s30 =	spop (v2sf);
	s0 =	ssub.s32 s0, s2  }
0x3b: {  	s7 =	sand.u32 $0x7F, s30;
	p5 =	slt.s32 s30, $0x1;
	s0 =	sshll.u32 s0, $0x7  }
0x3c: {  	(v2sf) =	vpush v34, $0x5;
	s9 =	sshra.s32 s30, $0x1F;
	p6 =	sne.s32 s7, $0x0;
	s0 =	sand.u32 $0x1FFFFF80, s0  }
0x3d: {  	s14 =	sshrl.u32 s9, $0x19;
	p1 =	por !p5, !p6;
	s0 =	sadd.s32 s1, s0  }
0x3e: {  	[tilespmem:s16], [sflag:$0x3] =	stream.strided.gather [hbm4b:s0+s12], $0x2000, s11, s12, $0x38;
	[tilespmem:$0x19180] =	vst v63  }
0x3f: {  	p1 =	por !p1, !p1;
	s2 =	simm.s32 $0x1;
	s0 =	sadd.s32 s14, s30  }
0x40: {  	s2 =	simm.s32 @!p1 $0x0;
	s0 =	sshrl.u32 s0, $0x7  }
0x41: {  	s0 =	ssub.s32 s0, s2  }
0x42: {  	s0 =	sshll.u32 s0, $0x7  }
0x43: {  	s0 =	sand.u32 $0x1FFFFF80, s0  }
0x44: {  	s0 =	sadd.s32 s1, s0;
	s15 =	spop (v2sf)  }
0x45: {  	[tilespmem:s17], [sflag:$0x4] =	stream.strided.gather [hbm4b:s0+s12], $0x2000, s11, s12, $0x38;
	[tilespmem:$0x19180] =	vst v63  }
0x46: {  	(v2sf) =	vpush v34, $0x6;
	s29 =	sand.u32 $0x7F, s15  }
0x47: {  	s30 =	sshra.s32 s15, $0x1F;
	p3 =	slt.s32 s15, $0x1;
	p4 =	sne.s32 s29, $0x0  }
0x48: {  	s7 =	sshrl.u32 s30, $0x19;
	p1 =	por !p3, !p4  }
0x49: {  	s2 =	simm.s32 $0x1;
	s0 =	sadd.s32 s7, s15;
	p1 =	por !p1, !p1  }
0x4a: {  	s0 =	sshrl.u32 s0, $0x7;
	s2 =	simm.s32 @!p1 $0x0  }
0x4b: {  	s9 =	spop (v2sf);
	s0 =	ssub.s32 s0, s2  }
0x4c: {  	s14 =	sand.u32 $0x7F, s9;
	p5 =	slt.s32 s9, $0x1;
	s0 =	sshll.u32 s0, $0x7  }
0x4d: {  	(v2sf) =	vpush v34, $0x7;
	s15 =	sshra.s32 s9, $0x1F;
	p6 =	sne.s32 s14, $0x0;
	s0 =	sand.u32 $0x1FFFFF80, s0  }
0x4e: {  	s29 =	sshrl.u32 s15, $0x19;
	p1 =	por !p5, !p6;
	s0 =	sadd.s32 s1, s0  }
0x4f: {  	[tilespmem:s18], [sflag:$0x5] =	stream.strided.gather [hbm4b:s0+s12], $0x2000, s11, s12, $0x38;
	[tilespmem:$0x19180] =	vst v63  }
0x50: {  	p1 =	por !p1, !p1;
	s2 =	simm.s32 $0x1;
	s0 =	sadd.s32 s29, s9  }
0x51: {  	s2 =	simm.s32 @!p1 $0x0;
	s0 =	sshrl.u32 s0, $0x7  }
0x52: {  	s0 =	ssub.s32 s0, s2  }
0x53: {  	s0 =	sshll.u32 s0, $0x7  }
0x54: {  	s0 =	sand.u32 $0x1FFFFF80, s0  }
0x55: {  	s30 =	spop (v2sf);
	s0 =	sadd.s32 s1, s0  }
0x56: {  	[tilespmem:s4], [sflag:$0x6] =	stream.strided.gather [hbm4b:s0+s12], $0x2000, s11, s12, $0x38;
	[tilespmem:$0x19180] =	vst v63  }
0x57: {  	s4 =	sand.u32 $0x7F, s30  }
0x58: {  	s7 =	sshra.s32 s30, $0x1F;
	p3 =	slt.s32 s30, $0x1;
	p4 =	sne.s32 s4, $0x0  }
0x59: {  	s9 =	sshrl.u32 s7, $0x19;
	p1 =	por !p3, !p4  }
0x5a: {  	s2 =	simm.s32 $0x1;
	s0 =	sadd.s32 s9, s30;
	p1 =	por !p1, !p1  }
0x5b: {  	s0 =	sshrl.u32 s0, $0x7;
	s2 =	simm.s32 @!p1 $0x0  }
0x5c: {  	s14 =	spop (v2sf);
	s0 =	ssub.s32 s0, s2  }
0x5d: {  	s15 =	sand.u32 $0x7F, s14;
	s29 =	sshra.s32 s14, $0x1F;
	s0 =	sshll.u32 s0, $0x7  }
0x5e: {  	p5 =	slt.s32 s14, $0x1;
	p6 =	sne.s32 s15, $0x0;
	s0 =	sand.u32 $0x1FFFFF80, s0  }
0x5f: {  	s30 =	sshrl.u32 s29, $0x19;
	p1 =	por !p5, !p6;
	s0 =	sadd.s32 s1, s0  }
0x60: {  	[tilespmem:s5], [sflag:$0x7] =	stream.strided.gather [hbm4b:s0+s12], $0x2000, s11, s12, $0x38;
	[tilespmem:$0x19180] =	vst v63  }
0x61: {  	p1 =	por !p1, !p1;
	s2 =	simm.s32 $0x1;
	s0 =	sadd.s32 s30, s14  }
0x62: {  	s2 =	simm.s32 @!p1 $0x0;
	s0 =	sshrl.u32 s0, $0x7  }
0x63: {  	s0 =	ssub.s32 s0, s2  }
0x64: {  	s0 =	sshll.u32 s0, $0x7  }
0x65: {  	s0 =	sand.u32 $0x1FFFFF80, s0  }
0x66: {  	s31 =	simm.s32 $0x10;
	s7 =	rddreg [dreg:$0x8];
	s0 =	sadd.s32 s1, s0  }
0x67: {  	[tilespmem:s6], [sflag:$0x8] =	stream.strided.gather [hbm4b:s0+s12], $0x2000, s11, s12, $0x38;
	[tilespmem:$0x19180] =	vst v63  }
0x68: {  	s4 =	simm.s32 $0x0;
	s2 =	simm.s32 $0x0;
	s0 =	simm.s32 $0x11580  }
.LBB2_2:
0x69: {  	p1 =	slt.u32 s4, $0x2  }
0x6a: {  	v36 =	vld [tilespmem:s31+$0xFFFFFFF0];
	s3 =	simm.s32 @!p1 $0x9  }
0x6b: {  	v34 =	vld [tilespmem:s31+$0x0];
	_ =	swait.ge @!p1 [sflag:s3], $0x800  }
0x6c: {  	[sflag:s3] =	ssyncset.done @!p1 $0x0  }
0x6d: {  	[sflag:s3] =	ssyncadd.s32 @!p1 $0xFFFFF800  }
0x6e: {  	_ =	swait.ge [sflag:s10], $0x2000  }
0x6f: {  	(v2sf) =	vpush v36, $0x0;
	_ =	sdelay $0xe  }
0x70: {  	s6 =	spop (v2sf)  }
0x71: {  	s3 =	sand.u32 $0x7F, s6  }
0x72: {  	v35 =	vor.u32 s3, v0;
	_ =	sdelay $0x2  }
0x73: {  	[sflag:s10] =	ssyncset.done $0x0  }
0x74: {  	[sflag:s10] =	ssyncadd.s32 $0xFFFFE000  }
0x75: {  	v37 =	vld.idx.msk [tilespmem:v35+s13+$0x0], $0xffff  }
0x76: {  	vm0 =	veq.s32 v36, $0x0  }
0x77: {  	v38 =	vld [tilespmem:s0+$0xFFFFFC00];
	v35 =	vsel vm0, $0x0, v2  }
0x78: {  	v39 =	vbroadcast v35, $0x0;
	_ =	sdelay $0x1  }
0x79: {  	v40 =	vor.u32 s3, v3;
	v37 =	vmul.f32 v37, v39;
	_ =	sdelay $0x1  }
0x7a: {  	v37 =	vadd.f32 v38, v37  }
0x7b: {  	s5 =	sand.u32 $0x800, s2  }
0x7c: {  	[tilespmem:s5+$0x10180] =	vst v37  }
0x7d: {  	v37 =	vld.idx.msk [tilespmem:v40+s13+$0x0], $0xffff;
	_ =	sdelay $0x1  }
0x7e: {  	(v2sf) =	vpush v36, $0x8;
	v53 =	vld [tilespmem:s0+$0xFFFFFC10];
	_ =	sdelay $0x2  }
0x7f: {  	v54 =	vor.u32 s3, v4;
	v37 =	vmul.f32 v37, v39;
	_ =	sdelay $0x1  }
0x80: {  	v37 =	vadd.f32 v53, v37;
	_ =	sdelay $0x1  }
0x81: {  	[tilespmem:s5+$0x10190] =	vst v37  }
0x82: {  	v37 =	vld.idx.msk [tilespmem:v54+s13+$0x0], $0xffff;
	_ =	sdelay $0x1  }
0x83: {  	v55 =	vld [tilespmem:s0+$0xFFFFFC20];
	_ =	sdelay $0x2  }
0x84: {  	v56 =	vor.u32 s3, v5;
	v37 =	vmul.f32 v37, v39;
	_ =	sdelay $0x1  }
0x85: {  	s15 =	spop (v2sf);
	v37 =	vadd.f32 v55, v37  }
0x86: {  	s9 =	sshra.s32 s15, $0x1F  }
0x87: {  	s3 =	sshrl.u32 s9, $0x19;
	[tilespmem:s5+$0x101A0] =	vst v37  }
0x88: {  	s3 =	sadd.s32 s3, s15;
	v37 =	vld.idx.msk [tilespmem:v56+s13+$0x0], $0xffff  }
0x89: {  	s6 =	sand.u32 $0xFFFFFF80, s3  }
0x8a: {  	p4 =	slt.s32 s15, $0x1;
	p2 =	sne.s32 s15, s6;
	v57 =	vld [tilespmem:s0+$0xFFFFFC30]  }
0x8b: {  	p1 =	por !p4, !p2  }
0x8c: {  	s6 =	simm.s32 $0x1;
	p1 =	por !p1, !p1  }
0x8d: {  	s3 =	sshrl.u32 s3, $0x7;
	s6 =	simm.s32 @!p1 $0x0;
	v37 =	vmul.f32 v37, v39  }
0x8e: {  	s3 =	ssub.s32 s3, s6  }
0x8f: {  	s3 =	sshll.u32 s3, $0x7;
	v37 =	vadd.f32 v57, v37  }
0x90: {  	s3 =	sand.u32 $0x1FFFFF80, s3  }
0x91: {  	s3 =	sadd.s32 s1, s3;
	[tilespmem:s5+$0x101B0] =	vst v37  }
0x92: {  	[tilespmem:s13], [sflag:$0x1] =	stream.strided.gather [hbm4b:s3+s12], $0x2000, s11, s12, $0x38;
	[tilespmem:$0x19180] =	vst v63  }
0x93: {  	_ =	swait.ge [sflag:s21], $0x2000  }
0x94: {  	(v2sf) =	vpush v36, $0x1;
	_ =	sdelay $0xe  }
0x95: {  	s14 =	spop (v2sf)  }
0x96: {  	s3 =	sand.u32 $0x7F, s14  }
0x97: {  	v58 =	vor.u32 s3, v6;
	_ =	sdelay $0x2  }
0x98: {  	[sflag:s21] =	ssyncset.done $0x0  }
0x99: {  	[sflag:s21] =	ssyncadd.s32 $0xFFFFE000  }
0x9a: {  	v37 =	vld.idx.msk [tilespmem:v58+s13+$0x0], $0xffff;
	_ =	sdelay $0x1  }
0x9b: {  	v59 =	vld [tilespmem:s0+$0xFFFFFC80]  }
0x9c: {  	v60 =	vbroadcast v35, $0x1;
	_ =	sdelay $0x1  }
0x9d: {  	v61 =	vor.u32 s3, v7;
	v37 =	vmul.f32 v37, v60;
	_ =	sdelay $0x1  }
0x9e: {  	v37 =	vadd.f32 v59, v37;
	_ =	sdelay $0x1  }
0x9f: {  	[tilespmem:s5+$0x10200] =	vst v37  }
0xa0: {  	v37 =	vld.idx.msk [tilespmem:v61+s13+$0x0], $0xffff;
	_ =	sdelay $0x1  }
0xa1: {  	(v2sf) =	vpush v36, $0x9;
	v62 =	vld [tilespmem:s0+$0xFFFFFC90];
	_ =	sdelay $0x2  }
0xa2: {  	v63 =	vor.u32 s3, v8;
	v37 =	vmul.f32 v37, v60;
	_ =	sdelay $0x1  }
0xa3: {  	v37 =	vadd.f32 v62, v37;
	_ =	sdelay $0x1  }
0xa4: {  	[tilespmem:s5+$0x10210] =	vst v37  }
0xa5: {  	v37 =	vld.idx.msk [tilespmem:v63+s13+$0x0], $0xffff;
	_ =	sdelay $0x1  }
0xa6: {  	v44 =	vld [tilespmem:s0+$0xFFFFFCA0];
	_ =	sdelay $0x2  }
0xa7: {  	v45 =	vor.u32 s3, v9;
	v37 =	vmul.f32 v37, v60;
	_ =	sdelay $0x1  }
0xa8: {  	s14 =	spop (v2sf);
	v37 =	vadd.f32 v44, v37  }
0xa9: {  	s29 =	sshra.s32 s14, $0x1F  }
0xaa: {  	s3 =	sshrl.u32 s29, $0x19;
	[tilespmem:s5+$0x10220] =	vst v37  }
0xab: {  	s3 =	sadd.s32 s3, s14;
	v37 =	vld.idx.msk [tilespmem:v45+s13+$0x0], $0xffff  }
0xac: {  	s30 =	sand.u32 $0xFFFFFF80, s3  }
0xad: {  	p5 =	slt.s32 s14, $0x1;
	p6 =	sne.s32 s14, s30;
	v46 =	vld [tilespmem:s0+$0xFFFFFCB0]  }
0xae: {  	p1 =	por !p5, !p6  }
0xaf: {  	s6 =	simm.s32 $0x1;
	p1 =	por !p1, !p1  }
0xb0: {  	s3 =	sshrl.u32 s3, $0x7;
	s6 =	simm.s32 @!p1 $0x0;
	v37 =	vmul.f32 v37, v60  }
0xb1: {  	s3 =	ssub.s32 s3, s6  }
0xb2: {  	s3 =	sshll.u32 s3, $0x7;
	v37 =	vadd.f32 v46, v37  }
0xb3: {  	s3 =	sand.u32 $0x1FFFFF80, s3  }
0xb4: {  	s3 =	sadd.s32 s1, s3;
	[tilespmem:s5+$0x10230] =	vst v37  }
0xb5: {  	[tilespmem:s8], [sflag:$0x2] =	stream.strided.gather [hbm4b:s3+s12], $0x2000, s11, s12, $0x38;
	[tilespmem:$0x19180] =	vst v63  }
0xb6: {  	_ =	swait.ge [sflag:s22], $0x2000  }
0xb7: {  	(v2sf) =	vpush v36, $0x2;
	_ =	sdelay $0xe  }
0xb8: {  	s6 =	spop (v2sf)  }
0xb9: {  	s3 =	sand.u32 $0x7F, s6  }
0xba: {  	v47 =	vor.u32 s3, v10;
	_ =	sdelay $0x2  }
0xbb: {  	[sflag:s22] =	ssyncset.done $0x0  }
0xbc: {  	[sflag:s22] =	ssyncadd.s32 $0xFFFFE000  }
0xbd: {  	v37 =	vld.idx.msk [tilespmem:v47+s13+$0x0], $0xffff;
	_ =	sdelay $0x1  }
0xbe: {  	v48 =	vld [tilespmem:s0+$0xFFFFFD00]  }
0xbf: {  	v49 =	vbroadcast v35, $0x2;
	_ =	sdelay $0x1  }
0xc0: {  	v50 =	vor.u32 s3, v11;
	v37 =	vmul.f32 v37, v49;
	_ =	sdelay $0x1  }
0xc1: {  	v37 =	vadd.f32 v48, v37;
	_ =	sdelay $0x1  }
0xc2: {  	[tilespmem:s5+$0x10280] =	vst v37  }
0xc3: {  	v37 =	vld.idx.msk [tilespmem:v50+s13+$0x0], $0xffff;
	_ =	sdelay $0x1  }
0xc4: {  	(v2sf) =	vpush v36, $0xA;
	v51 =	vld [tilespmem:s0+$0xFFFFFD10];
	_ =	sdelay $0x2  }
0xc5: {  	v52 =	vor.u32 s3, v12;
	v37 =	vmul.f32 v37, v49;
	_ =	sdelay $0x1  }
0xc6: {  	v37 =	vadd.f32 v51, v37;
	_ =	sdelay $0x1  }
0xc7: {  	[tilespmem:s5+$0x10290] =	vst v37  }
0xc8: {  	v37 =	vld.idx.msk [tilespmem:v52+s13+$0x0], $0xffff;
	_ =	sdelay $0x1  }
0xc9: {  	v53 =	vld [tilespmem:s0+$0xFFFFFD20];
	_ =	sdelay $0x2  }
0xca: {  	v54 =	vor.u32 s3, v13;
	v37 =	vmul.f32 v37, v49;
	_ =	sdelay $0x1  }
0xcb: {  	s6 =	spop (v2sf);
	v37 =	vadd.f32 v53, v37  }
0xcc: {  	s8 =	sshra.s32 s6, $0x1F  }
0xcd: {  	s3 =	sshrl.u32 s8, $0x19;
	[tilespmem:s5+$0x102A0] =	vst v37  }
0xce: {  	s3 =	sadd.s32 s3, s6;
	v37 =	vld.idx.msk [tilespmem:v54+s13+$0x0], $0xffff  }
0xcf: {  	s9 =	sand.u32 $0xFFFFFF80, s3  }
0xd0: {  	p3 =	slt.s32 s6, $0x1;
	p4 =	sne.s32 s6, s9;
	v55 =	vld [tilespmem:s0+$0xFFFFFD30]  }
0xd1: {  	p1 =	por !p3, !p4  }
0xd2: {  	s8 =	simm.s32 $0x1;
	p1 =	por !p1, !p1  }
0xd3: {  	s3 =	sshrl.u32 s3, $0x7;
	s8 =	simm.s32 @!p1 $0x0;
	v37 =	vmul.f32 v37, v49  }
0xd4: {  	s3 =	ssub.s32 s3, s8  }
0xd5: {  	s3 =	sshll.u32 s3, $0x7;
	v37 =	vadd.f32 v55, v37  }
0xd6: {  	s3 =	sand.u32 $0x1FFFFF80, s3  }
0xd7: {  	s3 =	sadd.s32 s1, s3;
	[tilespmem:s5+$0x102B0] =	vst v37  }
0xd8: {  	[tilespmem:s16], [sflag:$0x3] =	stream.strided.gather [hbm4b:s3+s12], $0x2000, s11, s12, $0x38;
	[tilespmem:$0x19180] =	vst v63  }
0xd9: {  	_ =	swait.ge [sflag:s23], $0x2000  }
0xda: {  	(v2sf) =	vpush v36, $0x3;
	_ =	sdelay $0xe  }
0xdb: {  	s16 =	spop (v2sf)  }
0xdc: {  	s3 =	sand.u32 $0x7F, s16  }
0xdd: {  	v56 =	vor.u32 s3, v14;
	_ =	sdelay $0x2  }
0xde: {  	[sflag:s23] =	ssyncset.done $0x0  }
0xdf: {  	[sflag:s23] =	ssyncadd.s32 $0xFFFFE000  }
0xe0: {  	v37 =	vld.idx.msk [tilespmem:v56+s13+$0x0], $0xffff;
	_ =	sdelay $0x1  }
0xe1: {  	v57 =	vld [tilespmem:s0+$0xFFFFFD80]  }
0xe2: {  	v58 =	vbroadcast v35, $0x3;
	_ =	sdelay $0x1  }
0xe3: {  	v59 =	vor.u32 s3, v15;
	v37 =	vmul.f32 v37, v58;
	_ =	sdelay $0x1  }
0xe4: {  	v37 =	vadd.f32 v57, v37;
	_ =	sdelay $0x1  }
0xe5: {  	[tilespmem:s5+$0x10300] =	vst v37  }
0xe6: {  	v37 =	vld.idx.msk [tilespmem:v59+s13+$0x0], $0xffff;
	_ =	sdelay $0x1  }
0xe7: {  	(v2sf) =	vpush v36, $0xB;
	v60 =	vld [tilespmem:s0+$0xFFFFFD90];
	_ =	sdelay $0x2  }
0xe8: {  	v61 =	vor.u32 s3, v16;
	v37 =	vmul.f32 v37, v58;
	_ =	sdelay $0x1  }
0xe9: {  	v37 =	vadd.f32 v60, v37;
	_ =	sdelay $0x1  }
0xea: {  	[tilespmem:s5+$0x10310] =	vst v37  }
0xeb: {  	v37 =	vld.idx.msk [tilespmem:v61+s13+$0x0], $0xffff;
	_ =	sdelay $0x1  }
0xec: {  	v62 =	vld [tilespmem:s0+$0xFFFFFDA0];
	_ =	sdelay $0x2  }
0xed: {  	v63 =	vor.u32 s3, v17;
	v37 =	vmul.f32 v37, v58;
	_ =	sdelay $0x1  }
0xee: {  	s9 =	spop (v2sf);
	v37 =	vadd.f32 v62, v37  }
0xef: {  	s29 =	sshra.s32 s9, $0x1F  }
0xf0: {  	s3 =	sshrl.u32 s29, $0x19;
	[tilespmem:s5+$0x10320] =	vst v37  }
0xf1: {  	s3 =	sadd.s32 s3, s9;
	v37 =	vld.idx.msk [tilespmem:v63+s13+$0x0], $0xffff  }
0xf2: {  	s30 =	sand.u32 $0xFFFFFF80, s3  }
0xf3: {  	p5 =	slt.s32 s9, $0x1;
	p6 =	sne.s32 s9, s30;
	v42 =	vld [tilespmem:s0+$0xFFFFFDB0]  }
0xf4: {  	p1 =	por !p5, !p6  }
0xf5: {  	s8 =	simm.s32 $0x1;
	p1 =	por !p1, !p1  }
0xf6: {  	s3 =	sshrl.u32 s3, $0x7;
	s8 =	simm.s32 @!p1 $0x0;
	v37 =	vmul.f32 v37, v58  }
0xf7: {  	s3 =	ssub.s32 s3, s8  }
0xf8: {  	s3 =	sshll.u32 s3, $0x7;
	v37 =	vadd.f32 v42, v37  }
0xf9: {  	s3 =	sand.u32 $0x1FFFFF80, s3  }
0xfa: {  	s3 =	sadd.s32 s1, s3;
	[tilespmem:s5+$0x10330] =	vst v37  }
0xfb: {  	[tilespmem:s17], [sflag:$0x4] =	stream.strided.gather [hbm4b:s3+s12], $0x2000, s11, s12, $0x38;
	[tilespmem:$0x19180] =	vst v63  }
0xfc: {  	_ =	swait.ge [sflag:s24], $0x2000  }
0xfd: {  	(v2sf) =	vpush v36, $0x4;
	_ =	sdelay $0xe  }
0xfe: {  	s8 =	spop (v2sf)  }
0xff: {  	s3 =	sand.u32 $0x7F, s8  }
0x100: {  	v43 =	vor.u32 s3, v18;
	_ =	sdelay $0x2  }
0x101: {  	[sflag:s24] =	ssyncset.done $0x0  }
0x102: {  	[sflag:s24] =	ssyncadd.s32 $0xFFFFE000  }
0x103: {  	v37 =	vld.idx.msk [tilespmem:v43+s13+$0x0], $0xffff;
	_ =	sdelay $0x1  }
0x104: {  	v44 =	vld [tilespmem:s0+$0xFFFFFE00]  }
0x105: {  	v45 =	vbroadcast v35, $0x4;
	_ =	sdelay $0x1  }
0x106: {  	v46 =	vor.u32 s3, v19;
	v37 =	vmul.f32 v37, v45;
	_ =	sdelay $0x1  }
0x107: {  	v37 =	vadd.f32 v44, v37;
	_ =	sdelay $0x1  }
0x108: {  	[tilespmem:s5+$0x10380] =	vst v37  }
0x109: {  	v37 =	vld.idx.msk [tilespmem:v46+s13+$0x0], $0xffff;
	_ =	sdelay $0x1  }
0x10a: {  	(v2sf) =	vpush v36, $0xC;
	v47 =	vld [tilespmem:s0+$0xFFFFFE10];
	_ =	sdelay $0x2  }
0x10b: {  	v48 =	vor.u32 s3, v20;
	v37 =	vmul.f32 v37, v45;
	_ =	sdelay $0x1  }
0x10c: {  	v37 =	vadd.f32 v47, v37;
	_ =	sdelay $0x1  }
0x10d: {  	[tilespmem:s5+$0x10390] =	vst v37  }
0x10e: {  	v37 =	vld.idx.msk [tilespmem:v48+s13+$0x0], $0xffff;
	_ =	sdelay $0x1  }
0x10f: {  	v49 =	vld [tilespmem:s0+$0xFFFFFE20];
	_ =	sdelay $0x2  }
0x110: {  	v50 =	vor.u32 s3, v21;
	v37 =	vmul.f32 v37, v45;
	_ =	sdelay $0x1  }
0x111: {  	s8 =	spop (v2sf);
	v37 =	vadd.f32 v49, v37  }
0x112: {  	s16 =	sshra.s32 s8, $0x1F  }
0x113: {  	s3 =	sshrl.u32 s16, $0x19;
	[tilespmem:s5+$0x103A0] =	vst v37  }
0x114: {  	s3 =	sadd.s32 s3, s8;
	v37 =	vld.idx.msk [tilespmem:v50+s13+$0x0], $0xffff  }
0x115: {  	s29 =	sand.u32 $0xFFFFFF80, s3  }
0x116: {  	p3 =	slt.s32 s8, $0x1;
	p4 =	sne.s32 s8, s29;
	v51 =	vld [tilespmem:s0+$0xFFFFFE30]  }
0x117: {  	p1 =	por !p3, !p4  }
0x118: {  	s29 =	simm.s32 $0x1;
	p1 =	por !p1, !p1  }
0x119: {  	s3 =	sshrl.u32 s3, $0x7;
	s29 =	simm.s32 @!p1 $0x0;
	v37 =	vmul.f32 v37, v45  }
0x11a: {  	s3 =	ssub.s32 s3, s29  }
0x11b: {  	s3 =	sshll.u32 s3, $0x7;
	v37 =	vadd.f32 v51, v37  }
0x11c: {  	s3 =	sand.u32 $0x1FFFFF80, s3  }
0x11d: {  	s3 =	sadd.s32 s1, s3;
	[tilespmem:s5+$0x103B0] =	vst v37  }
0x11e: {  	[tilespmem:s18], [sflag:$0x5] =	stream.strided.gather [hbm4b:s3+s12], $0x2000, s11, s12, $0x38;
	[tilespmem:$0x19180] =	vst v63  }
0x11f: {  	_ =	swait.ge [sflag:s25], $0x2000  }
0x120: {  	(v2sf) =	vpush v36, $0x5;
	_ =	sdelay $0xe  }
0x121: {  	s17 =	spop (v2sf)  }
0x122: {  	s3 =	sand.u32 $0x7F, s17  }
0x123: {  	v52 =	vor.u32 s3, v22;
	_ =	sdelay $0x2  }
0x124: {  	[sflag:s25] =	ssyncset.done $0x0  }
0x125: {  	[sflag:s25] =	ssyncadd.s32 $0xFFFFE000  }
0x126: {  	v37 =	vld.idx.msk [tilespmem:v52+s13+$0x0], $0xffff;
	_ =	sdelay $0x1  }
0x127: {  	v53 =	vld [tilespmem:s0+$0xFFFFFE80]  }
0x128: {  	v54 =	vbroadcast v35, $0x5;
	_ =	sdelay $0x1  }
0x129: {  	v55 =	vor.u32 s3, v23;
	v37 =	vmul.f32 v37, v54;
	_ =	sdelay $0x1  }
0x12a: {  	v37 =	vadd.f32 v53, v37;
	_ =	sdelay $0x1  }
0x12b: {  	[tilespmem:s5+$0x10400] =	vst v37  }
0x12c: {  	v37 =	vld.idx.msk [tilespmem:v55+s13+$0x0], $0xffff;
	_ =	sdelay $0x1  }
0x12d: {  	(v2sf) =	vpush v36, $0xD;
	v56 =	vld [tilespmem:s0+$0xFFFFFE90];
	_ =	sdelay $0x2  }
0x12e: {  	v57 =	vor.u32 s3, v24;
	v37 =	vmul.f32 v37, v54;
	_ =	sdelay $0x1  }
0x12f: {  	v37 =	vadd.f32 v56, v37;
	_ =	sdelay $0x1  }
0x130: {  	[tilespmem:s5+$0x10410] =	vst v37  }
0x131: {  	v37 =	vld.idx.msk [tilespmem:v57+s13+$0x0], $0xffff;
	_ =	sdelay $0x1  }
0x132: {  	v58 =	vld [tilespmem:s0+$0xFFFFFEA0];
	_ =	sdelay $0x2  }
0x133: {  	v59 =	vor.u32 s3, v25;
	v37 =	vmul.f32 v37, v54;
	_ =	sdelay $0x1  }
0x134: {  	s29 =	spop (v2sf);
	v37 =	vadd.f32 v58, v37  }
0x135: {  	s18 =	sshra.s32 s29, $0x1F  }
0x136: {  	s3 =	sshrl.u32 s18, $0x19;
	[tilespmem:s5+$0x10420] =	vst v37  }
0x137: {  	s3 =	sadd.s32 s3, s29;
	v37 =	vld.idx.msk [tilespmem:v59+s13+$0x0], $0xffff  }
0x138: {  	s30 =	sand.u32 $0xFFFFFF80, s3  }
0x139: {  	p5 =	slt.s32 s29, $0x1;
	p6 =	sne.s32 s29, s30;
	v60 =	vld [tilespmem:s0+$0xFFFFFEB0]  }
0x13a: {  	p1 =	por !p5, !p6  }
0x13b: {  	s30 =	simm.s32 $0x1;
	p1 =	por !p1, !p1  }
0x13c: {  	s3 =	sshrl.u32 s3, $0x7;
	s30 =	simm.s32 @!p1 $0x0;
	v37 =	vmul.f32 v37, v54  }
0x13d: {  	s3 =	ssub.s32 s3, s30  }
0x13e: {  	s3 =	sshll.u32 s3, $0x7;
	v37 =	vadd.f32 v60, v37  }
0x13f: {  	s3 =	sand.u32 $0x1FFFFF80, s3  }
0x140: {  	s30 =	simm.s32 $0xA180;
	s3 =	sadd.s32 s1, s3;
	[tilespmem:s5+$0x10430] =	vst v37  }
0x141: {  	[tilespmem:s30], [sflag:$0x6] =	stream.strided.gather [hbm4b:s3+s12], $0x2000, s11, s12, $0x38;
	[tilespmem:$0x19180] =	vst v63  }
0x142: {  	_ =	swait.ge [sflag:s26], $0x2000  }
0x143: {  	(v2sf) =	vpush v36, $0x6;
	_ =	sdelay $0xe  }
0x144: {  	s16 =	spop (v2sf)  }
0x145: {  	s3 =	sand.u32 $0x7F, s16  }
0x146: {  	v61 =	vor.u32 s3, v26;
	_ =	sdelay $0x2  }
0x147: {  	[sflag:s26] =	ssyncset.done $0x0  }
0x148: {  	[sflag:s26] =	ssyncadd.s32 $0xFFFFE000  }
0x149: {  	v37 =	vld.idx.msk [tilespmem:v61+s13+$0x0], $0xffff;
	_ =	sdelay $0x1  }
0x14a: {  	v62 =	vld [tilespmem:s0+$0xFFFFFF00]  }
0x14b: {  	v63 =	vbroadcast v35, $0x6;
	_ =	sdelay $0x1  }
0x14c: {  	v44 =	vor.u32 s3, v27;
	v37 =	vmul.f32 v37, v63;
	_ =	sdelay $0x1  }
0x14d: {  	v37 =	vadd.f32 v62, v37;
	_ =	sdelay $0x1  }
0x14e: {  	[tilespmem:s5+$0x10480] =	vst v37  }
0x14f: {  	v37 =	vld.idx.msk [tilespmem:v44+s13+$0x0], $0xffff;
	_ =	sdelay $0x1  }
0x150: {  	(v2sf) =	vpush v36, $0xE;
	v45 =	vld [tilespmem:s0+$0xFFFFFF10];
	_ =	sdelay $0x2  }
0x151: {  	v46 =	vor.u32 s3, v28;
	v37 =	vmul.f32 v37, v63;
	_ =	sdelay $0x1  }
0x152: {  	v37 =	vadd.f32 v45, v37;
	_ =	sdelay $0x1  }
0x153: {  	[tilespmem:s5+$0x10490] =	vst v37  }
0x154: {  	v37 =	vld.idx.msk [tilespmem:v46+s13+$0x0], $0xffff;
	_ =	sdelay $0x1  }
0x155: {  	v47 =	vld [tilespmem:s0+$0xFFFFFF20];
	_ =	sdelay $0x2  }
0x156: {  	v48 =	vor.u32 s3, v29;
	v37 =	vmul.f32 v37, v63;
	_ =	sdelay $0x1  }
0x157: {  	s30 =	spop (v2sf);
	v37 =	vadd.f32 v47, v37  }
0x158: {  	s17 =	sshra.s32 s30, $0x1F  }
0x159: {  	s3 =	sshrl.u32 s17, $0x19;
	[tilespmem:s5+$0x104A0] =	vst v37  }
0x15a: {  	s3 =	sadd.s32 s3, s30;
	v37 =	vld.idx.msk [tilespmem:v48+s13+$0x0], $0xffff  }
0x15b: {  	s18 =	sand.u32 $0xFFFFFF80, s3  }
0x15c: {  	p3 =	slt.s32 s30, $0x1;
	p4 =	sne.s32 s30, s18;
	v49 =	vld [tilespmem:s0+$0xFFFFFF30]  }
0x15d: {  	p1 =	por !p3, !p4  }
0x15e: {  	s16 =	simm.s32 $0x1;
	p1 =	por !p1, !p1  }
0x15f: {  	s3 =	sshrl.u32 s3, $0x7;
	s16 =	simm.s32 @!p1 $0x0;
	v37 =	vmul.f32 v37, v63  }
0x160: {  	s3 =	ssub.s32 s3, s16  }
0x161: {  	s3 =	sshll.u32 s3, $0x7;
	v37 =	vadd.f32 v49, v37  }
0x162: {  	s3 =	sand.u32 $0x1FFFFF80, s3  }
0x163: {  	s3 =	sadd.s32 s1, s3;
	[tilespmem:s5+$0x104B0] =	vst v37  }
0x164: {  	[tilespmem:s20], [sflag:$0x7] =	stream.strided.gather [hbm4b:s3+s12], $0x2000, s11, s12, $0x38;
	[tilespmem:$0x19180] =	vst v63  }
0x165: {  	_ =	swait.ge [sflag:s28], $0x2000  }
0x166: {  	(v2sf) =	vpush v36, $0x7;
	_ =	sdelay $0xe  }
0x167: {  	s16 =	spop (v2sf)  }
0x168: {  	s3 =	sand.u32 $0x7F, s16  }
0x169: {  	v50 =	vor.u32 s3, v30;
	_ =	sdelay $0x2  }
0x16a: {  	[sflag:s28] =	ssyncset.done $0x0  }
0x16b: {  	[sflag:s28] =	ssyncadd.s32 $0xFFFFE000  }
0x16c: {  	v37 =	vld.idx.msk [tilespmem:v50+s13+$0x0], $0xffff;
	_ =	sdelay $0x1  }
0x16d: {  	v51 =	vld [tilespmem:s0+$0xFFFFFF80]  }
0x16e: {  	v52 =	vbroadcast v35, $0x7;
	_ =	sdelay $0x1  }
0x16f: {  	v53 =	vor.u32 s3, v31;
	v37 =	vmul.f32 v37, v52;
	_ =	sdelay $0x1  }
0x170: {  	v37 =	vadd.f32 v51, v37;
	_ =	sdelay $0x1  }
0x171: {  	[tilespmem:s5+$0x10500] =	vst v37  }
0x172: {  	v37 =	vld.idx.msk [tilespmem:v53+s13+$0x0], $0xffff;
	_ =	sdelay $0x1  }
0x173: {  	(v2sf) =	vpush v36, $0xF;
	v54 =	vld [tilespmem:s0+$0xFFFFFF90];
	_ =	sdelay $0x2  }
0x174: {  	v56 =	vor.u32 s3, v32;
	v55 =	vmul.f32 v37, v52;
	_ =	sdelay $0x1  }
0x175: {  	v36 =	vadd.f32 v54, v55;
	_ =	sdelay $0x1  }
0x176: {  	[tilespmem:s5+$0x10510] =	vst v36  }
0x177: {  	v36 =	vld.idx.msk [tilespmem:v56+s13+$0x0], $0xffff;
	_ =	sdelay $0x1  }
0x178: {  	v57 =	vld [tilespmem:s0+$0xFFFFFFA0];
	_ =	sdelay $0x2  }
0x179: {  	v58 =	vor.u32 s3, v33;
	v36 =	vmul.f32 v36, v52;
	_ =	sdelay $0x1  }
0x17a: {  	s3 =	spop (v2sf);
	v36 =	vadd.f32 v57, v36  }
0x17b: {  	s17 =	sshra.s32 s3, $0x1F  }
0x17c: {  	s16 =	sshrl.u32 s17, $0x19;
	[tilespmem:s5+$0x10520] =	vst v36  }
0x17d: {  	s16 =	sadd.s32 s16, s3;
	v36 =	vld.idx.msk [tilespmem:v58+s13+$0x0], $0xffff  }
0x17e: {  	s18 =	sand.u32 $0xFFFFFF80, s16  }
0x17f: {  	p5 =	slt.s32 s3, $0x1;
	p6 =	sne.s32 s3, s18;
	v59 =	vld [tilespmem:s0+$0xFFFFFFB0]  }
0x180: {  	p1 =	por !p5, !p6  }
0x181: {  	s17 =	simm.s32 $0x1;
	p1 =	por !p1, !p1  }
0x182: {  	s16 =	sshrl.u32 s16, $0x7;
	s17 =	simm.s32 @!p1 $0x0;
	v36 =	vmul.f32 v36, v52  }
0x183: {  	s16 =	ssub.s32 s16, s17  }
0x184: {  	s16 =	sshll.u32 s16, $0x7;
	v36 =	vadd.f32 v59, v36  }
0x185: {  	s15 =	sand.u32 $0x7F, s15;
	s16 =	sand.u32 $0x1FFFFF80, s16  }
0x186: {  	v60 =	vor.u32 s15, v0;
	s16 =	sadd.s32 s1, s16;
	[tilespmem:s5+$0x10530] =	vst v36  }
0x187: {  	[tilespmem:s19], [sflag:$0x8] =	stream.strided.gather [hbm4b:s16+s12], $0x2000, s11, s12, $0x38;
	[tilespmem:$0x19180] =	vst v63  }
0x188: {  	_ =	swait.ge [sflag:s10], $0x2000  }
0x189: {  	[sflag:s10] =	ssyncset.done $0x0  }
0x18a: {  	[sflag:s10] =	ssyncadd.s32 $0xFFFFE000  }
0x18b: {  	v36 =	vld.idx.msk [tilespmem:v60+s13+$0x0], $0xffff;
	_ =	sdelay $0x1  }
0x18c: {  	v61 =	vld [tilespmem:s0+$0x0]  }
0x18d: {  	v62 =	vbroadcast v35, $0x8;
	_ =	sdelay $0x1  }
0x18e: {  	v63 =	vor.u32 s15, v3;
	v36 =	vmul.f32 v36, v62;
	_ =	sdelay $0x1  }
0x18f: {  	v36 =	vadd.f32 v61, v36;
	_ =	sdelay $0x1  }
0x190: {  	[tilespmem:s5+$0x10580] =	vst v36  }
0x191: {  	v36 =	vld.idx.msk [tilespmem:v63+s13+$0x0], $0xffff;
	_ =	sdelay $0x1  }
0x192: {  	v42 =	vld [tilespmem:s0+$0x10]  }
0x193: {  	p1 =	seq.s32 s4, $0xF  }
0x194: {  	(v2sf) =	vpush @!p1 v34, $0x0  }
0x195: {  	v43 =	vor.u32 s15, v4;
	v36 =	vmul.f32 v36, v62;
	_ =	sdelay $0x1  }
0x196: {  	v36 =	vadd.f32 v42, v36;
	_ =	sdelay $0x1  }
0x197: {  	[tilespmem:s5+$0x10590] =	vst v36  }
0x198: {  	v36 =	vld.idx.msk [tilespmem:v43+s13+$0x0], $0xffff;
	_ =	sdelay $0x1  }
0x199: {  	v44 =	vld [tilespmem:s0+$0x20];
	_ =	sdelay $0x2  }
0x19a: {  	v45 =	vor.u32 s15, v5;
	v36 =	vmul.f32 v36, v62;
	_ =	sdelay $0x1  }
0x19b: {  	v36 =	vadd.f32 v44, v36;
	_ =	sdelay $0x1  }
0x19c: {  	s15 =	spop @!p1 (v2sf);
	[tilespmem:s5+$0x105A0] =	vst v36  }
0x19d: {  	s16 =	sand.u32 @!p1 $0x7F, s15;
	v36 =	vld.idx.msk [tilespmem:v45+s13+$0x0], $0xffff  }
0x19e: {  	p2 =	slt.s32 @!p1 s15, $0x1;
	p3 =	sne.s32 @!p1 s16, $0x0  }
0x19f: {  	s16 =	sshra.s32 @!p1 s15, $0x1F;
	p2 =	por @!p1 !p2, !p3;
	v46 =	vld [tilespmem:s0+$0x30]  }
0x1a0: {  	s16 =	sshrl.u32 @!p1 s16, $0x19;
	p2 =	por @!p1 !p2, !p2  }
0x1a1: {  	s15 =	sadd.s32 @!p1 s16, s15;
	s16 =	simm.s32 @!p1 $0x1;
	p2 =	por !p2, p1  }
0x1a2: {  	s15 =	sshrl.u32 @!p1 s15, $0x7;
	s16 =	simm.s32 @p2 $0x0;
	v36 =	vmul.f32 v36, v62  }
0x1a3: {  	s15 =	ssub.s32 @!p1 s15, s16  }
0x1a4: {  	s15 =	sshll.u32 @!p1 s15, $0x7;
	v36 =	vadd.f32 v46, v36  }
0x1a5: {  	s17 =	sand.u32 $0x7F, s14;
	s14 =	simm.s32 @!p1 $0x400;
	s15 =	sand.u32 @!p1 $0x1FFFFF80, s15  }
0x1a6: {  	s18 =	simm.s32 @!p1 $0x180;
	v47 =	vor.u32 s17, v6;
	s16 =	sadd.s32 @!p1 s1, s15;
	s15 =	simm.s32 @!p1 $0x7A1400;
	[tilespmem:s5+$0x105B0] =	vst v36  }
0x1a7: {  	[tilespmem:s18], [sflag:$0x1] =	stream.strided.gather @!p1 [hbm4b:s16+s14], $0x2000, s15, s14, $0x38;
	[tilespmem:$0x19180] =	vst v63  }
0x1a8: {  	_ =	swait.ge [sflag:s21], $0x2000  }
0x1a9: {  	[sflag:s21] =	ssyncset.done $0x0  }
0x1aa: {  	[sflag:s21] =	ssyncadd.s32 $0xFFFFE000  }
0x1ab: {  	v36 =	vld.idx.msk [tilespmem:v47+s13+$0x0], $0xffff;
	_ =	sdelay $0x1  }
0x1ac: {  	v48 =	vld [tilespmem:s0+$0x80]  }
0x1ad: {  	v49 =	vbroadcast v35, $0x9;
	_ =	sdelay $0x1  }
0x1ae: {  	v50 =	vor.u32 s17, v7;
	v36 =	vmul.f32 v36, v49;
	_ =	sdelay $0x1  }
0x1af: {  	v36 =	vadd.f32 v48, v36;
	_ =	sdelay $0x1  }
0x1b0: {  	[tilespmem:s5+$0x10600] =	vst v36  }
0x1b1: {  	v36 =	vld.idx.msk [tilespmem:v50+s13+$0x0], $0xffff;
	_ =	sdelay $0x1  }
0x1b2: {  	v51 =	vld [tilespmem:s0+$0x90];
	_ =	sdelay $0x1  }
0x1b3: {  	(v2sf) =	vpush @!p1 v34, $0x1  }
0x1b4: {  	v52 =	vor.u32 s17, v8;
	v36 =	vmul.f32 v36, v49;
	_ =	sdelay $0x1  }
0x1b5: {  	v36 =	vadd.f32 v51, v36;
	_ =	sdelay $0x1  }
0x1b6: {  	[tilespmem:s5+$0x10610] =	vst v36  }
0x1b7: {  	v36 =	vld.idx.msk [tilespmem:v52+s13+$0x0], $0xffff;
	_ =	sdelay $0x1  }
0x1b8: {  	v53 =	vld [tilespmem:s0+$0xA0];
	_ =	sdelay $0x2  }
0x1b9: {  	v54 =	vor.u32 s17, v9;
	v36 =	vmul.f32 v36, v49;
	_ =	sdelay $0x1  }
0x1ba: {  	v36 =	vadd.f32 v53, v36;
	_ =	sdelay $0x1  }
0x1bb: {  	s16 =	spop @!p1 (v2sf);
	[tilespmem:s5+$0x10620] =	vst v36  }
0x1bc: {  	s17 =	sand.u32 @!p1 $0x7F, s16;
	v36 =	vld.idx.msk [tilespmem:v54+s13+$0x0], $0xffff  }
0x1bd: {  	p2 =	slt.s32 @!p1 s16, $0x1;
	p3 =	sne.s32 @!p1 s17, $0x0  }
0x1be: {  	s17 =	sshra.s32 @!p1 s16, $0x1F;
	p2 =	por @!p1 !p2, !p3;
	v55 =	vld [tilespmem:s0+$0xB0]  }
0x1bf: {  	s17 =	sshrl.u32 @!p1 s17, $0x19;
	p2 =	por @!p1 !p2, !p2  }
0x1c0: {  	s16 =	sadd.s32 @!p1 s17, s16;
	s17 =	simm.s32 @!p1 $0x1;
	p2 =	por !p2, p1  }
0x1c1: {  	s16 =	sshrl.u32 @!p1 s16, $0x7;
	s17 =	simm.s32 @p2 $0x0;
	v36 =	vmul.f32 v36, v49  }
0x1c2: {  	s16 =	ssub.s32 @!p1 s16, s17  }
0x1c3: {  	s16 =	sshll.u32 @!p1 s16, $0x7;
	v36 =	vadd.f32 v55, v36  }
0x1c4: {  	s6 =	sand.u32 $0x7F, s6;
	s16 =	sand.u32 @!p1 $0x1FFFFF80, s16  }
0x1c5: {  	v56 =	vor.u32 s6, v10;
	s17 =	simm.s32 @!p1 $0x2180;
	s16 =	sadd.s32 @!p1 s1, s16;
	[tilespmem:s5+$0x10630] =	vst v36  }
0x1c6: {  	[tilespmem:s17], [sflag:$0x2] =	stream.strided.gather @!p1 [hbm4b:s16+s14], $0x2000, s15, s14, $0x38;
	[tilespmem:$0x19180] =	vst v63  }
0x1c7: {  	_ =	swait.ge [sflag:s22], $0x2000  }
0x1c8: {  	[sflag:s22] =	ssyncset.done $0x0  }
0x1c9: {  	[sflag:s22] =	ssyncadd.s32 $0xFFFFE000  }
0x1ca: {  	v36 =	vld.idx.msk [tilespmem:v56+s13+$0x0], $0xffff;
	_ =	sdelay $0x1  }
0x1cb: {  	v57 =	vld [tilespmem:s0+$0x100]  }
0x1cc: {  	v58 =	vbroadcast v35, $0xA;
	_ =	sdelay $0x1  }
0x1cd: {  	v59 =	vor.u32 s6, v11;
	v36 =	vmul.f32 v36, v58;
	_ =	sdelay $0x1  }
0x1ce: {  	v36 =	vadd.f32 v57, v36;
	_ =	sdelay $0x1  }
0x1cf: {  	[tilespmem:s5+$0x10680] =	vst v36  }
0x1d0: {  	v36 =	vld.idx.msk [tilespmem:v59+s13+$0x0], $0xffff;
	_ =	sdelay $0x1  }
0x1d1: {  	v60 =	vld [tilespmem:s0+$0x110];
	_ =	sdelay $0x1  }
0x1d2: {  	(v2sf) =	vpush @!p1 v34, $0x2  }
0x1d3: {  	v61 =	vor.u32 s6, v12;
	v36 =	vmul.f32 v36, v58;
	_ =	sdelay $0x1  }
0x1d4: {  	v36 =	vadd.f32 v60, v36;
	_ =	sdelay $0x1  }
0x1d5: {  	[tilespmem:s5+$0x10690] =	vst v36  }
0x1d6: {  	v36 =	vld.idx.msk [tilespmem:v61+s13+$0x0], $0xffff;
	_ =	sdelay $0x1  }
0x1d7: {  	v62 =	vld [tilespmem:s0+$0x120];
	_ =	sdelay $0x2  }
0x1d8: {  	v63 =	vor.u32 s6, v13;
	v36 =	vmul.f32 v36, v58;
	_ =	sdelay $0x1  }
0x1d9: {  	v36 =	vadd.f32 v62, v36;
	_ =	sdelay $0x1  }
0x1da: {  	s6 =	spop @!p1 (v2sf);
	[tilespmem:s5+$0x106A0] =	vst v36  }
0x1db: {  	s16 =	sand.u32 @!p1 $0x7F, s6;
	v36 =	vld.idx.msk [tilespmem:v63+s13+$0x0], $0xffff  }
0x1dc: {  	p2 =	slt.s32 @!p1 s6, $0x1;
	p3 =	sne.s32 @!p1 s16, $0x0  }
0x1dd: {  	s16 =	sshra.s32 @!p1 s6, $0x1F;
	p2 =	por @!p1 !p2, !p3;
	v40 =	vld [tilespmem:s0+$0x130]  }
0x1de: {  	s16 =	sshrl.u32 @!p1 s16, $0x19;
	p2 =	por @!p1 !p2, !p2  }
0x1df: {  	s6 =	sadd.s32 @!p1 s16, s6;
	s16 =	simm.s32 @!p1 $0x1;
	p2 =	por !p2, p1  }
0x1e0: {  	s6 =	sshrl.u32 @!p1 s6, $0x7;
	s16 =	simm.s32 @p2 $0x0;
	v36 =	vmul.f32 v36, v58  }
0x1e1: {  	s6 =	ssub.s32 @!p1 s6, s16  }
0x1e2: {  	s6 =	sshll.u32 @!p1 s6, $0x7;
	v36 =	vadd.f32 v40, v36  }
0x1e3: {  	s9 =	sand.u32 $0x7F, s9;
	s6 =	sand.u32 @!p1 $0x1FFFFF80, s6  }
0x1e4: {  	v41 =	vor.u32 s9, v14;
	s16 =	simm.s32 @!p1 $0x4180;
	s6 =	sadd.s32 @!p1 s1, s6;
	[tilespmem:s5+$0x106B0] =	vst v36  }
0x1e5: {  	[tilespmem:s16], [sflag:$0x3] =	stream.strided.gather @!p1 [hbm4b:s6+s14], $0x2000, s15, s14, $0x38;
	[tilespmem:$0x19180] =	vst v63  }
0x1e6: {  	_ =	swait.ge [sflag:s23], $0x2000  }
0x1e7: {  	[sflag:s23] =	ssyncset.done $0x0  }
0x1e8: {  	[sflag:s23] =	ssyncadd.s32 $0xFFFFE000  }
0x1e9: {  	v36 =	vld.idx.msk [tilespmem:v41+s13+$0x0], $0xffff;
	_ =	sdelay $0x1  }
0x1ea: {  	v42 =	vld [tilespmem:s0+$0x180]  }
0x1eb: {  	v43 =	vbroadcast v35, $0xB;
	_ =	sdelay $0x1  }
0x1ec: {  	v44 =	vor.u32 s9, v15;
	v36 =	vmul.f32 v36, v43;
	_ =	sdelay $0x1  }
0x1ed: {  	v36 =	vadd.f32 v42, v36;
	_ =	sdelay $0x1  }
0x1ee: {  	[tilespmem:s5+$0x10700] =	vst v36  }
0x1ef: {  	v36 =	vld.idx.msk [tilespmem:v44+s13+$0x0], $0xffff;
	_ =	sdelay $0x1  }
0x1f0: {  	v45 =	vld [tilespmem:s0+$0x190];
	_ =	sdelay $0x1  }
0x1f1: {  	(v2sf) =	vpush @!p1 v34, $0x3  }
0x1f2: {  	v46 =	vor.u32 s9, v16;
	v36 =	vmul.f32 v36, v43;
	_ =	sdelay $0x1  }
0x1f3: {  	v36 =	vadd.f32 v45, v36;
	_ =	sdelay $0x1  }
0x1f4: {  	[tilespmem:s5+$0x10710] =	vst v36  }
0x1f5: {  	v36 =	vld.idx.msk [tilespmem:v46+s13+$0x0], $0xffff;
	_ =	sdelay $0x1  }
0x1f6: {  	v47 =	vld [tilespmem:s0+$0x1A0];
	_ =	sdelay $0x2  }
0x1f7: {  	v48 =	vor.u32 s9, v17;
	v36 =	vmul.f32 v36, v43;
	_ =	sdelay $0x1  }
0x1f8: {  	v36 =	vadd.f32 v47, v36;
	_ =	sdelay $0x1  }
0x1f9: {  	s6 =	spop @!p1 (v2sf);
	[tilespmem:s5+$0x10720] =	vst v36  }
0x1fa: {  	s9 =	sand.u32 @!p1 $0x7F, s6;
	v36 =	vld.idx.msk [tilespmem:v48+s13+$0x0], $0xffff  }
0x1fb: {  	p2 =	slt.s32 @!p1 s6, $0x1;
	p3 =	sne.s32 @!p1 s9, $0x0  }
0x1fc: {  	s9 =	sshra.s32 @!p1 s6, $0x1F;
	p2 =	por @!p1 !p2, !p3;
	v49 =	vld [tilespmem:s0+$0x1B0]  }
0x1fd: {  	s9 =	sshrl.u32 @!p1 s9, $0x19;
	p2 =	por @!p1 !p2, !p2  }
0x1fe: {  	s6 =	sadd.s32 @!p1 s9, s6;
	s9 =	simm.s32 @!p1 $0x1;
	p2 =	por !p2, p1  }
0x1ff: {  	s6 =	sshrl.u32 @!p1 s6, $0x7;
	s9 =	simm.s32 @p2 $0x0;
	v36 =	vmul.f32 v36, v43  }
0x200: {  	s6 =	ssub.s32 @!p1 s6, s9  }
0x201: {  	s6 =	sshll.u32 @!p1 s6, $0x7;
	v36 =	vadd.f32 v49, v36  }
0x202: {  	s8 =	sand.u32 $0x7F, s8;
	s6 =	sand.u32 @!p1 $0x1FFFFF80, s6  }
0x203: {  	v50 =	vor.u32 s8, v18;
	s9 =	simm.s32 @!p1 $0x6180;
	s6 =	sadd.s32 @!p1 s1, s6;
	[tilespmem:s5+$0x10730] =	vst v36  }
0x204: {  	[tilespmem:s9], [sflag:$0x4] =	stream.strided.gather @!p1 [hbm4b:s6+s14], $0x2000, s15, s14, $0x38;
	[tilespmem:$0x19180] =	vst v63  }
0x205: {  	_ =	swait.ge [sflag:s24], $0x2000  }
0x206: {  	[sflag:s24] =	ssyncset.done $0x0  }
0x207: {  	[sflag:s24] =	ssyncadd.s32 $0xFFFFE000  }
0x208: {  	v36 =	vld.idx.msk [tilespmem:v50+s13+$0x0], $0xffff;
	_ =	sdelay $0x1  }
0x209: {  	v51 =	vld [tilespmem:s0+$0x200]  }
0x20a: {  	v52 =	vbroadcast v35, $0xC;
	_ =	sdelay $0x1  }
0x20b: {  	v53 =	vor.u32 s8, v19;
	v36 =	vmul.f32 v36, v52;
	_ =	sdelay $0x1  }
0x20c: {  	v36 =	vadd.f32 v51, v36;
	_ =	sdelay $0x1  }
0x20d: {  	[tilespmem:s5+$0x10780] =	vst v36  }
0x20e: {  	v36 =	vld.idx.msk [tilespmem:v53+s13+$0x0], $0xffff;
	_ =	sdelay $0x1  }
0x20f: {  	v54 =	vld [tilespmem:s0+$0x210];
	_ =	sdelay $0x1  }
0x210: {  	(v2sf) =	vpush @!p1 v34, $0x4  }
0x211: {  	v55 =	vor.u32 s8, v20;
	v36 =	vmul.f32 v36, v52;
	_ =	sdelay $0x1  }
0x212: {  	v36 =	vadd.f32 v54, v36;
	_ =	sdelay $0x1  }
0x213: {  	[tilespmem:s5+$0x10790] =	vst v36  }
0x214: {  	v36 =	vld.idx.msk [tilespmem:v55+s13+$0x0], $0xffff;
	_ =	sdelay $0x1  }
0x215: {  	v56 =	vld [tilespmem:s0+$0x220];
	_ =	sdelay $0x2  }
0x216: {  	v57 =	vor.u32 s8, v21;
	v36 =	vmul.f32 v36, v52;
	_ =	sdelay $0x1  }
0x217: {  	v36 =	vadd.f32 v56, v36;
	_ =	sdelay $0x1  }
0x218: {  	s6 =	spop @!p1 (v2sf);
	[tilespmem:s5+$0x107A0] =	vst v36  }
0x219: {  	s8 =	sand.u32 @!p1 $0x7F, s6;
	v36 =	vld.idx.msk [tilespmem:v57+s13+$0x0], $0xffff  }
0x21a: {  	p2 =	slt.s32 @!p1 s6, $0x1;
	p3 =	sne.s32 @!p1 s8, $0x0  }
0x21b: {  	s8 =	sshra.s32 @!p1 s6, $0x1F;
	p2 =	por @!p1 !p2, !p3;
	v58 =	vld [tilespmem:s0+$0x230]  }
0x21c: {  	s8 =	sshrl.u32 @!p1 s8, $0x19;
	p2 =	por @!p1 !p2, !p2  }
0x21d: {  	s6 =	sadd.s32 @!p1 s8, s6;
	s8 =	simm.s32 @!p1 $0x1;
	p2 =	por !p2, p1  }
0x21e: {  	s6 =	sshrl.u32 @!p1 s6, $0x7;
	s8 =	simm.s32 @p2 $0x0;
	v36 =	vmul.f32 v36, v52  }
0x21f: {  	s6 =	ssub.s32 @!p1 s6, s8  }
0x220: {  	s6 =	sshll.u32 @!p1 s6, $0x7;
	v36 =	vadd.f32 v58, v36  }
0x221: {  	s29 =	sand.u32 $0x7F, s29;
	s6 =	sand.u32 @!p1 $0x1FFFFF80, s6  }
0x222: {  	v59 =	vor.u32 s29, v22;
	s9 =	simm.s32 @!p1 $0x8180;
	s6 =	sadd.s32 @!p1 s1, s6;
	[tilespmem:s5+$0x107B0] =	vst v36  }
0x223: {  	[tilespmem:s9], [sflag:$0x5] =	stream.strided.gather @!p1 [hbm4b:s6+s14], $0x2000, s15, s14, $0x38;
	[tilespmem:$0x19180] =	vst v63  }
0x224: {  	_ =	swait.ge [sflag:s25], $0x2000  }
0x225: {  	[sflag:s25] =	ssyncset.done $0x0  }
0x226: {  	[sflag:s25] =	ssyncadd.s32 $0xFFFFE000  }
0x227: {  	v36 =	vld.idx.msk [tilespmem:v59+s13+$0x0], $0xffff;
	_ =	sdelay $0x1  }
0x228: {  	v60 =	vld [tilespmem:s0+$0x280]  }
0x229: {  	v61 =	vbroadcast v35, $0xD;
	_ =	sdelay $0x1  }
0x22a: {  	v62 =	vor.u32 s29, v23;
	v36 =	vmul.f32 v36, v61;
	_ =	sdelay $0x1  }
0x22b: {  	v36 =	vadd.f32 v60, v36;
	_ =	sdelay $0x1  }
0x22c: {  	[tilespmem:s5+$0x10800] =	vst v36  }
0x22d: {  	v36 =	vld.idx.msk [tilespmem:v62+s13+$0x0], $0xffff;
	_ =	sdelay $0x1  }
0x22e: {  	v63 =	vld [tilespmem:s0+$0x290];
	_ =	sdelay $0x1  }
0x22f: {  	(v2sf) =	vpush @!p1 v34, $0x5  }
0x230: {  	v42 =	vor.u32 s29, v24;
	v36 =	vmul.f32 v36, v61;
	_ =	sdelay $0x1  }
0x231: {  	v36 =	vadd.f32 v63, v36;
	_ =	sdelay $0x1  }
0x232: {  	[tilespmem:s5+$0x10810] =	vst v36  }
0x233: {  	v36 =	vld.idx.msk [tilespmem:v42+s13+$0x0], $0xffff;
	_ =	sdelay $0x1  }
0x234: {  	v43 =	vld [tilespmem:s0+$0x2A0];
	_ =	sdelay $0x2  }
0x235: {  	v44 =	vor.u32 s29, v25;
	v36 =	vmul.f32 v36, v61;
	_ =	sdelay $0x1  }
0x236: {  	v36 =	vadd.f32 v43, v36;
	_ =	sdelay $0x1  }
0x237: {  	s6 =	spop @!p1 (v2sf);
	[tilespmem:s5+$0x10820] =	vst v36  }
0x238: {  	s8 =	sand.u32 @!p1 $0x7F, s6;
	v36 =	vld.idx.msk [tilespmem:v44+s13+$0x0], $0xffff  }
0x239: {  	p2 =	slt.s32 @!p1 s6, $0x1;
	p3 =	sne.s32 @!p1 s8, $0x0  }
0x23a: {  	s8 =	sshra.s32 @!p1 s6, $0x1F;
	p2 =	por @!p1 !p2, !p3;
	v45 =	vld [tilespmem:s0+$0x2B0]  }
0x23b: {  	s8 =	sshrl.u32 @!p1 s8, $0x19;
	p2 =	por @!p1 !p2, !p2  }
0x23c: {  	s6 =	sadd.s32 @!p1 s8, s6;
	s8 =	simm.s32 @!p1 $0x1;
	p2 =	por !p2, p1  }
0x23d: {  	s6 =	sshrl.u32 @!p1 s6, $0x7;
	s8 =	simm.s32 @p2 $0x0;
	v36 =	vmul.f32 v36, v61  }
0x23e: {  	s6 =	ssub.s32 @!p1 s6, s8  }
0x23f: {  	s6 =	sshll.u32 @!p1 s6, $0x7;
	v36 =	vadd.f32 v45, v36  }
0x240: {  	s29 =	sand.u32 $0x7F, s30;
	s6 =	sand.u32 @!p1 $0x1FFFFF80, s6  }
0x241: {  	v46 =	vor.u32 s29, v26;
	s9 =	simm.s32 @!p1 $0xA180;
	s6 =	sadd.s32 @!p1 s1, s6;
	[tilespmem:s5+$0x10830] =	vst v36  }
0x242: {  	[tilespmem:s9], [sflag:$0x6] =	stream.strided.gather @!p1 [hbm4b:s6+s14], $0x2000, s15, s14, $0x38;
	[tilespmem:$0x19180] =	vst v63  }
0x243: {  	_ =	swait.ge [sflag:s26], $0x2000  }
0x244: {  	[sflag:s26] =	ssyncset.done $0x0  }
0x245: {  	[sflag:s26] =	ssyncadd.s32 $0xFFFFE000  }
0x246: {  	v36 =	vld.idx.msk [tilespmem:v46+s13+$0x0], $0xffff;
	_ =	sdelay $0x1  }
0x247: {  	v47 =	vld [tilespmem:s0+$0x300]  }
0x248: {  	v48 =	vbroadcast v35, $0xE;
	_ =	sdelay $0x1  }
0x249: {  	v49 =	vor.u32 s29, v27;
	v36 =	vmul.f32 v36, v48;
	_ =	sdelay $0x1  }
0x24a: {  	v36 =	vadd.f32 v47, v36;
	_ =	sdelay $0x1  }
0x24b: {  	[tilespmem:s5+$0x10880] =	vst v36  }
0x24c: {  	v36 =	vld.idx.msk [tilespmem:v49+s13+$0x0], $0xffff;
	_ =	sdelay $0x1  }
0x24d: {  	v50 =	vld [tilespmem:s0+$0x310];
	_ =	sdelay $0x1  }
0x24e: {  	(v2sf) =	vpush @!p1 v34, $0x6  }
0x24f: {  	v51 =	vor.u32 s29, v28;
	v36 =	vmul.f32 v36, v48;
	_ =	sdelay $0x1  }
0x250: {  	v36 =	vadd.f32 v50, v36;
	_ =	sdelay $0x1  }
0x251: {  	[tilespmem:s5+$0x10890] =	vst v36  }
0x252: {  	v36 =	vld.idx.msk [tilespmem:v51+s13+$0x0], $0xffff;
	_ =	sdelay $0x1  }
0x253: {  	v52 =	vld [tilespmem:s0+$0x320];
	_ =	sdelay $0x2  }
0x254: {  	v53 =	vor.u32 s29, v29;
	v36 =	vmul.f32 v36, v48;
	_ =	sdelay $0x1  }
0x255: {  	v36 =	vadd.f32 v52, v36;
	_ =	sdelay $0x1  }
0x256: {  	s6 =	spop @!p1 (v2sf);
	[tilespmem:s5+$0x108A0] =	vst v36  }
0x257: {  	s8 =	sand.u32 @!p1 $0x7F, s6;
	v36 =	vld.idx.msk [tilespmem:v53+s13+$0x0], $0xffff  }
0x258: {  	p2 =	slt.s32 @!p1 s6, $0x1;
	p3 =	sne.s32 @!p1 s8, $0x0  }
0x259: {  	s8 =	sshra.s32 @!p1 s6, $0x1F;
	p2 =	por @!p1 !p2, !p3;
	v54 =	vld [tilespmem:s0+$0x330]  }
0x25a: {  	s8 =	sshrl.u32 @!p1 s8, $0x19;
	p2 =	por @!p1 !p2, !p2  }
0x25b: {  	s6 =	sadd.s32 @!p1 s8, s6;
	s8 =	simm.s32 @!p1 $0x1;
	p2 =	por !p2, p1  }
0x25c: {  	s6 =	sshrl.u32 @!p1 s6, $0x7;
	s8 =	simm.s32 @p2 $0x0;
	v36 =	vmul.f32 v36, v48  }
0x25d: {  	s6 =	ssub.s32 @!p1 s6, s8  }
0x25e: {  	s6 =	sshll.u32 @!p1 s6, $0x7;
	v36 =	vadd.f32 v54, v36  }
0x25f: {  	s3 =	sand.u32 $0x7F, s3;
	s6 =	sand.u32 @!p1 $0x1FFFFF80, s6  }
0x260: {  	v55 =	vor.u32 s3, v30;
	s8 =	simm.s32 @!p1 $0xC180;
	s6 =	sadd.s32 @!p1 s1, s6;
	[tilespmem:s5+$0x108B0] =	vst v36  }
0x261: {  	[tilespmem:s8], [sflag:$0x7] =	stream.strided.gather @!p1 [hbm4b:s6+s14], $0x2000, s15, s14, $0x38;
	[tilespmem:$0x19180] =	vst v63  }
0x262: {  	_ =	swait.ge [sflag:s28], $0x2000  }
0x263: {  	[sflag:s28] =	ssyncset.done $0x0  }
0x264: {  	[sflag:s28] =	ssyncadd.s32 $0xFFFFE000  }
0x265: {  	v36 =	vld.idx.msk [tilespmem:v55+s13+$0x0], $0xffff;
	_ =	sdelay $0x1  }
0x266: {  	v56 =	vld [tilespmem:s0+$0x380]  }
0x267: {  	v35 =	vbroadcast v35, $0xF;
	_ =	sdelay $0x1  }
0x268: {  	v57 =	vor.u32 s3, v31;
	v36 =	vmul.f32 v36, v35;
	_ =	sdelay $0x1  }
0x269: {  	v36 =	vadd.f32 v56, v36;
	_ =	sdelay $0x1  }
0x26a: {  	[tilespmem:s5+$0x10900] =	vst v36  }
0x26b: {  	v36 =	vld.idx.msk [tilespmem:v57+s13+$0x0], $0xffff;
	_ =	sdelay $0x1  }
0x26c: {  	v58 =	vld [tilespmem:s0+$0x390];
	_ =	sdelay $0x1  }
0x26d: {  	(v2sf) =	vpush @!p1 v34, $0x7  }
0x26e: {  	v60 =	vor.u32 s3, v32;
	v59 =	vmul.f32 v36, v35;
	_ =	sdelay $0x1  }
0x26f: {  	v34 =	vadd.f32 v58, v59;
	_ =	sdelay $0x1  }
0x270: {  	[tilespmem:s5+$0x10910] =	vst v34  }
0x271: {  	v34 =	vld.idx.msk [tilespmem:v60+s13+$0x0], $0xffff;
	_ =	sdelay $0x1  }
0x272: {  	v61 =	vld [tilespmem:s0+$0x3A0];
	_ =	sdelay $0x2  }
0x273: {  	v62 =	vor.u32 s3, v33;
	v34 =	vmul.f32 v34, v35;
	_ =	sdelay $0x1  }
0x274: {  	v34 =	vadd.f32 v61, v34;
	_ =	sdelay $0x1  }
0x275: {  	s3 =	spop @!p1 (v2sf);
	[tilespmem:s5+$0x10920] =	vst v34  }
0x276: {  	s6 =	sand.u32 @!p1 $0x7F, s3;
	v34 =	vld.idx.msk [tilespmem:v62+s13+$0x0], $0xffff  }
0x277: {  	p2 =	slt.s32 @!p1 s3, $0x1;
	p3 =	sne.s32 @!p1 s6, $0x0  }
0x278: {  	s6 =	sshra.s32 @!p1 s3, $0x1F;
	p2 =	por @!p1 !p2, !p3;
	v63 =	vld [tilespmem:s0+$0x3B0]  }
0x279: {  	s6 =	sshrl.u32 @!p1 s6, $0x19;
	p2 =	por @!p1 !p2, !p2  }
0x27a: {  	s3 =	sadd.s32 @!p1 s6, s3;
	s6 =	simm.s32 @!p1 $0x1;
	p2 =	por !p2, p1  }
0x27b: {  	s3 =	sshrl.u32 @!p1 s3, $0x7;
	s6 =	simm.s32 @p2 $0x0;
	v34 =	vmul.f32 v34, v35  }
0x27c: {  	s3 =	ssub.s32 @!p1 s3, s6  }
0x27d: {  	s3 =	sshll.u32 @!p1 s3, $0x7;
	v34 =	vadd.f32 v63, v34  }
0x27e: {  	s3 =	sand.u32 @!p1 $0x1FFFFF80, s3  }
0x27f: {  	s4 =	sadd.s32 $0x1, s4;
	s6 =	simm.s32 @!p1 $0xE180;
	s3 =	sadd.s32 @!p1 s1, s3;
	[tilespmem:s5+$0x10930] =	vst v34  }
0x280: {  	[tilespmem:s6], [sflag:$0x8] =	stream.strided.gather @!p1 [hbm4b:s3+s14], $0x2000, s15, s14, $0x38;
	[tilespmem:$0x19180] =	vst v63  }
0x281: {  	p1 =	sne.s32 s4, $0x10  }
.Ltmp0:
0x282: {  	s31 =	sadd.s32 $0x10, s31;
	(pc) =	sbr.rel @p1 .LBB2_2-.Ltmp0, $4  }
0x283: {  	s2 =	sadd.s32 $0x800, s2;
	s18 =	simm.s32 $0x8180;
	s17 =	simm.s32 $0x6180  }
0x284: {  	s16 =	simm.s32 $0x4180;
	s30 =	sor.u32 $0x10180, s5;
	s9 =	simm.s32 $0x0  }
0x285: {  	[hbm4b:s7+s9] =	stream.linear.scatter [tilespmem:s30], [sflag:$0x9], $0x800, $0x38;
	[tilespmem:$0x19180] =	vst v63  }
0x286: {  	s8 =	simm.s32 $0x2180;
	s0 =	sadd.s32 $0x800, s0;
	s7 =	sadd.s32 $0x100, s7  }
0x287: {  	s2 =	simm.s32 $0x9  }
0x288: {  	_ =	swait.ge [sflag:s2], $0x800  }
0x289: {  	[sflag:s2] =	ssyncset.done $0x0  }
0x28a: {  	[sflag:s2] =	ssyncadd.s32 $0xFFFFF800  }
0x28b: {  	_ =	swait.ge [sflag:s2], $0x800  }
0x28c: {  	s3 =	rddreg [dreg:$0x9]  }
0x28d: {  	s0 =	rddreg [dreg:$0x7];
	s3 =	sadd.s32 $0x1, s3  }
0x28e: {  	p1 =	sne.s32 s3, s0  }
.Ltmp1:
0x28f: {  	_ = 	snop;
	(pc) =	sbr.rel @p1 .LBB2_1-.Ltmp1, $3  }
0x290: {  	_ =	sdelay $0x1  }
0x291: {  	s4 =	simm.s32 $0xA180;
	[sflag:s2] =	ssyncset.done $0x0  }
0x292: {  	s5 =	simm.s32 $0xC180;
	s6 =	simm.s32 $0xE180;
	[sflag:s2] =	ssyncadd.s32 $0xFFFFF800  }
0x293: {  	_ =	sfence.sel $0x180000  }
0x294: {  	[bflag:$0x0] =	sbarrier.arrive $0xFFFF  }
0x295: {  	_ =	strace $0x90000047  }
0x296: {  	s0 =	stileid.u32;
	[bflag:$0x2] =	sbarrier.arrive $0xFFFF  }
0x297: {  	p0 =	sne.s32 s0, $0x0;
	s0 =	rddreg [dreg:$0x4]  }
0x298: {  	s0 =	sadd.s32 @!p0 $0x100000, s0  }
0x299: {  	[sflag:s0] =	ssyncadd.tile.s32 @!p0 $0x1;
	_ =	shalt  }
.Lfunc_end2:
_tile_overlayer_lowered:
.L_overlay_start_2:
0x29a: {  	(tag) =	ssettag $0x2  }
0x29b: {  	s0 =	rddreg [dreg:$0x0];
	s2 =	stileid.u32  }
0x29c: {  	s1 =	rddreg [dreg:$0x1];
	p0 =	sne.s32 s2, $0x0  }
0x29d: {  	s3 =	rddreg [dreg:$0x2];
	[bflag:$0x3] =	sbarrier.arrive $0xFFFF;
	s2 =	simm.s32 @!p0 $0x1C0A  }
0x29e: {  	[timem:s3], [sflag:s2] =	dma.local @!p0 [hbm:s0], s1  }
0x29f: {  	s0 =	simm.s32 @!p0 $0xA  }
0x2a0: {  	_ =	swait.ge @!p0 [sflag:s0], s1  }
0x2a1: {  	s1 =	ssub.s32 @!p0 $0x0, s1;
	[sflag:s0] =	ssyncset.done @!p0 $0x0  }
0x2a2: {  	[sflag:s0] =	ssyncadd.s32 @!p0 s1  }
0x2a3: {  	[bflag:$0x3] =	sbarrier.arrive $0xFFFF  }
0x2a4: {  	_ =	shalt  }

</sc_bundles>
